<compile_context>
chip_gen: v7x
topology: tpu7x:2x2x1
jax: 0.10.2.dev20260603
libtpu: 0.0.44.dev20260713+nightly
codegen_flags: <defaults>
</compile_context>

<pallas_src>
import functools

import jax
import jax.numpy as jnp
from jax import lax
from jax.experimental import pallas as pl
from jax.experimental.pallas import tpu as pltpu
from jax.experimental.pallas import tpu_sc as plsc

N = 10000
E = 320000
D = 128

_info = plsc.get_sparse_core_info()
NC = _info.num_cores
NS = _info.num_subcores
NW = NC * NS
EPW = E // NW
HR = 80
NN = HR * D
RPT = NN // NS
CH = 80
NCHUNK = EPW // CH
GSZ = 25
NGRP = NCHUNK // GSZ

_mesh = plsc.VectorSubcoreMesh(core_axis_name="c", subcore_axis_name="s")


@functools.partial(
    pl.kernel,
    mesh=_mesh,
    out_type=jax.ShapeDtypeStruct((NC * NN, D), jnp.float32),
    scratch_types=[
        pltpu.VMEM((NCHUNK, CH), jnp.int32),
        pltpu.VMEM((CH, D), jnp.float32),
        pltpu.VMEM_SHARED((NN, D), jnp.float32),
        pltpu.SemaphoreType.DMA,
    ],
)
def _sc_degree(dst_hbm, ones_hbm, zeros_hbm, out_hbm,
               dst_all, ones_v, acc_sh, sem):
    c = lax.axis_index("c")
    s = lax.axis_index("s")
    wid = s * NC + c
    pltpu.sync_copy(zeros_hbm, acc_sh.at[pl.ds(s * RPT, RPT)])
    pltpu.sync_copy(dst_hbm.at[wid], dst_all)
    pltpu.sync_copy(ones_hbm, ones_v)
    plsc.subcore_barrier()

    def fire(j, carry):
        pltpu.async_copy(ones_v, acc_sh.at[dst_all.at[j]], sem, add=True)
        return carry

    lax.fori_loop(0, NCHUNK, fire, 0)

    def drain(j, carry):
        pltpu.make_async_copy(ones_v, acc_sh.at[dst_all.at[0]], sem).wait()
        return carry

    lax.fori_loop(0, NCHUNK, drain, 0)
    plsc.subcore_barrier()
    pltpu.sync_copy(acc_sh.at[pl.ds(s * RPT, RPT)],
                    out_hbm.at[pl.ds(c * NN + s * RPT, RPT)])


@functools.partial(
    pl.kernel,
    mesh=_mesh,
    out_type=jax.ShapeDtypeStruct((NC * NN, D), jnp.float32),
    scratch_types=[
        pltpu.VMEM((CH,), jnp.int32),
        pltpu.VMEM((CH,), jnp.int32),
        pltpu.VMEM((CH,), jnp.int32),
        pltpu.VMEM((CH,), jnp.int32),
        pltpu.VMEM((CH,), jnp.int32),
        pltpu.VMEM((CH,), jnp.int32),
        pltpu.VMEM((CH,), jnp.int32),
        pltpu.VMEM((CH,), jnp.int32),
        pltpu.VMEM((CH, D), jnp.float32),
        pltpu.VMEM((CH, D), jnp.float32),
        pltpu.VMEM((CH, D), jnp.float32),
        pltpu.VMEM_SHARED((NN, D), jnp.float32),
        pltpu.SemaphoreType.DMA,
        pltpu.SemaphoreType.DMA,
        pltpu.SemaphoreType.DMA,
        pltpu.SemaphoreType.DMA,
        pltpu.SemaphoreType.DMA,
        pltpu.SemaphoreType.DMA,
        pltpu.SemaphoreType.DMA,
        pltpu.SemaphoreType.DMA,
        pltpu.SemaphoreType.DMA,
        pltpu.SemaphoreType.DMA,
    ],
)
def _sc_aggregate(g_hbm, src_hbm, dst_hbm, zeros_hbm, out_hbm,
                  s0, s1, s2, s3, d0, d1, d2, d3, rows0, rows1, rows2,
                  acc_sh, ig0, ig1, ig2, ig3, gg0, gg1, gg2,
                  sg0, sg1, sg2):
    c = lax.axis_index("c")
    s = lax.axis_index("s")
    wid = s * NC + c
    ebase = wid * EPW
    pltpu.sync_copy(zeros_hbm, acc_sh.at[pl.ds(s * RPT, RPT)])
    plsc.subcore_barrier()

    sidx = (s0, s1, s2, s3)
    didx = (d0, d1, d2, d3)
    isem = (ig0, ig1, ig2, ig3)
    rows = (rows0, rows1, rows2)
    gsem = (gg0, gg1, gg2)
    ssem = (sg0, sg1, sg2)

    def load_idx(j, q):
        pltpu.async_copy(src_hbm.at[pl.ds(ebase + j * CH, CH)], sidx[q],
                         isem[q])
        pltpu.async_copy(dst_hbm.at[pl.ds(ebase + j * CH, CH)], didx[q],
                         isem[q])

    def wait_idx(q):
        pltpu.make_async_copy(src_hbm.at[pl.ds(0, CH)], sidx[q],
                              isem[q]).wait()
        pltpu.make_async_copy(src_hbm.at[pl.ds(0, CH)], didx[q],
                              isem[q]).wait()

    def wait_gather(r):
        pltpu.make_async_copy(g_hbm.at[pl.ds(0, CH)], rows[r],
                              gsem[r]).wait()

    def wait_scatter(r):
        pltpu.make_async_copy(g_hbm.at[pl.ds(0, CH)], rows[r],
                              ssem[r]).wait()

    pltpu.sync_copy(src_hbm.at[pl.ds(ebase, CH)], s0)
    pltpu.sync_copy(dst_hbm.at[pl.ds(ebase, CH)], d0)
    load_idx(1, 1)
    pltpu.async_copy(g_hbm.at[s0], rows0, gg0)
    pltpu.sync_copy(zeros_hbm.at[pl.ds(0, CH)], rows2)
    pltpu.async_copy(rows2, acc_sh.at[d0], sg1, add=True)
    pltpu.async_copy(rows2, acc_sh.at[d0], sg2, add=True)

    def step(j, r, q, tail):
        wait_gather(r)
        if tail < 2:
            wait_idx((q + 1) % 4)
        wait_scatter((r + 1) % 3)
        if tail < 2:
            pltpu.async_copy(g_hbm.at[sidx[(q + 1) % 4]], rows[(r + 1) % 3],
                             gsem[(r + 1) % 3])
        if tail < 1:
            load_idx(j + 2, (q + 2) % 4)
        pltpu.async_copy(rows[r], acc_sh.at[didx[q]], ssem[r], add=True)

    def body(i, carry):
        for b in range(12):
            step(12 * i + b, b % 3, b % 4, 0)
        return carry

    lax.fori_loop(0, (NCHUNK - 5) // 12, body, 0)
    t0 = NCHUNK - 5
    step(t0 + 0, 0, 0, 0)
    step(t0 + 1, 1, 1, 0)
    step(t0 + 2, 2, 2, 0)
    step(t0 + 3, 0, 3, 1)
    step(t0 + 4, 1, 0, 2)
    wait_scatter(0)
    wait_scatter(1)

    plsc.subcore_barrier()
    pltpu.sync_copy(acc_sh.at[pl.ds(s * RPT, RPT)],
                    out_hbm.at[pl.ds(c * NN + s * RPT, RPT)])


_BR = 1024
_GRID = NN // _BR


def _isq_idg(cnt_ref):
    deg = cnt_ref[0][:, 0:1] + cnt_ref[1][:, 0:1] + 1.0
    isq = lax.rsqrt(deg)
    return isq, 1.0 / deg


def _t1_body(x_ref, w_ref, cnt_ref, hw_ref, g_ref):
    hw = jnp.dot(x_ref[...], w_ref[...], preferred_element_type=jnp.float32)
    isq, _ = _isq_idg(cnt_ref)
    hw_ref[...] = hw
    g_ref[...] = hw * isq


def _t2_body(acc_ref, hw1_ref, cnt_ref, b1_ref, w2_ref, hw2_ref, g2_ref):
    isq, idg = _isq_idg(cnt_ref)
    hw1 = hw1_ref[...]
    agg = (acc_ref[0] + acc_ref[1]) * isq + hw1 * idg + b1_ref[...]
    h1 = jnp.maximum(agg, 0.0)
    hw2 = jnp.dot(h1, w2_ref[...], preferred_element_type=jnp.float32)
    hw2_ref[...] = hw2
    g2_ref[...] = hw2 * isq


def _t3_body(acc_ref, hw2_ref, cnt_ref, b2_ref, wo_ref, bo_ref, out_ref):
    isq, idg = _isq_idg(cnt_ref)
    h2 = (acc_ref[0] + acc_ref[1]) * isq + hw2_ref[...] * idg + b2_ref[...]
    out_ref[...] = jnp.dot(h2, wo_ref[...],
                           preferred_element_type=jnp.float32) + bo_ref[...]


def _row_spec(width):
    return pl.BlockSpec((_BR, width), lambda i: (i, 0))


_full_spec = pl.BlockSpec((D, D), lambda i: (0, 0))
_bias_spec = pl.BlockSpec((1, D), lambda i: (0, 0))
_cnt_spec = pl.BlockSpec((NC, _BR, 8), lambda i: (0, i, 0))
_acc_spec = pl.BlockSpec((2, _BR, D), lambda i: (0, i, 0))

_t1 = pl.pallas_call(
    _t1_body,
    grid=(_GRID,),
    in_specs=[_row_spec(D), _full_spec, _cnt_spec],
    out_specs=[_row_spec(D), _row_spec(D)],
    out_shape=[jax.ShapeDtypeStruct((NN, D), jnp.float32)] * 2,
)

_t2 = pl.pallas_call(
    _t2_body,
    grid=(_GRID,),
    in_specs=[_acc_spec, _row_spec(D), _cnt_spec, _bias_spec, _full_spec],
    out_specs=[_row_spec(D), _row_spec(D)],
    out_shape=[jax.ShapeDtypeStruct((NN, D), jnp.float32)] * 2,
)

_t3 = pl.pallas_call(
    _t3_body,
    grid=(_GRID,),
    in_specs=[_acc_spec, _row_spec(D), _cnt_spec, _bias_spec, _full_spec,
              _bias_spec],
    out_specs=_row_spec(D),
    out_shape=jax.ShapeDtypeStruct((NN, D), jnp.float32),
)


def kernel(x, edge_index, W1, b1, W2, b2, W_out, b_out):
    src1 = edge_index[0]
    dst1 = edge_index[1]
    dst3 = edge_index[1].reshape(NW, NCHUNK, CH)
    onesC = jnp.ones((CH, D), jnp.float32)
    zerosD = jnp.zeros((RPT, D), jnp.float32)
    xp = jnp.concatenate([x, jnp.zeros((NN - N, D), jnp.float32)], axis=0)

    cnt = _sc_degree(dst3, onesC, zerosD).reshape(NC, NN, D)[:, :, :8]

    b1r = b1.reshape(1, D)
    b2r = b2.reshape(1, D)
    wo = jnp.zeros((D, D), jnp.float32).at[:, :1].set(W_out)
    bo = jnp.zeros((1, D), jnp.float32).at[0, 0].set(b_out[0])

    hw1, g1 = _t1(xp, W1, cnt)
    acc1 = _sc_aggregate(g1, src1, dst1, zerosD).reshape(NC, NN, D)
    hw2, g2 = _t2(acc1, hw1, cnt, b1r, W2)
    acc2 = _sc_aggregate(g2, src1, dst1, zerosD).reshape(NC, NN, D)
    out = _t3(acc2, hw2, cnt, b2r, wo, bo)
    return out[:N, :1]

# --- scband reference (transcript-rebuilt; emitter-appended) ---
"""Pipeline reference for scband-gnnsurrogate-43413529428599 (READ-ONLY COPY).

The authoritative reference and input builder live on the scoring server;
editing this copy changes nothing except your own understanding.
"""

import jax, jax.numpy as jnp
import numpy as np

N = 10000
E = 320000
D = 128
OUT = 1


def setup_inputs(seed: int = 0) -> dict:
    key = jax.random.key(seed)
    ks = jax.random.split(key, 8)
    x = jax.random.normal(ks[0], (N, D), dtype=jnp.float32)
    edge_index = jax.random.randint(ks[1], (2, E), 0, N, dtype=jnp.int32)
    s = 1.0 / np.sqrt(D)
    W1 = jax.random.normal(ks[2], (D, D), dtype=jnp.float32) * s
    b1 = jnp.zeros((D,), dtype=jnp.float32)
    W2 = jax.random.normal(ks[3], (D, D), dtype=jnp.float32) * s
    b2 = jnp.zeros((D,), dtype=jnp.float32)
    W_out = jax.random.normal(ks[4], (D, OUT), dtype=jnp.float32) * s
    b_out = jnp.zeros((OUT,), dtype=jnp.float32)
    return {"x": x, "edge_index": edge_index, "W1": W1, "b1": b1, "W2": W2, "b2": b2, "W_out": W_out, "b_out": b_out}


def reference(x, edge_index, W1, b1, W2, b2, W_out, b_out):
    src = edge_index[0]
    dst = edge_index[1]

    def gcn_layer(h, W, b):
        # GCNConv with added self-loops and symmetric normalization
        hw = h @ W
        deg = jnp.zeros((N,), dtype=hw.dtype).at[dst].add(1.0) + 1.0  # +1 for self-loop
        inv_sqrt = jax.lax.rsqrt(deg)
        coef = inv_sqrt[src] * inv_sqrt[dst]
        msg = hw[src] * coef[:, None]
        agg = jnp.zeros_like(hw).at[dst].add(msg)
        agg = agg + hw * (inv_sqrt * inv_sqrt)[:, None]  # self-loop message
        return agg + b

    h = gcn_layer(x, W1, b1)
    h = jax.nn.relu(h)  # relu between conv layers only
    h = gcn_layer(h, W2, b2)
    out = h @ W_out + b_out  # fc_out
    return out

if __name__ == "__main__":
    import jax
    _d = setup_inputs()
    print(jax.jit(kernel)(*tuple(_d.values())))

</pallas_src>

<mosaic_0001>
#map = affine_map<(d0, d1) -> (0, 0)>
#map1 = affine_map<(d0, d1) -> (0)>
module attributes {stable_mosaic.version = 14 : i64} {
  func.func @_sc_aggregate(%arg0: i32, %arg1: i32, %arg2: memref<10240x128xf32, #tpu.memory_space<hbm>>, %arg3: memref<320000xi32, #tpu.memory_space<hbm>>, %arg4: memref<320000xi32, #tpu.memory_space<hbm>>, %arg5: memref<640x128xf32, #tpu.memory_space<hbm>>, %arg6: memref<20480x128xf32, #tpu.memory_space<hbm>>, %arg7: memref<80xi32, #tpu.memory_space<vmem>>, %arg8: memref<80xi32, #tpu.memory_space<vmem>>, %arg9: memref<80xi32, #tpu.memory_space<vmem>>, %arg10: memref<80xi32, #tpu.memory_space<vmem>>, %arg11: memref<80xi32, #tpu.memory_space<vmem>>, %arg12: memref<80xi32, #tpu.memory_space<vmem>>, %arg13: memref<80xi32, #tpu.memory_space<vmem>>, %arg14: memref<80xi32, #tpu.memory_space<vmem>>, %arg15: memref<80x128xf32, #tpu.memory_space<vmem>>, %arg16: memref<80x128xf32, #tpu.memory_space<vmem>>, %arg17: memref<80x128xf32, #tpu.memory_space<vmem>>, %arg18: memref<10240x128xf32, #tpu.memory_space<vmem_shared>>, %arg19: memref<!tpu.dma_semaphore, #tpu.memory_space<semaphore_mem>>, %arg20: memref<!tpu.dma_semaphore, #tpu.memory_space<semaphore_mem>>, %arg21: memref<!tpu.dma_semaphore, #tpu.memory_space<semaphore_mem>>, %arg22: memref<!tpu.dma_semaphore, #tpu.memory_space<semaphore_mem>>, %arg23: memref<!tpu.dma_semaphore, #tpu.memory_space<semaphore_mem>>, %arg24: memref<!tpu.dma_semaphore, #tpu.memory_space<semaphore_mem>>, %arg25: memref<!tpu.dma_semaphore, #tpu.memory_space<semaphore_mem>>, %arg26: memref<!tpu.dma_semaphore, #tpu.memory_space<semaphore_mem>>, %arg27: memref<!tpu.dma_semaphore, #tpu.memory_space<semaphore_mem>>, %arg28: memref<!tpu.dma_semaphore, #tpu.memory_space<semaphore_mem>>) attributes {dimension_semantics = [#tpu.dimension_semantics<core_parallel>, #tpu.dimension_semantics<subcore_parallel>], iteration_bounds = array<i64: 2, 16>, scalar_prefetch = 0 : i64, scratch_operands = 22 : i64, tpu.core_type = #tpu.core_type<sc_vector_subcore>, window_params = [{transform_indices = #map}, {transform_indices = #map1}, {transform_indices = #map1}, {transform_indices = #map}, {transform_indices = #map}]} {
    %mul3A = arith.constant 2 : i32
    %mul3A_0 = arith.muli %arg1, %mul3A : i32
    %add3A = arith.addi %mul3A_0, %arg0 : i32
    %mul3A_1 = arith.constant 10000 : i32
    %mul3A_2 = arith.muli %add3A, %mul3A_1 : i32
    %mul3A_3 = arith.constant 640 : i32
    %mul3A_4 = arith.muli %arg1, %mul3A_3 : i32
    "tpu.region"() ({
      %run_scoped3A = tpu.sem_alloc : memref<!tpu.dma_semaphore, #tpu.memory_space<semaphore_mem>>
      %dma_start3A_188 = arith.constant 0 : i32
      %dma_start3A_189 = tpu.memref_slice %arg18[%mul3A_4, %dma_start3A_188] : memref<10240x128xf32, #tpu.memory_space<vmem_shared>> -> memref<640x128xf32, #tpu.memory_space<vmem_shared>>
      tpu.enqueue_dma source(%arg5 : memref<640x128xf32, #tpu.memory_space<hbm>>) target(%dma_start3A_189 : memref<640x128xf32, #tpu.memory_space<vmem_shared>>) target_semaphore(%run_scoped3A : memref<!tpu.dma_semaphore, #tpu.memory_space<semaphore_mem>>)
      %dma_wait3A_190 = arith.constant 0 : i32
      %dma_wait3A_191 = tpu.memref_slice %arg18[%mul3A_4, %dma_wait3A_190] : memref<10240x128xf32, #tpu.memory_space<vmem_shared>> -> memref<640x128xf32, #tpu.memory_space<vmem_shared>>
      tpu.wait_dma2 semaphore(%run_scoped3A : memref<!tpu.dma_semaphore, #tpu.memory_space<semaphore_mem>>) src(%arg5 : memref<640x128xf32, #tpu.memory_space<hbm>>) dst(%dma_wait3A_191 : memref<640x128xf32, #tpu.memory_space<vmem_shared>>)
      tpu.yield
    }) : () -> ()
    %barrier3A = arith.constant 0 : index
    tpu.barrier barrier_id(%barrier3A)
    "tpu.region"() ({
      %run_scoped3A = tpu.sem_alloc : memref<!tpu.dma_semaphore, #tpu.memory_space<semaphore_mem>>
      %dma_start3A_188 = tpu.memref_slice %arg3[%mul3A_2] : memref<320000xi32, #tpu.memory_space<hbm>> -> memref<80xi32, #tpu.memory_space<hbm>>
      %dma_start3A_189 = tpu.memref_slice %arg3[%mul3A_2] : memref<320000xi32, #tpu.memory_space<hbm>> -> memref<80xi32, #tpu.memory_space<hbm>>
      tpu.enqueue_dma source(%dma_start3A_189 : memref<80xi32, #tpu.memory_space<hbm>>) target(%arg7 : memref<80xi32, #tpu.memory_space<vmem>>) target_semaphore(%run_scoped3A : memref<!tpu.dma_semaphore, #tpu.memory_space<semaphore_mem>>)
      %dma_wait3A_190 = tpu.memref_slice %arg3[%mul3A_2] : memref<320000xi32, #tpu.memory_space<hbm>> -> memref<80xi32, #tpu.memory_space<hbm>>
      %dma_wait3A_191 = tpu.memref_slice %arg3[%mul3A_2] : memref<320000xi32, #tpu.memory_space<hbm>> -> memref<80xi32, #tpu.memory_space<hbm>>
      tpu.wait_dma2 semaphore(%run_scoped3A : memref<!tpu.dma_semaphore, #tpu.memory_space<semaphore_mem>>) src(%dma_wait3A_191 : memref<80xi32, #tpu.memory_space<hbm>>) dst(%arg7 : memref<80xi32, #tpu.memory_space<vmem>>)
      tpu.yield
    }) : () -> ()
    "tpu.region"() ({
      %run_scoped3A = tpu.sem_alloc : memref<!tpu.dma_semaphore, #tpu.memory_space<semaphore_mem>>
      %dma_start3A_188 = tpu.memref_slice %arg4[%mul3A_2] : memref<320000xi32, #tpu.memory_space<hbm>> -> memref<80xi32, #tpu.memory_space<hbm>>
      %dma_start3A_189 = tpu.memref_slice %arg4[%mul3A_2] : memref<320000xi32, #tpu.memory_space<hbm>> -> memref<80xi32, #tpu.memory_space<hbm>>
      tpu.enqueue_dma source(%dma_start3A_189 : memref<80xi32, #tpu.memory_space<hbm>>) target(%arg11 : memref<80xi32, #tpu.memory_space<vmem>>) target_semaphore(%run_scoped3A : memref<!tpu.dma_semaphore, #tpu.memory_space<semaphore_mem>>)
      %dma_wait3A_190 = tpu.memref_slice %arg4[%mul3A_2] : memref<320000xi32, #tpu.memory_space<hbm>> -> memref<80xi32, #tpu.memory_space<hbm>>
      %dma_wait3A_191 = tpu.memref_slice %arg4[%mul3A_2] : memref<320000xi32, #tpu.memory_space<hbm>> -> memref<80xi32, #tpu.memory_space<hbm>>
      tpu.wait_dma2 semaphore(%run_scoped3A : memref<!tpu.dma_semaphore, #tpu.memory_space<semaphore_mem>>) src(%dma_wait3A_191 : memref<80xi32, #tpu.memory_space<hbm>>) dst(%arg11 : memref<80xi32, #tpu.memory_space<vmem>>)
      tpu.yield
    }) : () -> ()
    %add3A_5 = arith.constant 80 : i32
    %add3A_6 = arith.addi %mul3A_2, %add3A_5 : i32
    %dma_start3A = tpu.memref_slice %arg3[%add3A_6] : memref<320000xi32, #tpu.memory_space<hbm>> -> memref<80xi32, #tpu.memory_space<hbm>>
    %dma_start3A_7 = tpu.memref_slice %arg3[%add3A_6] : memref<320000xi32, #tpu.memory_space<hbm>> -> memref<80xi32, #tpu.memory_space<hbm>>
    tpu.enqueue_dma source(%dma_start3A_7 : memref<80xi32, #tpu.memory_space<hbm>>) target(%arg8 : memref<80xi32, #tpu.memory_space<vmem>>) target_semaphore(%arg20 : memref<!tpu.dma_semaphore, #tpu.memory_space<semaphore_mem>>)
    %add3A_8 = arith.constant 80 : i32
    %add3A_9 = arith.addi %mul3A_2, %add3A_8 : i32
    %dma_start3A_10 = tpu.memref_slice %arg4[%add3A_9] : memref<320000xi32, #tpu.memory_space<hbm>> -> memref<80xi32, #tpu.memory_space<hbm>>
    %dma_start3A_11 = tpu.memref_slice %arg4[%add3A_9] : memref<320000xi32, #tpu.memory_space<hbm>> -> memref<80xi32, #tpu.memory_space<hbm>>
    tpu.enqueue_dma source(%dma_start3A_11 : memref<80xi32, #tpu.memory_space<hbm>>) target(%arg12 : memref<80xi32, #tpu.memory_space<vmem>>) target_semaphore(%arg20 : memref<!tpu.dma_semaphore, #tpu.memory_space<semaphore_mem>>)
    %dma_start3A_12 = arith.constant 0 : i32
    %dma_start3A_13 = arith.constant 0 : i32
    %dma_start3A_14 = tpu.memref_slice %arg2[%dma_start3A_12, %dma_start3A_13] : memref<10240x128xf32, #tpu.memory_space<hbm>> -> memref<10240x128xf32, #tpu.memory_space<hbm>>
    tpu.enqueue_indirect_dma source(%dma_start3A_14 : memref<10240x128xf32, #tpu.memory_space<hbm>>) target(%arg15 : memref<80x128xf32, #tpu.memory_space<vmem>>) offsets(%arg7 : memref<80xi32, #tpu.memory_space<vmem>>) semaphore(%arg23 : memref<!tpu.dma_semaphore, #tpu.memory_space<semaphore_mem>>)
    "tpu.region"() ({
      %run_scoped3A = tpu.sem_alloc : memref<!tpu.dma_semaphore, #tpu.memory_space<semaphore_mem>>
      %dma_start3A_188 = arith.constant 0 : i32
      %dma_start3A_189 = arith.constant 0 : i32
      %dma_start3A_190 = tpu.memref_slice %arg5[%dma_start3A_188, %dma_start3A_189] : memref<640x128xf32, #tpu.memory_space<hbm>> -> memref<80x128xf32, #tpu.memory_space<hbm>>
      %dma_start3A_191 = arith.constant 0 : i32
      %dma_start3A_192 = arith.constant 0 : i32
      %dma_start3A_193 = tpu.memref_slice %arg5[%dma_start3A_191, %dma_start3A_192] : memref<640x128xf32, #tpu.memory_space<hbm>> -> memref<80x128xf32, #tpu.memory_space<hbm>>
      tpu.enqueue_dma source(%dma_start3A_193 : memref<80x128xf32, #tpu.memory_space<hbm>>) target(%arg17 : memref<80x128xf32, #tpu.memory_space<vmem>>) target_semaphore(%run_scoped3A : memref<!tpu.dma_semaphore, #tpu.memory_space<semaphore_mem>>)
      %dma_wait3A_194 = arith.constant 0 : i32
      %dma_wait3A_195 = arith.constant 0 : i32
      %dma_wait3A_196 = tpu.memref_slice %arg5[%dma_wait3A_194, %dma_wait3A_195] : memref<640x128xf32, #tpu.memory_space<hbm>> -> memref<80x128xf32, #tpu.memory_space<hbm>>
      %dma_wait3A_197 = arith.constant 0 : i32
      %dma_wait3A_198 = arith.constant 0 : i32
      %dma_wait3A_199 = tpu.memref_slice %arg5[%dma_wait3A_197, %dma_wait3A_198] : memref<640x128xf32, #tpu.memory_space<hbm>> -> memref<80x128xf32, #tpu.memory_space<hbm>>
      tpu.wait_dma2 semaphore(%run_scoped3A : memref<!tpu.dma_semaphore, #tpu.memory_space<semaphore_mem>>) src(%dma_wait3A_199 : memref<80x128xf32, #tpu.memory_space<hbm>>) dst(%arg17 : memref<80x128xf32, #tpu.memory_space<vmem>>)
      tpu.yield
    }) : () -> ()
    %dma_start3A_15 = arith.constant 0 : i32
    %dma_start3A_16 = arith.constant 0 : i32
    %dma_start3A_17 = tpu.memref_slice %arg18[%dma_start3A_15, %dma_start3A_16] : memref<10240x128xf32, #tpu.memory_space<vmem_shared>> -> memref<10240x128xf32, #tpu.memory_space<vmem_shared>>
    tpu.enqueue_indirect_dma source(%arg17 : memref<80x128xf32, #tpu.memory_space<vmem>>) target(%dma_start3A_17 : memref<10240x128xf32, #tpu.memory_space<vmem_shared>>) offsets(%arg11 : memref<80xi32, #tpu.memory_space<vmem>>) semaphore(%arg27 : memref<!tpu.dma_semaphore, #tpu.memory_space<semaphore_mem>>) {add = true}
    %dma_start3A_18 = arith.constant 0 : i32
    %dma_start3A_19 = arith.constant 0 : i32
    %dma_start3A_20 = tpu.memref_slice %arg18[%dma_start3A_18, %dma_start3A_19] : memref<10240x128xf32, #tpu.memory_space<vmem_shared>> -> memref<10240x128xf32, #tpu.memory_space<vmem_shared>>
    tpu.enqueue_indirect_dma source(%arg17 : memref<80x128xf32, #tpu.memory_space<vmem>>) target(%dma_start3A_20 : memref<10240x128xf32, #tpu.memory_space<vmem_shared>>) offsets(%arg11 : memref<80xi32, #tpu.memory_space<vmem>>) semaphore(%arg28 : memref<!tpu.dma_semaphore, #tpu.memory_space<semaphore_mem>>) {add = true}
    %scan3A = arith.constant 0 : i32
    %scan3A_21 = arith.constant 0 : i32
    %scan3A_22 = arith.constant 10 : i32
    %scan3A_23 = arith.addi %scan3A_21, %scan3A_22 : i32
    %scan3A_24 = arith.constant 1 : i32
    scf.for %scan3A_188 = %scan3A_21 to %scan3A_23 step %scan3A_24  : i32 {
      %mul3A_189 = arith.constant 12 : i32
      %mul3A_190 = arith.muli %mul3A_189, %scan3A_188 : i32
      %add3A_191 = arith.constant 0 : i32
      %add3A_192 = arith.addi %mul3A_190, %add3A_191 : i32
      %dma_wait3A_193 = arith.constant 0 : i32
      %dma_wait3A_194 = arith.constant 0 : i32
      %dma_wait3A_195 = tpu.memref_slice %arg2[%dma_wait3A_193, %dma_wait3A_194] : memref<10240x128xf32, #tpu.memory_space<hbm>> -> memref<80x128xf32, #tpu.memory_space<hbm>>
      %dma_wait3A_196 = arith.constant 0 : i32
      %dma_wait3A_197 = arith.constant 0 : i32
      %dma_wait3A_198 = tpu.memref_slice %arg2[%dma_wait3A_196, %dma_wait3A_197] : memref<10240x128xf32, #tpu.memory_space<hbm>> -> memref<80x128xf32, #tpu.memory_space<hbm>>
      tpu.wait_dma2 semaphore(%arg23 : memref<!tpu.dma_semaphore, #tpu.memory_space<semaphore_mem>>) src(%dma_wait3A_198 : memref<80x128xf32, #tpu.memory_space<hbm>>) dst(%arg15 : memref<80x128xf32, #tpu.memory_space<vmem>>)
      %dma_wait3A_199 = arith.constant 0 : i32
      %dma_wait3A_200 = tpu.memref_slice %arg3[%dma_wait3A_199] : memref<320000xi32, #tpu.memory_space<hbm>> -> memref<80xi32, #tpu.memory_space<hbm>>
      %dma_wait3A_201 = arith.constant 0 : i32
      %dma_wait3A_202 = tpu.memref_slice %arg3[%dma_wait3A_201] : memref<320000xi32, #tpu.memory_space<hbm>> -> memref<80xi32, #tpu.memory_space<hbm>>
      tpu.wait_dma2 semaphore(%arg20 : memref<!tpu.dma_semaphore, #tpu.memory_space<semaphore_mem>>) src(%dma_wait3A_202 : memref<80xi32, #tpu.memory_space<hbm>>) dst(%arg8 : memref<80xi32, #tpu.memory_space<vmem>>)
      %dma_wait3A_203 = arith.constant 0 : i32
      %dma_wait3A_204 = tpu.memref_slice %arg3[%dma_wait3A_203] : memref<320000xi32, #tpu.memory_space<hbm>> -> memref<80xi32, #tpu.memory_space<hbm>>
      %dma_wait3A_205 = arith.constant 0 : i32
      %dma_wait3A_206 = tpu.memref_slice %arg3[%dma_wait3A_205] : memref<320000xi32, #tpu.memory_space<hbm>> -> memref<80xi32, #tpu.memory_space<hbm>>
      tpu.wait_dma2 semaphore(%arg20 : memref<!tpu.dma_semaphore, #tpu.memory_space<semaphore_mem>>) src(%dma_wait3A_206 : memref<80xi32, #tpu.memory_space<hbm>>) dst(%arg12 : memref<80xi32, #tpu.memory_space<vmem>>)
      %dma_wait3A_207 = arith.constant 0 : i32
      %dma_wait3A_208 = arith.constant 0 : i32
      %dma_wait3A_209 = tpu.memref_slice %arg2[%dma_wait3A_207, %dma_wait3A_208] : memref<10240x128xf32, #tpu.memory_space<hbm>> -> memref<80x128xf32, #tpu.memory_space<hbm>>
      %dma_wait3A_210 = arith.constant 0 : i32
      %dma_wait3A_211 = arith.constant 0 : i32
      %dma_wait3A_212 = tpu.memref_slice %arg2[%dma_wait3A_210, %dma_wait3A_211] : memref<10240x128xf32, #tpu.memory_space<hbm>> -> memref<80x128xf32, #tpu.memory_space<hbm>>
      tpu.wait_dma2 semaphore(%arg27 : memref<!tpu.dma_semaphore, #tpu.memory_space<semaphore_mem>>) src(%dma_wait3A_212 : memref<80x128xf32, #tpu.memory_space<hbm>>) dst(%arg16 : memref<80x128xf32, #tpu.memory_space<vmem>>)
      %dma_start3A_213 = arith.constant 0 : i32
      %dma_start3A_214 = arith.constant 0 : i32
      %dma_start3A_215 = tpu.memref_slice %arg2[%dma_start3A_213, %dma_start3A_214] : memref<10240x128xf32, #tpu.memory_space<hbm>> -> memref<10240x128xf32, #tpu.memory_space<hbm>>
      tpu.enqueue_indirect_dma source(%dma_start3A_215 : memref<10240x128xf32, #tpu.memory_space<hbm>>) target(%arg16 : memref<80x128xf32, #tpu.memory_space<vmem>>) offsets(%arg8 : memref<80xi32, #tpu.memory_space<vmem>>) semaphore(%arg24 : memref<!tpu.dma_semaphore, #tpu.memory_space<semaphore_mem>>)
      %add3A_216 = arith.constant 2 : i32
      %add3A_217 = arith.addi %add3A_192, %add3A_216 : i32
      %mul3A_218 = arith.constant 80 : i32
      %mul3A_219 = arith.muli %add3A_217, %mul3A_218 : i32
      %add3A_220 = arith.addi %mul3A_2, %mul3A_219 : i32
      %dma_start3A_221 = tpu.memref_slice %arg3[%add3A_220] : memref<320000xi32, #tpu.memory_space<hbm>> -> memref<80xi32, #tpu.memory_space<hbm>>
      %dma_start3A_222 = tpu.memref_slice %arg3[%add3A_220] : memref<320000xi32, #tpu.memory_space<hbm>> -> memref<80xi32, #tpu.memory_space<hbm>>
      tpu.enqueue_dma source(%dma_start3A_222 : memref<80xi32, #tpu.memory_space<hbm>>) target(%arg9 : memref<80xi32, #tpu.memory_space<vmem>>) target_semaphore(%arg21 : memref<!tpu.dma_semaphore, #tpu.memory_space<semaphore_mem>>)
      %mul3A_223 = arith.constant 80 : i32
      %mul3A_224 = arith.muli %add3A_217, %mul3A_223 : i32
      %add3A_225 = arith.addi %mul3A_2, %mul3A_224 : i32
      %dma_start3A_226 = tpu.memref_slice %arg4[%add3A_225] : memref<320000xi32, #tpu.memory_space<hbm>> -> memref<80xi32, #tpu.memory_space<hbm>>
      %dma_start3A_227 = tpu.memref_slice %arg4[%add3A_225] : memref<320000xi32, #tpu.memory_space<hbm>> -> memref<80xi32, #tpu.memory_space<hbm>>
      tpu.enqueue_dma source(%dma_start3A_227 : memref<80xi32, #tpu.memory_space<hbm>>) target(%arg13 : memref<80xi32, #tpu.memory_space<vmem>>) target_semaphore(%arg21 : memref<!tpu.dma_semaphore, #tpu.memory_space<semaphore_mem>>)
      %dma_start3A_228 = arith.constant 0 : i32
      %dma_start3A_229 = arith.constant 0 : i32
      %dma_start3A_230 = tpu.memref_slice %arg18[%dma_start3A_228, %dma_start3A_229] : memref<10240x128xf32, #tpu.memory_space<vmem_shared>> -> memref<10240x128xf32, #tpu.memory_space<vmem_shared>>
      tpu.enqueue_indirect_dma source(%arg15 : memref<80x128xf32, #tpu.memory_space<vmem>>) target(%dma_start3A_230 : memref<10240x128xf32, #tpu.memory_space<vmem_shared>>) offsets(%arg11 : memref<80xi32, #tpu.memory_space<vmem>>) semaphore(%arg26 : memref<!tpu.dma_semaphore, #tpu.memory_space<semaphore_mem>>) {add = true}
      %mul3A_231 = arith.constant 12 : i32
      %mul3A_232 = arith.muli %mul3A_231, %scan3A_188 : i32
      %add3A_233 = arith.constant 1 : i32
      %add3A_234 = arith.addi %mul3A_232, %add3A_233 : i32
      %dma_wait3A_235 = arith.constant 0 : i32
      %dma_wait3A_236 = arith.constant 0 : i32
      %dma_wait3A_237 = tpu.memref_slice %arg2[%dma_wait3A_235, %dma_wait3A_236] : memref<10240x128xf32, #tpu.memory_space<hbm>> -> memref<80x128xf32, #tpu.memory_space<hbm>>
      %dma_wait3A_238 = arith.constant 0 : i32
      %dma_wait3A_239 = arith.constant 0 : i32
      %dma_wait3A_240 = tpu.memref_slice %arg2[%dma_wait3A_238, %dma_wait3A_239] : memref<10240x128xf32, #tpu.memory_space<hbm>> -> memref<80x128xf32, #tpu.memory_space<hbm>>
      tpu.wait_dma2 semaphore(%arg24 : memref<!tpu.dma_semaphore, #tpu.memory_space<semaphore_mem>>) src(%dma_wait3A_240 : memref<80x128xf32, #tpu.memory_space<hbm>>) dst(%arg16 : memref<80x128xf32, #tpu.memory_space<vmem>>)
      %dma_wait3A_241 = arith.constant 0 : i32
      %dma_wait3A_242 = tpu.memref_slice %arg3[%dma_wait3A_241] : memref<320000xi32, #tpu.memory_space<hbm>> -> memref<80xi32, #tpu.memory_space<hbm>>
      %dma_wait3A_243 = arith.constant 0 : i32
      %dma_wait3A_244 = tpu.memref_slice %arg3[%dma_wait3A_243] : memref<320000xi32, #tpu.memory_space<hbm>> -> memref<80xi32, #tpu.memory_space<hbm>>
      tpu.wait_dma2 semaphore(%arg21 : memref<!tpu.dma_semaphore, #tpu.memory_space<semaphore_mem>>) src(%dma_wait3A_244 : memref<80xi32, #tpu.memory_space<hbm>>) dst(%arg9 : memref<80xi32, #tpu.memory_space<vmem>>)
      %dma_wait3A_245 = arith.constant 0 : i32
      %dma_wait3A_246 = tpu.memref_slice %arg3[%dma_wait3A_245] : memref<320000xi32, #tpu.memory_space<hbm>> -> memref<80xi32, #tpu.memory_space<hbm>>
      %dma_wait3A_247 = arith.constant 0 : i32
      %dma_wait3A_248 = tpu.memref_slice %arg3[%dma_wait3A_247] : memref<320000xi32, #tpu.memory_space<hbm>> -> memref<80xi32, #tpu.memory_space<hbm>>
      tpu.wait_dma2 semaphore(%arg21 : memref<!tpu.dma_semaphore, #tpu.memory_space<semaphore_mem>>) src(%dma_wait3A_248 : memref<80xi32, #tpu.memory_space<hbm>>) dst(%arg13 : memref<80xi32, #tpu.memory_space<vmem>>)
      %dma_wait3A_249 = arith.constant 0 : i32
      %dma_wait3A_250 = arith.constant 0 : i32
      %dma_wait3A_251 = tpu.memref_slice %arg2[%dma_wait3A_249, %dma_wait3A_250] : memref<10240x128xf32, #tpu.memory_space<hbm>> -> memref<80x128xf32, #tpu.memory_space<hbm>>
      %dma_wait3A_252 = arith.constant 0 : i32
      %dma_wait3A_253 = arith.constant 0 : i32
      %dma_wait3A_254 = tpu.memref_slice %arg2[%dma_wait3A_252, %dma_wait3A_253] : memref<10240x128xf32, #tpu.memory_space<hbm>> -> memref<80x128xf32, #tpu.memory_space<hbm>>
      tpu.wait_dma2 semaphore(%arg28 : memref<!tpu.dma_semaphore, #tpu.memory_space<semaphore_mem>>) src(%dma_wait3A_254 : memref<80x128xf32, #tpu.memory_space<hbm>>) dst(%arg17 : memref<80x128xf32, #tpu.memory_space<vmem>>)
      %dma_start3A_255 = arith.constant 0 : i32
      %dma_start3A_256 = arith.constant 0 : i32
      %dma_start3A_257 = tpu.memref_slice %arg2[%dma_start3A_255, %dma_start3A_256] : memref<10240x128xf32, #tpu.memory_space<hbm>> -> memref<10240x128xf32, #tpu.memory_space<hbm>>
      tpu.enqueue_indirect_dma source(%dma_start3A_257 : memref<10240x128xf32, #tpu.memory_space<hbm>>) target(%arg17 : memref<80x128xf32, #tpu.memory_space<vmem>>) offsets(%arg9 : memref<80xi32, #tpu.memory_space<vmem>>) semaphore(%arg25 : memref<!tpu.dma_semaphore, #tpu.memory_space<semaphore_mem>>)
      %add3A_258 = arith.constant 2 : i32
      %add3A_259 = arith.addi %add3A_234, %add3A_258 : i32
      %mul3A_260 = arith.constant 80 : i32
      %mul3A_261 = arith.muli %add3A_259, %mul3A_260 : i32
      %add3A_262 = arith.addi %mul3A_2, %mul3A_261 : i32
      %dma_start3A_263 = tpu.memref_slice %arg3[%add3A_262] : memref<320000xi32, #tpu.memory_space<hbm>> -> memref<80xi32, #tpu.memory_space<hbm>>
      %dma_start3A_264 = tpu.memref_slice %arg3[%add3A_262] : memref<320000xi32, #tpu.memory_space<hbm>> -> memref<80xi32, #tpu.memory_space<hbm>>
      tpu.enqueue_dma source(%dma_start3A_264 : memref<80xi32, #tpu.memory_space<hbm>>) target(%arg10 : memref<80xi32, #tpu.memory_space<vmem>>) target_semaphore(%arg22 : memref<!tpu.dma_semaphore, #tpu.memory_space<semaphore_mem>>)
      %mul3A_265 = arith.constant 80 : i32
      %mul3A_266 = arith.muli %add3A_259, %mul3A_265 : i32
      %add3A_267 = arith.addi %mul3A_2, %mul3A_266 : i32
      %dma_start3A_268 = tpu.memref_slice %arg4[%add3A_267] : memref<320000xi32, #tpu.memory_space<hbm>> -> memref<80xi32, #tpu.memory_space<hbm>>
      %dma_start3A_269 = tpu.memref_slice %arg4[%add3A_267] : memref<320000xi32, #tpu.memory_space<hbm>> -> memref<80xi32, #tpu.memory_space<hbm>>
      tpu.enqueue_dma source(%dma_start3A_269 : memref<80xi32, #tpu.memory_space<hbm>>) target(%arg14 : memref<80xi32, #tpu.memory_space<vmem>>) target_semaphore(%arg22 : memref<!tpu.dma_semaphore, #tpu.memory_space<semaphore_mem>>)
      %dma_start3A_270 = arith.constant 0 : i32
      %dma_start3A_271 = arith.constant 0 : i32
      %dma_start3A_272 = tpu.memref_slice %arg18[%dma_start3A_270, %dma_start3A_271] : memref<10240x128xf32, #tpu.memory_space<vmem_shared>> -> memref<10240x128xf32, #tpu.memory_space<vmem_shared>>
      tpu.enqueue_indirect_dma source(%arg16 : memref<80x128xf32, #tpu.memory_space<vmem>>) target(%dma_start3A_272 : memref<10240x128xf32, #tpu.memory_space<vmem_shared>>) offsets(%arg12 : memref<80xi32, #tpu.memory_space<vmem>>) semaphore(%arg27 : memref<!tpu.dma_semaphore, #tpu.memory_space<semaphore_mem>>) {add = true}
      %mul3A_273 = arith.constant 12 : i32
      %mul3A_274 = arith.muli %mul3A_273, %scan3A_188 : i32
      %add3A_275 = arith.constant 2 : i32
      %add3A_276 = arith.addi %mul3A_274, %add3A_275 : i32
      %dma_wait3A_277 = arith.constant 0 : i32
      %dma_wait3A_278 = arith.constant 0 : i32
      %dma_wait3A_279 = tpu.memref_slice %arg2[%dma_wait3A_277, %dma_wait3A_278] : memref<10240x128xf32, #tpu.memory_space<hbm>> -> memref<80x128xf32, #tpu.memory_space<hbm>>
      %dma_wait3A_280 = arith.constant 0 : i32
      %dma_wait3A_281 = arith.constant 0 : i32
      %dma_wait3A_282 = tpu.memref_slice %arg2[%dma_wait3A_280, %dma_wait3A_281] : memref<10240x128xf32, #tpu.memory_space<hbm>> -> memref<80x128xf32, #tpu.memory_space<hbm>>
      tpu.wait_dma2 semaphore(%arg25 : memref<!tpu.dma_semaphore, #tpu.memory_space<semaphore_mem>>) src(%dma_wait3A_282 : memref<80x128xf32, #tpu.memory_space<hbm>>) dst(%arg17 : memref<80x128xf32, #tpu.memory_space<vmem>>)
      %dma_wait3A_283 = arith.constant 0 : i32
      %dma_wait3A_284 = tpu.memref_slice %arg3[%dma_wait3A_283] : memref<320000xi32, #tpu.memory_space<hbm>> -> memref<80xi32, #tpu.memory_space<hbm>>
      %dma_wait3A_285 = arith.constant 0 : i32
      %dma_wait3A_286 = tpu.memref_slice %arg3[%dma_wait3A_285] : memref<320000xi32, #tpu.memory_space<hbm>> -> memref<80xi32, #tpu.memory_space<hbm>>
      tpu.wait_dma2 semaphore(%arg22 : memref<!tpu.dma_semaphore, #tpu.memory_space<semaphore_mem>>) src(%dma_wait3A_286 : memref<80xi32, #tpu.memory_space<hbm>>) dst(%arg10 : memref<80xi32, #tpu.memory_space<vmem>>)
      %dma_wait3A_287 = arith.constant 0 : i32
      %dma_wait3A_288 = tpu.memref_slice %arg3[%dma_wait3A_287] : memref<320000xi32, #tpu.memory_space<hbm>> -> memref<80xi32, #tpu.memory_space<hbm>>
      %dma_wait3A_289 = arith.constant 0 : i32
      %dma_wait3A_290 = tpu.memref_slice %arg3[%dma_wait3A_289] : memref<320000xi32, #tpu.memory_space<hbm>> -> memref<80xi32, #tpu.memory_space<hbm>>
      tpu.wait_dma2 semaphore(%arg22 : memref<!tpu.dma_semaphore, #tpu.memory_space<semaphore_mem>>) src(%dma_wait3A_290 : memref<80xi32, #tpu.memory_space<hbm>>) dst(%arg14 : memref<80xi32, #tpu.memory_space<vmem>>)
      %dma_wait3A_291 = arith.constant 0 : i32
      %dma_wait3A_292 = arith.constant 0 : i32
      %dma_wait3A_293 = tpu.memref_slice %arg2[%dma_wait3A_291, %dma_wait3A_292] : memref<10240x128xf32, #tpu.memory_space<hbm>> -> memref<80x128xf32, #tpu.memory_space<hbm>>
      %dma_wait3A_294 = arith.constant 0 : i32
      %dma_wait3A_295 = arith.constant 0 : i32
      %dma_wait3A_296 = tpu.memref_slice %arg2[%dma_wait3A_294, %dma_wait3A_295] : memref<10240x128xf32, #tpu.memory_space<hbm>> -> memref<80x128xf32, #tpu.memory_space<hbm>>
      tpu.wait_dma2 semaphore(%arg26 : memref<!tpu.dma_semaphore, #tpu.memory_space<semaphore_mem>>) src(%dma_wait3A_296 : memref<80x128xf32, #tpu.memory_space<hbm>>) dst(%arg15 : memref<80x128xf32, #tpu.memory_space<vmem>>)
      %dma_start3A_297 = arith.constant 0 : i32
      %dma_start3A_298 = arith.constant 0 : i32
      %dma_start3A_299 = tpu.memref_slice %arg2[%dma_start3A_297, %dma_start3A_298] : memref<10240x128xf32, #tpu.memory_space<hbm>> -> memref<10240x128xf32, #tpu.memory_space<hbm>>
      tpu.enqueue_indirect_dma source(%dma_start3A_299 : memref<10240x128xf32, #tpu.memory_space<hbm>>) target(%arg15 : memref<80x128xf32, #tpu.memory_space<vmem>>) offsets(%arg10 : memref<80xi32, #tpu.memory_space<vmem>>) semaphore(%arg23 : memref<!tpu.dma_semaphore, #tpu.memory_space<semaphore_mem>>)
      %add3A_300 = arith.constant 2 : i32
      %add3A_301 = arith.addi %add3A_276, %add3A_300 : i32
      %mul3A_302 = arith.constant 80 : i32
      %mul3A_303 = arith.muli %add3A_301, %mul3A_302 : i32
      %add3A_304 = arith.addi %mul3A_2, %mul3A_303 : i32
      %dma_start3A_305 = tpu.memref_slice %arg3[%add3A_304] : memref<320000xi32, #tpu.memory_space<hbm>> -> memref<80xi32, #tpu.memory_space<hbm>>
      %dma_start3A_306 = tpu.memref_slice %arg3[%add3A_304] : memref<320000xi32, #tpu.memory_space<hbm>> -> memref<80xi32, #tpu.memory_space<hbm>>
      tpu.enqueue_dma source(%dma_start3A_306 : memref<80xi32, #tpu.memory_space<hbm>>) target(%arg7 : memref<80xi32, #tpu.memory_space<vmem>>) target_semaphore(%arg19 : memref<!tpu.dma_semaphore, #tpu.memory_space<semaphore_mem>>)
      %mul3A_307 = arith.constant 80 : i32
      %mul3A_308 = arith.muli %add3A_301, %mul3A_307 : i32
      %add3A_309 = arith.addi %mul3A_2, %mul3A_308 : i32
      %dma_start3A_310 = tpu.memref_slice %arg4[%add3A_309] : memref<320000xi32, #tpu.memory_space<hbm>> -> memref<80xi32, #tpu.memory_space<hbm>>
      %dma_start3A_311 = tpu.memref_slice %arg4[%add3A_309] : memref<320000xi32, #tpu.memory_space<hbm>> -> memref<80xi32, #tpu.memory_space<hbm>>
      tpu.enqueue_dma source(%dma_start3A_311 : memref<80xi32, #tpu.memory_space<hbm>>) target(%arg11 : memref<80xi32, #tpu.memory_space<vmem>>) target_semaphore(%arg19 : memref<!tpu.dma_semaphore, #tpu.memory_space<semaphore_mem>>)
      %dma_start3A_312 = arith.constant 0 : i32
      %dma_start3A_313 = arith.constant 0 : i32
      %dma_start3A_314 = tpu.memref_slice %arg18[%dma_start3A_312, %dma_start3A_313] : memref<10240x128xf32, #tpu.memory_space<vmem_shared>> -> memref<10240x128xf32, #tpu.memory_space<vmem_shared>>
      tpu.enqueue_indirect_dma source(%arg17 : memref<80x128xf32, #tpu.memory_space<vmem>>) target(%dma_start3A_314 : memref<10240x128xf32, #tpu.memory_space<vmem_shared>>) offsets(%arg13 : memref<80xi32, #tpu.memory_space<vmem>>) semaphore(%arg28 : memref<!tpu.dma_semaphore, #tpu.memory_space<semaphore_mem>>) {add = true}
      %mul3A_315 = arith.constant 12 : i32
      %mul3A_316 = arith.muli %mul3A_315, %scan3A_188 : i32
      %add3A_317 = arith.constant 3 : i32
      %add3A_318 = arith.addi %mul3A_316, %add3A_317 : i32
      %dma_wait3A_319 = arith.constant 0 : i32
      %dma_wait3A_320 = arith.constant 0 : i32
      %dma_wait3A_321 = tpu.memref_slice %arg2[%dma_wait3A_319, %dma_wait3A_320] : memref<10240x128xf32, #tpu.memory_space<hbm>> -> memref<80x128xf32, #tpu.memory_space<hbm>>
      %dma_wait3A_322 = arith.constant 0 : i32
      %dma_wait3A_323 = arith.constant 0 : i32
      %dma_wait3A_324 = tpu.memref_slice %arg2[%dma_wait3A_322, %dma_wait3A_323] : memref<10240x128xf32, #tpu.memory_space<hbm>> -> memref<80x128xf32, #tpu.memory_space<hbm>>
      tpu.wait_dma2 semaphore(%arg23 : memref<!tpu.dma_semaphore, #tpu.memory_space<semaphore_mem>>) src(%dma_wait3A_324 : memref<80x128xf32, #tpu.memory_space<hbm>>) dst(%arg15 : memref<80x128xf32, #tpu.memory_space<vmem>>)
      %dma_wait3A_325 = arith.constant 0 : i32
      %dma_wait3A_326 = tpu.memref_slice %arg3[%dma_wait3A_325] : memref<320000xi32, #tpu.memory_space<hbm>> -> memref<80xi32, #tpu.memory_space<hbm>>
      %dma_wait3A_327 = arith.constant 0 : i32
      %dma_wait3A_328 = tpu.memref_slice %arg3[%dma_wait3A_327] : memref<320000xi32, #tpu.memory_space<hbm>> -> memref<80xi32, #tpu.memory_space<hbm>>
      tpu.wait_dma2 semaphore(%arg19 : memref<!tpu.dma_semaphore, #tpu.memory_space<semaphore_mem>>) src(%dma_wait3A_328 : memref<80xi32, #tpu.memory_space<hbm>>) dst(%arg7 : memref<80xi32, #tpu.memory_space<vmem>>)
      %dma_wait3A_329 = arith.constant 0 : i32
      %dma_wait3A_330 = tpu.memref_slice %arg3[%dma_wait3A_329] : memref<320000xi32, #tpu.memory_space<hbm>> -> memref<80xi32, #tpu.memory_space<hbm>>
      %dma_wait3A_331 = arith.constant 0 : i32
      %dma_wait3A_332 = tpu.memref_slice %arg3[%dma_wait3A_331] : memref<320000xi32, #tpu.memory_space<hbm>> -> memref<80xi32, #tpu.memory_space<hbm>>
      tpu.wait_dma2 semaphore(%arg19 : memref<!tpu.dma_semaphore, #tpu.memory_space<semaphore_mem>>) src(%dma_wait3A_332 : memref<80xi32, #tpu.memory_space<hbm>>) dst(%arg11 : memref<80xi32, #tpu.memory_space<vmem>>)
      %dma_wait3A_333 = arith.constant 0 : i32
      %dma_wait3A_334 = arith.constant 0 : i32
      %dma_wait3A_335 = tpu.memref_slice %arg2[%dma_wait3A_333, %dma_wait3A_334] : memref<10240x128xf32, #tpu.memory_space<hbm>> -> memref<80x128xf32, #tpu.memory_space<hbm>>
      %dma_wait3A_336 = arith.constant 0 : i32
      %dma_wait3A_337 = arith.constant 0 : i32
      %dma_wait3A_338 = tpu.memref_slice %arg2[%dma_wait3A_336, %dma_wait3A_337] : memref<10240x128xf32, #tpu.memory_space<hbm>> -> memref<80x128xf32, #tpu.memory_space<hbm>>
      tpu.wait_dma2 semaphore(%arg27 : memref<!tpu.dma_semaphore, #tpu.memory_space<semaphore_mem>>) src(%dma_wait3A_338 : memref<80x128xf32, #tpu.memory_space<hbm>>) dst(%arg16 : memref<80x128xf32, #tpu.memory_space<vmem>>)
      %dma_start3A_339 = arith.constant 0 : i32
      %dma_start3A_340 = arith.constant 0 : i32
      %dma_start3A_341 = tpu.memref_slice %arg2[%dma_start3A_339, %dma_start3A_340] : memref<10240x128xf32, #tpu.memory_space<hbm>> -> memref<10240x128xf32, #tpu.memory_space<hbm>>
      tpu.enqueue_indirect_dma source(%dma_start3A_341 : memref<10240x128xf32, #tpu.memory_space<hbm>>) target(%arg16 : memref<80x128xf32, #tpu.memory_space<vmem>>) offsets(%arg7 : memref<80xi32, #tpu.memory_space<vmem>>) semaphore(%arg24 : memref<!tpu.dma_semaphore, #tpu.memory_space<semaphore_mem>>)
      %add3A_342 = arith.constant 2 : i32
      %add3A_343 = arith.addi %add3A_318, %add3A_342 : i32
      %mul3A_344 = arith.constant 80 : i32
      %mul3A_345 = arith.muli %add3A_343, %mul3A_344 : i32
      %add3A_346 = arith.addi %mul3A_2, %mul3A_345 : i32
      %dma_start3A_347 = tpu.memref_slice %arg3[%add3A_346] : memref<320000xi32, #tpu.memory_space<hbm>> -> memref<80xi32, #tpu.memory_space<hbm>>
      %dma_start3A_348 = tpu.memref_slice %arg3[%add3A_346] : memref<320000xi32, #tpu.memory_space<hbm>> -> memref<80xi32, #tpu.memory_space<hbm>>
      tpu.enqueue_dma source(%dma_start3A_348 : memref<80xi32, #tpu.memory_space<hbm>>) target(%arg8 : memref<80xi32, #tpu.memory_space<vmem>>) target_semaphore(%arg20 : memref<!tpu.dma_semaphore, #tpu.memory_space<semaphore_mem>>)
      %mul3A_349 = arith.constant 80 : i32
      %mul3A_350 = arith.muli %add3A_343, %mul3A_349 : i32
      %add3A_351 = arith.addi %mul3A_2, %mul3A_350 : i32
      %dma_start3A_352 = tpu.memref_slice %arg4[%add3A_351] : memref<320000xi32, #tpu.memory_space<hbm>> -> memref<80xi32, #tpu.memory_space<hbm>>
      %dma_start3A_353 = tpu.memref_slice %arg4[%add3A_351] : memref<320000xi32, #tpu.memory_space<hbm>> -> memref<80xi32, #tpu.memory_space<hbm>>
      tpu.enqueue_dma source(%dma_start3A_353 : memref<80xi32, #tpu.memory_space<hbm>>) target(%arg12 : memref<80xi32, #tpu.memory_space<vmem>>) target_semaphore(%arg20 : memref<!tpu.dma_semaphore, #tpu.memory_space<semaphore_mem>>)
      %dma_start3A_354 = arith.constant 0 : i32
      %dma_start3A_355 = arith.constant 0 : i32
      %dma_start3A_356 = tpu.memref_slice %arg18[%dma_start3A_354, %dma_start3A_355] : memref<10240x128xf32, #tpu.memory_space<vmem_shared>> -> memref<10240x128xf32, #tpu.memory_space<vmem_shared>>
      tpu.enqueue_indirect_dma source(%arg15 : memref<80x128xf32, #tpu.memory_space<vmem>>) target(%dma_start3A_356 : memref<10240x128xf32, #tpu.memory_space<vmem_shared>>) offsets(%arg14 : memref<80xi32, #tpu.memory_space<vmem>>) semaphore(%arg26 : memref<!tpu.dma_semaphore, #tpu.memory_space<semaphore_mem>>) {add = true}
      %mul3A_357 = arith.constant 12 : i32
      %mul3A_358 = arith.muli %mul3A_357, %scan3A_188 : i32
      %add3A_359 = arith.constant 4 : i32
      %add3A_360 = arith.addi %mul3A_358, %add3A_359 : i32
      %dma_wait3A_361 = arith.constant 0 : i32
      %dma_wait3A_362 = arith.constant 0 : i32
      %dma_wait3A_363 = tpu.memref_slice %arg2[%dma_wait3A_361, %dma_wait3A_362] : memref<10240x128xf32, #tpu.memory_space<hbm>> -> memref<80x128xf32, #tpu.memory_space<hbm>>
      %dma_wait3A_364 = arith.constant 0 : i32
      %dma_wait3A_365 = arith.constant 0 : i32
      %dma_wait3A_366 = tpu.memref_slice %arg2[%dma_wait3A_364, %dma_wait3A_365] : memref<10240x128xf32, #tpu.memory_space<hbm>> -> memref<80x128xf32, #tpu.memory_space<hbm>>
      tpu.wait_dma2 semaphore(%arg24 : memref<!tpu.dma_semaphore, #tpu.memory_space<semaphore_mem>>) src(%dma_wait3A_366 : memref<80x128xf32, #tpu.memory_space<hbm>>) dst(%arg16 : memref<80x128xf32, #tpu.memory_space<vmem>>)
      %dma_wait3A_367 = arith.constant 0 : i32
      %dma_wait3A_368 = tpu.memref_slice %arg3[%dma_wait3A_367] : memref<320000xi32, #tpu.memory_space<hbm>> -> memref<80xi32, #tpu.memory_space<hbm>>
      %dma_wait3A_369 = arith.constant 0 : i32
      %dma_wait3A_370 = tpu.memref_slice %arg3[%dma_wait3A_369] : memref<320000xi32, #tpu.memory_space<hbm>> -> memref<80xi32, #tpu.memory_space<hbm>>
      tpu.wait_dma2 semaphore(%arg20 : memref<!tpu.dma_semaphore, #tpu.memory_space<semaphore_mem>>) src(%dma_wait3A_370 : memref<80xi32, #tpu.memory_space<hbm>>) dst(%arg8 : memref<80xi32, #tpu.memory_space<vmem>>)
      %dma_wait3A_371 = arith.constant 0 : i32
      %dma_wait3A_372 = tpu.memref_slice %arg3[%dma_wait3A_371] : memref<320000xi32, #tpu.memory_space<hbm>> -> memref<80xi32, #tpu.memory_space<hbm>>
      %dma_wait3A_373 = arith.constant 0 : i32
      %dma_wait3A_374 = tpu.memref_slice %arg3[%dma_wait3A_373] : memref<320000xi32, #tpu.memory_space<hbm>> -> memref<80xi32, #tpu.memory_space<hbm>>
      tpu.wait_dma2 semaphore(%arg20 : memref<!tpu.dma_semaphore, #tpu.memory_space<semaphore_mem>>) src(%dma_wait3A_374 : memref<80xi32, #tpu.memory_space<hbm>>) dst(%arg12 : memref<80xi32, #tpu.memory_space<vmem>>)
      %dma_wait3A_375 = arith.constant 0 : i32
      %dma_wait3A_376 = arith.constant 0 : i32
      %dma_wait3A_377 = tpu.memref_slice %arg2[%dma_wait3A_375, %dma_wait3A_376] : memref<10240x128xf32, #tpu.memory_space<hbm>> -> memref<80x128xf32, #tpu.memory_space<hbm>>
      %dma_wait3A_378 = arith.constant 0 : i32
      %dma_wait3A_379 = arith.constant 0 : i32
      %dma_wait3A_380 = tpu.memref_slice %arg2[%dma_wait3A_378, %dma_wait3A_379] : memref<10240x128xf32, #tpu.memory_space<hbm>> -> memref<80x128xf32, #tpu.memory_space<hbm>>
      tpu.wait_dma2 semaphore(%arg28 : memref<!tpu.dma_semaphore, #tpu.memory_space<semaphore_mem>>) src(%dma_wait3A_380 : memref<80x128xf32, #tpu.memory_space<hbm>>) dst(%arg17 : memref<80x128xf32, #tpu.memory_space<vmem>>)
      %dma_start3A_381 = arith.constant 0 : i32
      %dma_start3A_382 = arith.constant 0 : i32
      %dma_start3A_383 = tpu.memref_slice %arg2[%dma_start3A_381, %dma_start3A_382] : memref<10240x128xf32, #tpu.memory_space<hbm>> -> memref<10240x128xf32, #tpu.memory_space<hbm>>
      tpu.enqueue_indirect_dma source(%dma_start3A_383 : memref<10240x128xf32, #tpu.memory_space<hbm>>) target(%arg17 : memref<80x128xf32, #tpu.memory_space<vmem>>) offsets(%arg8 : memref<80xi32, #tpu.memory_space<vmem>>) semaphore(%arg25 : memref<!tpu.dma_semaphore, #tpu.memory_space<semaphore_mem>>)
      %add3A_384 = arith.constant 2 : i32
      %add3A_385 = arith.addi %add3A_360, %add3A_384 : i32
      %mul3A_386 = arith.constant 80 : i32
      %mul3A_387 = arith.muli %add3A_385, %mul3A_386 : i32
      %add3A_388 = arith.addi %mul3A_2, %mul3A_387 : i32
      %dma_start3A_389 = tpu.memref_slice %arg3[%add3A_388] : memref<320000xi32, #tpu.memory_space<hbm>> -> memref<80xi32, #tpu.memory_space<hbm>>
      %dma_start3A_390 = tpu.memref_slice %arg3[%add3A_388] : memref<320000xi32, #tpu.memory_space<hbm>> -> memref<80xi32, #tpu.memory_space<hbm>>
      tpu.enqueue_dma source(%dma_start3A_390 : memref<80xi32, #tpu.memory_space<hbm>>) target(%arg9 : memref<80xi32, #tpu.memory_space<vmem>>) target_semaphore(%arg21 : memref<!tpu.dma_semaphore, #tpu.memory_space<semaphore_mem>>)
      %mul3A_391 = arith.constant 80 : i32
      %mul3A_392 = arith.muli %add3A_385, %mul3A_391 : i32
      %add3A_393 = arith.addi %mul3A_2, %mul3A_392 : i32
      %dma_start3A_394 = tpu.memref_slice %arg4[%add3A_393] : memref<320000xi32, #tpu.memory_space<hbm>> -> memref<80xi32, #tpu.memory_space<hbm>>
      %dma_start3A_395 = tpu.memref_slice %arg4[%add3A_393] : memref<320000xi32, #tpu.memory_space<hbm>> -> memref<80xi32, #tpu.memory_space<hbm>>
      tpu.enqueue_dma source(%dma_start3A_395 : memref<80xi32, #tpu.memory_space<hbm>>) target(%arg13 : memref<80xi32, #tpu.memory_space<vmem>>) target_semaphore(%arg21 : memref<!tpu.dma_semaphore, #tpu.memory_space<semaphore_mem>>)
      %dma_start3A_396 = arith.constant 0 : i32
      %dma_start3A_397 = arith.constant 0 : i32
      %dma_start3A_398 = tpu.memref_slice %arg18[%dma_start3A_396, %dma_start3A_397] : memref<10240x128xf32, #tpu.memory_space<vmem_shared>> -> memref<10240x128xf32, #tpu.memory_space<vmem_shared>>
      tpu.enqueue_indirect_dma source(%arg16 : memref<80x128xf32, #tpu.memory_space<vmem>>) target(%dma_start3A_398 : memref<10240x128xf32, #tpu.memory_space<vmem_shared>>) offsets(%arg11 : memref<80xi32, #tpu.memory_space<vmem>>) semaphore(%arg27 : memref<!tpu.dma_semaphore, #tpu.memory_space<semaphore_mem>>) {add = true}
      %mul3A_399 = arith.constant 12 : i32
      %mul3A_400 = arith.muli %mul3A_399, %scan3A_188 : i32
      %add3A_401 = arith.constant 5 : i32
      %add3A_402 = arith.addi %mul3A_400, %add3A_401 : i32
      %dma_wait3A_403 = arith.constant 0 : i32
      %dma_wait3A_404 = arith.constant 0 : i32
      %dma_wait3A_405 = tpu.memref_slice %arg2[%dma_wait3A_403, %dma_wait3A_404] : memref<10240x128xf32, #tpu.memory_space<hbm>> -> memref<80x128xf32, #tpu.memory_space<hbm>>
      %dma_wait3A_406 = arith.constant 0 : i32
      %dma_wait3A_407 = arith.constant 0 : i32
      %dma_wait3A_408 = tpu.memref_slice %arg2[%dma_wait3A_406, %dma_wait3A_407] : memref<10240x128xf32, #tpu.memory_space<hbm>> -> memref<80x128xf32, #tpu.memory_space<hbm>>
      tpu.wait_dma2 semaphore(%arg25 : memref<!tpu.dma_semaphore, #tpu.memory_space<semaphore_mem>>) src(%dma_wait3A_408 : memref<80x128xf32, #tpu.memory_space<hbm>>) dst(%arg17 : memref<80x128xf32, #tpu.memory_space<vmem>>)
      %dma_wait3A_409 = arith.constant 0 : i32
      %dma_wait3A_410 = tpu.memref_slice %arg3[%dma_wait3A_409] : memref<320000xi32, #tpu.memory_space<hbm>> -> memref<80xi32, #tpu.memory_space<hbm>>
      %dma_wait3A_411 = arith.constant 0 : i32
      %dma_wait3A_412 = tpu.memref_slice %arg3[%dma_wait3A_411] : memref<320000xi32, #tpu.memory_space<hbm>> -> memref<80xi32, #tpu.memory_space<hbm>>
      tpu.wait_dma2 semaphore(%arg21 : memref<!tpu.dma_semaphore, #tpu.memory_space<semaphore_mem>>) src(%dma_wait3A_412 : memref<80xi32, #tpu.memory_space<hbm>>) dst(%arg9 : memref<80xi32, #tpu.memory_space<vmem>>)
      %dma_wait3A_413 = arith.constant 0 : i32
      %dma_wait3A_414 = tpu.memref_slice %arg3[%dma_wait3A_413] : memref<320000xi32, #tpu.memory_space<hbm>> -> memref<80xi32, #tpu.memory_space<hbm>>
      %dma_wait3A_415 = arith.constant 0 : i32
      %dma_wait3A_416 = tpu.memref_slice %arg3[%dma_wait3A_415] : memref<320000xi32, #tpu.memory_space<hbm>> -> memref<80xi32, #tpu.memory_space<hbm>>
      tpu.wait_dma2 semaphore(%arg21 : memref<!tpu.dma_semaphore, #tpu.memory_space<semaphore_mem>>) src(%dma_wait3A_416 : memref<80xi32, #tpu.memory_space<hbm>>) dst(%arg13 : memref<80xi32, #tpu.memory_space<vmem>>)
      %dma_wait3A_417 = arith.constant 0 : i32
      %dma_wait3A_418 = arith.constant 0 : i32
      %dma_wait3A_419 = tpu.memref_slice %arg2[%dma_wait3A_417, %dma_wait3A_418] : memref<10240x128xf32, #tpu.memory_space<hbm>> -> memref<80x128xf32, #tpu.memory_space<hbm>>
      %dma_wait3A_420 = arith.constant 0 : i32
      %dma_wait3A_421 = arith.constant 0 : i32
      %dma_wait3A_422 = tpu.memref_slice %arg2[%dma_wait3A_420, %dma_wait3A_421] : memref<10240x128xf32, #tpu.memory_space<hbm>> -> memref<80x128xf32, #tpu.memory_space<hbm>>
      tpu.wait_dma2 semaphore(%arg26 : memref<!tpu.dma_semaphore, #tpu.memory_space<semaphore_mem>>) src(%dma_wait3A_422 : memref<80x128xf32, #tpu.memory_space<hbm>>) dst(%arg15 : memref<80x128xf32, #tpu.memory_space<vmem>>)
      %dma_start3A_423 = arith.constant 0 : i32
      %dma_start3A_424 = arith.constant 0 : i32
      %dma_start3A_425 = tpu.memref_slice %arg2[%dma_start3A_423, %dma_start3A_424] : memref<10240x128xf32, #tpu.memory_space<hbm>> -> memref<10240x128xf32, #tpu.memory_space<hbm>>
      tpu.enqueue_indirect_dma source(%dma_start3A_425 : memref<10240x128xf32, #tpu.memory_space<hbm>>) target(%arg15 : memref<80x128xf32, #tpu.memory_space<vmem>>) offsets(%arg9 : memref<80xi32, #tpu.memory_space<vmem>>) semaphore(%arg23 : memref<!tpu.dma_semaphore, #tpu.memory_space<semaphore_mem>>)
      %add3A_426 = arith.constant 2 : i32
      %add3A_427 = arith.addi %add3A_402, %add3A_426 : i32
      %mul3A_428 = arith.constant 80 : i32
      %mul3A_429 = arith.muli %add3A_427, %mul3A_428 : i32
      %add3A_430 = arith.addi %mul3A_2, %mul3A_429 : i32
      %dma_start3A_431 = tpu.memref_slice %arg3[%add3A_430] : memref<320000xi32, #tpu.memory_space<hbm>> -> memref<80xi32, #tpu.memory_space<hbm>>
      %dma_start3A_432 = tpu.memref_slice %arg3[%add3A_430] : memref<320000xi32, #tpu.memory_space<hbm>> -> memref<80xi32, #tpu.memory_space<hbm>>
      tpu.enqueue_dma source(%dma_start3A_432 : memref<80xi32, #tpu.memory_space<hbm>>) target(%arg10 : memref<80xi32, #tpu.memory_space<vmem>>) target_semaphore(%arg22 : memref<!tpu.dma_semaphore, #tpu.memory_space<semaphore_mem>>)
      %mul3A_433 = arith.constant 80 : i32
      %mul3A_434 = arith.muli %add3A_427, %mul3A_433 : i32
      %add3A_435 = arith.addi %mul3A_2, %mul3A_434 : i32
      %dma_start3A_436 = tpu.memref_slice %arg4[%add3A_435] : memref<320000xi32, #tpu.memory_space<hbm>> -> memref<80xi32, #tpu.memory_space<hbm>>
      %dma_start3A_437 = tpu.memref_slice %arg4[%add3A_435] : memref<320000xi32, #tpu.memory_space<hbm>> -> memref<80xi32, #tpu.memory_space<hbm>>
      tpu.enqueue_dma source(%dma_start3A_437 : memref<80xi32, #tpu.memory_space<hbm>>) target(%arg14 : memref<80xi32, #tpu.memory_space<vmem>>) target_semaphore(%arg22 : memref<!tpu.dma_semaphore, #tpu.memory_space<semaphore_mem>>)
      %dma_start3A_438 = arith.constant 0 : i32
      %dma_start3A_439 = arith.constant 0 : i32
      %dma_start3A_440 = tpu.memref_slice %arg18[%dma_start3A_438, %dma_start3A_439] : memref<10240x128xf32, #tpu.memory_space<vmem_shared>> -> memref<10240x128xf32, #tpu.memory_space<vmem_shared>>
      tpu.enqueue_indirect_dma source(%arg17 : memref<80x128xf32, #tpu.memory_space<vmem>>) target(%dma_start3A_440 : memref<10240x128xf32, #tpu.memory_space<vmem_shared>>) offsets(%arg12 : memref<80xi32, #tpu.memory_space<vmem>>) semaphore(%arg28 : memref<!tpu.dma_semaphore, #tpu.memory_space<semaphore_mem>>) {add = true}
      %mul3A_441 = arith.constant 12 : i32
      %mul3A_442 = arith.muli %mul3A_441, %scan3A_188 : i32
      %add3A_443 = arith.constant 6 : i32
      %add3A_444 = arith.addi %mul3A_442, %add3A_443 : i32
      %dma_wait3A_445 = arith.constant 0 : i32
      %dma_wait3A_446 = arith.constant 0 : i32
      %dma_wait3A_447 = tpu.memref_slice %arg2[%dma_wait3A_445, %dma_wait3A_446] : memref<10240x128xf32, #tpu.memory_space<hbm>> -> memref<80x128xf32, #tpu.memory_space<hbm>>
      %dma_wait3A_448 = arith.constant 0 : i32
      %dma_wait3A_449 = arith.constant 0 : i32
      %dma_wait3A_450 = tpu.memref_slice %arg2[%dma_wait3A_448, %dma_wait3A_449] : memref<10240x128xf32, #tpu.memory_space<hbm>> -> memref<80x128xf32, #tpu.memory_space<hbm>>
      tpu.wait_dma2 semaphore(%arg23 : memref<!tpu.dma_semaphore, #tpu.memory_space<semaphore_mem>>) src(%dma_wait3A_450 : memref<80x128xf32, #tpu.memory_space<hbm>>) dst(%arg15 : memref<80x128xf32, #tpu.memory_space<vmem>>)
      %dma_wait3A_451 = arith.constant 0 : i32
      %dma_wait3A_452 = tpu.memref_slice %arg3[%dma_wait3A_451] : memref<320000xi32, #tpu.memory_space<hbm>> -> memref<80xi32, #tpu.memory_space<hbm>>
      %dma_wait3A_453 = arith.constant 0 : i32
      %dma_wait3A_454 = tpu.memref_slice %arg3[%dma_wait3A_453] : memref<320000xi32, #tpu.memory_space<hbm>> -> memref<80xi32, #tpu.memory_space<hbm>>
      tpu.wait_dma2 semaphore(%arg22 : memref<!tpu.dma_semaphore, #tpu.memory_space<semaphore_mem>>) src(%dma_wait3A_454 : memref<80xi32, #tpu.memory_space<hbm>>) dst(%arg10 : memref<80xi32, #tpu.memory_space<vmem>>)
      %dma_wait3A_455 = arith.constant 0 : i32
      %dma_wait3A_456 = tpu.memref_slice %arg3[%dma_wait3A_455] : memref<320000xi32, #tpu.memory_space<hbm>> -> memref<80xi32, #tpu.memory_space<hbm>>
      %dma_wait3A_457 = arith.constant 0 : i32
      %dma_wait3A_458 = tpu.memref_slice %arg3[%dma_wait3A_457] : memref<320000xi32, #tpu.memory_space<hbm>> -> memref<80xi32, #tpu.memory_space<hbm>>
      tpu.wait_dma2 semaphore(%arg22 : memref<!tpu.dma_semaphore, #tpu.memory_space<semaphore_mem>>) src(%dma_wait3A_458 : memref<80xi32, #tpu.memory_space<hbm>>) dst(%arg14 : memref<80xi32, #tpu.memory_space<vmem>>)
      %dma_wait3A_459 = arith.constant 0 : i32
      %dma_wait3A_460 = arith.constant 0 : i32
      %dma_wait3A_461 = tpu.memref_slice %arg2[%dma_wait3A_459, %dma_wait3A_460] : memref<10240x128xf32, #tpu.memory_space<hbm>> -> memref<80x128xf32, #tpu.memory_space<hbm>>
      %dma_wait3A_462 = arith.constant 0 : i32
      %dma_wait3A_463 = arith.constant 0 : i32
      %dma_wait3A_464 = tpu.memref_slice %arg2[%dma_wait3A_462, %dma_wait3A_463] : memref<10240x128xf32, #tpu.memory_space<hbm>> -> memref<80x128xf32, #tpu.memory_space<hbm>>
      tpu.wait_dma2 semaphore(%arg27 : memref<!tpu.dma_semaphore, #tpu.memory_space<semaphore_mem>>) src(%dma_wait3A_464 : memref<80x128xf32, #tpu.memory_space<hbm>>) dst(%arg16 : memref<80x128xf32, #tpu.memory_space<vmem>>)
      %dma_start3A_465 = arith.constant 0 : i32
      %dma_start3A_466 = arith.constant 0 : i32
      %dma_start3A_467 = tpu.memref_slice %arg2[%dma_start3A_465, %dma_start3A_466] : memref<10240x128xf32, #tpu.memory_space<hbm>> -> memref<10240x128xf32, #tpu.memory_space<hbm>>
      tpu.enqueue_indirect_dma source(%dma_start3A_467 : memref<10240x128xf32, #tpu.memory_space<hbm>>) target(%arg16 : memref<80x128xf32, #tpu.memory_space<vmem>>) offsets(%arg10 : memref<80xi32, #tpu.memory_space<vmem>>) semaphore(%arg24 : memref<!tpu.dma_semaphore, #tpu.memory_space<semaphore_mem>>)
      %add3A_468 = arith.constant 2 : i32
      %add3A_469 = arith.addi %add3A_444, %add3A_468 : i32
      %mul3A_470 = arith.constant 80 : i32
      %mul3A_471 = arith.muli %add3A_469, %mul3A_470 : i32
      %add3A_472 = arith.addi %mul3A_2, %mul3A_471 : i32
      %dma_start3A_473 = tpu.memref_slice %arg3[%add3A_472] : memref<320000xi32, #tpu.memory_space<hbm>> -> memref<80xi32, #tpu.memory_space<hbm>>
      %dma_start3A_474 = tpu.memref_slice %arg3[%add3A_472] : memref<320000xi32, #tpu.memory_space<hbm>> -> memref<80xi32, #tpu.memory_space<hbm>>
      tpu.enqueue_dma source(%dma_start3A_474 : memref<80xi32, #tpu.memory_space<hbm>>) target(%arg7 : memref<80xi32, #tpu.memory_space<vmem>>) target_semaphore(%arg19 : memref<!tpu.dma_semaphore, #tpu.memory_space<semaphore_mem>>)
      %mul3A_475 = arith.constant 80 : i32
      %mul3A_476 = arith.muli %add3A_469, %mul3A_475 : i32
      %add3A_477 = arith.addi %mul3A_2, %mul3A_476 : i32
      %dma_start3A_478 = tpu.memref_slice %arg4[%add3A_477] : memref<320000xi32, #tpu.memory_space<hbm>> -> memref<80xi32, #tpu.memory_space<hbm>>
      %dma_start3A_479 = tpu.memref_slice %arg4[%add3A_477] : memref<320000xi32, #tpu.memory_space<hbm>> -> memref<80xi32, #tpu.memory_space<hbm>>
      tpu.enqueue_dma source(%dma_start3A_479 : memref<80xi32, #tpu.memory_space<hbm>>) target(%arg11 : memref<80xi32, #tpu.memory_space<vmem>>) target_semaphore(%arg19 : memref<!tpu.dma_semaphore, #tpu.memory_space<semaphore_mem>>)
      %dma_start3A_480 = arith.constant 0 : i32
      %dma_start3A_481 = arith.constant 0 : i32
      %dma_start3A_482 = tpu.memref_slice %arg18[%dma_start3A_480, %dma_start3A_481] : memref<10240x128xf32, #tpu.memory_space<vmem_shared>> -> memref<10240x128xf32, #tpu.memory_space<vmem_shared>>
      tpu.enqueue_indirect_dma source(%arg15 : memref<80x128xf32, #tpu.memory_space<vmem>>) target(%dma_start3A_482 : memref<10240x128xf32, #tpu.memory_space<vmem_shared>>) offsets(%arg13 : memref<80xi32, #tpu.memory_space<vmem>>) semaphore(%arg26 : memref<!tpu.dma_semaphore, #tpu.memory_space<semaphore_mem>>) {add = true}
      %mul3A_483 = arith.constant 12 : i32
      %mul3A_484 = arith.muli %mul3A_483, %scan3A_188 : i32
      %add3A_485 = arith.constant 7 : i32
      %add3A_486 = arith.addi %mul3A_484, %add3A_485 : i32
      %dma_wait3A_487 = arith.constant 0 : i32
      %dma_wait3A_488 = arith.constant 0 : i32
      %dma_wait3A_489 = tpu.memref_slice %arg2[%dma_wait3A_487, %dma_wait3A_488] : memref<10240x128xf32, #tpu.memory_space<hbm>> -> memref<80x128xf32, #tpu.memory_space<hbm>>
      %dma_wait3A_490 = arith.constant 0 : i32
      %dma_wait3A_491 = arith.constant 0 : i32
      %dma_wait3A_492 = tpu.memref_slice %arg2[%dma_wait3A_490, %dma_wait3A_491] : memref<10240x128xf32, #tpu.memory_space<hbm>> -> memref<80x128xf32, #tpu.memory_space<hbm>>
      tpu.wait_dma2 semaphore(%arg24 : memref<!tpu.dma_semaphore, #tpu.memory_space<semaphore_mem>>) src(%dma_wait3A_492 : memref<80x128xf32, #tpu.memory_space<hbm>>) dst(%arg16 : memref<80x128xf32, #tpu.memory_space<vmem>>)
      %dma_wait3A_493 = arith.constant 0 : i32
      %dma_wait3A_494 = tpu.memref_slice %arg3[%dma_wait3A_493] : memref<320000xi32, #tpu.memory_space<hbm>> -> memref<80xi32, #tpu.memory_space<hbm>>
      %dma_wait3A_495 = arith.constant 0 : i32
      %dma_wait3A_496 = tpu.memref_slice %arg3[%dma_wait3A_495] : memref<320000xi32, #tpu.memory_space<hbm>> -> memref<80xi32, #tpu.memory_space<hbm>>
      tpu.wait_dma2 semaphore(%arg19 : memref<!tpu.dma_semaphore, #tpu.memory_space<semaphore_mem>>) src(%dma_wait3A_496 : memref<80xi32, #tpu.memory_space<hbm>>) dst(%arg7 : memref<80xi32, #tpu.memory_space<vmem>>)
      %dma_wait3A_497 = arith.constant 0 : i32
      %dma_wait3A_498 = tpu.memref_slice %arg3[%dma_wait3A_497] : memref<320000xi32, #tpu.memory_space<hbm>> -> memref<80xi32, #tpu.memory_space<hbm>>
      %dma_wait3A_499 = arith.constant 0 : i32
      %dma_wait3A_500 = tpu.memref_slice %arg3[%dma_wait3A_499] : memref<320000xi32, #tpu.memory_space<hbm>> -> memref<80xi32, #tpu.memory_space<hbm>>
      tpu.wait_dma2 semaphore(%arg19 : memref<!tpu.dma_semaphore, #tpu.memory_space<semaphore_mem>>) src(%dma_wait3A_500 : memref<80xi32, #tpu.memory_space<hbm>>) dst(%arg11 : memref<80xi32, #tpu.memory_space<vmem>>)
      %dma_wait3A_501 = arith.constant 0 : i32
      %dma_wait3A_502 = arith.constant 0 : i32
      %dma_wait3A_503 = tpu.memref_slice %arg2[%dma_wait3A_501, %dma_wait3A_502] : memref<10240x128xf32, #tpu.memory_space<hbm>> -> memref<80x128xf32, #tpu.memory_space<hbm>>
      %dma_wait3A_504 = arith.constant 0 : i32
      %dma_wait3A_505 = arith.constant 0 : i32
      %dma_wait3A_506 = tpu.memref_slice %arg2[%dma_wait3A_504, %dma_wait3A_505] : memref<10240x128xf32, #tpu.memory_space<hbm>> -> memref<80x128xf32, #tpu.memory_space<hbm>>
      tpu.wait_dma2 semaphore(%arg28 : memref<!tpu.dma_semaphore, #tpu.memory_space<semaphore_mem>>) src(%dma_wait3A_506 : memref<80x128xf32, #tpu.memory_space<hbm>>) dst(%arg17 : memref<80x128xf32, #tpu.memory_space<vmem>>)
      %dma_start3A_507 = arith.constant 0 : i32
      %dma_start3A_508 = arith.constant 0 : i32
      %dma_start3A_509 = tpu.memref_slice %arg2[%dma_start3A_507, %dma_start3A_508] : memref<10240x128xf32, #tpu.memory_space<hbm>> -> memref<10240x128xf32, #tpu.memory_space<hbm>>
      tpu.enqueue_indirect_dma source(%dma_start3A_509 : memref<10240x128xf32, #tpu.memory_space<hbm>>) target(%arg17 : memref<80x128xf32, #tpu.memory_space<vmem>>) offsets(%arg7 : memref<80xi32, #tpu.memory_space<vmem>>) semaphore(%arg25 : memref<!tpu.dma_semaphore, #tpu.memory_space<semaphore_mem>>)
      %add3A_510 = arith.constant 2 : i32
      %add3A_511 = arith.addi %add3A_486, %add3A_510 : i32
      %mul3A_512 = arith.constant 80 : i32
      %mul3A_513 = arith.muli %add3A_511, %mul3A_512 : i32
      %add3A_514 = arith.addi %mul3A_2, %mul3A_513 : i32
      %dma_start3A_515 = tpu.memref_slice %arg3[%add3A_514] : memref<320000xi32, #tpu.memory_space<hbm>> -> memref<80xi32, #tpu.memory_space<hbm>>
      %dma_start3A_516 = tpu.memref_slice %arg3[%add3A_514] : memref<320000xi32, #tpu.memory_space<hbm>> -> memref<80xi32, #tpu.memory_space<hbm>>
      tpu.enqueue_dma source(%dma_start3A_516 : memref<80xi32, #tpu.memory_space<hbm>>) target(%arg8 : memref<80xi32, #tpu.memory_space<vmem>>) target_semaphore(%arg20 : memref<!tpu.dma_semaphore, #tpu.memory_space<semaphore_mem>>)
      %mul3A_517 = arith.constant 80 : i32
      %mul3A_518 = arith.muli %add3A_511, %mul3A_517 : i32
      %add3A_519 = arith.addi %mul3A_2, %mul3A_518 : i32
      %dma_start3A_520 = tpu.memref_slice %arg4[%add3A_519] : memref<320000xi32, #tpu.memory_space<hbm>> -> memref<80xi32, #tpu.memory_space<hbm>>
      %dma_start3A_521 = tpu.memref_slice %arg4[%add3A_519] : memref<320000xi32, #tpu.memory_space<hbm>> -> memref<80xi32, #tpu.memory_space<hbm>>
      tpu.enqueue_dma source(%dma_start3A_521 : memref<80xi32, #tpu.memory_space<hbm>>) target(%arg12 : memref<80xi32, #tpu.memory_space<vmem>>) target_semaphore(%arg20 : memref<!tpu.dma_semaphore, #tpu.memory_space<semaphore_mem>>)
      %dma_start3A_522 = arith.constant 0 : i32
      %dma_start3A_523 = arith.constant 0 : i32
      %dma_start3A_524 = tpu.memref_slice %arg18[%dma_start3A_522, %dma_start3A_523] : memref<10240x128xf32, #tpu.memory_space<vmem_shared>> -> memref<10240x128xf32, #tpu.memory_space<vmem_shared>>
      tpu.enqueue_indirect_dma source(%arg16 : memref<80x128xf32, #tpu.memory_space<vmem>>) target(%dma_start3A_524 : memref<10240x128xf32, #tpu.memory_space<vmem_shared>>) offsets(%arg14 : memref<80xi32, #tpu.memory_space<vmem>>) semaphore(%arg27 : memref<!tpu.dma_semaphore, #tpu.memory_space<semaphore_mem>>) {add = true}
      %mul3A_525 = arith.constant 12 : i32
      %mul3A_526 = arith.muli %mul3A_525, %scan3A_188 : i32
      %add3A_527 = arith.constant 8 : i32
      %add3A_528 = arith.addi %mul3A_526, %add3A_527 : i32
      %dma_wait3A_529 = arith.constant 0 : i32
      %dma_wait3A_530 = arith.constant 0 : i32
      %dma_wait3A_531 = tpu.memref_slice %arg2[%dma_wait3A_529, %dma_wait3A_530] : memref<10240x128xf32, #tpu.memory_space<hbm>> -> memref<80x128xf32, #tpu.memory_space<hbm>>
      %dma_wait3A_532 = arith.constant 0 : i32
      %dma_wait3A_533 = arith.constant 0 : i32
      %dma_wait3A_534 = tpu.memref_slice %arg2[%dma_wait3A_532, %dma_wait3A_533] : memref<10240x128xf32, #tpu.memory_space<hbm>> -> memref<80x128xf32, #tpu.memory_space<hbm>>
      tpu.wait_dma2 semaphore(%arg25 : memref<!tpu.dma_semaphore, #tpu.memory_space<semaphore_mem>>) src(%dma_wait3A_534 : memref<80x128xf32, #tpu.memory_space<hbm>>) dst(%arg17 : memref<80x128xf32, #tpu.memory_space<vmem>>)
      %dma_wait3A_535 = arith.constant 0 : i32
      %dma_wait3A_536 = tpu.memref_slice %arg3[%dma_wait3A_535] : memref<320000xi32, #tpu.memory_space<hbm>> -> memref<80xi32, #tpu.memory_space<hbm>>
      %dma_wait3A_537 = arith.constant 0 : i32
      %dma_wait3A_538 = tpu.memref_slice %arg3[%dma_wait3A_537] : memref<320000xi32, #tpu.memory_space<hbm>> -> memref<80xi32, #tpu.memory_space<hbm>>
      tpu.wait_dma2 semaphore(%arg20 : memref<!tpu.dma_semaphore, #tpu.memory_space<semaphore_mem>>) src(%dma_wait3A_538 : memref<80xi32, #tpu.memory_space<hbm>>) dst(%arg8 : memref<80xi32, #tpu.memory_space<vmem>>)
      %dma_wait3A_539 = arith.constant 0 : i32
      %dma_wait3A_540 = tpu.memref_slice %arg3[%dma_wait3A_539] : memref<320000xi32, #tpu.memory_space<hbm>> -> memref<80xi32, #tpu.memory_space<hbm>>
      %dma_wait3A_541 = arith.constant 0 : i32
      %dma_wait3A_542 = tpu.memref_slice %arg3[%dma_wait3A_541] : memref<320000xi32, #tpu.memory_space<hbm>> -> memref<80xi32, #tpu.memory_space<hbm>>
      tpu.wait_dma2 semaphore(%arg20 : memref<!tpu.dma_semaphore, #tpu.memory_space<semaphore_mem>>) src(%dma_wait3A_542 : memref<80xi32, #tpu.memory_space<hbm>>) dst(%arg12 : memref<80xi32, #tpu.memory_space<vmem>>)
      %dma_wait3A_543 = arith.constant 0 : i32
      %dma_wait3A_544 = arith.constant 0 : i32
      %dma_wait3A_545 = tpu.memref_slice %arg2[%dma_wait3A_543, %dma_wait3A_544] : memref<10240x128xf32, #tpu.memory_space<hbm>> -> memref<80x128xf32, #tpu.memory_space<hbm>>
      %dma_wait3A_546 = arith.constant 0 : i32
      %dma_wait3A_547 = arith.constant 0 : i32
      %dma_wait3A_548 = tpu.memref_slice %arg2[%dma_wait3A_546, %dma_wait3A_547] : memref<10240x128xf32, #tpu.memory_space<hbm>> -> memref<80x128xf32, #tpu.memory_space<hbm>>
      tpu.wait_dma2 semaphore(%arg26 : memref<!tpu.dma_semaphore, #tpu.memory_space<semaphore_mem>>) src(%dma_wait3A_548 : memref<80x128xf32, #tpu.memory_space<hbm>>) dst(%arg15 : memref<80x128xf32, #tpu.memory_space<vmem>>)
      %dma_start3A_549 = arith.constant 0 : i32
      %dma_start3A_550 = arith.constant 0 : i32
      %dma_start3A_551 = tpu.memref_slice %arg2[%dma_start3A_549, %dma_start3A_550] : memref<10240x128xf32, #tpu.memory_space<hbm>> -> memref<10240x128xf32, #tpu.memory_space<hbm>>
      tpu.enqueue_indirect_dma source(%dma_start3A_551 : memref<10240x128xf32, #tpu.memory_space<hbm>>) target(%arg15 : memref<80x128xf32, #tpu.memory_space<vmem>>) offsets(%arg8 : memref<80xi32, #tpu.memory_space<vmem>>) semaphore(%arg23 : memref<!tpu.dma_semaphore, #tpu.memory_space<semaphore_mem>>)
      %add3A_552 = arith.constant 2 : i32
      %add3A_553 = arith.addi %add3A_528, %add3A_552 : i32
      %mul3A_554 = arith.constant 80 : i32
      %mul3A_555 = arith.muli %add3A_553, %mul3A_554 : i32
      %add3A_556 = arith.addi %mul3A_2, %mul3A_555 : i32
      %dma_start3A_557 = tpu.memref_slice %arg3[%add3A_556] : memref<320000xi32, #tpu.memory_space<hbm>> -> memref<80xi32, #tpu.memory_space<hbm>>
      %dma_start3A_558 = tpu.memref_slice %arg3[%add3A_556] : memref<320000xi32, #tpu.memory_space<hbm>> -> memref<80xi32, #tpu.memory_space<hbm>>
      tpu.enqueue_dma source(%dma_start3A_558 : memref<80xi32, #tpu.memory_space<hbm>>) target(%arg9 : memref<80xi32, #tpu.memory_space<vmem>>) target_semaphore(%arg21 : memref<!tpu.dma_semaphore, #tpu.memory_space<semaphore_mem>>)
      %mul3A_559 = arith.constant 80 : i32
      %mul3A_560 = arith.muli %add3A_553, %mul3A_559 : i32
      %add3A_561 = arith.addi %mul3A_2, %mul3A_560 : i32
      %dma_start3A_562 = tpu.memref_slice %arg4[%add3A_561] : memref<320000xi32, #tpu.memory_space<hbm>> -> memref<80xi32, #tpu.memory_space<hbm>>
      %dma_start3A_563 = tpu.memref_slice %arg4[%add3A_561] : memref<320000xi32, #tpu.memory_space<hbm>> -> memref<80xi32, #tpu.memory_space<hbm>>
      tpu.enqueue_dma source(%dma_start3A_563 : memref<80xi32, #tpu.memory_space<hbm>>) target(%arg13 : memref<80xi32, #tpu.memory_space<vmem>>) target_semaphore(%arg21 : memref<!tpu.dma_semaphore, #tpu.memory_space<semaphore_mem>>)
      %dma_start3A_564 = arith.constant 0 : i32
      %dma_start3A_565 = arith.constant 0 : i32
      %dma_start3A_566 = tpu.memref_slice %arg18[%dma_start3A_564, %dma_start3A_565] : memref<10240x128xf32, #tpu.memory_space<vmem_shared>> -> memref<10240x128xf32, #tpu.memory_space<vmem_shared>>
      tpu.enqueue_indirect_dma source(%arg17 : memref<80x128xf32, #tpu.memory_space<vmem>>) target(%dma_start3A_566 : memref<10240x128xf32, #tpu.memory_space<vmem_shared>>) offsets(%arg11 : memref<80xi32, #tpu.memory_space<vmem>>) semaphore(%arg28 : memref<!tpu.dma_semaphore, #tpu.memory_space<semaphore_mem>>) {add = true}
      %mul3A_567 = arith.constant 12 : i32
      %mul3A_568 = arith.muli %mul3A_567, %scan3A_188 : i32
      %add3A_569 = arith.constant 9 : i32
      %add3A_570 = arith.addi %mul3A_568, %add3A_569 : i32
      %dma_wait3A_571 = arith.constant 0 : i32
      %dma_wait3A_572 = arith.constant 0 : i32
      %dma_wait3A_573 = tpu.memref_slice %arg2[%dma_wait3A_571, %dma_wait3A_572] : memref<10240x128xf32, #tpu.memory_space<hbm>> -> memref<80x128xf32, #tpu.memory_space<hbm>>
      %dma_wait3A_574 = arith.constant 0 : i32
      %dma_wait3A_575 = arith.constant 0 : i32
      %dma_wait3A_576 = tpu.memref_slice %arg2[%dma_wait3A_574, %dma_wait3A_575] : memref<10240x128xf32, #tpu.memory_space<hbm>> -> memref<80x128xf32, #tpu.memory_space<hbm>>
      tpu.wait_dma2 semaphore(%arg23 : memref<!tpu.dma_semaphore, #tpu.memory_space<semaphore_mem>>) src(%dma_wait3A_576 : memref<80x128xf32, #tpu.memory_space<hbm>>) dst(%arg15 : memref<80x128xf32, #tpu.memory_space<vmem>>)
      %dma_wait3A_577 = arith.constant 0 : i32
      %dma_wait3A_578 = tpu.memref_slice %arg3[%dma_wait3A_577] : memref<320000xi32, #tpu.memory_space<hbm>> -> memref<80xi32, #tpu.memory_space<hbm>>
      %dma_wait3A_579 = arith.constant 0 : i32
      %dma_wait3A_580 = tpu.memref_slice %arg3[%dma_wait3A_579] : memref<320000xi32, #tpu.memory_space<hbm>> -> memref<80xi32, #tpu.memory_space<hbm>>
      tpu.wait_dma2 semaphore(%arg21 : memref<!tpu.dma_semaphore, #tpu.memory_space<semaphore_mem>>) src(%dma_wait3A_580 : memref<80xi32, #tpu.memory_space<hbm>>) dst(%arg9 : memref<80xi32, #tpu.memory_space<vmem>>)
      %dma_wait3A_581 = arith.constant 0 : i32
      %dma_wait3A_582 = tpu.memref_slice %arg3[%dma_wait3A_581] : memref<320000xi32, #tpu.memory_space<hbm>> -> memref<80xi32, #tpu.memory_space<hbm>>
      %dma_wait3A_583 = arith.constant 0 : i32
      %dma_wait3A_584 = tpu.memref_slice %arg3[%dma_wait3A_583] : memref<320000xi32, #tpu.memory_space<hbm>> -> memref<80xi32, #tpu.memory_space<hbm>>
      tpu.wait_dma2 semaphore(%arg21 : memref<!tpu.dma_semaphore, #tpu.memory_space<semaphore_mem>>) src(%dma_wait3A_584 : memref<80xi32, #tpu.memory_space<hbm>>) dst(%arg13 : memref<80xi32, #tpu.memory_space<vmem>>)
      %dma_wait3A_585 = arith.constant 0 : i32
      %dma_wait3A_586 = arith.constant 0 : i32
      %dma_wait3A_587 = tpu.memref_slice %arg2[%dma_wait3A_585, %dma_wait3A_586] : memref<10240x128xf32, #tpu.memory_space<hbm>> -> memref<80x128xf32, #tpu.memory_space<hbm>>
      %dma_wait3A_588 = arith.constant 0 : i32
      %dma_wait3A_589 = arith.constant 0 : i32
      %dma_wait3A_590 = tpu.memref_slice %arg2[%dma_wait3A_588, %dma_wait3A_589] : memref<10240x128xf32, #tpu.memory_space<hbm>> -> memref<80x128xf32, #tpu.memory_space<hbm>>
      tpu.wait_dma2 semaphore(%arg27 : memref<!tpu.dma_semaphore, #tpu.memory_space<semaphore_mem>>) src(%dma_wait3A_590 : memref<80x128xf32, #tpu.memory_space<hbm>>) dst(%arg16 : memref<80x128xf32, #tpu.memory_space<vmem>>)
      %dma_start3A_591 = arith.constant 0 : i32
      %dma_start3A_592 = arith.constant 0 : i32
      %dma_start3A_593 = tpu.memref_slice %arg2[%dma_start3A_591, %dma_start3A_592] : memref<10240x128xf32, #tpu.memory_space<hbm>> -> memref<10240x128xf32, #tpu.memory_space<hbm>>
      tpu.enqueue_indirect_dma source(%dma_start3A_593 : memref<10240x128xf32, #tpu.memory_space<hbm>>) target(%arg16 : memref<80x128xf32, #tpu.memory_space<vmem>>) offsets(%arg9 : memref<80xi32, #tpu.memory_space<vmem>>) semaphore(%arg24 : memref<!tpu.dma_semaphore, #tpu.memory_space<semaphore_mem>>)
      %add3A_594 = arith.constant 2 : i32
      %add3A_595 = arith.addi %add3A_570, %add3A_594 : i32
      %mul3A_596 = arith.constant 80 : i32
      %mul3A_597 = arith.muli %add3A_595, %mul3A_596 : i32
      %add3A_598 = arith.addi %mul3A_2, %mul3A_597 : i32
      %dma_start3A_599 = tpu.memref_slice %arg3[%add3A_598] : memref<320000xi32, #tpu.memory_space<hbm>> -> memref<80xi32, #tpu.memory_space<hbm>>
      %dma_start3A_600 = tpu.memref_slice %arg3[%add3A_598] : memref<320000xi32, #tpu.memory_space<hbm>> -> memref<80xi32, #tpu.memory_space<hbm>>
      tpu.enqueue_dma source(%dma_start3A_600 : memref<80xi32, #tpu.memory_space<hbm>>) target(%arg10 : memref<80xi32, #tpu.memory_space<vmem>>) target_semaphore(%arg22 : memref<!tpu.dma_semaphore, #tpu.memory_space<semaphore_mem>>)
      %mul3A_601 = arith.constant 80 : i32
      %mul3A_602 = arith.muli %add3A_595, %mul3A_601 : i32
      %add3A_603 = arith.addi %mul3A_2, %mul3A_602 : i32
      %dma_start3A_604 = tpu.memref_slice %arg4[%add3A_603] : memref<320000xi32, #tpu.memory_space<hbm>> -> memref<80xi32, #tpu.memory_space<hbm>>
      %dma_start3A_605 = tpu.memref_slice %arg4[%add3A_603] : memref<320000xi32, #tpu.memory_space<hbm>> -> memref<80xi32, #tpu.memory_space<hbm>>
      tpu.enqueue_dma source(%dma_start3A_605 : memref<80xi32, #tpu.memory_space<hbm>>) target(%arg14 : memref<80xi32, #tpu.memory_space<vmem>>) target_semaphore(%arg22 : memref<!tpu.dma_semaphore, #tpu.memory_space<semaphore_mem>>)
      %dma_start3A_606 = arith.constant 0 : i32
      %dma_start3A_607 = arith.constant 0 : i32
      %dma_start3A_608 = tpu.memref_slice %arg18[%dma_start3A_606, %dma_start3A_607] : memref<10240x128xf32, #tpu.memory_space<vmem_shared>> -> memref<10240x128xf32, #tpu.memory_space<vmem_shared>>
      tpu.enqueue_indirect_dma source(%arg15 : memref<80x128xf32, #tpu.memory_space<vmem>>) target(%dma_start3A_608 : memref<10240x128xf32, #tpu.memory_space<vmem_shared>>) offsets(%arg12 : memref<80xi32, #tpu.memory_space<vmem>>) semaphore(%arg26 : memref<!tpu.dma_semaphore, #tpu.memory_space<semaphore_mem>>) {add = true}
      %mul3A_609 = arith.constant 12 : i32
      %mul3A_610 = arith.muli %mul3A_609, %scan3A_188 : i32
      %add3A_611 = arith.constant 10 : i32
      %add3A_612 = arith.addi %mul3A_610, %add3A_611 : i32
      %dma_wait3A_613 = arith.constant 0 : i32
      %dma_wait3A_614 = arith.constant 0 : i32
      %dma_wait3A_615 = tpu.memref_slice %arg2[%dma_wait3A_613, %dma_wait3A_614] : memref<10240x128xf32, #tpu.memory_space<hbm>> -> memref<80x128xf32, #tpu.memory_space<hbm>>
      %dma_wait3A_616 = arith.constant 0 : i32
      %dma_wait3A_617 = arith.constant 0 : i32
      %dma_wait3A_618 = tpu.memref_slice %arg2[%dma_wait3A_616, %dma_wait3A_617] : memref<10240x128xf32, #tpu.memory_space<hbm>> -> memref<80x128xf32, #tpu.memory_space<hbm>>
      tpu.wait_dma2 semaphore(%arg24 : memref<!tpu.dma_semaphore, #tpu.memory_space<semaphore_mem>>) src(%dma_wait3A_618 : memref<80x128xf32, #tpu.memory_space<hbm>>) dst(%arg16 : memref<80x128xf32, #tpu.memory_space<vmem>>)
      %dma_wait3A_619 = arith.constant 0 : i32
      %dma_wait3A_620 = tpu.memref_slice %arg3[%dma_wait3A_619] : memref<320000xi32, #tpu.memory_space<hbm>> -> memref<80xi32, #tpu.memory_space<hbm>>
      %dma_wait3A_621 = arith.constant 0 : i32
      %dma_wait3A_622 = tpu.memref_slice %arg3[%dma_wait3A_621] : memref<320000xi32, #tpu.memory_space<hbm>> -> memref<80xi32, #tpu.memory_space<hbm>>
      tpu.wait_dma2 semaphore(%arg22 : memref<!tpu.dma_semaphore, #tpu.memory_space<semaphore_mem>>) src(%dma_wait3A_622 : memref<80xi32, #tpu.memory_space<hbm>>) dst(%arg10 : memref<80xi32, #tpu.memory_space<vmem>>)
      %dma_wait3A_623 = arith.constant 0 : i32
      %dma_wait3A_624 = tpu.memref_slice %arg3[%dma_wait3A_623] : memref<320000xi32, #tpu.memory_space<hbm>> -> memref<80xi32, #tpu.memory_space<hbm>>
      %dma_wait3A_625 = arith.constant 0 : i32
      %dma_wait3A_626 = tpu.memref_slice %arg3[%dma_wait3A_625] : memref<320000xi32, #tpu.memory_space<hbm>> -> memref<80xi32, #tpu.memory_space<hbm>>
      tpu.wait_dma2 semaphore(%arg22 : memref<!tpu.dma_semaphore, #tpu.memory_space<semaphore_mem>>) src(%dma_wait3A_626 : memref<80xi32, #tpu.memory_space<hbm>>) dst(%arg14 : memref<80xi32, #tpu.memory_space<vmem>>)
      %dma_wait3A_627 = arith.constant 0 : i32
      %dma_wait3A_628 = arith.constant 0 : i32
      %dma_wait3A_629 = tpu.memref_slice %arg2[%dma_wait3A_627, %dma_wait3A_628] : memref<10240x128xf32, #tpu.memory_space<hbm>> -> memref<80x128xf32, #tpu.memory_space<hbm>>
      %dma_wait3A_630 = arith.constant 0 : i32
      %dma_wait3A_631 = arith.constant 0 : i32
      %dma_wait3A_632 = tpu.memref_slice %arg2[%dma_wait3A_630, %dma_wait3A_631] : memref<10240x128xf32, #tpu.memory_space<hbm>> -> memref<80x128xf32, #tpu.memory_space<hbm>>
      tpu.wait_dma2 semaphore(%arg28 : memref<!tpu.dma_semaphore, #tpu.memory_space<semaphore_mem>>) src(%dma_wait3A_632 : memref<80x128xf32, #tpu.memory_space<hbm>>) dst(%arg17 : memref<80x128xf32, #tpu.memory_space<vmem>>)
      %dma_start3A_633 = arith.constant 0 : i32
      %dma_start3A_634 = arith.constant 0 : i32
      %dma_start3A_635 = tpu.memref_slice %arg2[%dma_start3A_633, %dma_start3A_634] : memref<10240x128xf32, #tpu.memory_space<hbm>> -> memref<10240x128xf32, #tpu.memory_space<hbm>>
      tpu.enqueue_indirect_dma source(%dma_start3A_635 : memref<10240x128xf32, #tpu.memory_space<hbm>>) target(%arg17 : memref<80x128xf32, #tpu.memory_space<vmem>>) offsets(%arg10 : memref<80xi32, #tpu.memory_space<vmem>>) semaphore(%arg25 : memref<!tpu.dma_semaphore, #tpu.memory_space<semaphore_mem>>)
      %add3A_636 = arith.constant 2 : i32
      %add3A_637 = arith.addi %add3A_612, %add3A_636 : i32
      %mul3A_638 = arith.constant 80 : i32
      %mul3A_639 = arith.muli %add3A_637, %mul3A_638 : i32
      %add3A_640 = arith.addi %mul3A_2, %mul3A_639 : i32
      %dma_start3A_641 = tpu.memref_slice %arg3[%add3A_640] : memref<320000xi32, #tpu.memory_space<hbm>> -> memref<80xi32, #tpu.memory_space<hbm>>
      %dma_start3A_642 = tpu.memref_slice %arg3[%add3A_640] : memref<320000xi32, #tpu.memory_space<hbm>> -> memref<80xi32, #tpu.memory_space<hbm>>
      tpu.enqueue_dma source(%dma_start3A_642 : memref<80xi32, #tpu.memory_space<hbm>>) target(%arg7 : memref<80xi32, #tpu.memory_space<vmem>>) target_semaphore(%arg19 : memref<!tpu.dma_semaphore, #tpu.memory_space<semaphore_mem>>)
      %mul3A_643 = arith.constant 80 : i32
      %mul3A_644 = arith.muli %add3A_637, %mul3A_643 : i32
      %add3A_645 = arith.addi %mul3A_2, %mul3A_644 : i32
      %dma_start3A_646 = tpu.memref_slice %arg4[%add3A_645] : memref<320000xi32, #tpu.memory_space<hbm>> -> memref<80xi32, #tpu.memory_space<hbm>>
      %dma_start3A_647 = tpu.memref_slice %arg4[%add3A_645] : memref<320000xi32, #tpu.memory_space<hbm>> -> memref<80xi32, #tpu.memory_space<hbm>>
      tpu.enqueue_dma source(%dma_start3A_647 : memref<80xi32, #tpu.memory_space<hbm>>) target(%arg11 : memref<80xi32, #tpu.memory_space<vmem>>) target_semaphore(%arg19 : memref<!tpu.dma_semaphore, #tpu.memory_space<semaphore_mem>>)
      %dma_start3A_648 = arith.constant 0 : i32
      %dma_start3A_649 = arith.constant 0 : i32
      %dma_start3A_650 = tpu.memref_slice %arg18[%dma_start3A_648, %dma_start3A_649] : memref<10240x128xf32, #tpu.memory_space<vmem_shared>> -> memref<10240x128xf32, #tpu.memory_space<vmem_shared>>
      tpu.enqueue_indirect_dma source(%arg16 : memref<80x128xf32, #tpu.memory_space<vmem>>) target(%dma_start3A_650 : memref<10240x128xf32, #tpu.memory_space<vmem_shared>>) offsets(%arg13 : memref<80xi32, #tpu.memory_space<vmem>>) semaphore(%arg27 : memref<!tpu.dma_semaphore, #tpu.memory_space<semaphore_mem>>) {add = true}
      %mul3A_651 = arith.constant 12 : i32
      %mul3A_652 = arith.muli %mul3A_651, %scan3A_188 : i32
      %add3A_653 = arith.constant 11 : i32
      %add3A_654 = arith.addi %mul3A_652, %add3A_653 : i32
      %dma_wait3A_655 = arith.constant 0 : i32
      %dma_wait3A_656 = arith.constant 0 : i32
      %dma_wait3A_657 = tpu.memref_slice %arg2[%dma_wait3A_655, %dma_wait3A_656] : memref<10240x128xf32, #tpu.memory_space<hbm>> -> memref<80x128xf32, #tpu.memory_space<hbm>>
      %dma_wait3A_658 = arith.constant 0 : i32
      %dma_wait3A_659 = arith.constant 0 : i32
      %dma_wait3A_660 = tpu.memref_slice %arg2[%dma_wait3A_658, %dma_wait3A_659] : memref<10240x128xf32, #tpu.memory_space<hbm>> -> memref<80x128xf32, #tpu.memory_space<hbm>>
      tpu.wait_dma2 semaphore(%arg25 : memref<!tpu.dma_semaphore, #tpu.memory_space<semaphore_mem>>) src(%dma_wait3A_660 : memref<80x128xf32, #tpu.memory_space<hbm>>) dst(%arg17 : memref<80x128xf32, #tpu.memory_space<vmem>>)
      %dma_wait3A_661 = arith.constant 0 : i32
      %dma_wait3A_662 = tpu.memref_slice %arg3[%dma_wait3A_661] : memref<320000xi32, #tpu.memory_space<hbm>> -> memref<80xi32, #tpu.memory_space<hbm>>
      %dma_wait3A_663 = arith.constant 0 : i32
      %dma_wait3A_664 = tpu.memref_slice %arg3[%dma_wait3A_663] : memref<320000xi32, #tpu.memory_space<hbm>> -> memref<80xi32, #tpu.memory_space<hbm>>
      tpu.wait_dma2 semaphore(%arg19 : memref<!tpu.dma_semaphore, #tpu.memory_space<semaphore_mem>>) src(%dma_wait3A_664 : memref<80xi32, #tpu.memory_space<hbm>>) dst(%arg7 : memref<80xi32, #tpu.memory_space<vmem>>)
      %dma_wait3A_665 = arith.constant 0 : i32
      %dma_wait3A_666 = tpu.memref_slice %arg3[%dma_wait3A_665] : memref<320000xi32, #tpu.memory_space<hbm>> -> memref<80xi32, #tpu.memory_space<hbm>>
      %dma_wait3A_667 = arith.constant 0 : i32
      %dma_wait3A_668 = tpu.memref_slice %arg3[%dma_wait3A_667] : memref<320000xi32, #tpu.memory_space<hbm>> -> memref<80xi32, #tpu.memory_space<hbm>>
      tpu.wait_dma2 semaphore(%arg19 : memref<!tpu.dma_semaphore, #tpu.memory_space<semaphore_mem>>) src(%dma_wait3A_668 : memref<80xi32, #tpu.memory_space<hbm>>) dst(%arg11 : memref<80xi32, #tpu.memory_space<vmem>>)
      %dma_wait3A_669 = arith.constant 0 : i32
      %dma_wait3A_670 = arith.constant 0 : i32
      %dma_wait3A_671 = tpu.memref_slice %arg2[%dma_wait3A_669, %dma_wait3A_670] : memref<10240x128xf32, #tpu.memory_space<hbm>> -> memref<80x128xf32, #tpu.memory_space<hbm>>
      %dma_wait3A_672 = arith.constant 0 : i32
      %dma_wait3A_673 = arith.constant 0 : i32
      %dma_wait3A_674 = tpu.memref_slice %arg2[%dma_wait3A_672, %dma_wait3A_673] : memref<10240x128xf32, #tpu.memory_space<hbm>> -> memref<80x128xf32, #tpu.memory_space<hbm>>
      tpu.wait_dma2 semaphore(%arg26 : memref<!tpu.dma_semaphore, #tpu.memory_space<semaphore_mem>>) src(%dma_wait3A_674 : memref<80x128xf32, #tpu.memory_space<hbm>>) dst(%arg15 : memref<80x128xf32, #tpu.memory_space<vmem>>)
      %dma_start3A_675 = arith.constant 0 : i32
      %dma_start3A_676 = arith.constant 0 : i32
      %dma_start3A_677 = tpu.memref_slice %arg2[%dma_start3A_675, %dma_start3A_676] : memref<10240x128xf32, #tpu.memory_space<hbm>> -> memref<10240x128xf32, #tpu.memory_space<hbm>>
      tpu.enqueue_indirect_dma source(%dma_start3A_677 : memref<10240x128xf32, #tpu.memory_space<hbm>>) target(%arg15 : memref<80x128xf32, #tpu.memory_space<vmem>>) offsets(%arg7 : memref<80xi32, #tpu.memory_space<vmem>>) semaphore(%arg23 : memref<!tpu.dma_semaphore, #tpu.memory_space<semaphore_mem>>)
      %add3A_678 = arith.constant 2 : i32
      %add3A_679 = arith.addi %add3A_654, %add3A_678 : i32
      %mul3A_680 = arith.constant 80 : i32
      %mul3A_681 = arith.muli %add3A_679, %mul3A_680 : i32
      %add3A_682 = arith.addi %mul3A_2, %mul3A_681 : i32
      %dma_start3A_683 = tpu.memref_slice %arg3[%add3A_682] : memref<320000xi32, #tpu.memory_space<hbm>> -> memref<80xi32, #tpu.memory_space<hbm>>
      %dma_start3A_684 = tpu.memref_slice %arg3[%add3A_682] : memref<320000xi32, #tpu.memory_space<hbm>> -> memref<80xi32, #tpu.memory_space<hbm>>
      tpu.enqueue_dma source(%dma_start3A_684 : memref<80xi32, #tpu.memory_space<hbm>>) target(%arg8 : memref<80xi32, #tpu.memory_space<vmem>>) target_semaphore(%arg20 : memref<!tpu.dma_semaphore, #tpu.memory_space<semaphore_mem>>)
      %mul3A_685 = arith.constant 80 : i32
      %mul3A_686 = arith.muli %add3A_679, %mul3A_685 : i32
      %add3A_687 = arith.addi %mul3A_2, %mul3A_686 : i32
      %dma_start3A_688 = tpu.memref_slice %arg4[%add3A_687] : memref<320000xi32, #tpu.memory_space<hbm>> -> memref<80xi32, #tpu.memory_space<hbm>>
      %dma_start3A_689 = tpu.memref_slice %arg4[%add3A_687] : memref<320000xi32, #tpu.memory_space<hbm>> -> memref<80xi32, #tpu.memory_space<hbm>>
      tpu.enqueue_dma source(%dma_start3A_689 : memref<80xi32, #tpu.memory_space<hbm>>) target(%arg12 : memref<80xi32, #tpu.memory_space<vmem>>) target_semaphore(%arg20 : memref<!tpu.dma_semaphore, #tpu.memory_space<semaphore_mem>>)
      %dma_start3A_690 = arith.constant 0 : i32
      %dma_start3A_691 = arith.constant 0 : i32
      %dma_start3A_692 = tpu.memref_slice %arg18[%dma_start3A_690, %dma_start3A_691] : memref<10240x128xf32, #tpu.memory_space<vmem_shared>> -> memref<10240x128xf32, #tpu.memory_space<vmem_shared>>
      tpu.enqueue_indirect_dma source(%arg17 : memref<80x128xf32, #tpu.memory_space<vmem>>) target(%dma_start3A_692 : memref<10240x128xf32, #tpu.memory_space<vmem_shared>>) offsets(%arg14 : memref<80xi32, #tpu.memory_space<vmem>>) semaphore(%arg28 : memref<!tpu.dma_semaphore, #tpu.memory_space<semaphore_mem>>) {add = true}
    }
    %scan3A_25 = arith.constant 10 : i32
    %dma_wait3A = arith.constant 0 : i32
    %dma_wait3A_26 = arith.constant 0 : i32
    %dma_wait3A_27 = tpu.memref_slice %arg2[%dma_wait3A, %dma_wait3A_26] : memref<10240x128xf32, #tpu.memory_space<hbm>> -> memref<80x128xf32, #tpu.memory_space<hbm>>
    %dma_wait3A_28 = arith.constant 0 : i32
    %dma_wait3A_29 = arith.constant 0 : i32
    %dma_wait3A_30 = tpu.memref_slice %arg2[%dma_wait3A_28, %dma_wait3A_29] : memref<10240x128xf32, #tpu.memory_space<hbm>> -> memref<80x128xf32, #tpu.memory_space<hbm>>
    tpu.wait_dma2 semaphore(%arg23 : memref<!tpu.dma_semaphore, #tpu.memory_space<semaphore_mem>>) src(%dma_wait3A_30 : memref<80x128xf32, #tpu.memory_space<hbm>>) dst(%arg15 : memref<80x128xf32, #tpu.memory_space<vmem>>)
    %dma_wait3A_31 = arith.constant 0 : i32
    %dma_wait3A_32 = tpu.memref_slice %arg3[%dma_wait3A_31] : memref<320000xi32, #tpu.memory_space<hbm>> -> memref<80xi32, #tpu.memory_space<hbm>>
    %dma_wait3A_33 = arith.constant 0 : i32
    %dma_wait3A_34 = tpu.memref_slice %arg3[%dma_wait3A_33] : memref<320000xi32, #tpu.memory_space<hbm>> -> memref<80xi32, #tpu.memory_space<hbm>>
    tpu.wait_dma2 semaphore(%arg20 : memref<!tpu.dma_semaphore, #tpu.memory_space<semaphore_mem>>) src(%dma_wait3A_34 : memref<80xi32, #tpu.memory_space<hbm>>) dst(%arg8 : memref<80xi32, #tpu.memory_space<vmem>>)
    %dma_wait3A_35 = arith.constant 0 : i32
    %dma_wait3A_36 = tpu.memref_slice %arg3[%dma_wait3A_35] : memref<320000xi32, #tpu.memory_space<hbm>> -> memref<80xi32, #tpu.memory_space<hbm>>
    %dma_wait3A_37 = arith.constant 0 : i32
    %dma_wait3A_38 = tpu.memref_slice %arg3[%dma_wait3A_37] : memref<320000xi32, #tpu.memory_space<hbm>> -> memref<80xi32, #tpu.memory_space<hbm>>
    tpu.wait_dma2 semaphore(%arg20 : memref<!tpu.dma_semaphore, #tpu.memory_space<semaphore_mem>>) src(%dma_wait3A_38 : memref<80xi32, #tpu.memory_space<hbm>>) dst(%arg12 : memref<80xi32, #tpu.memory_space<vmem>>)
    %dma_wait3A_39 = arith.constant 0 : i32
    %dma_wait3A_40 = arith.constant 0 : i32
    %dma_wait3A_41 = tpu.memref_slice %arg2[%dma_wait3A_39, %dma_wait3A_40] : memref<10240x128xf32, #tpu.memory_space<hbm>> -> memref<80x128xf32, #tpu.memory_space<hbm>>
    %dma_wait3A_42 = arith.constant 0 : i32
    %dma_wait3A_43 = arith.constant 0 : i32
    %dma_wait3A_44 = tpu.memref_slice %arg2[%dma_wait3A_42, %dma_wait3A_43] : memref<10240x128xf32, #tpu.memory_space<hbm>> -> memref<80x128xf32, #tpu.memory_space<hbm>>
    tpu.wait_dma2 semaphore(%arg27 : memref<!tpu.dma_semaphore, #tpu.memory_space<semaphore_mem>>) src(%dma_wait3A_44 : memref<80x128xf32, #tpu.memory_space<hbm>>) dst(%arg16 : memref<80x128xf32, #tpu.memory_space<vmem>>)
    %dma_start3A_45 = arith.constant 0 : i32
    %dma_start3A_46 = arith.constant 0 : i32
    %dma_start3A_47 = tpu.memref_slice %arg2[%dma_start3A_45, %dma_start3A_46] : memref<10240x128xf32, #tpu.memory_space<hbm>> -> memref<10240x128xf32, #tpu.memory_space<hbm>>
    tpu.enqueue_indirect_dma source(%dma_start3A_47 : memref<10240x128xf32, #tpu.memory_space<hbm>>) target(%arg16 : memref<80x128xf32, #tpu.memory_space<vmem>>) offsets(%arg8 : memref<80xi32, #tpu.memory_space<vmem>>) semaphore(%arg24 : memref<!tpu.dma_semaphore, #tpu.memory_space<semaphore_mem>>)
    %add3A_48 = arith.constant 9760 : i32
    %add3A_49 = arith.addi %mul3A_2, %add3A_48 : i32
    %dma_start3A_50 = tpu.memref_slice %arg3[%add3A_49] : memref<320000xi32, #tpu.memory_space<hbm>> -> memref<80xi32, #tpu.memory_space<hbm>>
    %dma_start3A_51 = tpu.memref_slice %arg3[%add3A_49] : memref<320000xi32, #tpu.memory_space<hbm>> -> memref<80xi32, #tpu.memory_space<hbm>>
    tpu.enqueue_dma source(%dma_start3A_51 : memref<80xi32, #tpu.memory_space<hbm>>) target(%arg9 : memref<80xi32, #tpu.memory_space<vmem>>) target_semaphore(%arg21 : memref<!tpu.dma_semaphore, #tpu.memory_space<semaphore_mem>>)
    %add3A_52 = arith.constant 9760 : i32
    %add3A_53 = arith.addi %mul3A_2, %add3A_52 : i32
    %dma_start3A_54 = tpu.memref_slice %arg4[%add3A_53] : memref<320000xi32, #tpu.memory_space<hbm>> -> memref<80xi32, #tpu.memory_space<hbm>>
    %dma_start3A_55 = tpu.memref_slice %arg4[%add3A_53] : memref<320000xi32, #tpu.memory_space<hbm>> -> memref<80xi32, #tpu.memory_space<hbm>>
    tpu.enqueue_dma source(%dma_start3A_55 : memref<80xi32, #tpu.memory_space<hbm>>) target(%arg13 : memref<80xi32, #tpu.memory_space<vmem>>) target_semaphore(%arg21 : memref<!tpu.dma_semaphore, #tpu.memory_space<semaphore_mem>>)
    %dma_start3A_56 = arith.constant 0 : i32
    %dma_start3A_57 = arith.constant 0 : i32
    %dma_start3A_58 = tpu.memref_slice %arg18[%dma_start3A_56, %dma_start3A_57] : memref<10240x128xf32, #tpu.memory_space<vmem_shared>> -> memref<10240x128xf32, #tpu.memory_space<vmem_shared>>
    tpu.enqueue_indirect_dma source(%arg15 : memref<80x128xf32, #tpu.memory_space<vmem>>) target(%dma_start3A_58 : memref<10240x128xf32, #tpu.memory_space<vmem_shared>>) offsets(%arg11 : memref<80xi32, #tpu.memory_space<vmem>>) semaphore(%arg26 : memref<!tpu.dma_semaphore, #tpu.memory_space<semaphore_mem>>) {add = true}
    %dma_wait3A_59 = arith.constant 0 : i32
    %dma_wait3A_60 = arith.constant 0 : i32
    %dma_wait3A_61 = tpu.memref_slice %arg2[%dma_wait3A_59, %dma_wait3A_60] : memref<10240x128xf32, #tpu.memory_space<hbm>> -> memref<80x128xf32, #tpu.memory_space<hbm>>
    %dma_wait3A_62 = arith.constant 0 : i32
    %dma_wait3A_63 = arith.constant 0 : i32
    %dma_wait3A_64 = tpu.memref_slice %arg2[%dma_wait3A_62, %dma_wait3A_63] : memref<10240x128xf32, #tpu.memory_space<hbm>> -> memref<80x128xf32, #tpu.memory_space<hbm>>
    tpu.wait_dma2 semaphore(%arg24 : memref<!tpu.dma_semaphore, #tpu.memory_space<semaphore_mem>>) src(%dma_wait3A_64 : memref<80x128xf32, #tpu.memory_space<hbm>>) dst(%arg16 : memref<80x128xf32, #tpu.memory_space<vmem>>)
    %dma_wait3A_65 = arith.constant 0 : i32
    %dma_wait3A_66 = tpu.memref_slice %arg3[%dma_wait3A_65] : memref<320000xi32, #tpu.memory_space<hbm>> -> memref<80xi32, #tpu.memory_space<hbm>>
    %dma_wait3A_67 = arith.constant 0 : i32
    %dma_wait3A_68 = tpu.memref_slice %arg3[%dma_wait3A_67] : memref<320000xi32, #tpu.memory_space<hbm>> -> memref<80xi32, #tpu.memory_space<hbm>>
    tpu.wait_dma2 semaphore(%arg21 : memref<!tpu.dma_semaphore, #tpu.memory_space<semaphore_mem>>) src(%dma_wait3A_68 : memref<80xi32, #tpu.memory_space<hbm>>) dst(%arg9 : memref<80xi32, #tpu.memory_space<vmem>>)
    %dma_wait3A_69 = arith.constant 0 : i32
    %dma_wait3A_70 = tpu.memref_slice %arg3[%dma_wait3A_69] : memref<320000xi32, #tpu.memory_space<hbm>> -> memref<80xi32, #tpu.memory_space<hbm>>
    %dma_wait3A_71 = arith.constant 0 : i32
    %dma_wait3A_72 = tpu.memref_slice %arg3[%dma_wait3A_71] : memref<320000xi32, #tpu.memory_space<hbm>> -> memref<80xi32, #tpu.memory_space<hbm>>
    tpu.wait_dma2 semaphore(%arg21 : memref<!tpu.dma_semaphore, #tpu.memory_space<semaphore_mem>>) src(%dma_wait3A_72 : memref<80xi32, #tpu.memory_space<hbm>>) dst(%arg13 : memref<80xi32, #tpu.memory_space<vmem>>)
    %dma_wait3A_73 = arith.constant 0 : i32
    %dma_wait3A_74 = arith.constant 0 : i32
    %dma_wait3A_75 = tpu.memref_slice %arg2[%dma_wait3A_73, %dma_wait3A_74] : memref<10240x128xf32, #tpu.memory_space<hbm>> -> memref<80x128xf32, #tpu.memory_space<hbm>>
    %dma_wait3A_76 = arith.constant 0 : i32
    %dma_wait3A_77 = arith.constant 0 : i32
    %dma_wait3A_78 = tpu.memref_slice %arg2[%dma_wait3A_76, %dma_wait3A_77] : memref<10240x128xf32, #tpu.memory_space<hbm>> -> memref<80x128xf32, #tpu.memory_space<hbm>>
    tpu.wait_dma2 semaphore(%arg28 : memref<!tpu.dma_semaphore, #tpu.memory_space<semaphore_mem>>) src(%dma_wait3A_78 : memref<80x128xf32, #tpu.memory_space<hbm>>) dst(%arg17 : memref<80x128xf32, #tpu.memory_space<vmem>>)
    %dma_start3A_79 = arith.constant 0 : i32
    %dma_start3A_80 = arith.constant 0 : i32
    %dma_start3A_81 = tpu.memref_slice %arg2[%dma_start3A_79, %dma_start3A_80] : memref<10240x128xf32, #tpu.memory_space<hbm>> -> memref<10240x128xf32, #tpu.memory_space<hbm>>
    tpu.enqueue_indirect_dma source(%dma_start3A_81 : memref<10240x128xf32, #tpu.memory_space<hbm>>) target(%arg17 : memref<80x128xf32, #tpu.memory_space<vmem>>) offsets(%arg9 : memref<80xi32, #tpu.memory_space<vmem>>) semaphore(%arg25 : memref<!tpu.dma_semaphore, #tpu.memory_space<semaphore_mem>>)
    %add3A_82 = arith.constant 9840 : i32
    %add3A_83 = arith.addi %mul3A_2, %add3A_82 : i32
    %dma_start3A_84 = tpu.memref_slice %arg3[%add3A_83] : memref<320000xi32, #tpu.memory_space<hbm>> -> memref<80xi32, #tpu.memory_space<hbm>>
    %dma_start3A_85 = tpu.memref_slice %arg3[%add3A_83] : memref<320000xi32, #tpu.memory_space<hbm>> -> memref<80xi32, #tpu.memory_space<hbm>>
    tpu.enqueue_dma source(%dma_start3A_85 : memref<80xi32, #tpu.memory_space<hbm>>) target(%arg10 : memref<80xi32, #tpu.memory_space<vmem>>) target_semaphore(%arg22 : memref<!tpu.dma_semaphore, #tpu.memory_space<semaphore_mem>>)
    %add3A_86 = arith.constant 9840 : i32
    %add3A_87 = arith.addi %mul3A_2, %add3A_86 : i32
    %dma_start3A_88 = tpu.memref_slice %arg4[%add3A_87] : memref<320000xi32, #tpu.memory_space<hbm>> -> memref<80xi32, #tpu.memory_space<hbm>>
    %dma_start3A_89 = tpu.memref_slice %arg4[%add3A_87] : memref<320000xi32, #tpu.memory_space<hbm>> -> memref<80xi32, #tpu.memory_space<hbm>>
    tpu.enqueue_dma source(%dma_start3A_89 : memref<80xi32, #tpu.memory_space<hbm>>) target(%arg14 : memref<80xi32, #tpu.memory_space<vmem>>) target_semaphore(%arg22 : memref<!tpu.dma_semaphore, #tpu.memory_space<semaphore_mem>>)
    %dma_start3A_90 = arith.constant 0 : i32
    %dma_start3A_91 = arith.constant 0 : i32
    %dma_start3A_92 = tpu.memref_slice %arg18[%dma_start3A_90, %dma_start3A_91] : memref<10240x128xf32, #tpu.memory_space<vmem_shared>> -> memref<10240x128xf32, #tpu.memory_space<vmem_shared>>
    tpu.enqueue_indirect_dma source(%arg16 : memref<80x128xf32, #tpu.memory_space<vmem>>) target(%dma_start3A_92 : memref<10240x128xf32, #tpu.memory_space<vmem_shared>>) offsets(%arg12 : memref<80xi32, #tpu.memory_space<vmem>>) semaphore(%arg27 : memref<!tpu.dma_semaphore, #tpu.memory_space<semaphore_mem>>) {add = true}
    %dma_wait3A_93 = arith.constant 0 : i32
    %dma_wait3A_94 = arith.constant 0 : i32
    %dma_wait3A_95 = tpu.memref_slice %arg2[%dma_wait3A_93, %dma_wait3A_94] : memref<10240x128xf32, #tpu.memory_space<hbm>> -> memref<80x128xf32, #tpu.memory_space<hbm>>
    %dma_wait3A_96 = arith.constant 0 : i32
    %dma_wait3A_97 = arith.constant 0 : i32
    %dma_wait3A_98 = tpu.memref_slice %arg2[%dma_wait3A_96, %dma_wait3A_97] : memref<10240x128xf32, #tpu.memory_space<hbm>> -> memref<80x128xf32, #tpu.memory_space<hbm>>
    tpu.wait_dma2 semaphore(%arg25 : memref<!tpu.dma_semaphore, #tpu.memory_space<semaphore_mem>>) src(%dma_wait3A_98 : memref<80x128xf32, #tpu.memory_space<hbm>>) dst(%arg17 : memref<80x128xf32, #tpu.memory_space<vmem>>)
    %dma_wait3A_99 = arith.constant 0 : i32
    %dma_wait3A_100 = tpu.memref_slice %arg3[%dma_wait3A_99] : memref<320000xi32, #tpu.memory_space<hbm>> -> memref<80xi32, #tpu.memory_space<hbm>>
    %dma_wait3A_101 = arith.constant 0 : i32
    %dma_wait3A_102 = tpu.memref_slice %arg3[%dma_wait3A_101] : memref<320000xi32, #tpu.memory_space<hbm>> -> memref<80xi32, #tpu.memory_space<hbm>>
    tpu.wait_dma2 semaphore(%arg22 : memref<!tpu.dma_semaphore, #tpu.memory_space<semaphore_mem>>) src(%dma_wait3A_102 : memref<80xi32, #tpu.memory_space<hbm>>) dst(%arg10 : memref<80xi32, #tpu.memory_space<vmem>>)
    %dma_wait3A_103 = arith.constant 0 : i32
    %dma_wait3A_104 = tpu.memref_slice %arg3[%dma_wait3A_103] : memref<320000xi32, #tpu.memory_space<hbm>> -> memref<80xi32, #tpu.memory_space<hbm>>
    %dma_wait3A_105 = arith.constant 0 : i32
    %dma_wait3A_106 = tpu.memref_slice %arg3[%dma_wait3A_105] : memref<320000xi32, #tpu.memory_space<hbm>> -> memref<80xi32, #tpu.memory_space<hbm>>
    tpu.wait_dma2 semaphore(%arg22 : memref<!tpu.dma_semaphore, #tpu.memory_space<semaphore_mem>>) src(%dma_wait3A_106 : memref<80xi32, #tpu.memory_space<hbm>>) dst(%arg14 : memref<80xi32, #tpu.memory_space<vmem>>)
    %dma_wait3A_107 = arith.constant 0 : i32
    %dma_wait3A_108 = arith.constant 0 : i32
    %dma_wait3A_109 = tpu.memref_slice %arg2[%dma_wait3A_107, %dma_wait3A_108] : memref<10240x128xf32, #tpu.memory_space<hbm>> -> memref<80x128xf32, #tpu.memory_space<hbm>>
    %dma_wait3A_110 = arith.constant 0 : i32
    %dma_wait3A_111 = arith.constant 0 : i32
    %dma_wait3A_112 = tpu.memref_slice %arg2[%dma_wait3A_110, %dma_wait3A_111] : memref<10240x128xf32, #tpu.memory_space<hbm>> -> memref<80x128xf32, #tpu.memory_space<hbm>>
    tpu.wait_dma2 semaphore(%arg26 : memref<!tpu.dma_semaphore, #tpu.memory_space<semaphore_mem>>) src(%dma_wait3A_112 : memref<80x128xf32, #tpu.memory_space<hbm>>) dst(%arg15 : memref<80x128xf32, #tpu.memory_space<vmem>>)
    %dma_start3A_113 = arith.constant 0 : i32
    %dma_start3A_114 = arith.constant 0 : i32
    %dma_start3A_115 = tpu.memref_slice %arg2[%dma_start3A_113, %dma_start3A_114] : memref<10240x128xf32, #tpu.memory_space<hbm>> -> memref<10240x128xf32, #tpu.memory_space<hbm>>
    tpu.enqueue_indirect_dma source(%dma_start3A_115 : memref<10240x128xf32, #tpu.memory_space<hbm>>) target(%arg15 : memref<80x128xf32, #tpu.memory_space<vmem>>) offsets(%arg10 : memref<80xi32, #tpu.memory_space<vmem>>) semaphore(%arg23 : memref<!tpu.dma_semaphore, #tpu.memory_space<semaphore_mem>>)
    %add3A_116 = arith.constant 9920 : i32
    %add3A_117 = arith.addi %mul3A_2, %add3A_116 : i32
    %dma_start3A_118 = tpu.memref_slice %arg3[%add3A_117] : memref<320000xi32, #tpu.memory_space<hbm>> -> memref<80xi32, #tpu.memory_space<hbm>>
    %dma_start3A_119 = tpu.memref_slice %arg3[%add3A_117] : memref<320000xi32, #tpu.memory_space<hbm>> -> memref<80xi32, #tpu.memory_space<hbm>>
    tpu.enqueue_dma source(%dma_start3A_119 : memref<80xi32, #tpu.memory_space<hbm>>) target(%arg7 : memref<80xi32, #tpu.memory_space<vmem>>) target_semaphore(%arg19 : memref<!tpu.dma_semaphore, #tpu.memory_space<semaphore_mem>>)
    %add3A_120 = arith.constant 9920 : i32
    %add3A_121 = arith.addi %mul3A_2, %add3A_120 : i32
    %dma_start3A_122 = tpu.memref_slice %arg4[%add3A_121] : memref<320000xi32, #tpu.memory_space<hbm>> -> memref<80xi32, #tpu.memory_space<hbm>>
    %dma_start3A_123 = tpu.memref_slice %arg4[%add3A_121] : memref<320000xi32, #tpu.memory_space<hbm>> -> memref<80xi32, #tpu.memory_space<hbm>>
    tpu.enqueue_dma source(%dma_start3A_123 : memref<80xi32, #tpu.memory_space<hbm>>) target(%arg11 : memref<80xi32, #tpu.memory_space<vmem>>) target_semaphore(%arg19 : memref<!tpu.dma_semaphore, #tpu.memory_space<semaphore_mem>>)
    %dma_start3A_124 = arith.constant 0 : i32
    %dma_start3A_125 = arith.constant 0 : i32
    %dma_start3A_126 = tpu.memref_slice %arg18[%dma_start3A_124, %dma_start3A_125] : memref<10240x128xf32, #tpu.memory_space<vmem_shared>> -> memref<10240x128xf32, #tpu.memory_space<vmem_shared>>
    tpu.enqueue_indirect_dma source(%arg17 : memref<80x128xf32, #tpu.memory_space<vmem>>) target(%dma_start3A_126 : memref<10240x128xf32, #tpu.memory_space<vmem_shared>>) offsets(%arg13 : memref<80xi32, #tpu.memory_space<vmem>>) semaphore(%arg28 : memref<!tpu.dma_semaphore, #tpu.memory_space<semaphore_mem>>) {add = true}
    %dma_wait3A_127 = arith.constant 0 : i32
    %dma_wait3A_128 = arith.constant 0 : i32
    %dma_wait3A_129 = tpu.memref_slice %arg2[%dma_wait3A_127, %dma_wait3A_128] : memref<10240x128xf32, #tpu.memory_space<hbm>> -> memref<80x128xf32, #tpu.memory_space<hbm>>
    %dma_wait3A_130 = arith.constant 0 : i32
    %dma_wait3A_131 = arith.constant 0 : i32
    %dma_wait3A_132 = tpu.memref_slice %arg2[%dma_wait3A_130, %dma_wait3A_131] : memref<10240x128xf32, #tpu.memory_space<hbm>> -> memref<80x128xf32, #tpu.memory_space<hbm>>
    tpu.wait_dma2 semaphore(%arg23 : memref<!tpu.dma_semaphore, #tpu.memory_space<semaphore_mem>>) src(%dma_wait3A_132 : memref<80x128xf32, #tpu.memory_space<hbm>>) dst(%arg15 : memref<80x128xf32, #tpu.memory_space<vmem>>)
    %dma_wait3A_133 = arith.constant 0 : i32
    %dma_wait3A_134 = tpu.memref_slice %arg3[%dma_wait3A_133] : memref<320000xi32, #tpu.memory_space<hbm>> -> memref<80xi32, #tpu.memory_space<hbm>>
    %dma_wait3A_135 = arith.constant 0 : i32
    %dma_wait3A_136 = tpu.memref_slice %arg3[%dma_wait3A_135] : memref<320000xi32, #tpu.memory_space<hbm>> -> memref<80xi32, #tpu.memory_space<hbm>>
    tpu.wait_dma2 semaphore(%arg19 : memref<!tpu.dma_semaphore, #tpu.memory_space<semaphore_mem>>) src(%dma_wait3A_136 : memref<80xi32, #tpu.memory_space<hbm>>) dst(%arg7 : memref<80xi32, #tpu.memory_space<vmem>>)
    %dma_wait3A_137 = arith.constant 0 : i32
    %dma_wait3A_138 = tpu.memref_slice %arg3[%dma_wait3A_137] : memref<320000xi32, #tpu.memory_space<hbm>> -> memref<80xi32, #tpu.memory_space<hbm>>
    %dma_wait3A_139 = arith.constant 0 : i32
    %dma_wait3A_140 = tpu.memref_slice %arg3[%dma_wait3A_139] : memref<320000xi32, #tpu.memory_space<hbm>> -> memref<80xi32, #tpu.memory_space<hbm>>
    tpu.wait_dma2 semaphore(%arg19 : memref<!tpu.dma_semaphore, #tpu.memory_space<semaphore_mem>>) src(%dma_wait3A_140 : memref<80xi32, #tpu.memory_space<hbm>>) dst(%arg11 : memref<80xi32, #tpu.memory_space<vmem>>)
    %dma_wait3A_141 = arith.constant 0 : i32
    %dma_wait3A_142 = arith.constant 0 : i32
    %dma_wait3A_143 = tpu.memref_slice %arg2[%dma_wait3A_141, %dma_wait3A_142] : memref<10240x128xf32, #tpu.memory_space<hbm>> -> memref<80x128xf32, #tpu.memory_space<hbm>>
    %dma_wait3A_144 = arith.constant 0 : i32
    %dma_wait3A_145 = arith.constant 0 : i32
    %dma_wait3A_146 = tpu.memref_slice %arg2[%dma_wait3A_144, %dma_wait3A_145] : memref<10240x128xf32, #tpu.memory_space<hbm>> -> memref<80x128xf32, #tpu.memory_space<hbm>>
    tpu.wait_dma2 semaphore(%arg27 : memref<!tpu.dma_semaphore, #tpu.memory_space<semaphore_mem>>) src(%dma_wait3A_146 : memref<80x128xf32, #tpu.memory_space<hbm>>) dst(%arg16 : memref<80x128xf32, #tpu.memory_space<vmem>>)
    %dma_start3A_147 = arith.constant 0 : i32
    %dma_start3A_148 = arith.constant 0 : i32
    %dma_start3A_149 = tpu.memref_slice %arg2[%dma_start3A_147, %dma_start3A_148] : memref<10240x128xf32, #tpu.memory_space<hbm>> -> memref<10240x128xf32, #tpu.memory_space<hbm>>
    tpu.enqueue_indirect_dma source(%dma_start3A_149 : memref<10240x128xf32, #tpu.memory_space<hbm>>) target(%arg16 : memref<80x128xf32, #tpu.memory_space<vmem>>) offsets(%arg7 : memref<80xi32, #tpu.memory_space<vmem>>) semaphore(%arg24 : memref<!tpu.dma_semaphore, #tpu.memory_space<semaphore_mem>>)
    %dma_start3A_150 = arith.constant 0 : i32
    %dma_start3A_151 = arith.constant 0 : i32
    %dma_start3A_152 = tpu.memref_slice %arg18[%dma_start3A_150, %dma_start3A_151] : memref<10240x128xf32, #tpu.memory_space<vmem_shared>> -> memref<10240x128xf32, #tpu.memory_space<vmem_shared>>
    tpu.enqueue_indirect_dma source(%arg15 : memref<80x128xf32, #tpu.memory_space<vmem>>) target(%dma_start3A_152 : memref<10240x128xf32, #tpu.memory_space<vmem_shared>>) offsets(%arg14 : memref<80xi32, #tpu.memory_space<vmem>>) semaphore(%arg26 : memref<!tpu.dma_semaphore, #tpu.memory_space<semaphore_mem>>) {add = true}
    %dma_wait3A_153 = arith.constant 0 : i32
    %dma_wait3A_154 = arith.constant 0 : i32
    %dma_wait3A_155 = tpu.memref_slice %arg2[%dma_wait3A_153, %dma_wait3A_154] : memref<10240x128xf32, #tpu.memory_space<hbm>> -> memref<80x128xf32, #tpu.memory_space<hbm>>
    %dma_wait3A_156 = arith.constant 0 : i32
    %dma_wait3A_157 = arith.constant 0 : i32
    %dma_wait3A_158 = tpu.memref_slice %arg2[%dma_wait3A_156, %dma_wait3A_157] : memref<10240x128xf32, #tpu.memory_space<hbm>> -> memref<80x128xf32, #tpu.memory_space<hbm>>
    tpu.wait_dma2 semaphore(%arg24 : memref<!tpu.dma_semaphore, #tpu.memory_space<semaphore_mem>>) src(%dma_wait3A_158 : memref<80x128xf32, #tpu.memory_space<hbm>>) dst(%arg16 : memref<80x128xf32, #tpu.memory_space<vmem>>)
    %dma_wait3A_159 = arith.constant 0 : i32
    %dma_wait3A_160 = arith.constant 0 : i32
    %dma_wait3A_161 = tpu.memref_slice %arg2[%dma_wait3A_159, %dma_wait3A_160] : memref<10240x128xf32, #tpu.memory_space<hbm>> -> memref<80x128xf32, #tpu.memory_space<hbm>>
    %dma_wait3A_162 = arith.constant 0 : i32
    %dma_wait3A_163 = arith.constant 0 : i32
    %dma_wait3A_164 = tpu.memref_slice %arg2[%dma_wait3A_162, %dma_wait3A_163] : memref<10240x128xf32, #tpu.memory_space<hbm>> -> memref<80x128xf32, #tpu.memory_space<hbm>>
    tpu.wait_dma2 semaphore(%arg28 : memref<!tpu.dma_semaphore, #tpu.memory_space<semaphore_mem>>) src(%dma_wait3A_164 : memref<80x128xf32, #tpu.memory_space<hbm>>) dst(%arg17 : memref<80x128xf32, #tpu.memory_space<vmem>>)
    %dma_start3A_165 = arith.constant 0 : i32
    %dma_start3A_166 = arith.constant 0 : i32
    %dma_start3A_167 = tpu.memref_slice %arg18[%dma_start3A_165, %dma_start3A_166] : memref<10240x128xf32, #tpu.memory_space<vmem_shared>> -> memref<10240x128xf32, #tpu.memory_space<vmem_shared>>
    tpu.enqueue_indirect_dma source(%arg16 : memref<80x128xf32, #tpu.memory_space<vmem>>) target(%dma_start3A_167 : memref<10240x128xf32, #tpu.memory_space<vmem_shared>>) offsets(%arg11 : memref<80xi32, #tpu.memory_space<vmem>>) semaphore(%arg27 : memref<!tpu.dma_semaphore, #tpu.memory_space<semaphore_mem>>) {add = true}
    %dma_wait3A_168 = arith.constant 0 : i32
    %dma_wait3A_169 = arith.constant 0 : i32
    %dma_wait3A_170 = tpu.memref_slice %arg2[%dma_wait3A_168, %dma_wait3A_169] : memref<10240x128xf32, #tpu.memory_space<hbm>> -> memref<80x128xf32, #tpu.memory_space<hbm>>
    %dma_wait3A_171 = arith.constant 0 : i32
    %dma_wait3A_172 = arith.constant 0 : i32
    %dma_wait3A_173 = tpu.memref_slice %arg2[%dma_wait3A_171, %dma_wait3A_172] : memref<10240x128xf32, #tpu.memory_space<hbm>> -> memref<80x128xf32, #tpu.memory_space<hbm>>
    tpu.wait_dma2 semaphore(%arg26 : memref<!tpu.dma_semaphore, #tpu.memory_space<semaphore_mem>>) src(%dma_wait3A_173 : memref<80x128xf32, #tpu.memory_space<hbm>>) dst(%arg15 : memref<80x128xf32, #tpu.memory_space<vmem>>)
    %dma_wait3A_174 = arith.constant 0 : i32
    %dma_wait3A_175 = arith.constant 0 : i32
    %dma_wait3A_176 = tpu.memref_slice %arg2[%dma_wait3A_174, %dma_wait3A_175] : memref<10240x128xf32, #tpu.memory_space<hbm>> -> memref<80x128xf32, #tpu.memory_space<hbm>>
    %dma_wait3A_177 = arith.constant 0 : i32
    %dma_wait3A_178 = arith.constant 0 : i32
    %dma_wait3A_179 = tpu.memref_slice %arg2[%dma_wait3A_177, %dma_wait3A_178] : memref<10240x128xf32, #tpu.memory_space<hbm>> -> memref<80x128xf32, #tpu.memory_space<hbm>>
    tpu.wait_dma2 semaphore(%arg27 : memref<!tpu.dma_semaphore, #tpu.memory_space<semaphore_mem>>) src(%dma_wait3A_179 : memref<80x128xf32, #tpu.memory_space<hbm>>) dst(%arg16 : memref<80x128xf32, #tpu.memory_space<vmem>>)
    %barrier3A_180 = arith.constant 0 : index
    tpu.barrier barrier_id(%barrier3A_180)
    %mul3A_181 = arith.constant 640 : i32
    %mul3A_182 = arith.muli %arg1, %mul3A_181 : i32
    %mul3A_183 = arith.constant 10240 : i32
    %mul3A_184 = arith.muli %arg0, %mul3A_183 : i32
    %mul3A_185 = arith.constant 640 : i32
    %mul3A_186 = arith.muli %arg1, %mul3A_185 : i32
    %add3A_187 = arith.addi %mul3A_184, %mul3A_186 : i32
    "tpu.region"() ({
      %run_scoped3A = tpu.sem_alloc : memref<!tpu.dma_semaphore, #tpu.memory_space<semaphore_mem>>
      %dma_start3A_188 = arith.constant 0 : i32
      %dma_start3A_189 = tpu.memref_slice %arg6[%add3A_187, %dma_start3A_188] : memref<20480x128xf32, #tpu.memory_space<hbm>> -> memref<640x128xf32, #tpu.memory_space<hbm>>
      %dma_start3A_190 = arith.constant 0 : i32
      %dma_start3A_191 = tpu.memref_slice %arg18[%mul3A_182, %dma_start3A_190] : memref<10240x128xf32, #tpu.memory_space<vmem_shared>> -> memref<640x128xf32, #tpu.memory_space<vmem_shared>>
      tpu.enqueue_dma source(%dma_start3A_191 : memref<640x128xf32, #tpu.memory_space<vmem_shared>>) target(%dma_start3A_189 : memref<640x128xf32, #tpu.memory_space<hbm>>) target_semaphore(%run_scoped3A : memref<!tpu.dma_semaphore, #tpu.memory_space<semaphore_mem>>)
      %dma_wait3A_192 = arith.constant 0 : i32
      %dma_wait3A_193 = tpu.memref_slice %arg6[%add3A_187, %dma_wait3A_192] : memref<20480x128xf32, #tpu.memory_space<hbm>> -> memref<640x128xf32, #tpu.memory_space<hbm>>
      %dma_wait3A_194 = arith.constant 0 : i32
      %dma_wait3A_195 = tpu.memref_slice %arg18[%mul3A_182, %dma_wait3A_194] : memref<10240x128xf32, #tpu.memory_space<vmem_shared>> -> memref<640x128xf32, #tpu.memory_space<vmem_shared>>
      tpu.wait_dma2 semaphore(%run_scoped3A : memref<!tpu.dma_semaphore, #tpu.memory_space<semaphore_mem>>) src(%dma_wait3A_195 : memref<640x128xf32, #tpu.memory_space<vmem_shared>>) dst(%dma_wait3A_193 : memref<640x128xf32, #tpu.memory_space<hbm>>)
      tpu.yield
    }) : () -> ()
    return
  }
}

#map = affine_map<(d0, d1) -> (0, 0, 0)>
#map1 = affine_map<(d0, d1) -> (0, 0)>
module attributes {stable_mosaic.version = 14 : i64} {
  func.func @_sc_degree(%arg0: i32, %arg1: i32, %arg2: memref<32x125x80xi32, #tpu.memory_space<hbm>>, %arg3: memref<80x128xf32, #tpu.memory_space<hbm>>, %arg4: memref<640x128xf32, #tpu.memory_space<hbm>>, %arg5: memref<20480x128xf32, #tpu.memory_space<hbm>>, %arg6: memref<125x80xi32, #tpu.memory_space<vmem>>, %arg7: memref<80x128xf32, #tpu.memory_space<vmem>>, %arg8: memref<10240x128xf32, #tpu.memory_space<vmem_shared>>, %arg9: memref<!tpu.dma_semaphore, #tpu.memory_space<semaphore_mem>>) attributes {dimension_semantics = [#tpu.dimension_semantics<core_parallel>, #tpu.dimension_semantics<subcore_parallel>], iteration_bounds = array<i64: 2, 16>, scalar_prefetch = 0 : i64, scratch_operands = 4 : i64, tpu.core_type = #tpu.core_type<sc_vector_subcore>, window_params = [{transform_indices = #map}, {transform_indices = #map1}, {transform_indices = #map1}, {transform_indices = #map1}]} {
    %mul3A = arith.constant 2 : i32
    %mul3A_0 = arith.muli %arg1, %mul3A : i32
    %add3A = arith.addi %mul3A_0, %arg0 : i32
    %mul3A_1 = arith.constant 640 : i32
    %mul3A_2 = arith.muli %arg1, %mul3A_1 : i32
    "tpu.region"() ({
      %run_scoped3A = tpu.sem_alloc : memref<!tpu.dma_semaphore, #tpu.memory_space<semaphore_mem>>
      %dma_start3A = arith.constant 0 : i32
      %dma_start3A_22 = tpu.memref_slice %arg8[%mul3A_2, %dma_start3A] : memref<10240x128xf32, #tpu.memory_space<vmem_shared>> -> memref<640x128xf32, #tpu.memory_space<vmem_shared>>
      tpu.enqueue_dma source(%arg4 : memref<640x128xf32, #tpu.memory_space<hbm>>) target(%dma_start3A_22 : memref<640x128xf32, #tpu.memory_space<vmem_shared>>) target_semaphore(%run_scoped3A : memref<!tpu.dma_semaphore, #tpu.memory_space<semaphore_mem>>)
      %dma_wait3A = arith.constant 0 : i32
      %dma_wait3A_23 = tpu.memref_slice %arg8[%mul3A_2, %dma_wait3A] : memref<10240x128xf32, #tpu.memory_space<vmem_shared>> -> memref<640x128xf32, #tpu.memory_space<vmem_shared>>
      tpu.wait_dma2 semaphore(%run_scoped3A : memref<!tpu.dma_semaphore, #tpu.memory_space<semaphore_mem>>) src(%arg4 : memref<640x128xf32, #tpu.memory_space<hbm>>) dst(%dma_wait3A_23 : memref<640x128xf32, #tpu.memory_space<vmem_shared>>)
      tpu.yield
    }) : () -> ()
    "tpu.region"() ({
      %run_scoped3A = tpu.sem_alloc : memref<!tpu.dma_semaphore, #tpu.memory_space<semaphore_mem>>
      %dma_start3A = arith.constant 0 : i32
      %dma_start3A_22 = arith.constant 0 : i32
      %dma_start3A_23 = tpu.memref_slice %arg2[%add3A, %dma_start3A, %dma_start3A_22] : memref<32x125x80xi32, #tpu.memory_space<hbm>> -> memref<1x125x80xi32, #tpu.memory_space<hbm>>
      %dma_start3A_24 = tpu.memref_squeeze %dma_start3A_23 : memref<1x125x80xi32, #tpu.memory_space<hbm>> -> memref<125x80xi32, #tpu.memory_space<hbm>>
      %dma_start3A_25 = arith.constant 0 : i32
      %dma_start3A_26 = arith.constant 0 : i32
      %dma_start3A_27 = tpu.memref_slice %arg2[%add3A, %dma_start3A_25, %dma_start3A_26] : memref<32x125x80xi32, #tpu.memory_space<hbm>> -> memref<1x125x80xi32, #tpu.memory_space<hbm>>
      %dma_start3A_28 = tpu.memref_squeeze %dma_start3A_27 : memref<1x125x80xi32, #tpu.memory_space<hbm>> -> memref<125x80xi32, #tpu.memory_space<hbm>>
      tpu.enqueue_dma source(%dma_start3A_28 : memref<125x80xi32, #tpu.memory_space<hbm>>) target(%arg6 : memref<125x80xi32, #tpu.memory_space<vmem>>) target_semaphore(%run_scoped3A : memref<!tpu.dma_semaphore, #tpu.memory_space<semaphore_mem>>)
      %dma_wait3A = arith.constant 0 : i32
      %dma_wait3A_29 = arith.constant 0 : i32
      %dma_wait3A_30 = tpu.memref_slice %arg2[%add3A, %dma_wait3A, %dma_wait3A_29] : memref<32x125x80xi32, #tpu.memory_space<hbm>> -> memref<1x125x80xi32, #tpu.memory_space<hbm>>
      %dma_wait3A_31 = tpu.memref_squeeze %dma_wait3A_30 : memref<1x125x80xi32, #tpu.memory_space<hbm>> -> memref<125x80xi32, #tpu.memory_space<hbm>>
      %dma_wait3A_32 = arith.constant 0 : i32
      %dma_wait3A_33 = arith.constant 0 : i32
      %dma_wait3A_34 = tpu.memref_slice %arg2[%add3A, %dma_wait3A_32, %dma_wait3A_33] : memref<32x125x80xi32, #tpu.memory_space<hbm>> -> memref<1x125x80xi32, #tpu.memory_space<hbm>>
      %dma_wait3A_35 = tpu.memref_squeeze %dma_wait3A_34 : memref<1x125x80xi32, #tpu.memory_space<hbm>> -> memref<125x80xi32, #tpu.memory_space<hbm>>
      tpu.wait_dma2 semaphore(%run_scoped3A : memref<!tpu.dma_semaphore, #tpu.memory_space<semaphore_mem>>) src(%dma_wait3A_35 : memref<125x80xi32, #tpu.memory_space<hbm>>) dst(%arg6 : memref<125x80xi32, #tpu.memory_space<vmem>>)
      tpu.yield
    }) : () -> ()
    "tpu.region"() ({
      %run_scoped3A = tpu.sem_alloc : memref<!tpu.dma_semaphore, #tpu.memory_space<semaphore_mem>>
      tpu.enqueue_dma source(%arg3 : memref<80x128xf32, #tpu.memory_space<hbm>>) target(%arg7 : memref<80x128xf32, #tpu.memory_space<vmem>>) target_semaphore(%run_scoped3A : memref<!tpu.dma_semaphore, #tpu.memory_space<semaphore_mem>>)
      tpu.wait_dma2 semaphore(%run_scoped3A : memref<!tpu.dma_semaphore, #tpu.memory_space<semaphore_mem>>) src(%arg3 : memref<80x128xf32, #tpu.memory_space<hbm>>) dst(%arg7 : memref<80x128xf32, #tpu.memory_space<vmem>>)
      tpu.yield
    }) : () -> ()
    %barrier3A = arith.constant 0 : index
    tpu.barrier barrier_id(%barrier3A)
    %scan3A = arith.constant 0 : i32
    %scan3A_3 = arith.constant 0 : i32
    %scan3A_4 = arith.constant 125 : i32
    %scan3A_5 = arith.addi %scan3A_3, %scan3A_4 : i32
    %scan3A_6 = arith.constant 1 : i32
    scf.for %scan3A_22 = %scan3A_3 to %scan3A_5 step %scan3A_6  : i32 {
      %dma_start3A = arith.constant 0 : i32
      %dma_start3A_23 = tpu.memref_slice %arg6[%scan3A_22, %dma_start3A] : memref<125x80xi32, #tpu.memory_space<vmem>> -> memref<1x80xi32, #tpu.memory_space<vmem>>
      %dma_start3A_24 = tpu.memref_squeeze %dma_start3A_23 : memref<1x80xi32, #tpu.memory_space<vmem>> -> memref<80xi32, #tpu.memory_space<vmem>>
      %dma_start3A_25 = arith.constant 0 : i32
      %dma_start3A_26 = arith.constant 0 : i32
      %dma_start3A_27 = tpu.memref_slice %arg8[%dma_start3A_25, %dma_start3A_26] : memref<10240x128xf32, #tpu.memory_space<vmem_shared>> -> memref<10240x128xf32, #tpu.memory_space<vmem_shared>>
      tpu.enqueue_indirect_dma source(%arg7 : memref<80x128xf32, #tpu.memory_space<vmem>>) target(%dma_start3A_27 : memref<10240x128xf32, #tpu.memory_space<vmem_shared>>) offsets(%dma_start3A_24 : memref<80xi32, #tpu.memory_space<vmem>>) semaphore(%arg9 : memref<!tpu.dma_semaphore, #tpu.memory_space<semaphore_mem>>) {add = true}
    }
    %scan3A_7 = arith.constant 125 : i32
    %scan3A_8 = arith.constant 0 : i32
    %scan3A_9 = arith.constant 0 : i32
    %scan3A_10 = arith.constant 125 : i32
    %scan3A_11 = arith.addi %scan3A_9, %scan3A_10 : i32
    %scan3A_12 = arith.constant 1 : i32
    scf.for %scan3A_22 = %scan3A_9 to %scan3A_11 step %scan3A_12  : i32 {
      %dma_wait3A = arith.constant 0 : i32
      %dma_wait3A_23 = arith.constant 0 : i32
      %dma_wait3A_24 = tpu.memref_slice %arg6[%dma_wait3A, %dma_wait3A_23] : memref<125x80xi32, #tpu.memory_space<vmem>> -> memref<1x80xi32, #tpu.memory_space<vmem>>
      %dma_wait3A_25 = tpu.memref_squeeze %dma_wait3A_24 : memref<1x80xi32, #tpu.memory_space<vmem>> -> memref<80xi32, #tpu.memory_space<vmem>>
      %dma_wait3A_26 = arith.constant 0 : i32
      %dma_wait3A_27 = arith.constant 0 : i32
      %dma_wait3A_28 = tpu.memref_slice %arg8[%dma_wait3A_26, %dma_wait3A_27] : memref<10240x128xf32, #tpu.memory_space<vmem_shared>> -> memref<10240x128xf32, #tpu.memory_space<vmem_shared>>
      tpu.wait_indirect_dma semaphore(%arg9 : memref<!tpu.dma_semaphore, #tpu.memory_space<semaphore_mem>>) src(%arg7 : memref<80x128xf32, #tpu.memory_space<vmem>>) dst(%dma_wait3A_28 : memref<10240x128xf32, #tpu.memory_space<vmem_shared>>)
    }
    %scan3A_13 = arith.constant 125 : i32
    %barrier3A_14 = arith.constant 0 : index
    tpu.barrier barrier_id(%barrier3A_14)
    %mul3A_15 = arith.constant 640 : i32
    %mul3A_16 = arith.muli %arg1, %mul3A_15 : i32
    %mul3A_17 = arith.constant 10240 : i32
    %mul3A_18 = arith.muli %arg0, %mul3A_17 : i32
    %mul3A_19 = arith.constant 640 : i32
    %mul3A_20 = arith.muli %arg1, %mul3A_19 : i32
    %add3A_21 = arith.addi %mul3A_18, %mul3A_20 : i32
    "tpu.region"() ({
      %run_scoped3A = tpu.sem_alloc : memref<!tpu.dma_semaphore, #tpu.memory_space<semaphore_mem>>
      %dma_start3A = arith.constant 0 : i32
      %dma_start3A_22 = tpu.memref_slice %arg5[%add3A_21, %dma_start3A] : memref<20480x128xf32, #tpu.memory_space<hbm>> -> memref<640x128xf32, #tpu.memory_space<hbm>>
      %dma_start3A_23 = arith.constant 0 : i32
      %dma_start3A_24 = tpu.memref_slice %arg8[%mul3A_16, %dma_start3A_23] : memref<10240x128xf32, #tpu.memory_space<vmem_shared>> -> memref<640x128xf32, #tpu.memory_space<vmem_shared>>
      tpu.enqueue_dma source(%dma_start3A_24 : memref<640x128xf32, #tpu.memory_space<vmem_shared>>) target(%dma_start3A_22 : memref<640x128xf32, #tpu.memory_space<hbm>>) target_semaphore(%run_scoped3A : memref<!tpu.dma_semaphore, #tpu.memory_space<semaphore_mem>>)
      %dma_wait3A = arith.constant 0 : i32
      %dma_wait3A_25 = tpu.memref_slice %arg5[%add3A_21, %dma_wait3A] : memref<20480x128xf32, #tpu.memory_space<hbm>> -> memref<640x128xf32, #tpu.memory_space<hbm>>
      %dma_wait3A_26 = arith.constant 0 : i32
      %dma_wait3A_27 = tpu.memref_slice %arg8[%mul3A_16, %dma_wait3A_26] : memref<10240x128xf32, #tpu.memory_space<vmem_shared>> -> memref<640x128xf32, #tpu.memory_space<vmem_shared>>
      tpu.wait_dma2 semaphore(%run_scoped3A : memref<!tpu.dma_semaphore, #tpu.memory_space<semaphore_mem>>) src(%dma_wait3A_27 : memref<640x128xf32, #tpu.memory_space<vmem_shared>>) dst(%dma_wait3A_25 : memref<640x128xf32, #tpu.memory_space<hbm>>)
      tpu.yield
    }) : () -> ()
    return
  }
}

#map = affine_map<(d0, d1) -> (0, 0)>
#map1 = affine_map<(d0, d1) -> (0)>
module attributes {stable_mosaic.version = 14 : i64} {
  func.func @_sc_aggregate(%arg0: i32, %arg1: i32, %arg2: memref<10240x128xf32, #tpu.memory_space<hbm>>, %arg3: memref<320000xi32, #tpu.memory_space<hbm>>, %arg4: memref<320000xi32, #tpu.memory_space<hbm>>, %arg5: memref<640x128xf32, #tpu.memory_space<hbm>>, %arg6: memref<20480x128xf32, #tpu.memory_space<hbm>>, %arg7: memref<80xi32, #tpu.memory_space<vmem>>, %arg8: memref<80xi32, #tpu.memory_space<vmem>>, %arg9: memref<80xi32, #tpu.memory_space<vmem>>, %arg10: memref<80xi32, #tpu.memory_space<vmem>>, %arg11: memref<80xi32, #tpu.memory_space<vmem>>, %arg12: memref<80xi32, #tpu.memory_space<vmem>>, %arg13: memref<80xi32, #tpu.memory_space<vmem>>, %arg14: memref<80xi32, #tpu.memory_space<vmem>>, %arg15: memref<80x128xf32, #tpu.memory_space<vmem>>, %arg16: memref<80x128xf32, #tpu.memory_space<vmem>>, %arg17: memref<80x128xf32, #tpu.memory_space<vmem>>, %arg18: memref<10240x128xf32, #tpu.memory_space<vmem_shared>>, %arg19: memref<!tpu.dma_semaphore, #tpu.memory_space<semaphore_mem>>, %arg20: memref<!tpu.dma_semaphore, #tpu.memory_space<semaphore_mem>>, %arg21: memref<!tpu.dma_semaphore, #tpu.memory_space<semaphore_mem>>, %arg22: memref<!tpu.dma_semaphore, #tpu.memory_space<semaphore_mem>>, %arg23: memref<!tpu.dma_semaphore, #tpu.memory_space<semaphore_mem>>, %arg24: memref<!tpu.dma_semaphore, #tpu.memory_space<semaphore_mem>>, %arg25: memref<!tpu.dma_semaphore, #tpu.memory_space<semaphore_mem>>, %arg26: memref<!tpu.dma_semaphore, #tpu.memory_space<semaphore_mem>>, %arg27: memref<!tpu.dma_semaphore, #tpu.memory_space<semaphore_mem>>, %arg28: memref<!tpu.dma_semaphore, #tpu.memory_space<semaphore_mem>>) attributes {dimension_semantics = [#tpu.dimension_semantics<core_parallel>, #tpu.dimension_semantics<subcore_parallel>], iteration_bounds = array<i64: 2, 16>, scalar_prefetch = 0 : i64, scratch_operands = 22 : i64, tpu.core_type = #tpu.core_type<sc_vector_subcore>, window_params = [{transform_indices = #map}, {transform_indices = #map1}, {transform_indices = #map1}, {transform_indices = #map}, {transform_indices = #map}]} {
    %mul3A = arith.constant 2 : i32
    %mul3A_0 = arith.muli %arg1, %mul3A : i32
    %add3A = arith.addi %mul3A_0, %arg0 : i32
    %mul3A_1 = arith.constant 10000 : i32
    %mul3A_2 = arith.muli %add3A, %mul3A_1 : i32
    %mul3A_3 = arith.constant 640 : i32
    %mul3A_4 = arith.muli %arg1, %mul3A_3 : i32
    "tpu.region"() ({
      %run_scoped3A = tpu.sem_alloc : memref<!tpu.dma_semaphore, #tpu.memory_space<semaphore_mem>>
      %dma_start3A_188 = arith.constant 0 : i32
      %dma_start3A_189 = tpu.memref_slice %arg18[%mul3A_4, %dma_start3A_188] : memref<10240x128xf32, #tpu.memory_space<vmem_shared>> -> memref<640x128xf32, #tpu.memory_space<vmem_shared>>
      tpu.enqueue_dma source(%arg5 : memref<640x128xf32, #tpu.memory_space<hbm>>) target(%dma_start3A_189 : memref<640x128xf32, #tpu.memory_space<vmem_shared>>) target_semaphore(%run_scoped3A : memref<!tpu.dma_semaphore, #tpu.memory_space<semaphore_mem>>)
      %dma_wait3A_190 = arith.constant 0 : i32
      %dma_wait3A_191 = tpu.memref_slice %arg18[%mul3A_4, %dma_wait3A_190] : memref<10240x128xf32, #tpu.memory_space<vmem_shared>> -> memref<640x128xf32, #tpu.memory_space<vmem_shared>>
      tpu.wait_dma2 semaphore(%run_scoped3A : memref<!tpu.dma_semaphore, #tpu.memory_space<semaphore_mem>>) src(%arg5 : memref<640x128xf32, #tpu.memory_space<hbm>>) dst(%dma_wait3A_191 : memref<640x128xf32, #tpu.memory_space<vmem_shared>>)
      tpu.yield
    }) : () -> ()
    %barrier3A = arith.constant 0 : index
    tpu.barrier barrier_id(%barrier3A)
    "tpu.region"() ({
      %run_scoped3A = tpu.sem_alloc : memref<!tpu.dma_semaphore, #tpu.memory_space<semaphore_mem>>
      %dma_start3A_188 = tpu.memref_slice %arg3[%mul3A_2] : memref<320000xi32, #tpu.memory_space<hbm>> -> memref<80xi32, #tpu.memory_space<hbm>>
      %dma_start3A_189 = tpu.memref_slice %arg3[%mul3A_2] : memref<320000xi32, #tpu.memory_space<hbm>> -> memref<80xi32, #tpu.memory_space<hbm>>
      tpu.enqueue_dma source(%dma_start3A_189 : memref<80xi32, #tpu.memory_space<hbm>>) target(%arg7 : memref<80xi32, #tpu.memory_space<vmem>>) target_semaphore(%run_scoped3A : memref<!tpu.dma_semaphore, #tpu.memory_space<semaphore_mem>>)
      %dma_wait3A_190 = tpu.memref_slice %arg3[%mul3A_2] : memref<320000xi32, #tpu.memory_space<hbm>> -> memref<80xi32, #tpu.memory_space<hbm>>
      %dma_wait3A_191 = tpu.memref_slice %arg3[%mul3A_2] : memref<320000xi32, #tpu.memory_space<hbm>> -> memref<80xi32, #tpu.memory_space<hbm>>
      tpu.wait_dma2 semaphore(%run_scoped3A : memref<!tpu.dma_semaphore, #tpu.memory_space<semaphore_mem>>) src(%dma_wait3A_191 : memref<80xi32, #tpu.memory_space<hbm>>) dst(%arg7 : memref<80xi32, #tpu.memory_space<vmem>>)
      tpu.yield
    }) : () -> ()
    "tpu.region"() ({
      %run_scoped3A = tpu.sem_alloc : memref<!tpu.dma_semaphore, #tpu.memory_space<semaphore_mem>>
      %dma_start3A_188 = tpu.memref_slice %arg4[%mul3A_2] : memref<320000xi32, #tpu.memory_space<hbm>> -> memref<80xi32, #tpu.memory_space<hbm>>
      %dma_start3A_189 = tpu.memref_slice %arg4[%mul3A_2] : memref<320000xi32, #tpu.memory_space<hbm>> -> memref<80xi32, #tpu.memory_space<hbm>>
      tpu.enqueue_dma source(%dma_start3A_189 : memref<80xi32, #tpu.memory_space<hbm>>) target(%arg11 : memref<80xi32, #tpu.memory_space<vmem>>) target_semaphore(%run_scoped3A : memref<!tpu.dma_semaphore, #tpu.memory_space<semaphore_mem>>)
      %dma_wait3A_190 = tpu.memref_slice %arg4[%mul3A_2] : memref<320000xi32, #tpu.memory_space<hbm>> -> memref<80xi32, #tpu.memory_space<hbm>>
      %dma_wait3A_191 = tpu.memref_slice %arg4[%mul3A_2] : memref<320000xi32, #tpu.memory_space<hbm>> -> memref<80xi32, #tpu.memory_space<hbm>>
      tpu.wait_dma2 semaphore(%run_scoped3A : memref<!tpu.dma_semaphore, #tpu.memory_space<semaphore_mem>>) src(%dma_wait3A_191 : memref<80xi32, #tpu.memory_space<hbm>>) dst(%arg11 : memref<80xi32, #tpu.memory_space<vmem>>)
      tpu.yield
    }) : () -> ()
    %add3A_5 = arith.constant 80 : i32
    %add3A_6 = arith.addi %mul3A_2, %add3A_5 : i32
    %dma_start3A = tpu.memref_slice %arg3[%add3A_6] : memref<320000xi32, #tpu.memory_space<hbm>> -> memref<80xi32, #tpu.memory_space<hbm>>
    %dma_start3A_7 = tpu.memref_slice %arg3[%add3A_6] : memref<320000xi32, #tpu.memory_space<hbm>> -> memref<80xi32, #tpu.memory_space<hbm>>
    tpu.enqueue_dma source(%dma_start3A_7 : memref<80xi32, #tpu.memory_space<hbm>>) target(%arg8 : memref<80xi32, #tpu.memory_space<vmem>>) target_semaphore(%arg20 : memref<!tpu.dma_semaphore, #tpu.memory_space<semaphore_mem>>)
    %add3A_8 = arith.constant 80 : i32
    %add3A_9 = arith.addi %mul3A_2, %add3A_8 : i32
    %dma_start3A_10 = tpu.memref_slice %arg4[%add3A_9] : memref<320000xi32, #tpu.memory_space<hbm>> -> memref<80xi32, #tpu.memory_space<hbm>>
    %dma_start3A_11 = tpu.memref_slice %arg4[%add3A_9] : memref<320000xi32, #tpu.memory_space<hbm>> -> memref<80xi32, #tpu.memory_space<hbm>>
    tpu.enqueue_dma source(%dma_start3A_11 : memref<80xi32, #tpu.memory_space<hbm>>) target(%arg12 : memref<80xi32, #tpu.memory_space<vmem>>) target_semaphore(%arg20 : memref<!tpu.dma_semaphore, #tpu.memory_space<semaphore_mem>>)
    %dma_start3A_12 = arith.constant 0 : i32
    %dma_start3A_13 = arith.constant 0 : i32
    %dma_start3A_14 = tpu.memref_slice %arg2[%dma_start3A_12, %dma_start3A_13] : memref<10240x128xf32, #tpu.memory_space<hbm>> -> memref<10240x128xf32, #tpu.memory_space<hbm>>
    tpu.enqueue_indirect_dma source(%dma_start3A_14 : memref<10240x128xf32, #tpu.memory_space<hbm>>) target(%arg15 : memref<80x128xf32, #tpu.memory_space<vmem>>) offsets(%arg7 : memref<80xi32, #tpu.memory_space<vmem>>) semaphore(%arg23 : memref<!tpu.dma_semaphore, #tpu.memory_space<semaphore_mem>>)
    "tpu.region"() ({
      %run_scoped3A = tpu.sem_alloc : memref<!tpu.dma_semaphore, #tpu.memory_space<semaphore_mem>>
      %dma_start3A_188 = arith.constant 0 : i32
      %dma_start3A_189 = arith.constant 0 : i32
      %dma_start3A_190 = tpu.memref_slice %arg5[%dma_start3A_188, %dma_start3A_189] : memref<640x128xf32, #tpu.memory_space<hbm>> -> memref<80x128xf32, #tpu.memory_space<hbm>>
      %dma_start3A_191 = arith.constant 0 : i32
      %dma_start3A_192 = arith.constant 0 : i32
      %dma_start3A_193 = tpu.memref_slice %arg5[%dma_start3A_191, %dma_start3A_192] : memref<640x128xf32, #tpu.memory_space<hbm>> -> memref<80x128xf32, #tpu.memory_space<hbm>>
      tpu.enqueue_dma source(%dma_start3A_193 : memref<80x128xf32, #tpu.memory_space<hbm>>) target(%arg17 : memref<80x128xf32, #tpu.memory_space<vmem>>) target_semaphore(%run_scoped3A : memref<!tpu.dma_semaphore, #tpu.memory_space<semaphore_mem>>)
      %dma_wait3A_194 = arith.constant 0 : i32
      %dma_wait3A_195 = arith.constant 0 : i32
      %dma_wait3A_196 = tpu.memref_slice %arg5[%dma_wait3A_194, %dma_wait3A_195] : memref<640x128xf32, #tpu.memory_space<hbm>> -> memref<80x128xf32, #tpu.memory_space<hbm>>
      %dma_wait3A_197 = arith.constant 0 : i32
      %dma_wait3A_198 = arith.constant 0 : i32
      %dma_wait3A_199 = tpu.memref_slice %arg5[%dma_wait3A_197, %dma_wait3A_198] : memref<640x128xf32, #tpu.memory_space<hbm>> -> memref<80x128xf32, #tpu.memory_space<hbm>>
      tpu.wait_dma2 semaphore(%run_scoped3A : memref<!tpu.dma_semaphore, #tpu.memory_space<semaphore_mem>>) src(%dma_wait3A_199 : memref<80x128xf32, #tpu.memory_space<hbm>>) dst(%arg17 : memref<80x128xf32, #tpu.memory_space<vmem>>)
      tpu.yield
    }) : () -> ()
    %dma_start3A_15 = arith.constant 0 : i32
    %dma_start3A_16 = arith.constant 0 : i32
    %dma_start3A_17 = tpu.memref_slice %arg18[%dma_start3A_15, %dma_start3A_16] : memref<10240x128xf32, #tpu.memory_space<vmem_shared>> -> memref<10240x128xf32, #tpu.memory_space<vmem_shared>>
    tpu.enqueue_indirect_dma source(%arg17 : memref<80x128xf32, #tpu.memory_space<vmem>>) target(%dma_start3A_17 : memref<10240x128xf32, #tpu.memory_space<vmem_shared>>) offsets(%arg11 : memref<80xi32, #tpu.memory_space<vmem>>) semaphore(%arg27 : memref<!tpu.dma_semaphore, #tpu.memory_space<semaphore_mem>>) {add = true}
    %dma_start3A_18 = arith.constant 0 : i32
    %dma_start3A_19 = arith.constant 0 : i32
    %dma_start3A_20 = tpu.memref_slice %arg18[%dma_start3A_18, %dma_start3A_19] : memref<10240x128xf32, #tpu.memory_space<vmem_shared>> -> memref<10240x128xf32, #tpu.memory_space<vmem_shared>>
    tpu.enqueue_indirect_dma source(%arg17 : memref<80x128xf32, #tpu.memory_space<vmem>>) target(%dma_start3A_20 : memref<10240x128xf32, #tpu.memory_space<vmem_shared>>) offsets(%arg11 : memref<80xi32, #tpu.memory_space<vmem>>) semaphore(%arg28 : memref<!tpu.dma_semaphore, #tpu.memory_space<semaphore_mem>>) {add = true}
    %scan3A = arith.constant 0 : i32
    %scan3A_21 = arith.constant 0 : i32
    %scan3A_22 = arith.constant 10 : i32
    %scan3A_23 = arith.addi %scan3A_21, %scan3A_22 : i32
    %scan3A_24 = arith.constant 1 : i32
    scf.for %scan3A_188 = %scan3A_21 to %scan3A_23 step %scan3A_24  : i32 {
      %mul3A_189 = arith.constant 12 : i32
      %mul3A_190 = arith.muli %mul3A_189, %scan3A_188 : i32
      %add3A_191 = arith.constant 0 : i32
      %add3A_192 = arith.addi %mul3A_190, %add3A_191 : i32
      %dma_wait3A_193 = arith.constant 0 : i32
      %dma_wait3A_194 = arith.constant 0 : i32
      %dma_wait3A_195 = tpu.memref_slice %arg2[%dma_wait3A_193, %dma_wait3A_194] : memref<10240x128xf32, #tpu.memory_space<hbm>> -> memref<80x128xf32, #tpu.memory_space<hbm>>
      %dma_wait3A_196 = arith.constant 0 : i32
      %dma_wait3A_197 = arith.constant 0 : i32
      %dma_wait3A_198 = tpu.memref_slice %arg2[%dma_wait3A_196, %dma_wait3A_197] : memref<10240x128xf32, #tpu.memory_space<hbm>> -> memref<80x128xf32, #tpu.memory_space<hbm>>
      tpu.wait_dma2 semaphore(%arg23 : memref<!tpu.dma_semaphore, #tpu.memory_space<semaphore_mem>>) src(%dma_wait3A_198 : memref<80x128xf32, #tpu.memory_space<hbm>>) dst(%arg15 : memref<80x128xf32, #tpu.memory_space<vmem>>)
      %dma_wait3A_199 = arith.constant 0 : i32
      %dma_wait3A_200 = tpu.memref_slice %arg3[%dma_wait3A_199] : memref<320000xi32, #tpu.memory_space<hbm>> -> memref<80xi32, #tpu.memory_space<hbm>>
      %dma_wait3A_201 = arith.constant 0 : i32
      %dma_wait3A_202 = tpu.memref_slice %arg3[%dma_wait3A_201] : memref<320000xi32, #tpu.memory_space<hbm>> -> memref<80xi32, #tpu.memory_space<hbm>>
      tpu.wait_dma2 semaphore(%arg20 : memref<!tpu.dma_semaphore, #tpu.memory_space<semaphore_mem>>) src(%dma_wait3A_202 : memref<80xi32, #tpu.memory_space<hbm>>) dst(%arg8 : memref<80xi32, #tpu.memory_space<vmem>>)
      %dma_wait3A_203 = arith.constant 0 : i32
      %dma_wait3A_204 = tpu.memref_slice %arg3[%dma_wait3A_203] : memref<320000xi32, #tpu.memory_space<hbm>> -> memref<80xi32, #tpu.memory_space<hbm>>
      %dma_wait3A_205 = arith.constant 0 : i32
      %dma_wait3A_206 = tpu.memref_slice %arg3[%dma_wait3A_205] : memref<320000xi32, #tpu.memory_space<hbm>> -> memref<80xi32, #tpu.memory_space<hbm>>
      tpu.wait_dma2 semaphore(%arg20 : memref<!tpu.dma_semaphore, #tpu.memory_space<semaphore_mem>>) src(%dma_wait3A_206 : memref<80xi32, #tpu.memory_space<hbm>>) dst(%arg12 : memref<80xi32, #tpu.memory_space<vmem>>)
      %dma_wait3A_207 = arith.constant 0 : i32
      %dma_wait3A_208 = arith.constant 0 : i32
      %dma_wait3A_209 = tpu.memref_slice %arg2[%dma_wait3A_207, %dma_wait3A_208] : memref<10240x128xf32, #tpu.memory_space<hbm>> -> memref<80x128xf32, #tpu.memory_space<hbm>>
      %dma_wait3A_210 = arith.constant 0 : i32
      %dma_wait3A_211 = arith.constant 0 : i32
      %dma_wait3A_212 = tpu.memref_slice %arg2[%dma_wait3A_210, %dma_wait3A_211] : memref<10240x128xf32, #tpu.memory_space<hbm>> -> memref<80x128xf32, #tpu.memory_space<hbm>>
      tpu.wait_dma2 semaphore(%arg27 : memref<!tpu.dma_semaphore, #tpu.memory_space<semaphore_mem>>) src(%dma_wait3A_212 : memref<80x128xf32, #tpu.memory_space<hbm>>) dst(%arg16 : memref<80x128xf32, #tpu.memory_space<vmem>>)
      %dma_start3A_213 = arith.constant 0 : i32
      %dma_start3A_214 = arith.constant 0 : i32
      %dma_start3A_215 = tpu.memref_slice %arg2[%dma_start3A_213, %dma_start3A_214] : memref<10240x128xf32, #tpu.memory_space<hbm>> -> memref<10240x128xf32, #tpu.memory_space<hbm>>
      tpu.enqueue_indirect_dma source(%dma_start3A_215 : memref<10240x128xf32, #tpu.memory_space<hbm>>) target(%arg16 : memref<80x128xf32, #tpu.memory_space<vmem>>) offsets(%arg8 : memref<80xi32, #tpu.memory_space<vmem>>) semaphore(%arg24 : memref<!tpu.dma_semaphore, #tpu.memory_space<semaphore_mem>>)
      %add3A_216 = arith.constant 2 : i32
      %add3A_217 = arith.addi %add3A_192, %add3A_216 : i32
      %mul3A_218 = arith.constant 80 : i32
      %mul3A_219 = arith.muli %add3A_217, %mul3A_218 : i32
      %add3A_220 = arith.addi %mul3A_2, %mul3A_219 : i32
      %dma_start3A_221 = tpu.memref_slice %arg3[%add3A_220] : memref<320000xi32, #tpu.memory_space<hbm>> -> memref<80xi32, #tpu.memory_space<hbm>>
      %dma_start3A_222 = tpu.memref_slice %arg3[%add3A_220] : memref<320000xi32, #tpu.memory_space<hbm>> -> memref<80xi32, #tpu.memory_space<hbm>>
      tpu.enqueue_dma source(%dma_start3A_222 : memref<80xi32, #tpu.memory_space<hbm>>) target(%arg9 : memref<80xi32, #tpu.memory_space<vmem>>) target_semaphore(%arg21 : memref<!tpu.dma_semaphore, #tpu.memory_space<semaphore_mem>>)
      %mul3A_223 = arith.constant 80 : i32
      %mul3A_224 = arith.muli %add3A_217, %mul3A_223 : i32
      %add3A_225 = arith.addi %mul3A_2, %mul3A_224 : i32
      %dma_start3A_226 = tpu.memref_slice %arg4[%add3A_225] : memref<320000xi32, #tpu.memory_space<hbm>> -> memref<80xi32, #tpu.memory_space<hbm>>
      %dma_start3A_227 = tpu.memref_slice %arg4[%add3A_225] : memref<320000xi32, #tpu.memory_space<hbm>> -> memref<80xi32, #tpu.memory_space<hbm>>
      tpu.enqueue_dma source(%dma_start3A_227 : memref<80xi32, #tpu.memory_space<hbm>>) target(%arg13 : memref<80xi32, #tpu.memory_space<vmem>>) target_semaphore(%arg21 : memref<!tpu.dma_semaphore, #tpu.memory_space<semaphore_mem>>)
      %dma_start3A_228 = arith.constant 0 : i32
      %dma_start3A_229 = arith.constant 0 : i32
      %dma_start3A_230 = tpu.memref_slice %arg18[%dma_start3A_228, %dma_start3A_229] : memref<10240x128xf32, #tpu.memory_space<vmem_shared>> -> memref<10240x128xf32, #tpu.memory_space<vmem_shared>>
      tpu.enqueue_indirect_dma source(%arg15 : memref<80x128xf32, #tpu.memory_space<vmem>>) target(%dma_start3A_230 : memref<10240x128xf32, #tpu.memory_space<vmem_shared>>) offsets(%arg11 : memref<80xi32, #tpu.memory_space<vmem>>) semaphore(%arg26 : memref<!tpu.dma_semaphore, #tpu.memory_space<semaphore_mem>>) {add = true}
      %mul3A_231 = arith.constant 12 : i32
      %mul3A_232 = arith.muli %mul3A_231, %scan3A_188 : i32
      %add3A_233 = arith.constant 1 : i32
      %add3A_234 = arith.addi %mul3A_232, %add3A_233 : i32
      %dma_wait3A_235 = arith.constant 0 : i32
      %dma_wait3A_236 = arith.constant 0 : i32
      %dma_wait3A_237 = tpu.memref_slice %arg2[%dma_wait3A_235, %dma_wait3A_236] : memref<10240x128xf32, #tpu.memory_space<hbm>> -> memref<80x128xf32, #tpu.memory_space<hbm>>
      %dma_wait3A_238 = arith.constant 0 : i32
      %dma_wait3A_239 = arith.constant 0 : i32
      %dma_wait3A_240 = tpu.memref_slice %arg2[%dma_wait3A_238, %dma_wait3A_239] : memref<10240x128xf32, #tpu.memory_space<hbm>> -> memref<80x128xf32, #tpu.memory_space<hbm>>
      tpu.wait_dma2 semaphore(%arg24 : memref<!tpu.dma_semaphore, #tpu.memory_space<semaphore_mem>>) src(%dma_wait3A_240 : memref<80x128xf32, #tpu.memory_space<hbm>>) dst(%arg16 : memref<80x128xf32, #tpu.memory_space<vmem>>)
      %dma_wait3A_241 = arith.constant 0 : i32
      %dma_wait3A_242 = tpu.memref_slice %arg3[%dma_wait3A_241] : memref<320000xi32, #tpu.memory_space<hbm>> -> memref<80xi32, #tpu.memory_space<hbm>>
      %dma_wait3A_243 = arith.constant 0 : i32
      %dma_wait3A_244 = tpu.memref_slice %arg3[%dma_wait3A_243] : memref<320000xi32, #tpu.memory_space<hbm>> -> memref<80xi32, #tpu.memory_space<hbm>>
      tpu.wait_dma2 semaphore(%arg21 : memref<!tpu.dma_semaphore, #tpu.memory_space<semaphore_mem>>) src(%dma_wait3A_244 : memref<80xi32, #tpu.memory_space<hbm>>) dst(%arg9 : memref<80xi32, #tpu.memory_space<vmem>>)
      %dma_wait3A_245 = arith.constant 0 : i32
      %dma_wait3A_246 = tpu.memref_slice %arg3[%dma_wait3A_245] : memref<320000xi32, #tpu.memory_space<hbm>> -> memref<80xi32, #tpu.memory_space<hbm>>
      %dma_wait3A_247 = arith.constant 0 : i32
      %dma_wait3A_248 = tpu.memref_slice %arg3[%dma_wait3A_247] : memref<320000xi32, #tpu.memory_space<hbm>> -> memref<80xi32, #tpu.memory_space<hbm>>
      tpu.wait_dma2 semaphore(%arg21 : memref<!tpu.dma_semaphore, #tpu.memory_space<semaphore_mem>>) src(%dma_wait3A_248 : memref<80xi32, #tpu.memory_space<hbm>>) dst(%arg13 : memref<80xi32, #tpu.memory_space<vmem>>)
      %dma_wait3A_249 = arith.constant 0 : i32
      %dma_wait3A_250 = arith.constant 0 : i32
      %dma_wait3A_251 = tpu.memref_slice %arg2[%dma_wait3A_249, %dma_wait3A_250] : memref<10240x128xf32, #tpu.memory_space<hbm>> -> memref<80x128xf32, #tpu.memory_space<hbm>>
      %dma_wait3A_252 = arith.constant 0 : i32
      %dma_wait3A_253 = arith.constant 0 : i32
      %dma_wait3A_254 = tpu.memref_slice %arg2[%dma_wait3A_252, %dma_wait3A_253] : memref<10240x128xf32, #tpu.memory_space<hbm>> -> memref<80x128xf32, #tpu.memory_space<hbm>>
      tpu.wait_dma2 semaphore(%arg28 : memref<!tpu.dma_semaphore, #tpu.memory_space<semaphore_mem>>) src(%dma_wait3A_254 : memref<80x128xf32, #tpu.memory_space<hbm>>) dst(%arg17 : memref<80x128xf32, #tpu.memory_space<vmem>>)
      %dma_start3A_255 = arith.constant 0 : i32
      %dma_start3A_256 = arith.constant 0 : i32
      %dma_start3A_257 = tpu.memref_slice %arg2[%dma_start3A_255, %dma_start3A_256] : memref<10240x128xf32, #tpu.memory_space<hbm>> -> memref<10240x128xf32, #tpu.memory_space<hbm>>
      tpu.enqueue_indirect_dma source(%dma_start3A_257 : memref<10240x128xf32, #tpu.memory_space<hbm>>) target(%arg17 : memref<80x128xf32, #tpu.memory_space<vmem>>) offsets(%arg9 : memref<80xi32, #tpu.memory_space<vmem>>) semaphore(%arg25 : memref<!tpu.dma_semaphore, #tpu.memory_space<semaphore_mem>>)
      %add3A_258 = arith.constant 2 : i32
      %add3A_259 = arith.addi %add3A_234, %add3A_258 : i32
      %mul3A_260 = arith.constant 80 : i32
      %mul3A_261 = arith.muli %add3A_259, %mul3A_260 : i32
      %add3A_262 = arith.addi %mul3A_2, %mul3A_261 : i32
      %dma_start3A_263 = tpu.memref_slice %arg3[%add3A_262] : memref<320000xi32, #tpu.memory_space<hbm>> -> memref<80xi32, #tpu.memory_space<hbm>>
      %dma_start3A_264 = tpu.memref_slice %arg3[%add3A_262] : memref<320000xi32, #tpu.memory_space<hbm>> -> memref<80xi32, #tpu.memory_space<hbm>>
      tpu.enqueue_dma source(%dma_start3A_264 : memref<80xi32, #tpu.memory_space<hbm>>) target(%arg10 : memref<80xi32, #tpu.memory_space<vmem>>) target_semaphore(%arg22 : memref<!tpu.dma_semaphore, #tpu.memory_space<semaphore_mem>>)
      %mul3A_265 = arith.constant 80 : i32
      %mul3A_266 = arith.muli %add3A_259, %mul3A_265 : i32
      %add3A_267 = arith.addi %mul3A_2, %mul3A_266 : i32
      %dma_start3A_268 = tpu.memref_slice %arg4[%add3A_267] : memref<320000xi32, #tpu.memory_space<hbm>> -> memref<80xi32, #tpu.memory_space<hbm>>
      %dma_start3A_269 = tpu.memref_slice %arg4[%add3A_267] : memref<320000xi32, #tpu.memory_space<hbm>> -> memref<80xi32, #tpu.memory_space<hbm>>
      tpu.enqueue_dma source(%dma_start3A_269 : memref<80xi32, #tpu.memory_space<hbm>>) target(%arg14 : memref<80xi32, #tpu.memory_space<vmem>>) target_semaphore(%arg22 : memref<!tpu.dma_semaphore, #tpu.memory_space<semaphore_mem>>)
      %dma_start3A_270 = arith.constant 0 : i32
      %dma_start3A_271 = arith.constant 0 : i32
      %dma_start3A_272 = tpu.memref_slice %arg18[%dma_start3A_270, %dma_start3A_271] : memref<10240x128xf32, #tpu.memory_space<vmem_shared>> -> memref<10240x128xf32, #tpu.memory_space<vmem_shared>>
      tpu.enqueue_indirect_dma source(%arg16 : memref<80x128xf32, #tpu.memory_space<vmem>>) target(%dma_start3A_272 : memref<10240x128xf32, #tpu.memory_space<vmem_shared>>) offsets(%arg12 : memref<80xi32, #tpu.memory_space<vmem>>) semaphore(%arg27 : memref<!tpu.dma_semaphore, #tpu.memory_space<semaphore_mem>>) {add = true}
      %mul3A_273 = arith.constant 12 : i32
      %mul3A_274 = arith.muli %mul3A_273, %scan3A_188 : i32
      %add3A_275 = arith.constant 2 : i32
      %add3A_276 = arith.addi %mul3A_274, %add3A_275 : i32
      %dma_wait3A_277 = arith.constant 0 : i32
      %dma_wait3A_278 = arith.constant 0 : i32
      %dma_wait3A_279 = tpu.memref_slice %arg2[%dma_wait3A_277, %dma_wait3A_278] : memref<10240x128xf32, #tpu.memory_space<hbm>> -> memref<80x128xf32, #tpu.memory_space<hbm>>
      %dma_wait3A_280 = arith.constant 0 : i32
      %dma_wait3A_281 = arith.constant 0 : i32
      %dma_wait3A_282 = tpu.memref_slice %arg2[%dma_wait3A_280, %dma_wait3A_281] : memref<10240x128xf32, #tpu.memory_space<hbm>> -> memref<80x128xf32, #tpu.memory_space<hbm>>
      tpu.wait_dma2 semaphore(%arg25 : memref<!tpu.dma_semaphore, #tpu.memory_space<semaphore_mem>>) src(%dma_wait3A_282 : memref<80x128xf32, #tpu.memory_space<hbm>>) dst(%arg17 : memref<80x128xf32, #tpu.memory_space<vmem>>)
      %dma_wait3A_283 = arith.constant 0 : i32
      %dma_wait3A_284 = tpu.memref_slice %arg3[%dma_wait3A_283] : memref<320000xi32, #tpu.memory_space<hbm>> -> memref<80xi32, #tpu.memory_space<hbm>>
      %dma_wait3A_285 = arith.constant 0 : i32
      %dma_wait3A_286 = tpu.memref_slice %arg3[%dma_wait3A_285] : memref<320000xi32, #tpu.memory_space<hbm>> -> memref<80xi32, #tpu.memory_space<hbm>>
      tpu.wait_dma2 semaphore(%arg22 : memref<!tpu.dma_semaphore, #tpu.memory_space<semaphore_mem>>) src(%dma_wait3A_286 : memref<80xi32, #tpu.memory_space<hbm>>) dst(%arg10 : memref<80xi32, #tpu.memory_space<vmem>>)
      %dma_wait3A_287 = arith.constant 0 : i32
      %dma_wait3A_288 = tpu.memref_slice %arg3[%dma_wait3A_287] : memref<320000xi32, #tpu.memory_space<hbm>> -> memref<80xi32, #tpu.memory_space<hbm>>
      %dma_wait3A_289 = arith.constant 0 : i32
      %dma_wait3A_290 = tpu.memref_slice %arg3[%dma_wait3A_289] : memref<320000xi32, #tpu.memory_space<hbm>> -> memref<80xi32, #tpu.memory_space<hbm>>
      tpu.wait_dma2 semaphore(%arg22 : memref<!tpu.dma_semaphore, #tpu.memory_space<semaphore_mem>>) src(%dma_wait3A_290 : memref<80xi32, #tpu.memory_space<hbm>>) dst(%arg14 : memref<80xi32, #tpu.memory_space<vmem>>)
      %dma_wait3A_291 = arith.constant 0 : i32
      %dma_wait3A_292 = arith.constant 0 : i32
      %dma_wait3A_293 = tpu.memref_slice %arg2[%dma_wait3A_291, %dma_wait3A_292] : memref<10240x128xf32, #tpu.memory_space<hbm>> -> memref<80x128xf32, #tpu.memory_space<hbm>>
      %dma_wait3A_294 = arith.constant 0 : i32
      %dma_wait3A_295 = arith.constant 0 : i32
      %dma_wait3A_296 = tpu.memref_slice %arg2[%dma_wait3A_294, %dma_wait3A_295] : memref<10240x128xf32, #tpu.memory_space<hbm>> -> memref<80x128xf32, #tpu.memory_space<hbm>>
      tpu.wait_dma2 semaphore(%arg26 : memref<!tpu.dma_semaphore, #tpu.memory_space<semaphore_mem>>) src(%dma_wait3A_296 : memref<80x128xf32, #tpu.memory_space<hbm>>) dst(%arg15 : memref<80x128xf32, #tpu.memory_space<vmem>>)
      %dma_start3A_297 = arith.constant 0 : i32
      %dma_start3A_298 = arith.constant 0 : i32
      %dma_start3A_299 = tpu.memref_slice %arg2[%dma_start3A_297, %dma_start3A_298] : memref<10240x128xf32, #tpu.memory_space<hbm>> -> memref<10240x128xf32, #tpu.memory_space<hbm>>
      tpu.enqueue_indirect_dma source(%dma_start3A_299 : memref<10240x128xf32, #tpu.memory_space<hbm>>) target(%arg15 : memref<80x128xf32, #tpu.memory_space<vmem>>) offsets(%arg10 : memref<80xi32, #tpu.memory_space<vmem>>) semaphore(%arg23 : memref<!tpu.dma_semaphore, #tpu.memory_space<semaphore_mem>>)
      %add3A_300 = arith.constant 2 : i32
      %add3A_301 = arith.addi %add3A_276, %add3A_300 : i32
      %mul3A_302 = arith.constant 80 : i32
      %mul3A_303 = arith.muli %add3A_301, %mul3A_302 : i32
      %add3A_304 = arith.addi %mul3A_2, %mul3A_303 : i32
      %dma_start3A_305 = tpu.memref_slice %arg3[%add3A_304] : memref<320000xi32, #tpu.memory_space<hbm>> -> memref<80xi32, #tpu.memory_space<hbm>>
      %dma_start3A_306 = tpu.memref_slice %arg3[%add3A_304] : memref<320000xi32, #tpu.memory_space<hbm>> -> memref<80xi32, #tpu.memory_space<hbm>>
      tpu.enqueue_dma source(%dma_start3A_306 : memref<80xi32, #tpu.memory_space<hbm>>) target(%arg7 : memref<80xi32, #tpu.memory_space<vmem>>) target_semaphore(%arg19 : memref<!tpu.dma_semaphore, #tpu.memory_space<semaphore_mem>>)
      %mul3A_307 = arith.constant 80 : i32
      %mul3A_308 = arith.muli %add3A_301, %mul3A_307 : i32
      %add3A_309 = arith.addi %mul3A_2, %mul3A_308 : i32
      %dma_start3A_310 = tpu.memref_slice %arg4[%add3A_309] : memref<320000xi32, #tpu.memory_space<hbm>> -> memref<80xi32, #tpu.memory_space<hbm>>
      %dma_start3A_311 = tpu.memref_slice %arg4[%add3A_309] : memref<320000xi32, #tpu.memory_space<hbm>> -> memref<80xi32, #tpu.memory_space<hbm>>
      tpu.enqueue_dma source(%dma_start3A_311 : memref<80xi32, #tpu.memory_space<hbm>>) target(%arg11 : memref<80xi32, #tpu.memory_space<vmem>>) target_semaphore(%arg19 : memref<!tpu.dma_semaphore, #tpu.memory_space<semaphore_mem>>)
      %dma_start3A_312 = arith.constant 0 : i32
      %dma_start3A_313 = arith.constant 0 : i32
      %dma_start3A_314 = tpu.memref_slice %arg18[%dma_start3A_312, %dma_start3A_313] : memref<10240x128xf32, #tpu.memory_space<vmem_shared>> -> memref<10240x128xf32, #tpu.memory_space<vmem_shared>>
      tpu.enqueue_indirect_dma source(%arg17 : memref<80x128xf32, #tpu.memory_space<vmem>>) target(%dma_start3A_314 : memref<10240x128xf32, #tpu.memory_space<vmem_shared>>) offsets(%arg13 : memref<80xi32, #tpu.memory_space<vmem>>) semaphore(%arg28 : memref<!tpu.dma_semaphore, #tpu.memory_space<semaphore_mem>>) {add = true}
      %mul3A_315 = arith.constant 12 : i32
      %mul3A_316 = arith.muli %mul3A_315, %scan3A_188 : i32
      %add3A_317 = arith.constant 3 : i32
      %add3A_318 = arith.addi %mul3A_316, %add3A_317 : i32
      %dma_wait3A_319 = arith.constant 0 : i32
      %dma_wait3A_320 = arith.constant 0 : i32
      %dma_wait3A_321 = tpu.memref_slice %arg2[%dma_wait3A_319, %dma_wait3A_320] : memref<10240x128xf32, #tpu.memory_space<hbm>> -> memref<80x128xf32, #tpu.memory_space<hbm>>
      %dma_wait3A_322 = arith.constant 0 : i32
      %dma_wait3A_323 = arith.constant 0 : i32
      %dma_wait3A_324 = tpu.memref_slice %arg2[%dma_wait3A_322, %dma_wait3A_323] : memref<10240x128xf32, #tpu.memory_space<hbm>> -> memref<80x128xf32, #tpu.memory_space<hbm>>
      tpu.wait_dma2 semaphore(%arg23 : memref<!tpu.dma_semaphore, #tpu.memory_space<semaphore_mem>>) src(%dma_wait3A_324 : memref<80x128xf32, #tpu.memory_space<hbm>>) dst(%arg15 : memref<80x128xf32, #tpu.memory_space<vmem>>)
      %dma_wait3A_325 = arith.constant 0 : i32
      %dma_wait3A_326 = tpu.memref_slice %arg3[%dma_wait3A_325] : memref<320000xi32, #tpu.memory_space<hbm>> -> memref<80xi32, #tpu.memory_space<hbm>>
      %dma_wait3A_327 = arith.constant 0 : i32
      %dma_wait3A_328 = tpu.memref_slice %arg3[%dma_wait3A_327] : memref<320000xi32, #tpu.memory_space<hbm>> -> memref<80xi32, #tpu.memory_space<hbm>>
      tpu.wait_dma2 semaphore(%arg19 : memref<!tpu.dma_semaphore, #tpu.memory_space<semaphore_mem>>) src(%dma_wait3A_328 : memref<80xi32, #tpu.memory_space<hbm>>) dst(%arg7 : memref<80xi32, #tpu.memory_space<vmem>>)
      %dma_wait3A_329 = arith.constant 0 : i32
      %dma_wait3A_330 = tpu.memref_slice %arg3[%dma_wait3A_329] : memref<320000xi32, #tpu.memory_space<hbm>> -> memref<80xi32, #tpu.memory_space<hbm>>
      %dma_wait3A_331 = arith.constant 0 : i32
      %dma_wait3A_332 = tpu.memref_slice %arg3[%dma_wait3A_331] : memref<320000xi32, #tpu.memory_space<hbm>> -> memref<80xi32, #tpu.memory_space<hbm>>
      tpu.wait_dma2 semaphore(%arg19 : memref<!tpu.dma_semaphore, #tpu.memory_space<semaphore_mem>>) src(%dma_wait3A_332 : memref<80xi32, #tpu.memory_space<hbm>>) dst(%arg11 : memref<80xi32, #tpu.memory_space<vmem>>)
      %dma_wait3A_333 = arith.constant 0 : i32
      %dma_wait3A_334 = arith.constant 0 : i32
      %dma_wait3A_335 = tpu.memref_slice %arg2[%dma_wait3A_333, %dma_wait3A_334] : memref<10240x128xf32, #tpu.memory_space<hbm>> -> memref<80x128xf32, #tpu.memory_space<hbm>>
      %dma_wait3A_336 = arith.constant 0 : i32
      %dma_wait3A_337 = arith.constant 0 : i32
      %dma_wait3A_338 = tpu.memref_slice %arg2[%dma_wait3A_336, %dma_wait3A_337] : memref<10240x128xf32, #tpu.memory_space<hbm>> -> memref<80x128xf32, #tpu.memory_space<hbm>>
      tpu.wait_dma2 semaphore(%arg27 : memref<!tpu.dma_semaphore, #tpu.memory_space<semaphore_mem>>) src(%dma_wait3A_338 : memref<80x128xf32, #tpu.memory_space<hbm>>) dst(%arg16 : memref<80x128xf32, #tpu.memory_space<vmem>>)
      %dma_start3A_339 = arith.constant 0 : i32
      %dma_start3A_340 = arith.constant 0 : i32
      %dma_start3A_341 = tpu.memref_slice %arg2[%dma_start3A_339, %dma_start3A_340] : memref<10240x128xf32, #tpu.memory_space<hbm>> -> memref<10240x128xf32, #tpu.memory_space<hbm>>
      tpu.enqueue_indirect_dma source(%dma_start3A_341 : memref<10240x128xf32, #tpu.memory_space<hbm>>) target(%arg16 : memref<80x128xf32, #tpu.memory_space<vmem>>) offsets(%arg7 : memref<80xi32, #tpu.memory_space<vmem>>) semaphore(%arg24 : memref<!tpu.dma_semaphore, #tpu.memory_space<semaphore_mem>>)
      %add3A_342 = arith.constant 2 : i32
      %add3A_343 = arith.addi %add3A_318, %add3A_342 : i32
      %mul3A_344 = arith.constant 80 : i32
      %mul3A_345 = arith.muli %add3A_343, %mul3A_344 : i32
      %add3A_346 = arith.addi %mul3A_2, %mul3A_345 : i32
      %dma_start3A_347 = tpu.memref_slice %arg3[%add3A_346] : memref<320000xi32, #tpu.memory_space<hbm>> -> memref<80xi32, #tpu.memory_space<hbm>>
      %dma_start3A_348 = tpu.memref_slice %arg3[%add3A_346] : memref<320000xi32, #tpu.memory_space<hbm>> -> memref<80xi32, #tpu.memory_space<hbm>>
      tpu.enqueue_dma source(%dma_start3A_348 : memref<80xi32, #tpu.memory_space<hbm>>) target(%arg8 : memref<80xi32, #tpu.memory_space<vmem>>) target_semaphore(%arg20 : memref<!tpu.dma_semaphore, #tpu.memory_space<semaphore_mem>>)
      %mul3A_349 = arith.constant 80 : i32
      %mul3A_350 = arith.muli %add3A_343, %mul3A_349 : i32
      %add3A_351 = arith.addi %mul3A_2, %mul3A_350 : i32
      %dma_start3A_352 = tpu.memref_slice %arg4[%add3A_351] : memref<320000xi32, #tpu.memory_space<hbm>> -> memref<80xi32, #tpu.memory_space<hbm>>
      %dma_start3A_353 = tpu.memref_slice %arg4[%add3A_351] : memref<320000xi32, #tpu.memory_space<hbm>> -> memref<80xi32, #tpu.memory_space<hbm>>
      tpu.enqueue_dma source(%dma_start3A_353 : memref<80xi32, #tpu.memory_space<hbm>>) target(%arg12 : memref<80xi32, #tpu.memory_space<vmem>>) target_semaphore(%arg20 : memref<!tpu.dma_semaphore, #tpu.memory_space<semaphore_mem>>)
      %dma_start3A_354 = arith.constant 0 : i32
      %dma_start3A_355 = arith.constant 0 : i32
      %dma_start3A_356 = tpu.memref_slice %arg18[%dma_start3A_354, %dma_start3A_355] : memref<10240x128xf32, #tpu.memory_space<vmem_shared>> -> memref<10240x128xf32, #tpu.memory_space<vmem_shared>>
      tpu.enqueue_indirect_dma source(%arg15 : memref<80x128xf32, #tpu.memory_space<vmem>>) target(%dma_start3A_356 : memref<10240x128xf32, #tpu.memory_space<vmem_shared>>) offsets(%arg14 : memref<80xi32, #tpu.memory_space<vmem>>) semaphore(%arg26 : memref<!tpu.dma_semaphore, #tpu.memory_space<semaphore_mem>>) {add = true}
      %mul3A_357 = arith.constant 12 : i32
      %mul3A_358 = arith.muli %mul3A_357, %scan3A_188 : i32
      %add3A_359 = arith.constant 4 : i32
      %add3A_360 = arith.addi %mul3A_358, %add3A_359 : i32
      %dma_wait3A_361 = arith.constant 0 : i32
      %dma_wait3A_362 = arith.constant 0 : i32
      %dma_wait3A_363 = tpu.memref_slice %arg2[%dma_wait3A_361, %dma_wait3A_362] : memref<10240x128xf32, #tpu.memory_space<hbm>> -> memref<80x128xf32, #tpu.memory_space<hbm>>
      %dma_wait3A_364 = arith.constant 0 : i32
      %dma_wait3A_365 = arith.constant 0 : i32
      %dma_wait3A_366 = tpu.memref_slice %arg2[%dma_wait3A_364, %dma_wait3A_365] : memref<10240x128xf32, #tpu.memory_space<hbm>> -> memref<80x128xf32, #tpu.memory_space<hbm>>
      tpu.wait_dma2 semaphore(%arg24 : memref<!tpu.dma_semaphore, #tpu.memory_space<semaphore_mem>>) src(%dma_wait3A_366 : memref<80x128xf32, #tpu.memory_space<hbm>>) dst(%arg16 : memref<80x128xf32, #tpu.memory_space<vmem>>)
      %dma_wait3A_367 = arith.constant 0 : i32
      %dma_wait3A_368 = tpu.memref_slice %arg3[%dma_wait3A_367] : memref<320000xi32, #tpu.memory_space<hbm>> -> memref<80xi32, #tpu.memory_space<hbm>>
      %dma_wait3A_369 = arith.constant 0 : i32
      %dma_wait3A_370 = tpu.memref_slice %arg3[%dma_wait3A_369] : memref<320000xi32, #tpu.memory_space<hbm>> -> memref<80xi32, #tpu.memory_space<hbm>>
      tpu.wait_dma2 semaphore(%arg20 : memref<!tpu.dma_semaphore, #tpu.memory_space<semaphore_mem>>) src(%dma_wait3A_370 : memref<80xi32, #tpu.memory_space<hbm>>) dst(%arg8 : memref<80xi32, #tpu.memory_space<vmem>>)
      %dma_wait3A_371 = arith.constant 0 : i32
      %dma_wait3A_372 = tpu.memref_slice %arg3[%dma_wait3A_371] : memref<320000xi32, #tpu.memory_space<hbm>> -> memref<80xi32, #tpu.memory_space<hbm>>
      %dma_wait3A_373 = arith.constant 0 : i32
      %dma_wait3A_374 = tpu.memref_slice %arg3[%dma_wait3A_373] : memref<320000xi32, #tpu.memory_space<hbm>> -> memref<80xi32, #tpu.memory_space<hbm>>
      tpu.wait_dma2 semaphore(%arg20 : memref<!tpu.dma_semaphore, #tpu.memory_space<semaphore_mem>>) src(%dma_wait3A_374 : memref<80xi32, #tpu.memory_space<hbm>>) dst(%arg12 : memref<80xi32, #tpu.memory_space<vmem>>)
      %dma_wait3A_375 = arith.constant 0 : i32
      %dma_wait3A_376 = arith.constant 0 : i32
      %dma_wait3A_377 = tpu.memref_slice %arg2[%dma_wait3A_375, %dma_wait3A_376] : memref<10240x128xf32, #tpu.memory_space<hbm>> -> memref<80x128xf32, #tpu.memory_space<hbm>>
      %dma_wait3A_378 = arith.constant 0 : i32
      %dma_wait3A_379 = arith.constant 0 : i32
      %dma_wait3A_380 = tpu.memref_slice %arg2[%dma_wait3A_378, %dma_wait3A_379] : memref<10240x128xf32, #tpu.memory_space<hbm>> -> memref<80x128xf32, #tpu.memory_space<hbm>>
      tpu.wait_dma2 semaphore(%arg28 : memref<!tpu.dma_semaphore, #tpu.memory_space<semaphore_mem>>) src(%dma_wait3A_380 : memref<80x128xf32, #tpu.memory_space<hbm>>) dst(%arg17 : memref<80x128xf32, #tpu.memory_space<vmem>>)
      %dma_start3A_381 = arith.constant 0 : i32
      %dma_start3A_382 = arith.constant 0 : i32
      %dma_start3A_383 = tpu.memref_slice %arg2[%dma_start3A_381, %dma_start3A_382] : memref<10240x128xf32, #tpu.memory_space<hbm>> -> memref<10240x128xf32, #tpu.memory_space<hbm>>
      tpu.enqueue_indirect_dma source(%dma_start3A_383 : memref<10240x128xf32, #tpu.memory_space<hbm>>) target(%arg17 : memref<80x128xf32, #tpu.memory_space<vmem>>) offsets(%arg8 : memref<80xi32, #tpu.memory_space<vmem>>) semaphore(%arg25 : memref<!tpu.dma_semaphore, #tpu.memory_space<semaphore_mem>>)
      %add3A_384 = arith.constant 2 : i32
      %add3A_385 = arith.addi %add3A_360, %add3A_384 : i32
      %mul3A_386 = arith.constant 80 : i32
      %mul3A_387 = arith.muli %add3A_385, %mul3A_386 : i32
      %add3A_388 = arith.addi %mul3A_2, %mul3A_387 : i32
      %dma_start3A_389 = tpu.memref_slice %arg3[%add3A_388] : memref<320000xi32, #tpu.memory_space<hbm>> -> memref<80xi32, #tpu.memory_space<hbm>>
      %dma_start3A_390 = tpu.memref_slice %arg3[%add3A_388] : memref<320000xi32, #tpu.memory_space<hbm>> -> memref<80xi32, #tpu.memory_space<hbm>>
      tpu.enqueue_dma source(%dma_start3A_390 : memref<80xi32, #tpu.memory_space<hbm>>) target(%arg9 : memref<80xi32, #tpu.memory_space<vmem>>) target_semaphore(%arg21 : memref<!tpu.dma_semaphore, #tpu.memory_space<semaphore_mem>>)
      %mul3A_391 = arith.constant 80 : i32
      %mul3A_392 = arith.muli %add3A_385, %mul3A_391 : i32
      %add3A_393 = arith.addi %mul3A_2, %mul3A_392 : i32
      %dma_start3A_394 = tpu.memref_slice %arg4[%add3A_393] : memref<320000xi32, #tpu.memory_space<hbm>> -> memref<80xi32, #tpu.memory_space<hbm>>
      %dma_start3A_395 = tpu.memref_slice %arg4[%add3A_393] : memref<320000xi32, #tpu.memory_space<hbm>> -> memref<80xi32, #tpu.memory_space<hbm>>
      tpu.enqueue_dma source(%dma_start3A_395 : memref<80xi32, #tpu.memory_space<hbm>>) target(%arg13 : memref<80xi32, #tpu.memory_space<vmem>>) target_semaphore(%arg21 : memref<!tpu.dma_semaphore, #tpu.memory_space<semaphore_mem>>)
      %dma_start3A_396 = arith.constant 0 : i32
      %dma_start3A_397 = arith.constant 0 : i32
      %dma_start3A_398 = tpu.memref_slice %arg18[%dma_start3A_396, %dma_start3A_397] : memref<10240x128xf32, #tpu.memory_space<vmem_shared>> -> memref<10240x128xf32, #tpu.memory_space<vmem_shared>>
      tpu.enqueue_indirect_dma source(%arg16 : memref<80x128xf32, #tpu.memory_space<vmem>>) target(%dma_start3A_398 : memref<10240x128xf32, #tpu.memory_space<vmem_shared>>) offsets(%arg11 : memref<80xi32, #tpu.memory_space<vmem>>) semaphore(%arg27 : memref<!tpu.dma_semaphore, #tpu.memory_space<semaphore_mem>>) {add = true}
      %mul3A_399 = arith.constant 12 : i32
      %mul3A_400 = arith.muli %mul3A_399, %scan3A_188 : i32
      %add3A_401 = arith.constant 5 : i32
      %add3A_402 = arith.addi %mul3A_400, %add3A_401 : i32
      %dma_wait3A_403 = arith.constant 0 : i32
      %dma_wait3A_404 = arith.constant 0 : i32
      %dma_wait3A_405 = tpu.memref_slice %arg2[%dma_wait3A_403, %dma_wait3A_404] : memref<10240x128xf32, #tpu.memory_space<hbm>> -> memref<80x128xf32, #tpu.memory_space<hbm>>
      %dma_wait3A_406 = arith.constant 0 : i32
      %dma_wait3A_407 = arith.constant 0 : i32
      %dma_wait3A_408 = tpu.memref_slice %arg2[%dma_wait3A_406, %dma_wait3A_407] : memref<10240x128xf32, #tpu.memory_space<hbm>> -> memref<80x128xf32, #tpu.memory_space<hbm>>
      tpu.wait_dma2 semaphore(%arg25 : memref<!tpu.dma_semaphore, #tpu.memory_space<semaphore_mem>>) src(%dma_wait3A_408 : memref<80x128xf32, #tpu.memory_space<hbm>>) dst(%arg17 : memref<80x128xf32, #tpu.memory_space<vmem>>)
      %dma_wait3A_409 = arith.constant 0 : i32
      %dma_wait3A_410 = tpu.memref_slice %arg3[%dma_wait3A_409] : memref<320000xi32, #tpu.memory_space<hbm>> -> memref<80xi32, #tpu.memory_space<hbm>>
      %dma_wait3A_411 = arith.constant 0 : i32
      %dma_wait3A_412 = tpu.memref_slice %arg3[%dma_wait3A_411] : memref<320000xi32, #tpu.memory_space<hbm>> -> memref<80xi32, #tpu.memory_space<hbm>>
      tpu.wait_dma2 semaphore(%arg21 : memref<!tpu.dma_semaphore, #tpu.memory_space<semaphore_mem>>) src(%dma_wait3A_412 : memref<80xi32, #tpu.memory_space<hbm>>) dst(%arg9 : memref<80xi32, #tpu.memory_space<vmem>>)
      %dma_wait3A_413 = arith.constant 0 : i32
      %dma_wait3A_414 = tpu.memref_slice %arg3[%dma_wait3A_413] : memref<320000xi32, #tpu.memory_space<hbm>> -> memref<80xi32, #tpu.memory_space<hbm>>
      %dma_wait3A_415 = arith.constant 0 : i32
      %dma_wait3A_416 = tpu.memref_slice %arg3[%dma_wait3A_415] : memref<320000xi32, #tpu.memory_space<hbm>> -> memref<80xi32, #tpu.memory_space<hbm>>
      tpu.wait_dma2 semaphore(%arg21 : memref<!tpu.dma_semaphore, #tpu.memory_space<semaphore_mem>>) src(%dma_wait3A_416 : memref<80xi32, #tpu.memory_space<hbm>>) dst(%arg13 : memref<80xi32, #tpu.memory_space<vmem>>)
      %dma_wait3A_417 = arith.constant 0 : i32
      %dma_wait3A_418 = arith.constant 0 : i32
      %dma_wait3A_419 = tpu.memref_slice %arg2[%dma_wait3A_417, %dma_wait3A_418] : memref<10240x128xf32, #tpu.memory_space<hbm>> -> memref<80x128xf32, #tpu.memory_space<hbm>>
      %dma_wait3A_420 = arith.constant 0 : i32
      %dma_wait3A_421 = arith.constant 0 : i32
      %dma_wait3A_422 = tpu.memref_slice %arg2[%dma_wait3A_420, %dma_wait3A_421] : memref<10240x128xf32, #tpu.memory_space<hbm>> -> memref<80x128xf32, #tpu.memory_space<hbm>>
      tpu.wait_dma2 semaphore(%arg26 : memref<!tpu.dma_semaphore, #tpu.memory_space<semaphore_mem>>) src(%dma_wait3A_422 : memref<80x128xf32, #tpu.memory_space<hbm>>) dst(%arg15 : memref<80x128xf32, #tpu.memory_space<vmem>>)
      %dma_start3A_423 = arith.constant 0 : i32
      %dma_start3A_424 = arith.constant 0 : i32
      %dma_start3A_425 = tpu.memref_slice %arg2[%dma_start3A_423, %dma_start3A_424] : memref<10240x128xf32, #tpu.memory_space<hbm>> -> memref<10240x128xf32, #tpu.memory_space<hbm>>
      tpu.enqueue_indirect_dma source(%dma_start3A_425 : memref<10240x128xf32, #tpu.memory_space<hbm>>) target(%arg15 : memref<80x128xf32, #tpu.memory_space<vmem>>) offsets(%arg9 : memref<80xi32, #tpu.memory_space<vmem>>) semaphore(%arg23 : memref<!tpu.dma_semaphore, #tpu.memory_space<semaphore_mem>>)
      %add3A_426 = arith.constant 2 : i32
      %add3A_427 = arith.addi %add3A_402, %add3A_426 : i32
      %mul3A_428 = arith.constant 80 : i32
      %mul3A_429 = arith.muli %add3A_427, %mul3A_428 : i32
      %add3A_430 = arith.addi %mul3A_2, %mul3A_429 : i32
      %dma_start3A_431 = tpu.memref_slice %arg3[%add3A_430] : memref<320000xi32, #tpu.memory_space<hbm>> -> memref<80xi32, #tpu.memory_space<hbm>>
      %dma_start3A_432 = tpu.memref_slice %arg3[%add3A_430] : memref<320000xi32, #tpu.memory_space<hbm>> -> memref<80xi32, #tpu.memory_space<hbm>>
      tpu.enqueue_dma source(%dma_start3A_432 : memref<80xi32, #tpu.memory_space<hbm>>) target(%arg10 : memref<80xi32, #tpu.memory_space<vmem>>) target_semaphore(%arg22 : memref<!tpu.dma_semaphore, #tpu.memory_space<semaphore_mem>>)
      %mul3A_433 = arith.constant 80 : i32
      %mul3A_434 = arith.muli %add3A_427, %mul3A_433 : i32
      %add3A_435 = arith.addi %mul3A_2, %mul3A_434 : i32
      %dma_start3A_436 = tpu.memref_slice %arg4[%add3A_435] : memref<320000xi32, #tpu.memory_space<hbm>> -> memref<80xi32, #tpu.memory_space<hbm>>
      %dma_start3A_437 = tpu.memref_slice %arg4[%add3A_435] : memref<320000xi32, #tpu.memory_space<hbm>> -> memref<80xi32, #tpu.memory_space<hbm>>
      tpu.enqueue_dma source(%dma_start3A_437 : memref<80xi32, #tpu.memory_space<hbm>>) target(%arg14 : memref<80xi32, #tpu.memory_space<vmem>>) target_semaphore(%arg22 : memref<!tpu.dma_semaphore, #tpu.memory_space<semaphore_mem>>)
      %dma_start3A_438 = arith.constant 0 : i32
      %dma_start3A_439 = arith.constant 0 : i32
      %dma_start3A_440 = tpu.memref_slice %arg18[%dma_start3A_438, %dma_start3A_439] : memref<10240x128xf32, #tpu.memory_space<vmem_shared>> -> memref<10240x128xf32, #tpu.memory_space<vmem_shared>>
      tpu.enqueue_indirect_dma source(%arg17 : memref<80x128xf32, #tpu.memory_space<vmem>>) target(%dma_start3A_440 : memref<10240x128xf32, #tpu.memory_space<vmem_shared>>) offsets(%arg12 : memref<80xi32, #tpu.memory_space<vmem>>) semaphore(%arg28 : memref<!tpu.dma_semaphore, #tpu.memory_space<semaphore_mem>>) {add = true}
      %mul3A_441 = arith.constant 12 : i32
      %mul3A_442 = arith.muli %mul3A_441, %scan3A_188 : i32
      %add3A_443 = arith.constant 6 : i32
      %add3A_444 = arith.addi %mul3A_442, %add3A_443 : i32
      %dma_wait3A_445 = arith.constant 0 : i32
      %dma_wait3A_446 = arith.constant 0 : i32
      %dma_wait3A_447 = tpu.memref_slice %arg2[%dma_wait3A_445, %dma_wait3A_446] : memref<10240x128xf32, #tpu.memory_space<hbm>> -> memref<80x128xf32, #tpu.memory_space<hbm>>
      %dma_wait3A_448 = arith.constant 0 : i32
      %dma_wait3A_449 = arith.constant 0 : i32
      %dma_wait3A_450 = tpu.memref_slice %arg2[%dma_wait3A_448, %dma_wait3A_449] : memref<10240x128xf32, #tpu.memory_space<hbm>> -> memref<80x128xf32, #tpu.memory_space<hbm>>
      tpu.wait_dma2 semaphore(%arg23 : memref<!tpu.dma_semaphore, #tpu.memory_space<semaphore_mem>>) src(%dma_wait3A_450 : memref<80x128xf32, #tpu.memory_space<hbm>>) dst(%arg15 : memref<80x128xf32, #tpu.memory_space<vmem>>)
      %dma_wait3A_451 = arith.constant 0 : i32
      %dma_wait3A_452 = tpu.memref_slice %arg3[%dma_wait3A_451] : memref<320000xi32, #tpu.memory_space<hbm>> -> memref<80xi32, #tpu.memory_space<hbm>>
      %dma_wait3A_453 = arith.constant 0 : i32
      %dma_wait3A_454 = tpu.memref_slice %arg3[%dma_wait3A_453] : memref<320000xi32, #tpu.memory_space<hbm>> -> memref<80xi32, #tpu.memory_space<hbm>>
      tpu.wait_dma2 semaphore(%arg22 : memref<!tpu.dma_semaphore, #tpu.memory_space<semaphore_mem>>) src(%dma_wait3A_454 : memref<80xi32, #tpu.memory_space<hbm>>) dst(%arg10 : memref<80xi32, #tpu.memory_space<vmem>>)
      %dma_wait3A_455 = arith.constant 0 : i32
      %dma_wait3A_456 = tpu.memref_slice %arg3[%dma_wait3A_455] : memref<320000xi32, #tpu.memory_space<hbm>> -> memref<80xi32, #tpu.memory_space<hbm>>
      %dma_wait3A_457 = arith.constant 0 : i32
      %dma_wait3A_458 = tpu.memref_slice %arg3[%dma_wait3A_457] : memref<320000xi32, #tpu.memory_space<hbm>> -> memref<80xi32, #tpu.memory_space<hbm>>
      tpu.wait_dma2 semaphore(%arg22 : memref<!tpu.dma_semaphore, #tpu.memory_space<semaphore_mem>>) src(%dma_wait3A_458 : memref<80xi32, #tpu.memory_space<hbm>>) dst(%arg14 : memref<80xi32, #tpu.memory_space<vmem>>)
      %dma_wait3A_459 = arith.constant 0 : i32
      %dma_wait3A_460 = arith.constant 0 : i32
      %dma_wait3A_461 = tpu.memref_slice %arg2[%dma_wait3A_459, %dma_wait3A_460] : memref<10240x128xf32, #tpu.memory_space<hbm>> -> memref<80x128xf32, #tpu.memory_space<hbm>>
      %dma_wait3A_462 = arith.constant 0 : i32
      %dma_wait3A_463 = arith.constant 0 : i32
      %dma_wait3A_464 = tpu.memref_slice %arg2[%dma_wait3A_462, %dma_wait3A_463] : memref<10240x128xf32, #tpu.memory_space<hbm>> -> memref<80x128xf32, #tpu.memory_space<hbm>>
      tpu.wait_dma2 semaphore(%arg27 : memref<!tpu.dma_semaphore, #tpu.memory_space<semaphore_mem>>) src(%dma_wait3A_464 : memref<80x128xf32, #tpu.memory_space<hbm>>) dst(%arg16 : memref<80x128xf32, #tpu.memory_space<vmem>>)
      %dma_start3A_465 = arith.constant 0 : i32
      %dma_start3A_466 = arith.constant 0 : i32
      %dma_start3A_467 = tpu.memref_slice %arg2[%dma_start3A_465, %dma_start3A_466] : memref<10240x128xf32, #tpu.memory_space<hbm>> -> memref<10240x128xf32, #tpu.memory_space<hbm>>
      tpu.enqueue_indirect_dma source(%dma_start3A_467 : memref<10240x128xf32, #tpu.memory_space<hbm>>) target(%arg16 : memref<80x128xf32, #tpu.memory_space<vmem>>) offsets(%arg10 : memref<80xi32, #tpu.memory_space<vmem>>) semaphore(%arg24 : memref<!tpu.dma_semaphore, #tpu.memory_space<semaphore_mem>>)
      %add3A_468 = arith.constant 2 : i32
      %add3A_469 = arith.addi %add3A_444, %add3A_468 : i32
      %mul3A_470 = arith.constant 80 : i32
      %mul3A_471 = arith.muli %add3A_469, %mul3A_470 : i32
      %add3A_472 = arith.addi %mul3A_2, %mul3A_471 : i32
      %dma_start3A_473 = tpu.memref_slice %arg3[%add3A_472] : memref<320000xi32, #tpu.memory_space<hbm>> -> memref<80xi32, #tpu.memory_space<hbm>>
      %dma_start3A_474 = tpu.memref_slice %arg3[%add3A_472] : memref<320000xi32, #tpu.memory_space<hbm>> -> memref<80xi32, #tpu.memory_space<hbm>>
      tpu.enqueue_dma source(%dma_start3A_474 : memref<80xi32, #tpu.memory_space<hbm>>) target(%arg7 : memref<80xi32, #tpu.memory_space<vmem>>) target_semaphore(%arg19 : memref<!tpu.dma_semaphore, #tpu.memory_space<semaphore_mem>>)
      %mul3A_475 = arith.constant 80 : i32
      %mul3A_476 = arith.muli %add3A_469, %mul3A_475 : i32
      %add3A_477 = arith.addi %mul3A_2, %mul3A_476 : i32
      %dma_start3A_478 = tpu.memref_slice %arg4[%add3A_477] : memref<320000xi32, #tpu.memory_space<hbm>> -> memref<80xi32, #tpu.memory_space<hbm>>
      %dma_start3A_479 = tpu.memref_slice %arg4[%add3A_477] : memref<320000xi32, #tpu.memory_space<hbm>> -> memref<80xi32, #tpu.memory_space<hbm>>
      tpu.enqueue_dma source(%dma_start3A_479 : memref<80xi32, #tpu.memory_space<hbm>>) target(%arg11 : memref<80xi32, #tpu.memory_space<vmem>>) target_semaphore(%arg19 : memref<!tpu.dma_semaphore, #tpu.memory_space<semaphore_mem>>)
      %dma_start3A_480 = arith.constant 0 : i32
      %dma_start3A_481 = arith.constant 0 : i32
      %dma_start3A_482 = tpu.memref_slice %arg18[%dma_start3A_480, %dma_start3A_481] : memref<10240x128xf32, #tpu.memory_space<vmem_shared>> -> memref<10240x128xf32, #tpu.memory_space<vmem_shared>>
      tpu.enqueue_indirect_dma source(%arg15 : memref<80x128xf32, #tpu.memory_space<vmem>>) target(%dma_start3A_482 : memref<10240x128xf32, #tpu.memory_space<vmem_shared>>) offsets(%arg13 : memref<80xi32, #tpu.memory_space<vmem>>) semaphore(%arg26 : memref<!tpu.dma_semaphore, #tpu.memory_space<semaphore_mem>>) {add = true}
      %mul3A_483 = arith.constant 12 : i32
      %mul3A_484 = arith.muli %mul3A_483, %scan3A_188 : i32
      %add3A_485 = arith.constant 7 : i32
      %add3A_486 = arith.addi %mul3A_484, %add3A_485 : i32
      %dma_wait3A_487 = arith.constant 0 : i32
      %dma_wait3A_488 = arith.constant 0 : i32
      %dma_wait3A_489 = tpu.memref_slice %arg2[%dma_wait3A_487, %dma_wait3A_488] : memref<10240x128xf32, #tpu.memory_space<hbm>> -> memref<80x128xf32, #tpu.memory_space<hbm>>
      %dma_wait3A_490 = arith.constant 0 : i32
      %dma_wait3A_491 = arith.constant 0 : i32
      %dma_wait3A_492 = tpu.memref_slice %arg2[%dma_wait3A_490, %dma_wait3A_491] : memref<10240x128xf32, #tpu.memory_space<hbm>> -> memref<80x128xf32, #tpu.memory_space<hbm>>
      tpu.wait_dma2 semaphore(%arg24 : memref<!tpu.dma_semaphore, #tpu.memory_space<semaphore_mem>>) src(%dma_wait3A_492 : memref<80x128xf32, #tpu.memory_space<hbm>>) dst(%arg16 : memref<80x128xf32, #tpu.memory_space<vmem>>)
      %dma_wait3A_493 = arith.constant 0 : i32
      %dma_wait3A_494 = tpu.memref_slice %arg3[%dma_wait3A_493] : memref<320000xi32, #tpu.memory_space<hbm>> -> memref<80xi32, #tpu.memory_space<hbm>>
      %dma_wait3A_495 = arith.constant 0 : i32
      %dma_wait3A_496 = tpu.memref_slice %arg3[%dma_wait3A_495] : memref<320000xi32, #tpu.memory_space<hbm>> -> memref<80xi32, #tpu.memory_space<hbm>>
      tpu.wait_dma2 semaphore(%arg19 : memref<!tpu.dma_semaphore, #tpu.memory_space<semaphore_mem>>) src(%dma_wait3A_496 : memref<80xi32, #tpu.memory_space<hbm>>) dst(%arg7 : memref<80xi32, #tpu.memory_space<vmem>>)
      %dma_wait3A_497 = arith.constant 0 : i32
      %dma_wait3A_498 = tpu.memref_slice %arg3[%dma_wait3A_497] : memref<320000xi32, #tpu.memory_space<hbm>> -> memref<80xi32, #tpu.memory_space<hbm>>
      %dma_wait3A_499 = arith.constant 0 : i32
      %dma_wait3A_500 = tpu.memref_slice %arg3[%dma_wait3A_499] : memref<320000xi32, #tpu.memory_space<hbm>> -> memref<80xi32, #tpu.memory_space<hbm>>
      tpu.wait_dma2 semaphore(%arg19 : memref<!tpu.dma_semaphore, #tpu.memory_space<semaphore_mem>>) src(%dma_wait3A_500 : memref<80xi32, #tpu.memory_space<hbm>>) dst(%arg11 : memref<80xi32, #tpu.memory_space<vmem>>)
      %dma_wait3A_501 = arith.constant 0 : i32
      %dma_wait3A_502 = arith.constant 0 : i32
      %dma_wait3A_503 = tpu.memref_slice %arg2[%dma_wait3A_501, %dma_wait3A_502] : memref<10240x128xf32, #tpu.memory_space<hbm>> -> memref<80x128xf32, #tpu.memory_space<hbm>>
      %dma_wait3A_504 = arith.constant 0 : i32
      %dma_wait3A_505 = arith.constant 0 : i32
      %dma_wait3A_506 = tpu.memref_slice %arg2[%dma_wait3A_504, %dma_wait3A_505] : memref<10240x128xf32, #tpu.memory_space<hbm>> -> memref<80x128xf32, #tpu.memory_space<hbm>>
      tpu.wait_dma2 semaphore(%arg28 : memref<!tpu.dma_semaphore, #tpu.memory_space<semaphore_mem>>) src(%dma_wait3A_506 : memref<80x128xf32, #tpu.memory_space<hbm>>) dst(%arg17 : memref<80x128xf32, #tpu.memory_space<vmem>>)
      %dma_start3A_507 = arith.constant 0 : i32
      %dma_start3A_508 = arith.constant 0 : i32
      %dma_start3A_509 = tpu.memref_slice %arg2[%dma_start3A_507, %dma_start3A_508] : memref<10240x128xf32, #tpu.memory_space<hbm>> -> memref<10240x128xf32, #tpu.memory_space<hbm>>
      tpu.enqueue_indirect_dma source(%dma_start3A_509 : memref<10240x128xf32, #tpu.memory_space<hbm>>) target(%arg17 : memref<80x128xf32, #tpu.memory_space<vmem>>) offsets(%arg7 : memref<80xi32, #tpu.memory_space<vmem>>) semaphore(%arg25 : memref<!tpu.dma_semaphore, #tpu.memory_space<semaphore_mem>>)
      %add3A_510 = arith.constant 2 : i32
      %add3A_511 = arith.addi %add3A_486, %add3A_510 : i32
      %mul3A_512 = arith.constant 80 : i32
      %mul3A_513 = arith.muli %add3A_511, %mul3A_512 : i32
      %add3A_514 = arith.addi %mul3A_2, %mul3A_513 : i32
      %dma_start3A_515 = tpu.memref_slice %arg3[%add3A_514] : memref<320000xi32, #tpu.memory_space<hbm>> -> memref<80xi32, #tpu.memory_space<hbm>>
      %dma_start3A_516 = tpu.memref_slice %arg3[%add3A_514] : memref<320000xi32, #tpu.memory_space<hbm>> -> memref<80xi32, #tpu.memory_space<hbm>>
      tpu.enqueue_dma source(%dma_start3A_516 : memref<80xi32, #tpu.memory_space<hbm>>) target(%arg8 : memref<80xi32, #tpu.memory_space<vmem>>) target_semaphore(%arg20 : memref<!tpu.dma_semaphore, #tpu.memory_space<semaphore_mem>>)
      %mul3A_517 = arith.constant 80 : i32
      %mul3A_518 = arith.muli %add3A_511, %mul3A_517 : i32
      %add3A_519 = arith.addi %mul3A_2, %mul3A_518 : i32
      %dma_start3A_520 = tpu.memref_slice %arg4[%add3A_519] : memref<320000xi32, #tpu.memory_space<hbm>> -> memref<80xi32, #tpu.memory_space<hbm>>
      %dma_start3A_521 = tpu.memref_slice %arg4[%add3A_519] : memref<320000xi32, #tpu.memory_space<hbm>> -> memref<80xi32, #tpu.memory_space<hbm>>
      tpu.enqueue_dma source(%dma_start3A_521 : memref<80xi32, #tpu.memory_space<hbm>>) target(%arg12 : memref<80xi32, #tpu.memory_space<vmem>>) target_semaphore(%arg20 : memref<!tpu.dma_semaphore, #tpu.memory_space<semaphore_mem>>)
      %dma_start3A_522 = arith.constant 0 : i32
      %dma_start3A_523 = arith.constant 0 : i32
      %dma_start3A_524 = tpu.memref_slice %arg18[%dma_start3A_522, %dma_start3A_523] : memref<10240x128xf32, #tpu.memory_space<vmem_shared>> -> memref<10240x128xf32, #tpu.memory_space<vmem_shared>>
      tpu.enqueue_indirect_dma source(%arg16 : memref<80x128xf32, #tpu.memory_space<vmem>>) target(%dma_start3A_524 : memref<10240x128xf32, #tpu.memory_space<vmem_shared>>) offsets(%arg14 : memref<80xi32, #tpu.memory_space<vmem>>) semaphore(%arg27 : memref<!tpu.dma_semaphore, #tpu.memory_space<semaphore_mem>>) {add = true}
      %mul3A_525 = arith.constant 12 : i32
      %mul3A_526 = arith.muli %mul3A_525, %scan3A_188 : i32
      %add3A_527 = arith.constant 8 : i32
      %add3A_528 = arith.addi %mul3A_526, %add3A_527 : i32
      %dma_wait3A_529 = arith.constant 0 : i32
      %dma_wait3A_530 = arith.constant 0 : i32
      %dma_wait3A_531 = tpu.memref_slice %arg2[%dma_wait3A_529, %dma_wait3A_530] : memref<10240x128xf32, #tpu.memory_space<hbm>> -> memref<80x128xf32, #tpu.memory_space<hbm>>
      %dma_wait3A_532 = arith.constant 0 : i32
      %dma_wait3A_533 = arith.constant 0 : i32
      %dma_wait3A_534 = tpu.memref_slice %arg2[%dma_wait3A_532, %dma_wait3A_533] : memref<10240x128xf32, #tpu.memory_space<hbm>> -> memref<80x128xf32, #tpu.memory_space<hbm>>
      tpu.wait_dma2 semaphore(%arg25 : memref<!tpu.dma_semaphore, #tpu.memory_space<semaphore_mem>>) src(%dma_wait3A_534 : memref<80x128xf32, #tpu.memory_space<hbm>>) dst(%arg17 : memref<80x128xf32, #tpu.memory_space<vmem>>)
      %dma_wait3A_535 = arith.constant 0 : i32
      %dma_wait3A_536 = tpu.memref_slice %arg3[%dma_wait3A_535] : memref<320000xi32, #tpu.memory_space<hbm>> -> memref<80xi32, #tpu.memory_space<hbm>>
      %dma_wait3A_537 = arith.constant 0 : i32
      %dma_wait3A_538 = tpu.memref_slice %arg3[%dma_wait3A_537] : memref<320000xi32, #tpu.memory_space<hbm>> -> memref<80xi32, #tpu.memory_space<hbm>>
      tpu.wait_dma2 semaphore(%arg20 : memref<!tpu.dma_semaphore, #tpu.memory_space<semaphore_mem>>) src(%dma_wait3A_538 : memref<80xi32, #tpu.memory_space<hbm>>) dst(%arg8 : memref<80xi32, #tpu.memory_space<vmem>>)
      %dma_wait3A_539 = arith.constant 0 : i32
      %dma_wait3A_540 = tpu.memref_slice %arg3[%dma_wait3A_539] : memref<320000xi32, #tpu.memory_space<hbm>> -> memref<80xi32, #tpu.memory_space<hbm>>
      %dma_wait3A_541 = arith.constant 0 : i32
      %dma_wait3A_542 = tpu.memref_slice %arg3[%dma_wait3A_541] : memref<320000xi32, #tpu.memory_space<hbm>> -> memref<80xi32, #tpu.memory_space<hbm>>
      tpu.wait_dma2 semaphore(%arg20 : memref<!tpu.dma_semaphore, #tpu.memory_space<semaphore_mem>>) src(%dma_wait3A_542 : memref<80xi32, #tpu.memory_space<hbm>>) dst(%arg12 : memref<80xi32, #tpu.memory_space<vmem>>)
      %dma_wait3A_543 = arith.constant 0 : i32
      %dma_wait3A_544 = arith.constant 0 : i32
      %dma_wait3A_545 = tpu.memref_slice %arg2[%dma_wait3A_543, %dma_wait3A_544] : memref<10240x128xf32, #tpu.memory_space<hbm>> -> memref<80x128xf32, #tpu.memory_space<hbm>>
      %dma_wait3A_546 = arith.constant 0 : i32
      %dma_wait3A_547 = arith.constant 0 : i32
      %dma_wait3A_548 = tpu.memref_slice %arg2[%dma_wait3A_546, %dma_wait3A_547] : memref<10240x128xf32, #tpu.memory_space<hbm>> -> memref<80x128xf32, #tpu.memory_space<hbm>>
      tpu.wait_dma2 semaphore(%arg26 : memref<!tpu.dma_semaphore, #tpu.memory_space<semaphore_mem>>) src(%dma_wait3A_548 : memref<80x128xf32, #tpu.memory_space<hbm>>) dst(%arg15 : memref<80x128xf32, #tpu.memory_space<vmem>>)
      %dma_start3A_549 = arith.constant 0 : i32
      %dma_start3A_550 = arith.constant 0 : i32
      %dma_start3A_551 = tpu.memref_slice %arg2[%dma_start3A_549, %dma_start3A_550] : memref<10240x128xf32, #tpu.memory_space<hbm>> -> memref<10240x128xf32, #tpu.memory_space<hbm>>
      tpu.enqueue_indirect_dma source(%dma_start3A_551 : memref<10240x128xf32, #tpu.memory_space<hbm>>) target(%arg15 : memref<80x128xf32, #tpu.memory_space<vmem>>) offsets(%arg8 : memref<80xi32, #tpu.memory_space<vmem>>) semaphore(%arg23 : memref<!tpu.dma_semaphore, #tpu.memory_space<semaphore_mem>>)
      %add3A_552 = arith.constant 2 : i32
      %add3A_553 = arith.addi %add3A_528, %add3A_552 : i32
      %mul3A_554 = arith.constant 80 : i32
      %mul3A_555 = arith.muli %add3A_553, %mul3A_554 : i32
      %add3A_556 = arith.addi %mul3A_2, %mul3A_555 : i32
      %dma_start3A_557 = tpu.memref_slice %arg3[%add3A_556] : memref<320000xi32, #tpu.memory_space<hbm>> -> memref<80xi32, #tpu.memory_space<hbm>>
      %dma_start3A_558 = tpu.memref_slice %arg3[%add3A_556] : memref<320000xi32, #tpu.memory_space<hbm>> -> memref<80xi32, #tpu.memory_space<hbm>>
      tpu.enqueue_dma source(%dma_start3A_558 : memref<80xi32, #tpu.memory_space<hbm>>) target(%arg9 : memref<80xi32, #tpu.memory_space<vmem>>) target_semaphore(%arg21 : memref<!tpu.dma_semaphore, #tpu.memory_space<semaphore_mem>>)
      %mul3A_559 = arith.constant 80 : i32
      %mul3A_560 = arith.muli %add3A_553, %mul3A_559 : i32
      %add3A_561 = arith.addi %mul3A_2, %mul3A_560 : i32
      %dma_start3A_562 = tpu.memref_slice %arg4[%add3A_561] : memref<320000xi32, #tpu.memory_space<hbm>> -> memref<80xi32, #tpu.memory_space<hbm>>
      %dma_start3A_563 = tpu.memref_slice %arg4[%add3A_561] : memref<320000xi32, #tpu.memory_space<hbm>> -> memref<80xi32, #tpu.memory_space<hbm>>
      tpu.enqueue_dma source(%dma_start3A_563 : memref<80xi32, #tpu.memory_space<hbm>>) target(%arg13 : memref<80xi32, #tpu.memory_space<vmem>>) target_semaphore(%arg21 : memref<!tpu.dma_semaphore, #tpu.memory_space<semaphore_mem>>)
      %dma_start3A_564 = arith.constant 0 : i32
      %dma_start3A_565 = arith.constant 0 : i32
      %dma_start3A_566 = tpu.memref_slice %arg18[%dma_start3A_564, %dma_start3A_565] : memref<10240x128xf32, #tpu.memory_space<vmem_shared>> -> memref<10240x128xf32, #tpu.memory_space<vmem_shared>>
      tpu.enqueue_indirect_dma source(%arg17 : memref<80x128xf32, #tpu.memory_space<vmem>>) target(%dma_start3A_566 : memref<10240x128xf32, #tpu.memory_space<vmem_shared>>) offsets(%arg11 : memref<80xi32, #tpu.memory_space<vmem>>) semaphore(%arg28 : memref<!tpu.dma_semaphore, #tpu.memory_space<semaphore_mem>>) {add = true}
      %mul3A_567 = arith.constant 12 : i32
      %mul3A_568 = arith.muli %mul3A_567, %scan3A_188 : i32
      %add3A_569 = arith.constant 9 : i32
      %add3A_570 = arith.addi %mul3A_568, %add3A_569 : i32
      %dma_wait3A_571 = arith.constant 0 : i32
      %dma_wait3A_572 = arith.constant 0 : i32
      %dma_wait3A_573 = tpu.memref_slice %arg2[%dma_wait3A_571, %dma_wait3A_572] : memref<10240x128xf32, #tpu.memory_space<hbm>> -> memref<80x128xf32, #tpu.memory_space<hbm>>
      %dma_wait3A_574 = arith.constant 0 : i32
      %dma_wait3A_575 = arith.constant 0 : i32
      %dma_wait3A_576 = tpu.memref_slice %arg2[%dma_wait3A_574, %dma_wait3A_575] : memref<10240x128xf32, #tpu.memory_space<hbm>> -> memref<80x128xf32, #tpu.memory_space<hbm>>
      tpu.wait_dma2 semaphore(%arg23 : memref<!tpu.dma_semaphore, #tpu.memory_space<semaphore_mem>>) src(%dma_wait3A_576 : memref<80x128xf32, #tpu.memory_space<hbm>>) dst(%arg15 : memref<80x128xf32, #tpu.memory_space<vmem>>)
      %dma_wait3A_577 = arith.constant 0 : i32
      %dma_wait3A_578 = tpu.memref_slice %arg3[%dma_wait3A_577] : memref<320000xi32, #tpu.memory_space<hbm>> -> memref<80xi32, #tpu.memory_space<hbm>>
      %dma_wait3A_579 = arith.constant 0 : i32
      %dma_wait3A_580 = tpu.memref_slice %arg3[%dma_wait3A_579] : memref<320000xi32, #tpu.memory_space<hbm>> -> memref<80xi32, #tpu.memory_space<hbm>>
      tpu.wait_dma2 semaphore(%arg21 : memref<!tpu.dma_semaphore, #tpu.memory_space<semaphore_mem>>) src(%dma_wait3A_580 : memref<80xi32, #tpu.memory_space<hbm>>) dst(%arg9 : memref<80xi32, #tpu.memory_space<vmem>>)
      %dma_wait3A_581 = arith.constant 0 : i32
      %dma_wait3A_582 = tpu.memref_slice %arg3[%dma_wait3A_581] : memref<320000xi32, #tpu.memory_space<hbm>> -> memref<80xi32, #tpu.memory_space<hbm>>
      %dma_wait3A_583 = arith.constant 0 : i32
      %dma_wait3A_584 = tpu.memref_slice %arg3[%dma_wait3A_583] : memref<320000xi32, #tpu.memory_space<hbm>> -> memref<80xi32, #tpu.memory_space<hbm>>
      tpu.wait_dma2 semaphore(%arg21 : memref<!tpu.dma_semaphore, #tpu.memory_space<semaphore_mem>>) src(%dma_wait3A_584 : memref<80xi32, #tpu.memory_space<hbm>>) dst(%arg13 : memref<80xi32, #tpu.memory_space<vmem>>)
      %dma_wait3A_585 = arith.constant 0 : i32
      %dma_wait3A_586 = arith.constant 0 : i32
      %dma_wait3A_587 = tpu.memref_slice %arg2[%dma_wait3A_585, %dma_wait3A_586] : memref<10240x128xf32, #tpu.memory_space<hbm>> -> memref<80x128xf32, #tpu.memory_space<hbm>>
      %dma_wait3A_588 = arith.constant 0 : i32
      %dma_wait3A_589 = arith.constant 0 : i32
      %dma_wait3A_590 = tpu.memref_slice %arg2[%dma_wait3A_588, %dma_wait3A_589] : memref<10240x128xf32, #tpu.memory_space<hbm>> -> memref<80x128xf32, #tpu.memory_space<hbm>>
      tpu.wait_dma2 semaphore(%arg27 : memref<!tpu.dma_semaphore, #tpu.memory_space<semaphore_mem>>) src(%dma_wait3A_590 : memref<80x128xf32, #tpu.memory_space<hbm>>) dst(%arg16 : memref<80x128xf32, #tpu.memory_space<vmem>>)
      %dma_start3A_591 = arith.constant 0 : i32
      %dma_start3A_592 = arith.constant 0 : i32
      %dma_start3A_593 = tpu.memref_slice %arg2[%dma_start3A_591, %dma_start3A_592] : memref<10240x128xf32, #tpu.memory_space<hbm>> -> memref<10240x128xf32, #tpu.memory_space<hbm>>
      tpu.enqueue_indirect_dma source(%dma_start3A_593 : memref<10240x128xf32, #tpu.memory_space<hbm>>) target(%arg16 : memref<80x128xf32, #tpu.memory_space<vmem>>) offsets(%arg9 : memref<80xi32, #tpu.memory_space<vmem>>) semaphore(%arg24 : memref<!tpu.dma_semaphore, #tpu.memory_space<semaphore_mem>>)
      %add3A_594 = arith.constant 2 : i32
      %add3A_595 = arith.addi %add3A_570, %add3A_594 : i32
      %mul3A_596 = arith.constant 80 : i32
      %mul3A_597 = arith.muli %add3A_595, %mul3A_596 : i32
      %add3A_598 = arith.addi %mul3A_2, %mul3A_597 : i32
      %dma_start3A_599 = tpu.memref_slice %arg3[%add3A_598] : memref<320000xi32, #tpu.memory_space<hbm>> -> memref<80xi32, #tpu.memory_space<hbm>>
      %dma_start3A_600 = tpu.memref_slice %arg3[%add3A_598] : memref<320000xi32, #tpu.memory_space<hbm>> -> memref<80xi32, #tpu.memory_space<hbm>>
      tpu.enqueue_dma source(%dma_start3A_600 : memref<80xi32, #tpu.memory_space<hbm>>) target(%arg10 : memref<80xi32, #tpu.memory_space<vmem>>) target_semaphore(%arg22 : memref<!tpu.dma_semaphore, #tpu.memory_space<semaphore_mem>>)
      %mul3A_601 = arith.constant 80 : i32
      %mul3A_602 = arith.muli %add3A_595, %mul3A_601 : i32
      %add3A_603 = arith.addi %mul3A_2, %mul3A_602 : i32
      %dma_start3A_604 = tpu.memref_slice %arg4[%add3A_603] : memref<320000xi32, #tpu.memory_space<hbm>> -> memref<80xi32, #tpu.memory_space<hbm>>
      %dma_start3A_605 = tpu.memref_slice %arg4[%add3A_603] : memref<320000xi32, #tpu.memory_space<hbm>> -> memref<80xi32, #tpu.memory_space<hbm>>
      tpu.enqueue_dma source(%dma_start3A_605 : memref<80xi32, #tpu.memory_space<hbm>>) target(%arg14 : memref<80xi32, #tpu.memory_space<vmem>>) target_semaphore(%arg22 : memref<!tpu.dma_semaphore, #tpu.memory_space<semaphore_mem>>)
      %dma_start3A_606 = arith.constant 0 : i32
      %dma_start3A_607 = arith.constant 0 : i32
      %dma_start3A_608 = tpu.memref_slice %arg18[%dma_start3A_606, %dma_start3A_607] : memref<10240x128xf32, #tpu.memory_space<vmem_shared>> -> memref<10240x128xf32, #tpu.memory_space<vmem_shared>>
      tpu.enqueue_indirect_dma source(%arg15 : memref<80x128xf32, #tpu.memory_space<vmem>>) target(%dma_start3A_608 : memref<10240x128xf32, #tpu.memory_space<vmem_shared>>) offsets(%arg12 : memref<80xi32, #tpu.memory_space<vmem>>) semaphore(%arg26 : memref<!tpu.dma_semaphore, #tpu.memory_space<semaphore_mem>>) {add = true}
      %mul3A_609 = arith.constant 12 : i32
      %mul3A_610 = arith.muli %mul3A_609, %scan3A_188 : i32
      %add3A_611 = arith.constant 10 : i32
      %add3A_612 = arith.addi %mul3A_610, %add3A_611 : i32
      %dma_wait3A_613 = arith.constant 0 : i32
      %dma_wait3A_614 = arith.constant 0 : i32
      %dma_wait3A_615 = tpu.memref_slice %arg2[%dma_wait3A_613, %dma_wait3A_614] : memref<10240x128xf32, #tpu.memory_space<hbm>> -> memref<80x128xf32, #tpu.memory_space<hbm>>
      %dma_wait3A_616 = arith.constant 0 : i32
      %dma_wait3A_617 = arith.constant 0 : i32
      %dma_wait3A_618 = tpu.memref_slice %arg2[%dma_wait3A_616, %dma_wait3A_617] : memref<10240x128xf32, #tpu.memory_space<hbm>> -> memref<80x128xf32, #tpu.memory_space<hbm>>
      tpu.wait_dma2 semaphore(%arg24 : memref<!tpu.dma_semaphore, #tpu.memory_space<semaphore_mem>>) src(%dma_wait3A_618 : memref<80x128xf32, #tpu.memory_space<hbm>>) dst(%arg16 : memref<80x128xf32, #tpu.memory_space<vmem>>)
      %dma_wait3A_619 = arith.constant 0 : i32
      %dma_wait3A_620 = tpu.memref_slice %arg3[%dma_wait3A_619] : memref<320000xi32, #tpu.memory_space<hbm>> -> memref<80xi32, #tpu.memory_space<hbm>>
      %dma_wait3A_621 = arith.constant 0 : i32
      %dma_wait3A_622 = tpu.memref_slice %arg3[%dma_wait3A_621] : memref<320000xi32, #tpu.memory_space<hbm>> -> memref<80xi32, #tpu.memory_space<hbm>>
      tpu.wait_dma2 semaphore(%arg22 : memref<!tpu.dma_semaphore, #tpu.memory_space<semaphore_mem>>) src(%dma_wait3A_622 : memref<80xi32, #tpu.memory_space<hbm>>) dst(%arg10 : memref<80xi32, #tpu.memory_space<vmem>>)
      %dma_wait3A_623 = arith.constant 0 : i32
      %dma_wait3A_624 = tpu.memref_slice %arg3[%dma_wait3A_623] : memref<320000xi32, #tpu.memory_space<hbm>> -> memref<80xi32, #tpu.memory_space<hbm>>
      %dma_wait3A_625 = arith.constant 0 : i32
      %dma_wait3A_626 = tpu.memref_slice %arg3[%dma_wait3A_625] : memref<320000xi32, #tpu.memory_space<hbm>> -> memref<80xi32, #tpu.memory_space<hbm>>
      tpu.wait_dma2 semaphore(%arg22 : memref<!tpu.dma_semaphore, #tpu.memory_space<semaphore_mem>>) src(%dma_wait3A_626 : memref<80xi32, #tpu.memory_space<hbm>>) dst(%arg14 : memref<80xi32, #tpu.memory_space<vmem>>)
      %dma_wait3A_627 = arith.constant 0 : i32
      %dma_wait3A_628 = arith.constant 0 : i32
      %dma_wait3A_629 = tpu.memref_slice %arg2[%dma_wait3A_627, %dma_wait3A_628] : memref<10240x128xf32, #tpu.memory_space<hbm>> -> memref<80x128xf32, #tpu.memory_space<hbm>>
      %dma_wait3A_630 = arith.constant 0 : i32
      %dma_wait3A_631 = arith.constant 0 : i32
      %dma_wait3A_632 = tpu.memref_slice %arg2[%dma_wait3A_630, %dma_wait3A_631] : memref<10240x128xf32, #tpu.memory_space<hbm>> -> memref<80x128xf32, #tpu.memory_space<hbm>>
      tpu.wait_dma2 semaphore(%arg28 : memref<!tpu.dma_semaphore, #tpu.memory_space<semaphore_mem>>) src(%dma_wait3A_632 : memref<80x128xf32, #tpu.memory_space<hbm>>) dst(%arg17 : memref<80x128xf32, #tpu.memory_space<vmem>>)
      %dma_start3A_633 = arith.constant 0 : i32
      %dma_start3A_634 = arith.constant 0 : i32
      %dma_start3A_635 = tpu.memref_slice %arg2[%dma_start3A_633, %dma_start3A_634] : memref<10240x128xf32, #tpu.memory_space<hbm>> -> memref<10240x128xf32, #tpu.memory_space<hbm>>
      tpu.enqueue_indirect_dma source(%dma_start3A_635 : memref<10240x128xf32, #tpu.memory_space<hbm>>) target(%arg17 : memref<80x128xf32, #tpu.memory_space<vmem>>) offsets(%arg10 : memref<80xi32, #tpu.memory_space<vmem>>) semaphore(%arg25 : memref<!tpu.dma_semaphore, #tpu.memory_space<semaphore_mem>>)
      %add3A_636 = arith.constant 2 : i32
      %add3A_637 = arith.addi %add3A_612, %add3A_636 : i32
      %mul3A_638 = arith.constant 80 : i32
      %mul3A_639 = arith.muli %add3A_637, %mul3A_638 : i32
      %add3A_640 = arith.addi %mul3A_2, %mul3A_639 : i32
      %dma_start3A_641 = tpu.memref_slice %arg3[%add3A_640] : memref<320000xi32, #tpu.memory_space<hbm>> -> memref<80xi32, #tpu.memory_space<hbm>>
      %dma_start3A_642 = tpu.memref_slice %arg3[%add3A_640] : memref<320000xi32, #tpu.memory_space<hbm>> -> memref<80xi32, #tpu.memory_space<hbm>>
      tpu.enqueue_dma source(%dma_start3A_642 : memref<80xi32, #tpu.memory_space<hbm>>) target(%arg7 : memref<80xi32, #tpu.memory_space<vmem>>) target_semaphore(%arg19 : memref<!tpu.dma_semaphore, #tpu.memory_space<semaphore_mem>>)
      %mul3A_643 = arith.constant 80 : i32
      %mul3A_644 = arith.muli %add3A_637, %mul3A_643 : i32
      %add3A_645 = arith.addi %mul3A_2, %mul3A_644 : i32
      %dma_start3A_646 = tpu.memref_slice %arg4[%add3A_645] : memref<320000xi32, #tpu.memory_space<hbm>> -> memref<80xi32, #tpu.memory_space<hbm>>
      %dma_start3A_647 = tpu.memref_slice %arg4[%add3A_645] : memref<320000xi32, #tpu.memory_space<hbm>> -> memref<80xi32, #tpu.memory_space<hbm>>
      tpu.enqueue_dma source(%dma_start3A_647 : memref<80xi32, #tpu.memory_space<hbm>>) target(%arg11 : memref<80xi32, #tpu.memory_space<vmem>>) target_semaphore(%arg19 : memref<!tpu.dma_semaphore, #tpu.memory_space<semaphore_mem>>)
      %dma_start3A_648 = arith.constant 0 : i32
      %dma_start3A_649 = arith.constant 0 : i32
      %dma_start3A_650 = tpu.memref_slice %arg18[%dma_start3A_648, %dma_start3A_649] : memref<10240x128xf32, #tpu.memory_space<vmem_shared>> -> memref<10240x128xf32, #tpu.memory_space<vmem_shared>>
      tpu.enqueue_indirect_dma source(%arg16 : memref<80x128xf32, #tpu.memory_space<vmem>>) target(%dma_start3A_650 : memref<10240x128xf32, #tpu.memory_space<vmem_shared>>) offsets(%arg13 : memref<80xi32, #tpu.memory_space<vmem>>) semaphore(%arg27 : memref<!tpu.dma_semaphore, #tpu.memory_space<semaphore_mem>>) {add = true}
      %mul3A_651 = arith.constant 12 : i32
      %mul3A_652 = arith.muli %mul3A_651, %scan3A_188 : i32
      %add3A_653 = arith.constant 11 : i32
      %add3A_654 = arith.addi %mul3A_652, %add3A_653 : i32
      %dma_wait3A_655 = arith.constant 0 : i32
      %dma_wait3A_656 = arith.constant 0 : i32
      %dma_wait3A_657 = tpu.memref_slice %arg2[%dma_wait3A_655, %dma_wait3A_656] : memref<10240x128xf32, #tpu.memory_space<hbm>> -> memref<80x128xf32, #tpu.memory_space<hbm>>
      %dma_wait3A_658 = arith.constant 0 : i32
      %dma_wait3A_659 = arith.constant 0 : i32
      %dma_wait3A_660 = tpu.memref_slice %arg2[%dma_wait3A_658, %dma_wait3A_659] : memref<10240x128xf32, #tpu.memory_space<hbm>> -> memref<80x128xf32, #tpu.memory_space<hbm>>
      tpu.wait_dma2 semaphore(%arg25 : memref<!tpu.dma_semaphore, #tpu.memory_space<semaphore_mem>>) src(%dma_wait3A_660 : memref<80x128xf32, #tpu.memory_space<hbm>>) dst(%arg17 : memref<80x128xf32, #tpu.memory_space<vmem>>)
      %dma_wait3A_661 = arith.constant 0 : i32
      %dma_wait3A_662 = tpu.memref_slice %arg3[%dma_wait3A_661] : memref<320000xi32, #tpu.memory_space<hbm>> -> memref<80xi32, #tpu.memory_space<hbm>>
      %dma_wait3A_663 = arith.constant 0 : i32
      %dma_wait3A_664 = tpu.memref_slice %arg3[%dma_wait3A_663] : memref<320000xi32, #tpu.memory_space<hbm>> -> memref<80xi32, #tpu.memory_space<hbm>>
      tpu.wait_dma2 semaphore(%arg19 : memref<!tpu.dma_semaphore, #tpu.memory_space<semaphore_mem>>) src(%dma_wait3A_664 : memref<80xi32, #tpu.memory_space<hbm>>) dst(%arg7 : memref<80xi32, #tpu.memory_space<vmem>>)
      %dma_wait3A_665 = arith.constant 0 : i32
      %dma_wait3A_666 = tpu.memref_slice %arg3[%dma_wait3A_665] : memref<320000xi32, #tpu.memory_space<hbm>> -> memref<80xi32, #tpu.memory_space<hbm>>
      %dma_wait3A_667 = arith.constant 0 : i32
      %dma_wait3A_668 = tpu.memref_slice %arg3[%dma_wait3A_667] : memref<320000xi32, #tpu.memory_space<hbm>> -> memref<80xi32, #tpu.memory_space<hbm>>
      tpu.wait_dma2 semaphore(%arg19 : memref<!tpu.dma_semaphore, #tpu.memory_space<semaphore_mem>>) src(%dma_wait3A_668 : memref<80xi32, #tpu.memory_space<hbm>>) dst(%arg11 : memref<80xi32, #tpu.memory_space<vmem>>)
      %dma_wait3A_669 = arith.constant 0 : i32
      %dma_wait3A_670 = arith.constant 0 : i32
      %dma_wait3A_671 = tpu.memref_slice %arg2[%dma_wait3A_669, %dma_wait3A_670] : memref<10240x128xf32, #tpu.memory_space<hbm>> -> memref<80x128xf32, #tpu.memory_space<hbm>>
      %dma_wait3A_672 = arith.constant 0 : i32
      %dma_wait3A_673 = arith.constant 0 : i32
      %dma_wait3A_674 = tpu.memref_slice %arg2[%dma_wait3A_672, %dma_wait3A_673] : memref<10240x128xf32, #tpu.memory_space<hbm>> -> memref<80x128xf32, #tpu.memory_space<hbm>>
      tpu.wait_dma2 semaphore(%arg26 : memref<!tpu.dma_semaphore, #tpu.memory_space<semaphore_mem>>) src(%dma_wait3A_674 : memref<80x128xf32, #tpu.memory_space<hbm>>) dst(%arg15 : memref<80x128xf32, #tpu.memory_space<vmem>>)
      %dma_start3A_675 = arith.constant 0 : i32
      %dma_start3A_676 = arith.constant 0 : i32
      %dma_start3A_677 = tpu.memref_slice %arg2[%dma_start3A_675, %dma_start3A_676] : memref<10240x128xf32, #tpu.memory_space<hbm>> -> memref<10240x128xf32, #tpu.memory_space<hbm>>
      tpu.enqueue_indirect_dma source(%dma_start3A_677 : memref<10240x128xf32, #tpu.memory_space<hbm>>) target(%arg15 : memref<80x128xf32, #tpu.memory_space<vmem>>) offsets(%arg7 : memref<80xi32, #tpu.memory_space<vmem>>) semaphore(%arg23 : memref<!tpu.dma_semaphore, #tpu.memory_space<semaphore_mem>>)
      %add3A_678 = arith.constant 2 : i32
      %add3A_679 = arith.addi %add3A_654, %add3A_678 : i32
      %mul3A_680 = arith.constant 80 : i32
      %mul3A_681 = arith.muli %add3A_679, %mul3A_680 : i32
      %add3A_682 = arith.addi %mul3A_2, %mul3A_681 : i32
      %dma_start3A_683 = tpu.memref_slice %arg3[%add3A_682] : memref<320000xi32, #tpu.memory_space<hbm>> -> memref<80xi32, #tpu.memory_space<hbm>>
      %dma_start3A_684 = tpu.memref_slice %arg3[%add3A_682] : memref<320000xi32, #tpu.memory_space<hbm>> -> memref<80xi32, #tpu.memory_space<hbm>>
      tpu.enqueue_dma source(%dma_start3A_684 : memref<80xi32, #tpu.memory_space<hbm>>) target(%arg8 : memref<80xi32, #tpu.memory_space<vmem>>) target_semaphore(%arg20 : memref<!tpu.dma_semaphore, #tpu.memory_space<semaphore_mem>>)
      %mul3A_685 = arith.constant 80 : i32
      %mul3A_686 = arith.muli %add3A_679, %mul3A_685 : i32
      %add3A_687 = arith.addi %mul3A_2, %mul3A_686 : i32
      %dma_start3A_688 = tpu.memref_slice %arg4[%add3A_687] : memref<320000xi32, #tpu.memory_space<hbm>> -> memref<80xi32, #tpu.memory_space<hbm>>
      %dma_start3A_689 = tpu.memref_slice %arg4[%add3A_687] : memref<320000xi32, #tpu.memory_space<hbm>> -> memref<80xi32, #tpu.memory_space<hbm>>
      tpu.enqueue_dma source(%dma_start3A_689 : memref<80xi32, #tpu.memory_space<hbm>>) target(%arg12 : memref<80xi32, #tpu.memory_space<vmem>>) target_semaphore(%arg20 : memref<!tpu.dma_semaphore, #tpu.memory_space<semaphore_mem>>)
      %dma_start3A_690 = arith.constant 0 : i32
      %dma_start3A_691 = arith.constant 0 : i32
      %dma_start3A_692 = tpu.memref_slice %arg18[%dma_start3A_690, %dma_start3A_691] : memref<10240x128xf32, #tpu.memory_space<vmem_shared>> -> memref<10240x128xf32, #tpu.memory_space<vmem_shared>>
      tpu.enqueue_indirect_dma source(%arg17 : memref<80x128xf32, #tpu.memory_space<vmem>>) target(%dma_start3A_692 : memref<10240x128xf32, #tpu.memory_space<vmem_shared>>) offsets(%arg14 : memref<80xi32, #tpu.memory_space<vmem>>) semaphore(%arg28 : memref<!tpu.dma_semaphore, #tpu.memory_space<semaphore_mem>>) {add = true}
    }
    %scan3A_25 = arith.constant 10 : i32
    %dma_wait3A = arith.constant 0 : i32
    %dma_wait3A_26 = arith.constant 0 : i32
    %dma_wait3A_27 = tpu.memref_slice %arg2[%dma_wait3A, %dma_wait3A_26] : memref<10240x128xf32, #tpu.memory_space<hbm>> -> memref<80x128xf32, #tpu.memory_space<hbm>>
    %dma_wait3A_28 = arith.constant 0 : i32
    %dma_wait3A_29 = arith.constant 0 : i32
    %dma_wait3A_30 = tpu.memref_slice %arg2[%dma_wait3A_28, %dma_wait3A_29] : memref<10240x128xf32, #tpu.memory_space<hbm>> -> memref<80x128xf32, #tpu.memory_space<hbm>>
    tpu.wait_dma2 semaphore(%arg23 : memref<!tpu.dma_semaphore, #tpu.memory_space<semaphore_mem>>) src(%dma_wait3A_30 : memref<80x128xf32, #tpu.memory_space<hbm>>) dst(%arg15 : memref<80x128xf32, #tpu.memory_space<vmem>>)
    %dma_wait3A_31 = arith.constant 0 : i32
    %dma_wait3A_32 = tpu.memref_slice %arg3[%dma_wait3A_31] : memref<320000xi32, #tpu.memory_space<hbm>> -> memref<80xi32, #tpu.memory_space<hbm>>
    %dma_wait3A_33 = arith.constant 0 : i32
    %dma_wait3A_34 = tpu.memref_slice %arg3[%dma_wait3A_33] : memref<320000xi32, #tpu.memory_space<hbm>> -> memref<80xi32, #tpu.memory_space<hbm>>
    tpu.wait_dma2 semaphore(%arg20 : memref<!tpu.dma_semaphore, #tpu.memory_space<semaphore_mem>>) src(%dma_wait3A_34 : memref<80xi32, #tpu.memory_space<hbm>>) dst(%arg8 : memref<80xi32, #tpu.memory_space<vmem>>)
    %dma_wait3A_35 = arith.constant 0 : i32
    %dma_wait3A_36 = tpu.memref_slice %arg3[%dma_wait3A_35] : memref<320000xi32, #tpu.memory_space<hbm>> -> memref<80xi32, #tpu.memory_space<hbm>>
    %dma_wait3A_37 = arith.constant 0 : i32
    %dma_wait3A_38 = tpu.memref_slice %arg3[%dma_wait3A_37] : memref<320000xi32, #tpu.memory_space<hbm>> -> memref<80xi32, #tpu.memory_space<hbm>>
    tpu.wait_dma2 semaphore(%arg20 : memref<!tpu.dma_semaphore, #tpu.memory_space<semaphore_mem>>) src(%dma_wait3A_38 : memref<80xi32, #tpu.memory_space<hbm>>) dst(%arg12 : memref<80xi32, #tpu.memory_space<vmem>>)
    %dma_wait3A_39 = arith.constant 0 : i32
    %dma_wait3A_40 = arith.constant 0 : i32
    %dma_wait3A_41 = tpu.memref_slice %arg2[%dma_wait3A_39, %dma_wait3A_40] : memref<10240x128xf32, #tpu.memory_space<hbm>> -> memref<80x128xf32, #tpu.memory_space<hbm>>
    %dma_wait3A_42 = arith.constant 0 : i32
    %dma_wait3A_43 = arith.constant 0 : i32
    %dma_wait3A_44 = tpu.memref_slice %arg2[%dma_wait3A_42, %dma_wait3A_43] : memref<10240x128xf32, #tpu.memory_space<hbm>> -> memref<80x128xf32, #tpu.memory_space<hbm>>
    tpu.wait_dma2 semaphore(%arg27 : memref<!tpu.dma_semaphore, #tpu.memory_space<semaphore_mem>>) src(%dma_wait3A_44 : memref<80x128xf32, #tpu.memory_space<hbm>>) dst(%arg16 : memref<80x128xf32, #tpu.memory_space<vmem>>)
    %dma_start3A_45 = arith.constant 0 : i32
    %dma_start3A_46 = arith.constant 0 : i32
    %dma_start3A_47 = tpu.memref_slice %arg2[%dma_start3A_45, %dma_start3A_46] : memref<10240x128xf32, #tpu.memory_space<hbm>> -> memref<10240x128xf32, #tpu.memory_space<hbm>>
    tpu.enqueue_indirect_dma source(%dma_start3A_47 : memref<10240x128xf32, #tpu.memory_space<hbm>>) target(%arg16 : memref<80x128xf32, #tpu.memory_space<vmem>>) offsets(%arg8 : memref<80xi32, #tpu.memory_space<vmem>>) semaphore(%arg24 : memref<!tpu.dma_semaphore, #tpu.memory_space<semaphore_mem>>)
    %add3A_48 = arith.constant 9760 : i32
    %add3A_49 = arith.addi %mul3A_2, %add3A_48 : i32
    %dma_start3A_50 = tpu.memref_slice %arg3[%add3A_49] : memref<320000xi32, #tpu.memory_space<hbm>> -> memref<80xi32, #tpu.memory_space<hbm>>
    %dma_start3A_51 = tpu.memref_slice %arg3[%add3A_49] : memref<320000xi32, #tpu.memory_space<hbm>> -> memref<80xi32, #tpu.memory_space<hbm>>
    tpu.enqueue_dma source(%dma_start3A_51 : memref<80xi32, #tpu.memory_space<hbm>>) target(%arg9 : memref<80xi32, #tpu.memory_space<vmem>>) target_semaphore(%arg21 : memref<!tpu.dma_semaphore, #tpu.memory_space<semaphore_mem>>)
    %add3A_52 = arith.constant 9760 : i32
    %add3A_53 = arith.addi %mul3A_2, %add3A_52 : i32
    %dma_start3A_54 = tpu.memref_slice %arg4[%add3A_53] : memref<320000xi32, #tpu.memory_space<hbm>> -> memref<80xi32, #tpu.memory_space<hbm>>
    %dma_start3A_55 = tpu.memref_slice %arg4[%add3A_53] : memref<320000xi32, #tpu.memory_space<hbm>> -> memref<80xi32, #tpu.memory_space<hbm>>
    tpu.enqueue_dma source(%dma_start3A_55 : memref<80xi32, #tpu.memory_space<hbm>>) target(%arg13 : memref<80xi32, #tpu.memory_space<vmem>>) target_semaphore(%arg21 : memref<!tpu.dma_semaphore, #tpu.memory_space<semaphore_mem>>)
    %dma_start3A_56 = arith.constant 0 : i32
    %dma_start3A_57 = arith.constant 0 : i32
    %dma_start3A_58 = tpu.memref_slice %arg18[%dma_start3A_56, %dma_start3A_57] : memref<10240x128xf32, #tpu.memory_space<vmem_shared>> -> memref<10240x128xf32, #tpu.memory_space<vmem_shared>>
    tpu.enqueue_indirect_dma source(%arg15 : memref<80x128xf32, #tpu.memory_space<vmem>>) target(%dma_start3A_58 : memref<10240x128xf32, #tpu.memory_space<vmem_shared>>) offsets(%arg11 : memref<80xi32, #tpu.memory_space<vmem>>) semaphore(%arg26 : memref<!tpu.dma_semaphore, #tpu.memory_space<semaphore_mem>>) {add = true}
    %dma_wait3A_59 = arith.constant 0 : i32
    %dma_wait3A_60 = arith.constant 0 : i32
    %dma_wait3A_61 = tpu.memref_slice %arg2[%dma_wait3A_59, %dma_wait3A_60] : memref<10240x128xf32, #tpu.memory_space<hbm>> -> memref<80x128xf32, #tpu.memory_space<hbm>>
    %dma_wait3A_62 = arith.constant 0 : i32
    %dma_wait3A_63 = arith.constant 0 : i32
    %dma_wait3A_64 = tpu.memref_slice %arg2[%dma_wait3A_62, %dma_wait3A_63] : memref<10240x128xf32, #tpu.memory_space<hbm>> -> memref<80x128xf32, #tpu.memory_space<hbm>>
    tpu.wait_dma2 semaphore(%arg24 : memref<!tpu.dma_semaphore, #tpu.memory_space<semaphore_mem>>) src(%dma_wait3A_64 : memref<80x128xf32, #tpu.memory_space<hbm>>) dst(%arg16 : memref<80x128xf32, #tpu.memory_space<vmem>>)
    %dma_wait3A_65 = arith.constant 0 : i32
    %dma_wait3A_66 = tpu.memref_slice %arg3[%dma_wait3A_65] : memref<320000xi32, #tpu.memory_space<hbm>> -> memref<80xi32, #tpu.memory_space<hbm>>
    %dma_wait3A_67 = arith.constant 0 : i32
    %dma_wait3A_68 = tpu.memref_slice %arg3[%dma_wait3A_67] : memref<320000xi32, #tpu.memory_space<hbm>> -> memref<80xi32, #tpu.memory_space<hbm>>
    tpu.wait_dma2 semaphore(%arg21 : memref<!tpu.dma_semaphore, #tpu.memory_space<semaphore_mem>>) src(%dma_wait3A_68 : memref<80xi32, #tpu.memory_space<hbm>>) dst(%arg9 : memref<80xi32, #tpu.memory_space<vmem>>)
    %dma_wait3A_69 = arith.constant 0 : i32
    %dma_wait3A_70 = tpu.memref_slice %arg3[%dma_wait3A_69] : memref<320000xi32, #tpu.memory_space<hbm>> -> memref<80xi32, #tpu.memory_space<hbm>>
    %dma_wait3A_71 = arith.constant 0 : i32
    %dma_wait3A_72 = tpu.memref_slice %arg3[%dma_wait3A_71] : memref<320000xi32, #tpu.memory_space<hbm>> -> memref<80xi32, #tpu.memory_space<hbm>>
    tpu.wait_dma2 semaphore(%arg21 : memref<!tpu.dma_semaphore, #tpu.memory_space<semaphore_mem>>) src(%dma_wait3A_72 : memref<80xi32, #tpu.memory_space<hbm>>) dst(%arg13 : memref<80xi32, #tpu.memory_space<vmem>>)
    %dma_wait3A_73 = arith.constant 0 : i32
    %dma_wait3A_74 = arith.constant 0 : i32
    %dma_wait3A_75 = tpu.memref_slice %arg2[%dma_wait3A_73, %dma_wait3A_74] : memref<10240x128xf32, #tpu.memory_space<hbm>> -> memref<80x128xf32, #tpu.memory_space<hbm>>
    %dma_wait3A_76 = arith.constant 0 : i32
    %dma_wait3A_77 = arith.constant 0 : i32
    %dma_wait3A_78 = tpu.memref_slice %arg2[%dma_wait3A_76, %dma_wait3A_77] : memref<10240x128xf32, #tpu.memory_space<hbm>> -> memref<80x128xf32, #tpu.memory_space<hbm>>
    tpu.wait_dma2 semaphore(%arg28 : memref<!tpu.dma_semaphore, #tpu.memory_space<semaphore_mem>>) src(%dma_wait3A_78 : memref<80x128xf32, #tpu.memory_space<hbm>>) dst(%arg17 : memref<80x128xf32, #tpu.memory_space<vmem>>)
    %dma_start3A_79 = arith.constant 0 : i32
    %dma_start3A_80 = arith.constant 0 : i32
    %dma_start3A_81 = tpu.memref_slice %arg2[%dma_start3A_79, %dma_start3A_80] : memref<10240x128xf32, #tpu.memory_space<hbm>> -> memref<10240x128xf32, #tpu.memory_space<hbm>>
    tpu.enqueue_indirect_dma source(%dma_start3A_81 : memref<10240x128xf32, #tpu.memory_space<hbm>>) target(%arg17 : memref<80x128xf32, #tpu.memory_space<vmem>>) offsets(%arg9 : memref<80xi32, #tpu.memory_space<vmem>>) semaphore(%arg25 : memref<!tpu.dma_semaphore, #tpu.memory_space<semaphore_mem>>)
    %add3A_82 = arith.constant 9840 : i32
    %add3A_83 = arith.addi %mul3A_2, %add3A_82 : i32
    %dma_start3A_84 = tpu.memref_slice %arg3[%add3A_83] : memref<320000xi32, #tpu.memory_space<hbm>> -> memref<80xi32, #tpu.memory_space<hbm>>
    %dma_start3A_85 = tpu.memref_slice %arg3[%add3A_83] : memref<320000xi32, #tpu.memory_space<hbm>> -> memref<80xi32, #tpu.memory_space<hbm>>
    tpu.enqueue_dma source(%dma_start3A_85 : memref<80xi32, #tpu.memory_space<hbm>>) target(%arg10 : memref<80xi32, #tpu.memory_space<vmem>>) target_semaphore(%arg22 : memref<!tpu.dma_semaphore, #tpu.memory_space<semaphore_mem>>)
    %add3A_86 = arith.constant 9840 : i32
    %add3A_87 = arith.addi %mul3A_2, %add3A_86 : i32
    %dma_start3A_88 = tpu.memref_slice %arg4[%add3A_87] : memref<320000xi32, #tpu.memory_space<hbm>> -> memref<80xi32, #tpu.memory_space<hbm>>
    %dma_start3A_89 = tpu.memref_slice %arg4[%add3A_87] : memref<320000xi32, #tpu.memory_space<hbm>> -> memref<80xi32, #tpu.memory_space<hbm>>
    tpu.enqueue_dma source(%dma_start3A_89 : memref<80xi32, #tpu.memory_space<hbm>>) target(%arg14 : memref<80xi32, #tpu.memory_space<vmem>>) target_semaphore(%arg22 : memref<!tpu.dma_semaphore, #tpu.memory_space<semaphore_mem>>)
    %dma_start3A_90 = arith.constant 0 : i32
    %dma_start3A_91 = arith.constant 0 : i32
    %dma_start3A_92 = tpu.memref_slice %arg18[%dma_start3A_90, %dma_start3A_91] : memref<10240x128xf32, #tpu.memory_space<vmem_shared>> -> memref<10240x128xf32, #tpu.memory_space<vmem_shared>>
    tpu.enqueue_indirect_dma source(%arg16 : memref<80x128xf32, #tpu.memory_space<vmem>>) target(%dma_start3A_92 : memref<10240x128xf32, #tpu.memory_space<vmem_shared>>) offsets(%arg12 : memref<80xi32, #tpu.memory_space<vmem>>) semaphore(%arg27 : memref<!tpu.dma_semaphore, #tpu.memory_space<semaphore_mem>>) {add = true}
    %dma_wait3A_93 = arith.constant 0 : i32
    %dma_wait3A_94 = arith.constant 0 : i32
    %dma_wait3A_95 = tpu.memref_slice %arg2[%dma_wait3A_93, %dma_wait3A_94] : memref<10240x128xf32, #tpu.memory_space<hbm>> -> memref<80x128xf32, #tpu.memory_space<hbm>>
    %dma_wait3A_96 = arith.constant 0 : i32
    %dma_wait3A_97 = arith.constant 0 : i32
    %dma_wait3A_98 = tpu.memref_slice %arg2[%dma_wait3A_96, %dma_wait3A_97] : memref<10240x128xf32, #tpu.memory_space<hbm>> -> memref<80x128xf32, #tpu.memory_space<hbm>>
    tpu.wait_dma2 semaphore(%arg25 : memref<!tpu.dma_semaphore, #tpu.memory_space<semaphore_mem>>) src(%dma_wait3A_98 : memref<80x128xf32, #tpu.memory_space<hbm>>) dst(%arg17 : memref<80x128xf32, #tpu.memory_space<vmem>>)
    %dma_wait3A_99 = arith.constant 0 : i32
    %dma_wait3A_100 = tpu.memref_slice %arg3[%dma_wait3A_99] : memref<320000xi32, #tpu.memory_space<hbm>> -> memref<80xi32, #tpu.memory_space<hbm>>
    %dma_wait3A_101 = arith.constant 0 : i32
    %dma_wait3A_102 = tpu.memref_slice %arg3[%dma_wait3A_101] : memref<320000xi32, #tpu.memory_space<hbm>> -> memref<80xi32, #tpu.memory_space<hbm>>
    tpu.wait_dma2 semaphore(%arg22 : memref<!tpu.dma_semaphore, #tpu.memory_space<semaphore_mem>>) src(%dma_wait3A_102 : memref<80xi32, #tpu.memory_space<hbm>>) dst(%arg10 : memref<80xi32, #tpu.memory_space<vmem>>)
    %dma_wait3A_103 = arith.constant 0 : i32
    %dma_wait3A_104 = tpu.memref_slice %arg3[%dma_wait3A_103] : memref<320000xi32, #tpu.memory_space<hbm>> -> memref<80xi32, #tpu.memory_space<hbm>>
    %dma_wait3A_105 = arith.constant 0 : i32
    %dma_wait3A_106 = tpu.memref_slice %arg3[%dma_wait3A_105] : memref<320000xi32, #tpu.memory_space<hbm>> -> memref<80xi32, #tpu.memory_space<hbm>>
    tpu.wait_dma2 semaphore(%arg22 : memref<!tpu.dma_semaphore, #tpu.memory_space<semaphore_mem>>) src(%dma_wait3A_106 : memref<80xi32, #tpu.memory_space<hbm>>) dst(%arg14 : memref<80xi32, #tpu.memory_space<vmem>>)
    %dma_wait3A_107 = arith.constant 0 : i32
    %dma_wait3A_108 = arith.constant 0 : i32
    %dma_wait3A_109 = tpu.memref_slice %arg2[%dma_wait3A_107, %dma_wait3A_108] : memref<10240x128xf32, #tpu.memory_space<hbm>> -> memref<80x128xf32, #tpu.memory_space<hbm>>
    %dma_wait3A_110 = arith.constant 0 : i32
    %dma_wait3A_111 = arith.constant 0 : i32
    %dma_wait3A_112 = tpu.memref_slice %arg2[%dma_wait3A_110, %dma_wait3A_111] : memref<10240x128xf32, #tpu.memory_space<hbm>> -> memref<80x128xf32, #tpu.memory_space<hbm>>
    tpu.wait_dma2 semaphore(%arg26 : memref<!tpu.dma_semaphore, #tpu.memory_space<semaphore_mem>>) src(%dma_wait3A_112 : memref<80x128xf32, #tpu.memory_space<hbm>>) dst(%arg15 : memref<80x128xf32, #tpu.memory_space<vmem>>)
    %dma_start3A_113 = arith.constant 0 : i32
    %dma_start3A_114 = arith.constant 0 : i32
    %dma_start3A_115 = tpu.memref_slice %arg2[%dma_start3A_113, %dma_start3A_114] : memref<10240x128xf32, #tpu.memory_space<hbm>> -> memref<10240x128xf32, #tpu.memory_space<hbm>>
    tpu.enqueue_indirect_dma source(%dma_start3A_115 : memref<10240x128xf32, #tpu.memory_space<hbm>>) target(%arg15 : memref<80x128xf32, #tpu.memory_space<vmem>>) offsets(%arg10 : memref<80xi32, #tpu.memory_space<vmem>>) semaphore(%arg23 : memref<!tpu.dma_semaphore, #tpu.memory_space<semaphore_mem>>)
    %add3A_116 = arith.constant 9920 : i32
    %add3A_117 = arith.addi %mul3A_2, %add3A_116 : i32
    %dma_start3A_118 = tpu.memref_slice %arg3[%add3A_117] : memref<320000xi32, #tpu.memory_space<hbm>> -> memref<80xi32, #tpu.memory_space<hbm>>
    %dma_start3A_119 = tpu.memref_slice %arg3[%add3A_117] : memref<320000xi32, #tpu.memory_space<hbm>> -> memref<80xi32, #tpu.memory_space<hbm>>
    tpu.enqueue_dma source(%dma_start3A_119 : memref<80xi32, #tpu.memory_space<hbm>>) target(%arg7 : memref<80xi32, #tpu.memory_space<vmem>>) target_semaphore(%arg19 : memref<!tpu.dma_semaphore, #tpu.memory_space<semaphore_mem>>)
    %add3A_120 = arith.constant 9920 : i32
    %add3A_121 = arith.addi %mul3A_2, %add3A_120 : i32
    %dma_start3A_122 = tpu.memref_slice %arg4[%add3A_121] : memref<320000xi32, #tpu.memory_space<hbm>> -> memref<80xi32, #tpu.memory_space<hbm>>
    %dma_start3A_123 = tpu.memref_slice %arg4[%add3A_121] : memref<320000xi32, #tpu.memory_space<hbm>> -> memref<80xi32, #tpu.memory_space<hbm>>
    tpu.enqueue_dma source(%dma_start3A_123 : memref<80xi32, #tpu.memory_space<hbm>>) target(%arg11 : memref<80xi32, #tpu.memory_space<vmem>>) target_semaphore(%arg19 : memref<!tpu.dma_semaphore, #tpu.memory_space<semaphore_mem>>)
    %dma_start3A_124 = arith.constant 0 : i32
    %dma_start3A_125 = arith.constant 0 : i32
    %dma_start3A_126 = tpu.memref_slice %arg18[%dma_start3A_124, %dma_start3A_125] : memref<10240x128xf32, #tpu.memory_space<vmem_shared>> -> memref<10240x128xf32, #tpu.memory_space<vmem_shared>>
    tpu.enqueue_indirect_dma source(%arg17 : memref<80x128xf32, #tpu.memory_space<vmem>>) target(%dma_start3A_126 : memref<10240x128xf32, #tpu.memory_space<vmem_shared>>) offsets(%arg13 : memref<80xi32, #tpu.memory_space<vmem>>) semaphore(%arg28 : memref<!tpu.dma_semaphore, #tpu.memory_space<semaphore_mem>>) {add = true}
    %dma_wait3A_127 = arith.constant 0 : i32
    %dma_wait3A_128 = arith.constant 0 : i32
    %dma_wait3A_129 = tpu.memref_slice %arg2[%dma_wait3A_127, %dma_wait3A_128] : memref<10240x128xf32, #tpu.memory_space<hbm>> -> memref<80x128xf32, #tpu.memory_space<hbm>>
    %dma_wait3A_130 = arith.constant 0 : i32
    %dma_wait3A_131 = arith.constant 0 : i32
    %dma_wait3A_132 = tpu.memref_slice %arg2[%dma_wait3A_130, %dma_wait3A_131] : memref<10240x128xf32, #tpu.memory_space<hbm>> -> memref<80x128xf32, #tpu.memory_space<hbm>>
    tpu.wait_dma2 semaphore(%arg23 : memref<!tpu.dma_semaphore, #tpu.memory_space<semaphore_mem>>) src(%dma_wait3A_132 : memref<80x128xf32, #tpu.memory_space<hbm>>) dst(%arg15 : memref<80x128xf32, #tpu.memory_space<vmem>>)
    %dma_wait3A_133 = arith.constant 0 : i32
    %dma_wait3A_134 = tpu.memref_slice %arg3[%dma_wait3A_133] : memref<320000xi32, #tpu.memory_space<hbm>> -> memref<80xi32, #tpu.memory_space<hbm>>
    %dma_wait3A_135 = arith.constant 0 : i32
    %dma_wait3A_136 = tpu.memref_slice %arg3[%dma_wait3A_135] : memref<320000xi32, #tpu.memory_space<hbm>> -> memref<80xi32, #tpu.memory_space<hbm>>
    tpu.wait_dma2 semaphore(%arg19 : memref<!tpu.dma_semaphore, #tpu.memory_space<semaphore_mem>>) src(%dma_wait3A_136 : memref<80xi32, #tpu.memory_space<hbm>>) dst(%arg7 : memref<80xi32, #tpu.memory_space<vmem>>)
    %dma_wait3A_137 = arith.constant 0 : i32
    %dma_wait3A_138 = tpu.memref_slice %arg3[%dma_wait3A_137] : memref<320000xi32, #tpu.memory_space<hbm>> -> memref<80xi32, #tpu.memory_space<hbm>>
    %dma_wait3A_139 = arith.constant 0 : i32
    %dma_wait3A_140 = tpu.memref_slice %arg3[%dma_wait3A_139] : memref<320000xi32, #tpu.memory_space<hbm>> -> memref<80xi32, #tpu.memory_space<hbm>>
    tpu.wait_dma2 semaphore(%arg19 : memref<!tpu.dma_semaphore, #tpu.memory_space<semaphore_mem>>) src(%dma_wait3A_140 : memref<80xi32, #tpu.memory_space<hbm>>) dst(%arg11 : memref<80xi32, #tpu.memory_space<vmem>>)
    %dma_wait3A_141 = arith.constant 0 : i32
    %dma_wait3A_142 = arith.constant 0 : i32
    %dma_wait3A_143 = tpu.memref_slice %arg2[%dma_wait3A_141, %dma_wait3A_142] : memref<10240x128xf32, #tpu.memory_space<hbm>> -> memref<80x128xf32, #tpu.memory_space<hbm>>
    %dma_wait3A_144 = arith.constant 0 : i32
    %dma_wait3A_145 = arith.constant 0 : i32
    %dma_wait3A_146 = tpu.memref_slice %arg2[%dma_wait3A_144, %dma_wait3A_145] : memref<10240x128xf32, #tpu.memory_space<hbm>> -> memref<80x128xf32, #tpu.memory_space<hbm>>
    tpu.wait_dma2 semaphore(%arg27 : memref<!tpu.dma_semaphore, #tpu.memory_space<semaphore_mem>>) src(%dma_wait3A_146 : memref<80x128xf32, #tpu.memory_space<hbm>>) dst(%arg16 : memref<80x128xf32, #tpu.memory_space<vmem>>)
    %dma_start3A_147 = arith.constant 0 : i32
    %dma_start3A_148 = arith.constant 0 : i32
    %dma_start3A_149 = tpu.memref_slice %arg2[%dma_start3A_147, %dma_start3A_148] : memref<10240x128xf32, #tpu.memory_space<hbm>> -> memref<10240x128xf32, #tpu.memory_space<hbm>>
    tpu.enqueue_indirect_dma source(%dma_start3A_149 : memref<10240x128xf32, #tpu.memory_space<hbm>>) target(%arg16 : memref<80x128xf32, #tpu.memory_space<vmem>>) offsets(%arg7 : memref<80xi32, #tpu.memory_space<vmem>>) semaphore(%arg24 : memref<!tpu.dma_semaphore, #tpu.memory_space<semaphore_mem>>)
    %dma_start3A_150 = arith.constant 0 : i32
    %dma_start3A_151 = arith.constant 0 : i32
    %dma_start3A_152 = tpu.memref_slice %arg18[%dma_start3A_150, %dma_start3A_151] : memref<10240x128xf32, #tpu.memory_space<vmem_shared>> -> memref<10240x128xf32, #tpu.memory_space<vmem_shared>>
    tpu.enqueue_indirect_dma source(%arg15 : memref<80x128xf32, #tpu.memory_space<vmem>>) target(%dma_start3A_152 : memref<10240x128xf32, #tpu.memory_space<vmem_shared>>) offsets(%arg14 : memref<80xi32, #tpu.memory_space<vmem>>) semaphore(%arg26 : memref<!tpu.dma_semaphore, #tpu.memory_space<semaphore_mem>>) {add = true}
    %dma_wait3A_153 = arith.constant 0 : i32
    %dma_wait3A_154 = arith.constant 0 : i32
    %dma_wait3A_155 = tpu.memref_slice %arg2[%dma_wait3A_153, %dma_wait3A_154] : memref<10240x128xf32, #tpu.memory_space<hbm>> -> memref<80x128xf32, #tpu.memory_space<hbm>>
    %dma_wait3A_156 = arith.constant 0 : i32
    %dma_wait3A_157 = arith.constant 0 : i32
    %dma_wait3A_158 = tpu.memref_slice %arg2[%dma_wait3A_156, %dma_wait3A_157] : memref<10240x128xf32, #tpu.memory_space<hbm>> -> memref<80x128xf32, #tpu.memory_space<hbm>>
    tpu.wait_dma2 semaphore(%arg24 : memref<!tpu.dma_semaphore, #tpu.memory_space<semaphore_mem>>) src(%dma_wait3A_158 : memref<80x128xf32, #tpu.memory_space<hbm>>) dst(%arg16 : memref<80x128xf32, #tpu.memory_space<vmem>>)
    %dma_wait3A_159 = arith.constant 0 : i32
    %dma_wait3A_160 = arith.constant 0 : i32
    %dma_wait3A_161 = tpu.memref_slice %arg2[%dma_wait3A_159, %dma_wait3A_160] : memref<10240x128xf32, #tpu.memory_space<hbm>> -> memref<80x128xf32, #tpu.memory_space<hbm>>
    %dma_wait3A_162 = arith.constant 0 : i32
    %dma_wait3A_163 = arith.constant 0 : i32
    %dma_wait3A_164 = tpu.memref_slice %arg2[%dma_wait3A_162, %dma_wait3A_163] : memref<10240x128xf32, #tpu.memory_space<hbm>> -> memref<80x128xf32, #tpu.memory_space<hbm>>
    tpu.wait_dma2 semaphore(%arg28 : memref<!tpu.dma_semaphore, #tpu.memory_space<semaphore_mem>>) src(%dma_wait3A_164 : memref<80x128xf32, #tpu.memory_space<hbm>>) dst(%arg17 : memref<80x128xf32, #tpu.memory_space<vmem>>)
    %dma_start3A_165 = arith.constant 0 : i32
    %dma_start3A_166 = arith.constant 0 : i32
    %dma_start3A_167 = tpu.memref_slice %arg18[%dma_start3A_165, %dma_start3A_166] : memref<10240x128xf32, #tpu.memory_space<vmem_shared>> -> memref<10240x128xf32, #tpu.memory_space<vmem_shared>>
    tpu.enqueue_indirect_dma source(%arg16 : memref<80x128xf32, #tpu.memory_space<vmem>>) target(%dma_start3A_167 : memref<10240x128xf32, #tpu.memory_space<vmem_shared>>) offsets(%arg11 : memref<80xi32, #tpu.memory_space<vmem>>) semaphore(%arg27 : memref<!tpu.dma_semaphore, #tpu.memory_space<semaphore_mem>>) {add = true}
    %dma_wait3A_168 = arith.constant 0 : i32
    %dma_wait3A_169 = arith.constant 0 : i32
    %dma_wait3A_170 = tpu.memref_slice %arg2[%dma_wait3A_168, %dma_wait3A_169] : memref<10240x128xf32, #tpu.memory_space<hbm>> -> memref<80x128xf32, #tpu.memory_space<hbm>>
    %dma_wait3A_171 = arith.constant 0 : i32
    %dma_wait3A_172 = arith.constant 0 : i32
    %dma_wait3A_173 = tpu.memref_slice %arg2[%dma_wait3A_171, %dma_wait3A_172] : memref<10240x128xf32, #tpu.memory_space<hbm>> -> memref<80x128xf32, #tpu.memory_space<hbm>>
    tpu.wait_dma2 semaphore(%arg26 : memref<!tpu.dma_semaphore, #tpu.memory_space<semaphore_mem>>) src(%dma_wait3A_173 : memref<80x128xf32, #tpu.memory_space<hbm>>) dst(%arg15 : memref<80x128xf32, #tpu.memory_space<vmem>>)
    %dma_wait3A_174 = arith.constant 0 : i32
    %dma_wait3A_175 = arith.constant 0 : i32
    %dma_wait3A_176 = tpu.memref_slice %arg2[%dma_wait3A_174, %dma_wait3A_175] : memref<10240x128xf32, #tpu.memory_space<hbm>> -> memref<80x128xf32, #tpu.memory_space<hbm>>
    %dma_wait3A_177 = arith.constant 0 : i32
    %dma_wait3A_178 = arith.constant 0 : i32
    %dma_wait3A_179 = tpu.memref_slice %arg2[%dma_wait3A_177, %dma_wait3A_178] : memref<10240x128xf32, #tpu.memory_space<hbm>> -> memref<80x128xf32, #tpu.memory_space<hbm>>
    tpu.wait_dma2 semaphore(%arg27 : memref<!tpu.dma_semaphore, #tpu.memory_space<semaphore_mem>>) src(%dma_wait3A_179 : memref<80x128xf32, #tpu.memory_space<hbm>>) dst(%arg16 : memref<80x128xf32, #tpu.memory_space<vmem>>)
    %barrier3A_180 = arith.constant 0 : index
    tpu.barrier barrier_id(%barrier3A_180)
    %mul3A_181 = arith.constant 640 : i32
    %mul3A_182 = arith.muli %arg1, %mul3A_181 : i32
    %mul3A_183 = arith.constant 10240 : i32
    %mul3A_184 = arith.muli %arg0, %mul3A_183 : i32
    %mul3A_185 = arith.constant 640 : i32
    %mul3A_186 = arith.muli %arg1, %mul3A_185 : i32
    %add3A_187 = arith.addi %mul3A_184, %mul3A_186 : i32
    "tpu.region"() ({
      %run_scoped3A = tpu.sem_alloc : memref<!tpu.dma_semaphore, #tpu.memory_space<semaphore_mem>>
      %dma_start3A_188 = arith.constant 0 : i32
      %dma_start3A_189 = tpu.memref_slice %arg6[%add3A_187, %dma_start3A_188] : memref<20480x128xf32, #tpu.memory_space<hbm>> -> memref<640x128xf32, #tpu.memory_space<hbm>>
      %dma_start3A_190 = arith.constant 0 : i32
      %dma_start3A_191 = tpu.memref_slice %arg18[%mul3A_182, %dma_start3A_190] : memref<10240x128xf32, #tpu.memory_space<vmem_shared>> -> memref<640x128xf32, #tpu.memory_space<vmem_shared>>
      tpu.enqueue_dma source(%dma_start3A_191 : memref<640x128xf32, #tpu.memory_space<vmem_shared>>) target(%dma_start3A_189 : memref<640x128xf32, #tpu.memory_space<hbm>>) target_semaphore(%run_scoped3A : memref<!tpu.dma_semaphore, #tpu.memory_space<semaphore_mem>>)
      %dma_wait3A_192 = arith.constant 0 : i32
      %dma_wait3A_193 = tpu.memref_slice %arg6[%add3A_187, %dma_wait3A_192] : memref<20480x128xf32, #tpu.memory_space<hbm>> -> memref<640x128xf32, #tpu.memory_space<hbm>>
      %dma_wait3A_194 = arith.constant 0 : i32
      %dma_wait3A_195 = tpu.memref_slice %arg18[%mul3A_182, %dma_wait3A_194] : memref<10240x128xf32, #tpu.memory_space<vmem_shared>> -> memref<640x128xf32, #tpu.memory_space<vmem_shared>>
      tpu.wait_dma2 semaphore(%run_scoped3A : memref<!tpu.dma_semaphore, #tpu.memory_space<semaphore_mem>>) src(%dma_wait3A_195 : memref<640x128xf32, #tpu.memory_space<vmem_shared>>) dst(%dma_wait3A_193 : memref<640x128xf32, #tpu.memory_space<hbm>>)
      tpu.yield
    }) : () -> ()
    return
  }
}

module attributes {stable_mosaic.version = 14 : i64} {
  func.func @_t1_body(%arg0: i32, %arg1: memref<1024x128xf32, #tpu.memory_space<vmem>>, %arg2: memref<128x128xf32, #tpu.memory_space<vmem>>, %arg3: memref<2x1024x8xf32, #tpu.memory_space<vmem>>, %arg4: memref<1024x128xf32, #tpu.memory_space<vmem>>, %arg5: memref<1024x128xf32, #tpu.memory_space<vmem>>) attributes {dimension_semantics = [#tpu.dimension_semantics<arbitrary>], iteration_bounds = array<i64: 10>, scalar_prefetch = 0 : i64, scratch_operands = 0 : i64, tpu.core_type = #tpu.core_type<tc>, window_params = [{transform_indices = @transform_0, window_bounds = array<i64: 1024, 128>}, {pipeline_mode = #tpu.pipeline_mode<synchronous>, transform_indices = @transform_1, window_bounds = array<i64: 128, 128>}, {transform_indices = @transform_2, window_bounds = array<i64: 2, 1024, 8>}, {transform_indices = @transform_3, window_bounds = array<i64: 1024, 128>}, {transform_indices = @transform_4, window_bounds = array<i64: 1024, 128>}]} {
    %get3A = arith.constant 0 : index
    %get3A_0 = arith.constant 0 : index
    %get3A_1 = vector.load %arg1[%get3A, %get3A_0] : memref<1024x128xf32, #tpu.memory_space<vmem>>, vector<1024x128xf32>
    %get3A_2 = arith.constant 0 : index
    %get3A_3 = arith.constant 0 : index
    %get3A_4 = vector.load %arg2[%get3A_2, %get3A_3] : memref<128x128xf32, #tpu.memory_space<vmem>>, vector<128x128xf32>
    %dot_general3A = arith.constant dense<0.000000e+00> : vector<1024x128xf32>
    %dot_general3A_5 = tpu.matmul %get3A_1, %get3A_4, %dot_general3A {dimension_numbers = #tpu.dot_dimension_numbers<[1], [0], [0], [1], [0, 0, 1, 1], [], []>, transpose_lhs_hint = false} : vector<1024x128xf32>, vector<128x128xf32>, vector<1024x128xf32> -> vector<1024x128xf32>
    %get3A_6 = arith.constant 0 : index
    %get3A_7 = arith.constant 0 : index
    %get3A_8 = arith.constant 0 : index
    %get3A_9 = vector.load %arg3[%get3A_6, %get3A_7, %get3A_8] : memref<2x1024x8xf32, #tpu.memory_space<vmem>>, vector<1x1024x8xf32>
    %get3A_10 = vector.shape_cast %get3A_9 : vector<1x1024x8xf32> to vector<1024x8xf32>
    %slice3A = vector.extract_strided_slice %get3A_10 {offsets = [0, 0], sizes = [1024, 1], strides = [1, 1]} : vector<1024x8xf32> to vector<1024x1xf32>
    %get3A_11 = arith.constant 1 : index
    %get3A_12 = arith.constant 0 : index
    %get3A_13 = arith.constant 0 : index
    %get3A_14 = vector.load %arg3[%get3A_11, %get3A_12, %get3A_13] : memref<2x1024x8xf32, #tpu.memory_space<vmem>>, vector<1x1024x8xf32>
    %get3A_15 = vector.shape_cast %get3A_14 : vector<1x1024x8xf32> to vector<1024x8xf32>
    %slice3A_16 = vector.extract_strided_slice %get3A_15 {offsets = [0, 0], sizes = [1024, 1], strides = [1, 1]} : vector<1024x8xf32> to vector<1024x1xf32>
    %add3A = arith.addf %slice3A, %slice3A_16 : vector<1024x1xf32>
    %add3A_17 = arith.constant 1.000000e+00 : f32
    %add3A_18 = vector.broadcast %add3A_17 : f32 to vector<1024x1xf32>
    %add3A_19 = arith.addf %add3A, %add3A_18 : vector<1024x1xf32>
    %rsqrt3A = math.rsqrt %add3A_19 : vector<1024x1xf32>
    %swap3A = arith.constant 0 : index
    %swap3A_20 = arith.constant 0 : index
    %swap3A_21 = vector.load %arg4[%swap3A, %swap3A_20] : memref<1024x128xf32, #tpu.memory_space<vmem>>, vector<1024x128xf32>
    tpu.vector_store %arg4[%swap3A, %swap3A_20], %dot_general3A_5 {strides = array<i32>} : memref<1024x128xf32, #tpu.memory_space<vmem>>, vector<1024x128xf32>,
    %mul3A = vector.broadcast %rsqrt3A : vector<1024x1xf32> to vector<1024x128xf32>
    %mul3A_22 = arith.mulf %dot_general3A_5, %mul3A : vector<1024x128xf32>
    %swap3A_23 = arith.constant 0 : index
    %swap3A_24 = arith.constant 0 : index
    %swap3A_25 = vector.load %arg5[%swap3A_23, %swap3A_24] : memref<1024x128xf32, #tpu.memory_space<vmem>>, vector<1024x128xf32>
    tpu.vector_store %arg5[%swap3A_23, %swap3A_24], %mul3A_22 {strides = array<i32>} : memref<1024x128xf32, #tpu.memory_space<vmem>>, vector<1024x128xf32>,
    return
  }
  func.func @transform_0(%arg0: i32) -> (i32, i32) {
    %c0_i32 = arith.constant 0 : i32
    %c0_i32_0 = arith.constant 0 : i32
    return %arg0, %c0_i32 : i32, i32
  }
  func.func @transform_1(%arg0: i32) -> (i32, i32) {
    %c0_i32 = arith.constant 0 : i32
    %c0_i32_0 = arith.constant 0 : i32
    %c0_i32_1 = arith.constant 0 : i32
    return %c0_i32, %c0_i32_0 : i32, i32
  }
  func.func @transform_2(%arg0: i32) -> (i32, i32, i32) {
    %c0_i32 = arith.constant 0 : i32
    %c0_i32_0 = arith.constant 0 : i32
    %c0_i32_1 = arith.constant 0 : i32
    return %c0_i32, %arg0, %c0_i32_0 : i32, i32, i32
  }
  func.func @transform_3(%arg0: i32) -> (i32, i32) {
    %c0_i32 = arith.constant 0 : i32
    %c0_i32_0 = arith.constant 0 : i32
    return %arg0, %c0_i32 : i32, i32
  }
  func.func @transform_4(%arg0: i32) -> (i32, i32) {
    %c0_i32 = arith.constant 0 : i32
    %c0_i32_0 = arith.constant 0 : i32
    return %arg0, %c0_i32 : i32, i32
  }
}

module attributes {stable_mosaic.version = 14 : i64} {
  func.func @_t2_body(%arg0: i32, %arg1: memref<2x1024x128xf32, #tpu.memory_space<vmem>>, %arg2: memref<1024x128xf32, #tpu.memory_space<vmem>>, %arg3: memref<2x1024x8xf32, #tpu.memory_space<vmem>>, %arg4: memref<1x128xf32, #tpu.memory_space<vmem>>, %arg5: memref<128x128xf32, #tpu.memory_space<vmem>>, %arg6: memref<1024x128xf32, #tpu.memory_space<vmem>>, %arg7: memref<1024x128xf32, #tpu.memory_space<vmem>>) attributes {dimension_semantics = [#tpu.dimension_semantics<arbitrary>], iteration_bounds = array<i64: 10>, scalar_prefetch = 0 : i64, scratch_operands = 0 : i64, tpu.core_type = #tpu.core_type<tc>, window_params = [{transform_indices = @transform_0, window_bounds = array<i64: 2, 1024, 128>}, {transform_indices = @transform_1, window_bounds = array<i64: 1024, 128>}, {transform_indices = @transform_2, window_bounds = array<i64: 2, 1024, 8>}, {pipeline_mode = #tpu.pipeline_mode<synchronous>, transform_indices = @transform_3, window_bounds = array<i64: 1, 128>}, {pipeline_mode = #tpu.pipeline_mode<synchronous>, transform_indices = @transform_4, window_bounds = array<i64: 128, 128>}, {transform_indices = @transform_5, window_bounds = array<i64: 1024, 128>}, {transform_indices = @transform_6, window_bounds = array<i64: 1024, 128>}]} {
    %get3A = arith.constant 0 : index
    %get3A_0 = arith.constant 0 : index
    %get3A_1 = arith.constant 0 : index
    %get3A_2 = vector.load %arg3[%get3A, %get3A_0, %get3A_1] : memref<2x1024x8xf32, #tpu.memory_space<vmem>>, vector<1x1024x8xf32>
    %get3A_3 = vector.shape_cast %get3A_2 : vector<1x1024x8xf32> to vector<1024x8xf32>
    %slice3A = vector.extract_strided_slice %get3A_3 {offsets = [0, 0], sizes = [1024, 1], strides = [1, 1]} : vector<1024x8xf32> to vector<1024x1xf32>
    %get3A_4 = arith.constant 1 : index
    %get3A_5 = arith.constant 0 : index
    %get3A_6 = arith.constant 0 : index
    %get3A_7 = vector.load %arg3[%get3A_4, %get3A_5, %get3A_6] : memref<2x1024x8xf32, #tpu.memory_space<vmem>>, vector<1x1024x8xf32>
    %get3A_8 = vector.shape_cast %get3A_7 : vector<1x1024x8xf32> to vector<1024x8xf32>
    %slice3A_9 = vector.extract_strided_slice %get3A_8 {offsets = [0, 0], sizes = [1024, 1], strides = [1, 1]} : vector<1024x8xf32> to vector<1024x1xf32>
    %add3A = arith.addf %slice3A, %slice3A_9 : vector<1024x1xf32>
    %add3A_10 = arith.constant 1.000000e+00 : f32
    %add3A_11 = vector.broadcast %add3A_10 : f32 to vector<1024x1xf32>
    %add3A_12 = arith.addf %add3A, %add3A_11 : vector<1024x1xf32>
    %rsqrt3A = math.rsqrt %add3A_12 : vector<1024x1xf32>
    %div3A = arith.constant 1.000000e+00 : f32
    %div3A_13 = vector.broadcast %div3A : f32 to vector<1024x1xf32>
    %div3A_14 = arith.divf %div3A_13, %add3A_12 : vector<1024x1xf32>
    %get3A_15 = arith.constant 0 : index
    %get3A_16 = arith.constant 0 : index
    %get3A_17 = vector.load %arg2[%get3A_15, %get3A_16] : memref<1024x128xf32, #tpu.memory_space<vmem>>, vector<1024x128xf32>
    %get3A_18 = arith.constant 0 : index
    %get3A_19 = arith.constant 0 : index
    %get3A_20 = arith.constant 0 : index
    %get3A_21 = vector.load %arg1[%get3A_18, %get3A_19, %get3A_20] : memref<2x1024x128xf32, #tpu.memory_space<vmem>>, vector<1x1024x128xf32>
    %get3A_22 = vector.shape_cast %get3A_21 : vector<1x1024x128xf32> to vector<1024x128xf32>
    %get3A_23 = arith.constant 1 : index
    %get3A_24 = arith.constant 0 : index
    %get3A_25 = arith.constant 0 : index
    %get3A_26 = vector.load %arg1[%get3A_23, %get3A_24, %get3A_25] : memref<2x1024x128xf32, #tpu.memory_space<vmem>>, vector<1x1024x128xf32>
    %get3A_27 = vector.shape_cast %get3A_26 : vector<1x1024x128xf32> to vector<1024x128xf32>
    %add3A_28 = arith.addf %get3A_22, %get3A_27 : vector<1024x128xf32>
    %mul3A = vector.broadcast %rsqrt3A : vector<1024x1xf32> to vector<1024x128xf32>
    %mul3A_29 = arith.mulf %add3A_28, %mul3A : vector<1024x128xf32>
    %mul3A_30 = vector.broadcast %div3A_14 : vector<1024x1xf32> to vector<1024x128xf32>
    %mul3A_31 = arith.mulf %get3A_17, %mul3A_30 : vector<1024x128xf32>
    %add3A_32 = arith.addf %mul3A_29, %mul3A_31 : vector<1024x128xf32>
    %get3A_33 = arith.constant 0 : index
    %get3A_34 = arith.constant 0 : index
    %get3A_35 = vector.load %arg4[%get3A_33, %get3A_34] : memref<1x128xf32, #tpu.memory_space<vmem>>, vector<1x128xf32>
    %add3A_36 = vector.broadcast %get3A_35 : vector<1x128xf32> to vector<1024x128xf32>
    %add3A_37 = arith.addf %add3A_32, %add3A_36 : vector<1024x128xf32>
    %max3A = arith.constant 0.000000e+00 : f32
    %max3A_38 = vector.broadcast %max3A : f32 to vector<1024x128xf32>
    %max3A_39 = arith.maximumf %add3A_37, %max3A_38 : vector<1024x128xf32>
    %get3A_40 = arith.constant 0 : index
    %get3A_41 = arith.constant 0 : index
    %get3A_42 = vector.load %arg5[%get3A_40, %get3A_41] : memref<128x128xf32, #tpu.memory_space<vmem>>, vector<128x128xf32>
    %dot_general3A = arith.constant dense<0.000000e+00> : vector<1024x128xf32>
    %dot_general3A_43 = tpu.matmul %max3A_39, %get3A_42, %dot_general3A {dimension_numbers = #tpu.dot_dimension_numbers<[1], [0], [0], [1], [0, 0, 1, 1], [], []>, transpose_lhs_hint = false} : vector<1024x128xf32>, vector<128x128xf32>, vector<1024x128xf32> -> vector<1024x128xf32>
    %swap3A = arith.constant 0 : index
    %swap3A_44 = arith.constant 0 : index
    %swap3A_45 = vector.load %arg6[%swap3A, %swap3A_44] : memref<1024x128xf32, #tpu.memory_space<vmem>>, vector<1024x128xf32>
    tpu.vector_store %arg6[%swap3A, %swap3A_44], %dot_general3A_43 {strides = array<i32>} : memref<1024x128xf32, #tpu.memory_space<vmem>>, vector<1024x128xf32>,
    %mul3A_46 = vector.broadcast %rsqrt3A : vector<1024x1xf32> to vector<1024x128xf32>
    %mul3A_47 = arith.mulf %dot_general3A_43, %mul3A_46 : vector<1024x128xf32>
    %swap3A_48 = arith.constant 0 : index
    %swap3A_49 = arith.constant 0 : index
    %swap3A_50 = vector.load %arg7[%swap3A_48, %swap3A_49] : memref<1024x128xf32, #tpu.memory_space<vmem>>, vector<1024x128xf32>
    tpu.vector_store %arg7[%swap3A_48, %swap3A_49], %mul3A_47 {strides = array<i32>} : memref<1024x128xf32, #tpu.memory_space<vmem>>, vector<1024x128xf32>,
    return
  }
  func.func @transform_0(%arg0: i32) -> (i32, i32, i32) {
    %c0_i32 = arith.constant 0 : i32
    %c0_i32_0 = arith.constant 0 : i32
    %c0_i32_1 = arith.constant 0 : i32
    return %c0_i32, %arg0, %c0_i32_0 : i32, i32, i32
  }
  func.func @transform_1(%arg0: i32) -> (i32, i32) {
    %c0_i32 = arith.constant 0 : i32
    %c0_i32_0 = arith.constant 0 : i32
    return %arg0, %c0_i32 : i32, i32
  }
  func.func @transform_2(%arg0: i32) -> (i32, i32, i32) {
    %c0_i32 = arith.constant 0 : i32
    %c0_i32_0 = arith.constant 0 : i32
    %c0_i32_1 = arith.constant 0 : i32
    return %c0_i32, %arg0, %c0_i32_0 : i32, i32, i32
  }
  func.func @transform_3(%arg0: i32) -> (i32, i32) {
    %c0_i32 = arith.constant 0 : i32
    %c0_i32_0 = arith.constant 0 : i32
    %c0_i32_1 = arith.constant 0 : i32
    return %c0_i32, %c0_i32_0 : i32, i32
  }
  func.func @transform_4(%arg0: i32) -> (i32, i32) {
    %c0_i32 = arith.constant 0 : i32
    %c0_i32_0 = arith.constant 0 : i32
    %c0_i32_1 = arith.constant 0 : i32
    return %c0_i32, %c0_i32_0 : i32, i32
  }
  func.func @transform_5(%arg0: i32) -> (i32, i32) {
    %c0_i32 = arith.constant 0 : i32
    %c0_i32_0 = arith.constant 0 : i32
    return %arg0, %c0_i32 : i32, i32
  }
  func.func @transform_6(%arg0: i32) -> (i32, i32) {
    %c0_i32 = arith.constant 0 : i32
    %c0_i32_0 = arith.constant 0 : i32
    return %arg0, %c0_i32 : i32, i32
  }
}

module attributes {stable_mosaic.version = 14 : i64} {
  func.func @_t3_body(%arg0: i32, %arg1: memref<2x1024x128xf32, #tpu.memory_space<vmem>>, %arg2: memref<1024x128xf32, #tpu.memory_space<vmem>>, %arg3: memref<2x1024x8xf32, #tpu.memory_space<vmem>>, %arg4: memref<1x128xf32, #tpu.memory_space<vmem>>, %arg5: memref<128x128xf32, #tpu.memory_space<vmem>>, %arg6: memref<1x128xf32, #tpu.memory_space<vmem>>, %arg7: memref<1024x128xf32, #tpu.memory_space<vmem>>) attributes {dimension_semantics = [#tpu.dimension_semantics<arbitrary>], iteration_bounds = array<i64: 10>, scalar_prefetch = 0 : i64, scratch_operands = 0 : i64, tpu.core_type = #tpu.core_type<tc>, window_params = [{transform_indices = @transform_0, window_bounds = array<i64: 2, 1024, 128>}, {transform_indices = @transform_1, window_bounds = array<i64: 1024, 128>}, {transform_indices = @transform_2, window_bounds = array<i64: 2, 1024, 8>}, {pipeline_mode = #tpu.pipeline_mode<synchronous>, transform_indices = @transform_3, window_bounds = array<i64: 1, 128>}, {pipeline_mode = #tpu.pipeline_mode<synchronous>, transform_indices = @transform_4, window_bounds = array<i64: 128, 128>}, {pipeline_mode = #tpu.pipeline_mode<synchronous>, transform_indices = @transform_5, window_bounds = array<i64: 1, 128>}, {transform_indices = @transform_6, window_bounds = array<i64: 1024, 128>}]} {
    %get3A = arith.constant 0 : index
    %get3A_0 = arith.constant 0 : index
    %get3A_1 = arith.constant 0 : index
    %get3A_2 = vector.load %arg3[%get3A, %get3A_0, %get3A_1] : memref<2x1024x8xf32, #tpu.memory_space<vmem>>, vector<1x1024x8xf32>
    %get3A_3 = vector.shape_cast %get3A_2 : vector<1x1024x8xf32> to vector<1024x8xf32>
    %slice3A = vector.extract_strided_slice %get3A_3 {offsets = [0, 0], sizes = [1024, 1], strides = [1, 1]} : vector<1024x8xf32> to vector<1024x1xf32>
    %get3A_4 = arith.constant 1 : index
    %get3A_5 = arith.constant 0 : index
    %get3A_6 = arith.constant 0 : index
    %get3A_7 = vector.load %arg3[%get3A_4, %get3A_5, %get3A_6] : memref<2x1024x8xf32, #tpu.memory_space<vmem>>, vector<1x1024x8xf32>
    %get3A_8 = vector.shape_cast %get3A_7 : vector<1x1024x8xf32> to vector<1024x8xf32>
    %slice3A_9 = vector.extract_strided_slice %get3A_8 {offsets = [0, 0], sizes = [1024, 1], strides = [1, 1]} : vector<1024x8xf32> to vector<1024x1xf32>
    %add3A = arith.addf %slice3A, %slice3A_9 : vector<1024x1xf32>
    %add3A_10 = arith.constant 1.000000e+00 : f32
    %add3A_11 = vector.broadcast %add3A_10 : f32 to vector<1024x1xf32>
    %add3A_12 = arith.addf %add3A, %add3A_11 : vector<1024x1xf32>
    %rsqrt3A = math.rsqrt %add3A_12 : vector<1024x1xf32>
    %div3A = arith.constant 1.000000e+00 : f32
    %div3A_13 = vector.broadcast %div3A : f32 to vector<1024x1xf32>
    %div3A_14 = arith.divf %div3A_13, %add3A_12 : vector<1024x1xf32>
    %get3A_15 = arith.constant 0 : index
    %get3A_16 = arith.constant 0 : index
    %get3A_17 = arith.constant 0 : index
    %get3A_18 = vector.load %arg1[%get3A_15, %get3A_16, %get3A_17] : memref<2x1024x128xf32, #tpu.memory_space<vmem>>, vector<1x1024x128xf32>
    %get3A_19 = vector.shape_cast %get3A_18 : vector<1x1024x128xf32> to vector<1024x128xf32>
    %get3A_20 = arith.constant 1 : index
    %get3A_21 = arith.constant 0 : index
    %get3A_22 = arith.constant 0 : index
    %get3A_23 = vector.load %arg1[%get3A_20, %get3A_21, %get3A_22] : memref<2x1024x128xf32, #tpu.memory_space<vmem>>, vector<1x1024x128xf32>
    %get3A_24 = vector.shape_cast %get3A_23 : vector<1x1024x128xf32> to vector<1024x128xf32>
    %add3A_25 = arith.addf %get3A_19, %get3A_24 : vector<1024x128xf32>
    %mul3A = vector.broadcast %rsqrt3A : vector<1024x1xf32> to vector<1024x128xf32>
    %mul3A_26 = arith.mulf %add3A_25, %mul3A : vector<1024x128xf32>
    %get3A_27 = arith.constant 0 : index
    %get3A_28 = arith.constant 0 : index
    %get3A_29 = vector.load %arg2[%get3A_27, %get3A_28] : memref<1024x128xf32, #tpu.memory_space<vmem>>, vector<1024x128xf32>
    %mul3A_30 = vector.broadcast %div3A_14 : vector<1024x1xf32> to vector<1024x128xf32>
    %mul3A_31 = arith.mulf %get3A_29, %mul3A_30 : vector<1024x128xf32>
    %add3A_32 = arith.addf %mul3A_26, %mul3A_31 : vector<1024x128xf32>
    %get3A_33 = arith.constant 0 : index
    %get3A_34 = arith.constant 0 : index
    %get3A_35 = vector.load %arg4[%get3A_33, %get3A_34] : memref<1x128xf32, #tpu.memory_space<vmem>>, vector<1x128xf32>
    %add3A_36 = vector.broadcast %get3A_35 : vector<1x128xf32> to vector<1024x128xf32>
    %add3A_37 = arith.addf %add3A_32, %add3A_36 : vector<1024x128xf32>
    %get3A_38 = arith.constant 0 : index
    %get3A_39 = arith.constant 0 : index
    %get3A_40 = vector.load %arg5[%get3A_38, %get3A_39] : memref<128x128xf32, #tpu.memory_space<vmem>>, vector<128x128xf32>
    %dot_general3A = arith.constant dense<0.000000e+00> : vector<1024x128xf32>
    %dot_general3A_41 = tpu.matmul %add3A_37, %get3A_40, %dot_general3A {dimension_numbers = #tpu.dot_dimension_numbers<[1], [0], [0], [1], [0, 0, 1, 1], [], []>, transpose_lhs_hint = false} : vector<1024x128xf32>, vector<128x128xf32>, vector<1024x128xf32> -> vector<1024x128xf32>
    %get3A_42 = arith.constant 0 : index
    %get3A_43 = arith.constant 0 : index
    %get3A_44 = vector.load %arg6[%get3A_42, %get3A_43] : memref<1x128xf32, #tpu.memory_space<vmem>>, vector<1x128xf32>
    %add3A_45 = vector.broadcast %get3A_44 : vector<1x128xf32> to vector<1024x128xf32>
    %add3A_46 = arith.addf %dot_general3A_41, %add3A_45 : vector<1024x128xf32>
    %swap3A = arith.constant 0 : index
    %swap3A_47 = arith.constant 0 : index
    %swap3A_48 = vector.load %arg7[%swap3A, %swap3A_47] : memref<1024x128xf32, #tpu.memory_space<vmem>>, vector<1024x128xf32>
    tpu.vector_store %arg7[%swap3A, %swap3A_47], %add3A_46 {strides = array<i32>} : memref<1024x128xf32, #tpu.memory_space<vmem>>, vector<1024x128xf32>,
    return
  }
  func.func @transform_0(%arg0: i32) -> (i32, i32, i32) {
    %c0_i32 = arith.constant 0 : i32
    %c0_i32_0 = arith.constant 0 : i32
    %c0_i32_1 = arith.constant 0 : i32
    return %c0_i32, %arg0, %c0_i32_0 : i32, i32, i32
  }
  func.func @transform_1(%arg0: i32) -> (i32, i32) {
    %c0_i32 = arith.constant 0 : i32
    %c0_i32_0 = arith.constant 0 : i32
    return %arg0, %c0_i32 : i32, i32
  }
  func.func @transform_2(%arg0: i32) -> (i32, i32, i32) {
    %c0_i32 = arith.constant 0 : i32
    %c0_i32_0 = arith.constant 0 : i32
    %c0_i32_1 = arith.constant 0 : i32
    return %c0_i32, %arg0, %c0_i32_0 : i32, i32, i32
  }
  func.func @transform_3(%arg0: i32) -> (i32, i32) {
    %c0_i32 = arith.constant 0 : i32
    %c0_i32_0 = arith.constant 0 : i32
    %c0_i32_1 = arith.constant 0 : i32
    return %c0_i32, %c0_i32_0 : i32, i32
  }
  func.func @transform_4(%arg0: i32) -> (i32, i32) {
    %c0_i32 = arith.constant 0 : i32
    %c0_i32_0 = arith.constant 0 : i32
    %c0_i32_1 = arith.constant 0 : i32
    return %c0_i32, %c0_i32_0 : i32, i32
  }
  func.func @transform_5(%arg0: i32) -> (i32, i32) {
    %c0_i32 = arith.constant 0 : i32
    %c0_i32_0 = arith.constant 0 : i32
    %c0_i32_1 = arith.constant 0 : i32
    return %c0_i32, %c0_i32_0 : i32, i32
  }
  func.func @transform_6(%arg0: i32) -> (i32, i32) {
    %c0_i32 = arith.constant 0 : i32
    %c0_i32_0 = arith.constant 0 : i32
    return %arg0, %c0_i32 : i32, i32
  }
}

</mosaic_0001>

<sc_bundles>
// kernel: kernel.11.cloned.1.call-start
scs
__scs_entry_jumppad:
0x0: {  	(pc) =	sbr.rel $0x88, $3  }
0x1: {  	(tag) =	ssettag $0x0;
	lr =	simm.s32 $0x1  }
0x2: {  	[smem:$0x3F99] =	sst lr;
	_ =	strace $0xD0000000  }
0x3: {  	_ = 	snop  }
0x4: {  	_ = 	snop  }
0x5: {  	_ = 	snop  }
0x6: {  	_ = 	snop  }
0x7: {  	_ = 	snop  }
__scs_overlays_trampoline_lowered:
0x8: {  	[smem:$0x3FA8] =	sst s0  }
0x9: {  	[smem:$0x3FA9] =	sst s1  }
0xa: {  	[smem:$0x3FAA] =	sst s2  }
0xb: {  	[smem:$0x3FAB] =	sst s3  }
0xc: {  	[smem:$0x3FAC] =	sst s4  }
0xd: {  	[smem:$0x3FAD] =	sst s5  }
0xe: {  	[smem:$0x3FAE] =	sst s6  }
0xf: {  	[smem:$0x3FAF] =	sst s7  }
0x10: {  	[smem:$0x3FB0] =	sst s8  }
0x11: {  	[smem:$0x3FB1] =	sst s9;
	s0 =	simm.s32 @!p0 $0x0  }
0x12: {  	s1 =	sld [smem:$0x3F97];
	s0 =	simm.s32 @p0 $0x1  }
0x13: {  	[smem:$0x3FB2] =	sst s0;
	s0 =	simm.s32 @!p1 $0x0  }
0x14: {  	s2 =	sld [smem:$0x3F96];
	s0 =	simm.s32 @p1 $0x1  }
0x15: {  	[smem:$0x3FB3] =	sst s0;
	s0 =	simm.s32 @!p2 $0x0  }
0x16: {  	s3 =	sld [smem:$0x3FDB];
	s0 =	simm.s32 @p2 $0x1  }
0x17: {  	s4 =	simm.s32 $0x1BF5;
	[smem:$0x3FB5] =	sst s0  }
0x18: {  	s0 =	sld [smem:$0x3F98];
	_ =	swait.ge [sflag:s4], $0x0  }
0x19: {  	s7 =	sld [smem:$0x3F99]  }
0x1a: {  	s8 =	sadd.s32 $0xFFFFE003, lr  }
0x1b: {  	s9 =	sadd.s32 $0xFFFFFEF7, lr;
	s5 =	simm.s32 $0xFFFFFFFF;
	p2 =	slt.u32 s8, $0xFFFFF086  }
0x1c: {  	p1 =	slt.u32 s9, $0xF7A;
	s5 =	simm.s32 @!p2 $0x0  }
0x1d: {  	s5 =	simm.s32 @p1 $0x1;
	p0 =	seq.s32 s7, s2  }
0x1e: {  	s7 =	smul.u32 @!p0 $0xF7A, s2;
	p2 =	seq.s32 @!p0 s5, $0x0  }
0x1f: {  	s9 =	smul.u32 $0xF7A, s1;
	s8 =	simm.s32 @!p0 $0x1BF5;
	p2 =	por !p2, p0  }
0x20: {  	[sflag:s8] =	ssyncset.s32 @!p0 $0xFFFFF086;
	s6 =	sadd.s32 @!p0 s3, s7;
	s7 =	simm.s32 @!p0 $0x108  }
0x21: {  	s3 =	sadd.s32 s3, s9;
	s6 =	sadd.s32 @!p0 $0x88, s6;
	s7 =	simm.s32 @p2 $0x1082  }
0x22: {  	[simem:s7], [sflag:s8] =	dma.local @!p0 [hbm:s6], $0xF7A  }
0x23: {  	s9 =	sor.u32 $0xD0000000, s2;
	s6 =	simm.s32 $0x108;
	_ =	swait.ge @!p0 [sflag:s8], $0x0  }
0x24: {  	s3 =	sadd.s32 $0x88, s3;
	s6 =	simm.s32 @!p1 $0x1082;
	[sflag:s4] =	ssyncset.s32 $0xFFFFF086  }
0x25: {  	[simem:s6], [sflag:s4] =	dma.local [hbm:s3], $0xF7A  }
0x26: {  	[smem:$0x3F99] =	sst s1;
	(tag) =	ssettag s2;
	_ =	strace s9  }
0x27: {  	s1 =	sld [smem:$0x3FA9]  }
0x28: {  	s2 =	sld [smem:$0x3FAA]  }
0x29: {  	s4 =	sld [smem:$0x3FAC]  }
0x2a: {  	p0 =	seq.s32 s5, $0x0;
	s5 =	sld [smem:$0x3FAD]  }
0x2b: {  	s6 =	sld [smem:$0x3FAE]  }
0x2c: {  	s7 =	sld [smem:$0x3FAF]  }
0x2d: {  	s3 =	simm.s32 $0x108;
	s8 =	sld [smem:$0x3FB0]  }
0x2e: {  	s3 =	simm.s32 @!p0 $0x1082;
	s9 =	sld [smem:$0x3FB1]  }
0x2f: {  	lr =	sadd.s32 s0, s3;
	s0 =	sld [smem:$0x3FA8]  }
0x30: {  	s3 =	sld [smem:$0x3FAB]  }
0x31: {  	[smem:$0x3FB4] =	sst s10  }
0x32: {  	s10 =	sld [smem:$0x3FB2];
	_ =	sdelay $0x3  }
0x33: {  	p0 =	seq.s32 s10, $0x1;
	s10 =	sld [smem:$0x3FB4];
	_ =	sdelay $0x3  }
0x34: {  	[smem:$0x3FB4] =	sst s10  }
0x35: {  	s10 =	sld [smem:$0x3FB3];
	_ =	sdelay $0x3  }
0x36: {  	p1 =	seq.s32 s10, $0x1;
	s10 =	sld [smem:$0x3FB4];
	_ =	sdelay $0x3  }
0x37: {  	[smem:$0x3FB4] =	sst s10  }
0x38: {  	s10 =	sld [smem:$0x3FB5]  }
0x39: {  	_ = 	snop;
	(pc) =	sbr.ind lr, $3  }
0x3a: {  	_ = 	snop  }
0x3b: {  	_ = 	snop  }
0x3c: {  	p2 =	seq.s32 s10, $0x1;
	s10 =	sld [smem:$0x3FB4]  }
0x3d: {  	_ =	shalt  }
0x3e: {  	_ =	shalt  }
0x3f: {  	_ =	shalt  }
0x40: {  	_ =	shalt  }
0x41: {  	_ =	shalt  }
0x42: {  	_ =	shalt  }
0x43: {  	_ =	shalt  }
0x44: {  	_ =	shalt  }
0x45: {  	_ =	shalt  }
0x46: {  	_ =	shalt  }
0x47: {  	_ =	shalt  }
0x48: {  	_ =	shalt  }
0x49: {  	_ =	shalt  }
0x4a: {  	_ =	shalt  }
0x4b: {  	_ =	shalt  }
0x4c: {  	_ =	shalt  }
0x4d: {  	_ =	shalt  }
0x4e: {  	_ =	shalt  }
0x4f: {  	_ =	shalt  }
0x50: {  	_ =	shalt  }
0x51: {  	_ =	shalt  }
0x52: {  	_ =	shalt  }
0x53: {  	_ =	shalt  }
0x54: {  	_ =	shalt  }
0x55: {  	_ =	shalt  }
0x56: {  	_ =	shalt  }
0x57: {  	_ =	shalt  }
0x58: {  	_ =	shalt  }
0x59: {  	_ =	shalt  }
0x5a: {  	_ =	shalt  }
0x5b: {  	_ =	shalt  }
0x5c: {  	_ =	shalt  }
0x5d: {  	_ =	shalt  }
0x5e: {  	_ =	shalt  }
0x5f: {  	_ =	shalt  }
0x60: {  	_ =	shalt  }
0x61: {  	_ =	shalt  }
0x62: {  	_ =	shalt  }
0x63: {  	_ =	shalt  }
0x64: {  	_ =	shalt  }
0x65: {  	_ =	shalt  }
0x66: {  	_ =	shalt  }
0x67: {  	_ =	shalt  }
0x68: {  	_ =	shalt  }
0x69: {  	_ =	shalt  }
0x6a: {  	_ =	shalt  }
0x6b: {  	_ =	shalt  }
0x6c: {  	_ =	shalt  }
0x6d: {  	_ =	shalt  }
0x6e: {  	_ =	shalt  }
0x6f: {  	_ =	shalt  }
0x70: {  	_ =	shalt  }
0x71: {  	_ =	shalt  }
0x72: {  	_ =	shalt  }
0x73: {  	_ =	shalt  }
0x74: {  	_ =	shalt  }
0x75: {  	_ =	shalt  }
0x76: {  	_ =	shalt  }
0x77: {  	_ =	shalt  }
0x78: {  	_ =	shalt  }
0x79: {  	_ =	shalt  }
0x7a: {  	_ =	shalt  }
0x7b: {  	_ =	shalt  }
0x7c: {  	_ =	shalt  }
0x7d: {  	_ =	shalt  }
0x7e: {  	_ =	shalt  }
0x7f: {  	_ =	shalt  }
0x80: {  	_ =	shalt  }
0x81: {  	_ =	shalt  }
0x82: {  	_ =	shalt  }
0x83: {  	_ =	shalt  }
0x84: {  	_ =	shalt  }
0x85: {  	_ =	shalt  }
0x86: {  	_ =	shalt  }
0x87: {  	_ =	shalt  }
.Lfunc_end0:
.L_simem_size_0:
called_computation.1_lowered:
.L_overlay_start_0:
0x88: {  	s2 =	sld [smem:$0x3FD9]  }
0x89: {  	s3 =	sld [smem:$0x3FFE];
	_ =	sdelay $0x1  }
0x8a: {  	s1 =	srdreg.scid  }
0x8b: {  	s0 =	sand.u32 $0x1, s1  }
0x8c: {  	s16 =	sshll.u32 s0, $0xA;
	s2 =	sadd.s32 s3, s2  }
0x8d: {  	s2 =	sadd.s32 s2, s16  }
0x8e: {  	[smem:$0x3FC0] =	sst s2  }
0x8f: {  	_ = 	snop  }
0x90: {  	(tm) =	ssettm $0x1  }
0x91: {  	s17 =	sld [smem:$0x3FFB];
	_ =	sdelay $0x3  }
0x92: {  	_ =	strace s17  }
0x93: {  	s2 =	sld [smem:$0x3FFC];
	_ =	sdelay $0x3  }
0x94: {  	_ =	strace s2  }
0x95: {  	s2 =	sld [smem:$0x3FFD];
	_ =	sdelay $0x3  }
0x96: {  	_ =	strace s2  }
0x97: {  	_ =	strace $0x8FFFFFFF  }
0x98: {  	s18 =	sld [smem:$0x3FDB];
	_ =	sdelay $0x1  }
0x99: {  	s19 =	simm.s32 $_scs_section_size  }
0x9a: {  	s4 =	simm.s32 $_size__tile_overlayer_lowered;
	s5 =	simm.s32 $_tile_overlayer_lowered  }
0x9b: {  	s22 =	simm.s32 $0x1BFF;
	s21 =	sshll.u32 s5, $0x1;
	s2 =	sadd.s32 s19, s18  }
0x9c: {  	s6 =	simm.s32 $0x0;
	s20 =	sshll.u32 s4, $0x1;
	s4 =	sadd.s32 s21, s2  }
0x9d: {  	[timem:s6], [sflag:s22] =	dma.local [hbm:s4], s20  }
0x9e: {  	_ =	swait.ge [sflag:s22], s20  }
0x9f: {  	s3 =	ssub.s32 $0x0, s20;
	[sflag:s22] =	ssyncset.done $0x0  }
0xa0: {  	[sflag:s22] =	ssyncadd.s32 s3;
	_ =	sdelay $0x1  }
0xa1: {  	s23 =	simm.s32 $0x1B8B  }
0xa2: {  	_ =	swait.ge [sflag:s23], $0x1  }
0xa3: {  	[sflag:s23] =	ssyncset.done $0x0  }
0xa4: {  	s25 =	simm.s32 $0x1B8E;
	s24 =	sld [smem:$0x3FFE];
	[sflag:s23] =	ssyncadd.s32 $0xFFFFFFFF  }
0xa5: {  	s26 =	simm.s32 $execute0_lowered;
	[smem:$0x3FD2] =	sst s25  }
0xa6: {  	s4 =	sshll.u32 s26, $0x1;
	_ =	strace $0x80000049;
	[dreg:$0x1] =	wrdreg $0xFFFFFFFF  }
0xa7: {  	s28 =	simm.s32 $_size_execute0_lowered;
	s2 =	sadd.s32 s2, s4;
	[dreg:$0x0] =	wrdreg $0x0  }
0xa8: {  	s4 =	sshll.u32 s28, $0x1;
	[dreg:$0x2] =	wrdreg s2  }
0xa9: {  	[dreg:$0x3] =	wrdreg s4  }
0xaa: {  	[dreg:$0x4] =	wrdreg $0xC0  }
0xab: {  	_ =	task [dreg:s6], $0x5FFFF  }
0xac: {  	[dreg:$0x1] =	wrdreg $0xFFFFFFFF  }
0xad: {  	[dreg:$0x0] =	wrdreg $0x60  }
0xae: {  	[dreg:$0x2] =	wrdreg s24  }
0xaf: {  	[dreg:$0x3] =	wrdreg $0x7C000  }
0xb0: {  	[dreg:$0x4] =	wrdreg $0x9  }
0xb1: {  	_ =	task.clear_ibuf [dreg:s6], $0x5FFFF;
	_ =	strace $0x90000049  }
0xb2: {  	s29 =	simm.s32 $0x9;
	_ =	strace $0x8000004B  }
0xb3: {  	_ =	swait.ge [sflag:s29], $0x1  }
0xb4: {  	[sflag:s29] =	ssyncadd.s32 $0xFFFFFFFF  }
0xb5: {  	_ =	strace $0x9000004B  }
0xb6: {  	_ =	sfence  }
0xb7: {  	s30 =	sld [smem:$0x0];
	_ =	sdelay $0x2  }
0xb8: {  	s31 =	sshll.u32 s1, $0xD;
	s1 =	sshrl.u32 s1, $0x2  }
0xb9: {  	s3 =	sand.u32 $0x4000, s31;
	s1 =	sadd.s32 s1, s30  }
0xba: {  	s0 =	sor.u32 s3, s0;
	s1 =	sshll.u32 s1, $0x11  }
0xbb: {  	s0 =	sor.u32 s1, s0  }
0xbc: {  	s0 =	sadd.s32 $0x8F2B, s0  }
0xbd: {  	[sflag:s0] =	ssyncadd.remote.s32 $0x1  }
0xbe: {  	_ =	sfence.sel $0xFFFF  }
0xbf: {  	[dreg:$0x0] =	wrdreg $0xFFFFFFFF;
	(pc) =	sbr.abs _section_cstart, $3  }
0xc0: {  	[dreg:$0x1] =	wrdreg $0xFFFFFFFF  }
0xc1: {  	_ =	task.clear_ibuf [dreg:s6], $0x2FFFF;
	_ =	strace $0x9FFFFFFF  }
0xc2: {  	(tm) =	ssettm $0x7FFFFFFF  }
0xc3: {  	_ =	shalt  }
tec
execute0_lowered:
.L_overlay_start_1:
0x0: {  	(tag) =	ssettag $0x1  }
0x1: {  	s0 =	rddreg [dreg:$0x0]  }
0x2: {  	s1 =	rddreg [dreg:$0x1];
	s2 =	simm.s32 $0x0  }
0x3: {  	s3 =	srdreg.scid;
	s12 =	stileid.u32;
	s28 =	simm.s32 $0x50  }
0x4: {  	s29 =	simm.s32 $0x400;
	s30 =	simm.s32 $0x5400;
	s31 =	simm.s32 $0x5  }
0x5: {  	[smem:$0x7FF] =	sst s2;
	s4 =	sadd.s32 $0x78600, s0;
	s7 =	smul.u32 $0x2800, s12  }
0x6: {  	s3 =	sand.u32 $0x1, s3;
	s6 =	sshll.u32 s12, $0x1;
	s11 =	smul.u32 $0x50000, s12  }
0x7: {  	s5 =	sadd.s32 $0x1C00, s0;
	s13 =	sadd.s32 $0x25800, s0;
	s20 =	smul.u32 $0x4E20, s12  }
0x8: {  	s16 =	sshll.u32 s12, $0x6;
	_ =	strace $0x8000004A;
	s8 =	smul.u32 $0x28000, s3  }
0x9: {  	s9 =	sor.u32 s3, s6;
	s6 =	sadd.s32 $0xBA00, s0;
	s10 =	ssub.s32 $0x2, s3  }
0xa: {  	[dreg:$0x19] =	wrdreg s13;
	s21 =	sor.u32 $0x1C0B, s16;
	s3 =	smul.u32 $0x2710, s3  }
0xb: {  	s9 =	smul.u32 $0x2710, s9;
	s14 =	sshrl.u32 s10, $0x1;
	s15 =	sshrl.u32 s11, $0x2  }
0xc: {  	[dreg:$0x1b] =	wrdreg s21;
	s7 =	sadd.s32 s7, s8;
	s8 =	sadd.s32 s15, s1  }
0xd: {  	s3 =	sadd.s32 s3, s20;
	s7 =	sadd.s32 s7, s0;
	s0 =	ssub.s32 s10, s14  }
0xe: {  	s9 =	sshrl.u32 s9, $0x3;
	[dreg:$0x1a] =	wrdreg s8;
	s13 =	sadd.s32 $0x410, s3  }
0xf: {  	s17 =	sadd.s32 s5, s9;
	s18 =	sadd.s32 s6, s9;
	s19 =	sadd.s32 $0xA, s9  }
0x10: {  	s23 =	sadd.s32 $0x4C4, s9;
	s25 =	sadd.s32 $0x4CE, s9;
	[dreg:$0x1c] =	wrdreg s17  }
0x11: {  	s12 =	sadd.s32 $0x4D8, s9;
	s7 =	sadd.s32 $0xA0600, s7;
	[dreg:$0x1d] =	wrdreg s18  }
0x12: {  	s15 =	sshrl.u32 s13, $0x3;
	s0 =	smax.u32 s0, $0x1;
	[smem:$0x7FB] =	sst s7  }
0x13: {  	s13 =	sadd.s32 $0x280, s3;
	s22 =	sadd.s32 s5, s19;
	[smem:$0x7FC] =	sst s0  }
0x14: {  	s9 =	simm.s32 $0x0;
	s8 =	sadd.s32 s6, s19;
	[dreg:$0x1e] =	wrdreg s22  }
0x15: {  	s24 =	sadd.s32 s5, s23;
	s11 =	sadd.s32 s6, s23;
	[dreg:$0x1f] =	wrdreg s8  }
0x16: {  	s26 =	sadd.s32 s5, s25;
	s14 =	sadd.s32 s5, s12;
	[smem:$0x7F5] =	sst s24  }
0x17: {  	s16 =	sadd.s32 s15, s6;
	s17 =	sadd.s32 $0x370, s3;
	[smem:$0x7F6] =	sst s11  }
0x18: {  	s18 =	sadd.s32 s15, s5;
	s15 =	sshrl.u32 s13, $0x3;
	[smem:$0x7F7] =	sst s26  }
0x19: {  	s13 =	sadd.s32 $0x140, s3;
	s0 =	simm.s32 $0x2;
	[smem:$0x7F9] =	sst s14  }
0x1a: {  	s8 =	sadd.s32 s6, s25;
	[dreg:$0x3] =	wrdreg s16;
	s19 =	sshrl.u32 s17, $0x3  }
0x1b: {  	[dreg:$0x4] =	wrdreg s18;
	s22 =	sadd.s32 $0x320, s3;
	s26 =	sadd.s32 $0x2D0, s3  }
0x1c: {  	s16 =	sadd.s32 s15, s6;
	s17 =	sadd.s32 $0x230, s3;
	s18 =	sadd.s32 s15, s5  }
0x1d: {  	s15 =	sshrl.u32 s13, $0x3;
	s13 =	simm.s32 $0x3;
	[smem:$0x7F8] =	sst s8  }
0x1e: {  	s8 =	sadd.s32 s6, s12;
	s20 =	sadd.s32 s19, s6;
	[dreg:$0xb] =	wrdreg s16  }
0x1f: {  	s23 =	sadd.s32 s19, s5;
	s24 =	sshrl.u32 s22, $0x3;
	[dreg:$0xc] =	wrdreg s18  }
0x20: {  	s11 =	sshrl.u32 s26, $0x3;
	s19 =	sshrl.u32 s17, $0x3;
	[smem:$0x7FA] =	sst s8  }
0x21: {  	s22 =	sadd.s32 $0x1E0, s3;
	s26 =	sadd.s32 $0x190, s3;
	[dreg:$0x5] =	wrdreg s20  }
0x22: {  	s16 =	sadd.s32 s15, s6;
	s17 =	sadd.s32 $0xF0, s3;
	[dreg:$0x6] =	wrdreg s23  }
0x23: {  	s18 =	sadd.s32 s15, s5;
	s15 =	simm.s32 $0x180;
	[dreg:$0x13] =	wrdreg s16  }
0x24: {  	s25 =	sadd.s32 s24, s6;
	s10 =	sadd.s32 s24, s5;
	[dreg:$0x14] =	wrdreg s18  }
0x25: {  	s12 =	sadd.s32 s11, s6;
	s14 =	sadd.s32 s11, s5;
	[dreg:$0x7] =	wrdreg s25  }
0x26: {  	s20 =	sadd.s32 s19, s6;
	s23 =	sadd.s32 s19, s5;
	[dreg:$0x8] =	wrdreg s10  }
0x27: {  	s24 =	sshrl.u32 s22, $0x3;
	s11 =	sshrl.u32 s26, $0x3;
	[dreg:$0x9] =	wrdreg s12  }
0x28: {  	s19 =	sshrl.u32 s17, $0x3;
	s22 =	sadd.s32 $0xA0, s3;
	[dreg:$0xa] =	wrdreg s14  }
0x29: {  	s3 =	sadd.s32 $0x3C0, s3;
	s8 =	simm.s32 $0x2C00;
	[dreg:$0xd] =	wrdreg s20  }
0x2a: {  	s16 =	simm.s32 $0x380;
	s17 =	simm.s32 $0x7;
	[dreg:$0xe] =	wrdreg s23  }
0x2b: {  	s18 =	simm.s32 $0x4;
	s25 =	sadd.s32 s24, s6;
	[smem:$0x7FD] =	sst s3  }
0x2c: {  	s10 =	sadd.s32 s24, s5;
	s12 =	sadd.s32 s11, s6;
	[dreg:$0xf] =	wrdreg s25  }
0x2d: {  	s14 =	sadd.s32 s11, s5;
	s20 =	sadd.s32 s19, s6;
	[dreg:$0x10] =	wrdreg s10  }
0x2e: {  	s23 =	sadd.s32 s19, s5;
	s24 =	sshrl.u32 s22, $0x3;
	[dreg:$0x11] =	wrdreg s12  }
0x2f: {  	s22 =	simm.s32 $0xB;
	s3 =	simm.s32 $0x9;
	[dreg:$0x12] =	wrdreg s14  }
0x30: {  	s11 =	simm.s32 $0x300;
	s19 =	simm.s32 $0x8;
	[dreg:$0x15] =	wrdreg s20  }
0x31: {  	[dreg:$0x16] =	wrdreg s23;
	s25 =	sadd.s32 s24, s6;
	s26 =	sadd.s32 s24, s5  }
0x32: {  	s24 =	simm.s32 $0x200;
	s10 =	simm.s32 $0x100;
	s12 =	simm.s32 $0x6  }
0x33: {  	s14 =	simm.s32 $0xA;
	s20 =	simm.s32 $0x1;
	[dreg:$0x17] =	wrdreg s25  }
0x34: {  	[dreg:$0x18] =	wrdreg s26;
	s25 =	simm.s32 $0x80;
	s26 =	simm.s32 $0x280  }
.LBB2_1:
0x35: {  	[smem:$0x7F3] =	sst s9  }
0x36: {  	s7 =	rddreg [dreg:$0x1a]  }
0x37: {  	s23 =	sshrl.u32 s7, $0x3;
	s7 =	rddreg [dreg:$0x19]  }
0x38: {  	[smem:$0x7F4] =	sst s23  }
0x39: {  	[spmem:s23], [sflag:s21] =	dma.local [hbm:s7], $0x2800  }
0x3a: {  	_ =	swait.ge [sflag:s22], $0x2800  }
0x3b: {  	[sflag:s22] =	ssyncset.done $0x0  }
0x3c: {  	[sflag:s22] =	ssyncadd.s32 $0xFFFFD800  }
0x3d: {  	[bflag:$0x0] =	sbarrier.arrive $0xFFFF  }
0x3e: {  	s23 =	rddreg [dreg:$0x1c]  }
0x3f: {  	[tilespmem:s2], [sflag:$0xB] =	stream.linear.gather [hbm4b:s23+s2], $0x50, $0x38;
	[tilespmem:$0x1BC00] =	vst v63  }
0x40: {  	_ =	swait.ge [sflag:s22], $0x50  }
0x41: {  	[sflag:s22] =	ssyncset.done $0x0  }
0x42: {  	s21 =	rddreg [dreg:$0x1d];
	[sflag:s22] =	ssyncadd.s32 $0xFFFFFFB0  }
0x43: {  	[tilespmem:s24], [sflag:$0xB] =	stream.linear.gather [hbm4b:s21+s2], $0x50, $0x38;
	[tilespmem:$0x1BC00] =	vst v63  }
0x44: {  	_ =	swait.ge [sflag:s22], $0x50  }
0x45: {  	[sflag:s22] =	ssyncset.done $0x0  }
0x46: {  	s23 =	rddreg [dreg:$0x1e];
	[sflag:s22] =	ssyncadd.s32 $0xFFFFFFB0  }
0x47: {  	[tilespmem:s25], [sflag:$0x2] =	stream.linear.gather [hbm4b:s23+s2], $0x50, $0x38;
	[tilespmem:$0x1BC00] =	vst v63  }
0x48: {  	s21 =	rddreg [dreg:$0x1f]  }
0x49: {  	[tilespmem:s26], [sflag:$0x2] =	stream.linear.gather [hbm4b:s21+s2], $0x50, $0x38;
	[tilespmem:$0x1BC00] =	vst v63  }
0x4a: {  	_ = 	snop  }
0x4b: {  	[tilespmem:s29], [sflag:$0x5] =	stream.indirect.gather [hbm4b:s4+s28], $0x80, s2, s28, $0xb8;
	[tilespmem:$0x1BC00] =	vst v63  }
0x4c: {  	_ = 	snop  }
0x4d: {  	[tilespmem:s30], [sflag:$0xB] =	stream.linear.gather [hbm4b:s7+s2], $0x2800, $0x38;
	[tilespmem:$0x1BC00] =	vst v63  }
0x4e: {  	_ =	swait.ge [sflag:s22], $0x2800  }
0x4f: {  	[sflag:s22] =	ssyncset.done $0x0  }
0x50: {  	[sflag:s22] =	ssyncadd.s32 $0xFFFFD800  }
0x51: {  	[spmem:s1] =	stream.indirect.scatter.add.f32 [tilespmem:s30], [sflag:$0x9], $0x80, s24, s28, $0xb8;
	[tilespmem:$0x1BC00] =	vst v63  }
0x52: {  	_ = 	snop  }
0x53: {  	[spmem:s1] =	stream.indirect.scatter.add.f32 [tilespmem:s30], [sflag:$0xA], $0x80, s24, s28, $0xb8;
	[tilespmem:$0x1BC00] =	vst v63  }
0x54: {  	_ =	swait.ge [sflag:s31], $0x2800  }
0x55: {  	[sflag:s31] =	ssyncset.done $0x0  }
0x56: {  	[sflag:s31] =	ssyncadd.s32 $0xFFFFD800  }
0x57: {  	_ =	swait.ge [sflag:s0], $0x50  }
0x58: {  	[sflag:s0] =	ssyncset.done $0x0  }
0x59: {  	[sflag:s0] =	ssyncadd.s32 $0xFFFFFFB0  }
0x5a: {  	_ =	swait.ge [sflag:s0], $0x50  }
0x5b: {  	[sflag:s0] =	ssyncset.done $0x0  }
0x5c: {  	[sflag:s0] =	ssyncadd.s32 $0xFFFFFFB0  }
0x5d: {  	_ =	swait.ge [sflag:s3], $0x2800  }
0x5e: {  	[sflag:s3] =	ssyncset.done $0x0  }
0x5f: {  	s22 =	rddreg [dreg:$0x18];
	[sflag:s3] =	ssyncadd.s32 $0xFFFFD800  }
0x60: {  	[tilespmem:s8], [sflag:$0x6] =	stream.indirect.gather [hbm4b:s4+s28], $0x80, s25, s28, $0xb8;
	[tilespmem:$0x1BC00] =	vst v63  }
0x61: {  	s23 =	rddreg [dreg:$0x17];
	s7 =	sadd.s32 $0x0, s22  }
0x62: {  	[tilespmem:s10], [sflag:$0x3] =	stream.linear.gather [hbm4b:s7+s2], $0x50, $0x38;
	[tilespmem:$0x1BC00] =	vst v63  }
0x63: {  	s21 =	sadd.s32 $0x0, s23  }
0x64: {  	[tilespmem:s11], [sflag:$0x3] =	stream.linear.gather [hbm4b:s21+s2], $0x50, $0x38;
	[tilespmem:$0x1BC00] =	vst v63  }
0x65: {  	_ = 	snop  }
0x66: {  	[spmem:s1] =	stream.indirect.scatter.add.f32 [tilespmem:s29], [sflag:$0x8], $0x80, s24, s28, $0xb8;
	[tilespmem:$0x1BC00] =	vst v63  }
0x67: {  	_ =	swait.ge [sflag:s12], $0x2800  }
0x68: {  	[sflag:s12] =	ssyncset.done $0x0  }
0x69: {  	[sflag:s12] =	ssyncadd.s32 $0xFFFFD800  }
0x6a: {  	_ =	swait.ge [sflag:s13], $0x50  }
0x6b: {  	[sflag:s13] =	ssyncset.done $0x0  }
0x6c: {  	[sflag:s13] =	ssyncadd.s32 $0xFFFFFFB0  }
0x6d: {  	_ =	swait.ge [sflag:s13], $0x50  }
0x6e: {  	[sflag:s13] =	ssyncset.done $0x0  }
0x6f: {  	[sflag:s13] =	ssyncadd.s32 $0xFFFFFFB0  }
0x70: {  	_ =	swait.ge [sflag:s14], $0x2800  }
0x71: {  	[sflag:s14] =	ssyncset.done $0x0  }
0x72: {  	s22 =	rddreg [dreg:$0x16];
	[sflag:s14] =	ssyncadd.s32 $0xFFFFD800  }
0x73: {  	[tilespmem:s30], [sflag:$0x7] =	stream.indirect.gather [hbm4b:s4+s28], $0x80, s10, s28, $0xb8;
	[tilespmem:$0x1BC00] =	vst v63  }
0x74: {  	s23 =	rddreg [dreg:$0x15];
	s7 =	sadd.s32 $0x0, s22  }
0x75: {  	[tilespmem:s15], [sflag:$0x4] =	stream.linear.gather [hbm4b:s7+s2], $0x50, $0x38;
	[tilespmem:$0x1BC00] =	vst v63  }
0x76: {  	s21 =	sadd.s32 $0x0, s23  }
0x77: {  	[tilespmem:s16], [sflag:$0x4] =	stream.linear.gather [hbm4b:s21+s2], $0x50, $0x38;
	[tilespmem:$0x1BC00] =	vst v63  }
0x78: {  	_ = 	snop  }
0x79: {  	[spmem:s1] =	stream.indirect.scatter.add.f32 [tilespmem:s8], [sflag:$0x9], $0x80, s26, s28, $0xb8;
	[tilespmem:$0x1BC00] =	vst v63  }
0x7a: {  	_ =	swait.ge [sflag:s17], $0x2800  }
0x7b: {  	[sflag:s17] =	ssyncset.done $0x0  }
0x7c: {  	[sflag:s17] =	ssyncadd.s32 $0xFFFFD800  }
0x7d: {  	_ =	swait.ge [sflag:s18], $0x50  }
0x7e: {  	[sflag:s18] =	ssyncset.done $0x0  }
0x7f: {  	[sflag:s18] =	ssyncadd.s32 $0xFFFFFFB0  }
0x80: {  	_ =	swait.ge [sflag:s18], $0x50  }
0x81: {  	[sflag:s18] =	ssyncset.done $0x0  }
0x82: {  	[sflag:s18] =	ssyncadd.s32 $0xFFFFFFB0  }
0x83: {  	_ =	swait.ge [sflag:s19], $0x2800  }
0x84: {  	[sflag:s19] =	ssyncset.done $0x0  }
0x85: {  	s22 =	rddreg [dreg:$0x14];
	[sflag:s19] =	ssyncadd.s32 $0xFFFFD800  }
0x86: {  	[tilespmem:s29], [sflag:$0x5] =	stream.indirect.gather [hbm4b:s4+s28], $0x80, s15, s28, $0xb8;
	[tilespmem:$0x1BC00] =	vst v63  }
0x87: {  	s23 =	rddreg [dreg:$0x13];
	s7 =	sadd.s32 $0x0, s22  }
0x88: {  	[tilespmem:s2], [sflag:$0x1] =	stream.linear.gather [hbm4b:s7+s2], $0x50, $0x38;
	[tilespmem:$0x1BC00] =	vst v63  }
0x89: {  	s21 =	sadd.s32 $0x0, s23  }
0x8a: {  	[tilespmem:s24], [sflag:$0x1] =	stream.linear.gather [hbm4b:s21+s2], $0x50, $0x38;
	[tilespmem:$0x1BC00] =	vst v63  }
0x8b: {  	_ = 	snop  }
0x8c: {  	[spmem:s1] =	stream.indirect.scatter.add.f32 [tilespmem:s30], [sflag:$0xA], $0x80, s11, s28, $0xb8;
	[tilespmem:$0x1BC00] =	vst v63  }
0x8d: {  	_ =	swait.ge [sflag:s31], $0x2800  }
0x8e: {  	[sflag:s31] =	ssyncset.done $0x0  }
0x8f: {  	[sflag:s31] =	ssyncadd.s32 $0xFFFFD800  }
0x90: {  	_ =	swait.ge [sflag:s20], $0x50  }
0x91: {  	[sflag:s20] =	ssyncset.done $0x0  }
0x92: {  	[sflag:s20] =	ssyncadd.s32 $0xFFFFFFB0  }
0x93: {  	_ =	swait.ge [sflag:s20], $0x50  }
0x94: {  	[sflag:s20] =	ssyncset.done $0x0  }
0x95: {  	[sflag:s20] =	ssyncadd.s32 $0xFFFFFFB0  }
0x96: {  	_ =	swait.ge [sflag:s3], $0x2800  }
0x97: {  	[sflag:s3] =	ssyncset.done $0x0  }
0x98: {  	s22 =	rddreg [dreg:$0x12];
	[sflag:s3] =	ssyncadd.s32 $0xFFFFD800  }
0x99: {  	[tilespmem:s8], [sflag:$0x6] =	stream.indirect.gather [hbm4b:s4+s28], $0x80, s2, s28, $0xb8;
	[tilespmem:$0x1BC00] =	vst v63  }
0x9a: {  	s23 =	rddreg [dreg:$0x11];
	s7 =	sadd.s32 $0x0, s22  }
0x9b: {  	[tilespmem:s25], [sflag:$0x2] =	stream.linear.gather [hbm4b:s7+s2], $0x50, $0x38;
	[tilespmem:$0x1BC00] =	vst v63  }
0x9c: {  	s21 =	sadd.s32 $0x0, s23  }
0x9d: {  	[tilespmem:s26], [sflag:$0x2] =	stream.linear.gather [hbm4b:s21+s2], $0x50, $0x38;
	[tilespmem:$0x1BC00] =	vst v63  }
0x9e: {  	_ = 	snop  }
0x9f: {  	[spmem:s1] =	stream.indirect.scatter.add.f32 [tilespmem:s29], [sflag:$0x8], $0x80, s16, s28, $0xb8;
	[tilespmem:$0x1BC00] =	vst v63  }
0xa0: {  	_ =	swait.ge [sflag:s12], $0x2800  }
0xa1: {  	[sflag:s12] =	ssyncset.done $0x0  }
0xa2: {  	[sflag:s12] =	ssyncadd.s32 $0xFFFFD800  }
0xa3: {  	_ =	swait.ge [sflag:s0], $0x50  }
0xa4: {  	[sflag:s0] =	ssyncset.done $0x0  }
0xa5: {  	[sflag:s0] =	ssyncadd.s32 $0xFFFFFFB0  }
0xa6: {  	_ =	swait.ge [sflag:s0], $0x50  }
0xa7: {  	[sflag:s0] =	ssyncset.done $0x0  }
0xa8: {  	[sflag:s0] =	ssyncadd.s32 $0xFFFFFFB0  }
0xa9: {  	_ =	swait.ge [sflag:s14], $0x2800  }
0xaa: {  	[sflag:s14] =	ssyncset.done $0x0  }
0xab: {  	s22 =	rddreg [dreg:$0x10];
	[sflag:s14] =	ssyncadd.s32 $0xFFFFD800  }
0xac: {  	[tilespmem:s30], [sflag:$0x7] =	stream.indirect.gather [hbm4b:s4+s28], $0x80, s25, s28, $0xb8;
	[tilespmem:$0x1BC00] =	vst v63  }
0xad: {  	s23 =	rddreg [dreg:$0xf];
	s7 =	sadd.s32 $0x0, s22  }
0xae: {  	[tilespmem:s10], [sflag:$0x3] =	stream.linear.gather [hbm4b:s7+s2], $0x50, $0x38;
	[tilespmem:$0x1BC00] =	vst v63  }
0xaf: {  	s21 =	sadd.s32 $0x0, s23  }
0xb0: {  	[tilespmem:s11], [sflag:$0x3] =	stream.linear.gather [hbm4b:s21+s2], $0x50, $0x38;
	[tilespmem:$0x1BC00] =	vst v63  }
0xb1: {  	_ = 	snop  }
0xb2: {  	[spmem:s1] =	stream.indirect.scatter.add.f32 [tilespmem:s8], [sflag:$0x9], $0x80, s24, s28, $0xb8;
	[tilespmem:$0x1BC00] =	vst v63  }
0xb3: {  	_ =	swait.ge [sflag:s17], $0x2800  }
0xb4: {  	[sflag:s17] =	ssyncset.done $0x0  }
0xb5: {  	[sflag:s17] =	ssyncadd.s32 $0xFFFFD800  }
0xb6: {  	_ =	swait.ge [sflag:s13], $0x50  }
0xb7: {  	[sflag:s13] =	ssyncset.done $0x0  }
0xb8: {  	[sflag:s13] =	ssyncadd.s32 $0xFFFFFFB0  }
0xb9: {  	_ =	swait.ge [sflag:s13], $0x50  }
0xba: {  	[sflag:s13] =	ssyncset.done $0x0  }
0xbb: {  	[sflag:s13] =	ssyncadd.s32 $0xFFFFFFB0  }
0xbc: {  	_ =	swait.ge [sflag:s19], $0x2800  }
0xbd: {  	[sflag:s19] =	ssyncset.done $0x0  }
0xbe: {  	s22 =	rddreg [dreg:$0xe];
	[sflag:s19] =	ssyncadd.s32 $0xFFFFD800  }
0xbf: {  	[tilespmem:s29], [sflag:$0x5] =	stream.indirect.gather [hbm4b:s4+s28], $0x80, s10, s28, $0xb8;
	[tilespmem:$0x1BC00] =	vst v63  }
0xc0: {  	s23 =	rddreg [dreg:$0xd];
	s7 =	sadd.s32 $0x0, s22  }
0xc1: {  	[tilespmem:s15], [sflag:$0x4] =	stream.linear.gather [hbm4b:s7+s2], $0x50, $0x38;
	[tilespmem:$0x1BC00] =	vst v63  }
0xc2: {  	s21 =	sadd.s32 $0x0, s23  }
0xc3: {  	[tilespmem:s16], [sflag:$0x4] =	stream.linear.gather [hbm4b:s21+s2], $0x50, $0x38;
	[tilespmem:$0x1BC00] =	vst v63  }
0xc4: {  	_ = 	snop  }
0xc5: {  	[spmem:s1] =	stream.indirect.scatter.add.f32 [tilespmem:s30], [sflag:$0xA], $0x80, s26, s28, $0xb8;
	[tilespmem:$0x1BC00] =	vst v63  }
0xc6: {  	_ =	swait.ge [sflag:s31], $0x2800  }
0xc7: {  	[sflag:s31] =	ssyncset.done $0x0  }
0xc8: {  	[sflag:s31] =	ssyncadd.s32 $0xFFFFD800  }
0xc9: {  	_ =	swait.ge [sflag:s18], $0x50  }
0xca: {  	[sflag:s18] =	ssyncset.done $0x0  }
0xcb: {  	[sflag:s18] =	ssyncadd.s32 $0xFFFFFFB0  }
0xcc: {  	_ =	swait.ge [sflag:s18], $0x50  }
0xcd: {  	[sflag:s18] =	ssyncset.done $0x0  }
0xce: {  	[sflag:s18] =	ssyncadd.s32 $0xFFFFFFB0  }
0xcf: {  	_ =	swait.ge [sflag:s3], $0x2800  }
0xd0: {  	[sflag:s3] =	ssyncset.done $0x0  }
0xd1: {  	s22 =	rddreg [dreg:$0xc];
	[sflag:s3] =	ssyncadd.s32 $0xFFFFD800  }
0xd2: {  	[tilespmem:s8], [sflag:$0x6] =	stream.indirect.gather [hbm4b:s4+s28], $0x80, s15, s28, $0xb8;
	[tilespmem:$0x1BC00] =	vst v63  }
0xd3: {  	s23 =	rddreg [dreg:$0xb];
	s7 =	sadd.s32 $0x0, s22  }
0xd4: {  	[tilespmem:s2], [sflag:$0x1] =	stream.linear.gather [hbm4b:s7+s2], $0x50, $0x38;
	[tilespmem:$0x1BC00] =	vst v63  }
0xd5: {  	s21 =	sadd.s32 $0x0, s23  }
0xd6: {  	[tilespmem:s24], [sflag:$0x1] =	stream.linear.gather [hbm4b:s21+s2], $0x50, $0x38;
	[tilespmem:$0x1BC00] =	vst v63  }
0xd7: {  	_ = 	snop  }
0xd8: {  	[spmem:s1] =	stream.indirect.scatter.add.f32 [tilespmem:s29], [sflag:$0x8], $0x80, s11, s28, $0xb8;
	[tilespmem:$0x1BC00] =	vst v63  }
0xd9: {  	_ =	swait.ge [sflag:s12], $0x2800  }
0xda: {  	[sflag:s12] =	ssyncset.done $0x0  }
0xdb: {  	[sflag:s12] =	ssyncadd.s32 $0xFFFFD800  }
0xdc: {  	_ =	swait.ge [sflag:s20], $0x50  }
0xdd: {  	[sflag:s20] =	ssyncset.done $0x0  }
0xde: {  	[sflag:s20] =	ssyncadd.s32 $0xFFFFFFB0  }
0xdf: {  	_ =	swait.ge [sflag:s20], $0x50  }
0xe0: {  	[sflag:s20] =	ssyncset.done $0x0  }
0xe1: {  	[sflag:s20] =	ssyncadd.s32 $0xFFFFFFB0  }
0xe2: {  	_ =	swait.ge [sflag:s14], $0x2800  }
0xe3: {  	[sflag:s14] =	ssyncset.done $0x0  }
0xe4: {  	s22 =	rddreg [dreg:$0xa];
	[sflag:s14] =	ssyncadd.s32 $0xFFFFD800  }
0xe5: {  	[tilespmem:s30], [sflag:$0x7] =	stream.indirect.gather [hbm4b:s4+s28], $0x80, s2, s28, $0xb8;
	[tilespmem:$0x1BC00] =	vst v63  }
0xe6: {  	s23 =	rddreg [dreg:$0x9];
	s7 =	sadd.s32 $0x0, s22  }
0xe7: {  	[tilespmem:s25], [sflag:$0x2] =	stream.linear.gather [hbm4b:s7+s2], $0x50, $0x38;
	[tilespmem:$0x1BC00] =	vst v63  }
0xe8: {  	s21 =	sadd.s32 $0x0, s23  }
0xe9: {  	[tilespmem:s26], [sflag:$0x2] =	stream.linear.gather [hbm4b:s21+s2], $0x50, $0x38;
	[tilespmem:$0x1BC00] =	vst v63  }
0xea: {  	_ = 	snop  }
0xeb: {  	[spmem:s1] =	stream.indirect.scatter.add.f32 [tilespmem:s8], [sflag:$0x9], $0x80, s16, s28, $0xb8;
	[tilespmem:$0x1BC00] =	vst v63  }
0xec: {  	_ =	swait.ge [sflag:s17], $0x2800  }
0xed: {  	[sflag:s17] =	ssyncset.done $0x0  }
0xee: {  	[sflag:s17] =	ssyncadd.s32 $0xFFFFD800  }
0xef: {  	_ =	swait.ge [sflag:s0], $0x50  }
0xf0: {  	[sflag:s0] =	ssyncset.done $0x0  }
0xf1: {  	[sflag:s0] =	ssyncadd.s32 $0xFFFFFFB0  }
0xf2: {  	_ =	swait.ge [sflag:s0], $0x50  }
0xf3: {  	[sflag:s0] =	ssyncset.done $0x0  }
0xf4: {  	[sflag:s0] =	ssyncadd.s32 $0xFFFFFFB0  }
0xf5: {  	_ =	swait.ge [sflag:s19], $0x2800  }
0xf6: {  	[sflag:s19] =	ssyncset.done $0x0  }
0xf7: {  	s22 =	rddreg [dreg:$0x8];
	[sflag:s19] =	ssyncadd.s32 $0xFFFFD800  }
0xf8: {  	[tilespmem:s29], [sflag:$0x5] =	stream.indirect.gather [hbm4b:s4+s28], $0x80, s25, s28, $0xb8;
	[tilespmem:$0x1BC00] =	vst v63  }
0xf9: {  	s23 =	rddreg [dreg:$0x7];
	s7 =	sadd.s32 $0x0, s22  }
0xfa: {  	[tilespmem:s10], [sflag:$0x3] =	stream.linear.gather [hbm4b:s7+s2], $0x50, $0x38;
	[tilespmem:$0x1BC00] =	vst v63  }
0xfb: {  	s21 =	sadd.s32 $0x0, s23  }
0xfc: {  	[tilespmem:s11], [sflag:$0x3] =	stream.linear.gather [hbm4b:s21+s2], $0x50, $0x38;
	[tilespmem:$0x1BC00] =	vst v63  }
0xfd: {  	_ = 	snop  }
0xfe: {  	[spmem:s1] =	stream.indirect.scatter.add.f32 [tilespmem:s30], [sflag:$0xA], $0x80, s24, s28, $0xb8;
	[tilespmem:$0x1BC00] =	vst v63  }
0xff: {  	_ =	swait.ge [sflag:s31], $0x2800  }
0x100: {  	[sflag:s31] =	ssyncset.done $0x0  }
0x101: {  	[sflag:s31] =	ssyncadd.s32 $0xFFFFD800  }
0x102: {  	_ =	swait.ge [sflag:s13], $0x50  }
0x103: {  	[sflag:s13] =	ssyncset.done $0x0  }
0x104: {  	[sflag:s13] =	ssyncadd.s32 $0xFFFFFFB0  }
0x105: {  	_ =	swait.ge [sflag:s13], $0x50  }
0x106: {  	[sflag:s13] =	ssyncset.done $0x0  }
0x107: {  	[sflag:s13] =	ssyncadd.s32 $0xFFFFFFB0  }
0x108: {  	_ =	swait.ge [sflag:s3], $0x2800  }
0x109: {  	[sflag:s3] =	ssyncset.done $0x0  }
0x10a: {  	s22 =	rddreg [dreg:$0x6];
	[sflag:s3] =	ssyncadd.s32 $0xFFFFD800  }
0x10b: {  	[tilespmem:s8], [sflag:$0x6] =	stream.indirect.gather [hbm4b:s4+s28], $0x80, s10, s28, $0xb8;
	[tilespmem:$0x1BC00] =	vst v63  }
0x10c: {  	s23 =	rddreg [dreg:$0x5];
	s7 =	sadd.s32 $0x0, s22  }
0x10d: {  	[tilespmem:s15], [sflag:$0x4] =	stream.linear.gather [hbm4b:s7+s2], $0x50, $0x38;
	[tilespmem:$0x1BC00] =	vst v63  }
0x10e: {  	s21 =	sadd.s32 $0x0, s23  }
0x10f: {  	[tilespmem:s16], [sflag:$0x4] =	stream.linear.gather [hbm4b:s21+s2], $0x50, $0x38;
	[tilespmem:$0x1BC00] =	vst v63  }
0x110: {  	_ = 	snop  }
0x111: {  	[spmem:s1] =	stream.indirect.scatter.add.f32 [tilespmem:s29], [sflag:$0x8], $0x80, s26, s28, $0xb8;
	[tilespmem:$0x1BC00] =	vst v63  }
0x112: {  	_ =	swait.ge [sflag:s12], $0x2800  }
0x113: {  	[sflag:s12] =	ssyncset.done $0x0  }
0x114: {  	[sflag:s12] =	ssyncadd.s32 $0xFFFFD800  }
0x115: {  	_ =	swait.ge [sflag:s18], $0x50  }
0x116: {  	[sflag:s18] =	ssyncset.done $0x0  }
0x117: {  	[sflag:s18] =	ssyncadd.s32 $0xFFFFFFB0  }
0x118: {  	_ =	swait.ge [sflag:s18], $0x50  }
0x119: {  	[sflag:s18] =	ssyncset.done $0x0  }
0x11a: {  	[sflag:s18] =	ssyncadd.s32 $0xFFFFFFB0  }
0x11b: {  	_ =	swait.ge [sflag:s14], $0x2800  }
0x11c: {  	[sflag:s14] =	ssyncset.done $0x0;
	s21 =	sld [smem:$0x7FD]  }
0x11d: {  	[sflag:s14] =	ssyncadd.s32 $0xFFFFD800  }
0x11e: {  	[tilespmem:s30], [sflag:$0x7] =	stream.indirect.gather [hbm4b:s4+s28], $0x80, s15, s28, $0xb8;
	[tilespmem:$0x1BC00] =	vst v63  }
0x11f: {  	s22 =	sshrl.u32 s21, $0x3  }
0x120: {  	s23 =	sadd.s32 s5, s22  }
0x121: {  	[tilespmem:s2], [sflag:$0x1] =	stream.linear.gather [hbm4b:s23+s2], $0x50, $0x38;
	[tilespmem:$0x1BC00] =	vst v63  }
0x122: {  	s7 =	sadd.s32 s6, s22  }
0x123: {  	[tilespmem:s24], [sflag:$0x1] =	stream.linear.gather [hbm4b:s7+s2], $0x50, $0x38;
	[tilespmem:$0x1BC00] =	vst v63  }
0x124: {  	_ = 	snop  }
0x125: {  	[spmem:s1] =	stream.indirect.scatter.add.f32 [tilespmem:s8], [sflag:$0x9], $0x80, s11, s28, $0xb8;
	[tilespmem:$0x1BC00] =	vst v63  }
0x126: {  	_ =	swait.ge [sflag:s17], $0x2800  }
0x127: {  	[sflag:s17] =	ssyncset.done $0x0  }
0x128: {  	[sflag:s17] =	ssyncadd.s32 $0xFFFFD800  }
0x129: {  	_ =	swait.ge [sflag:s20], $0x50  }
0x12a: {  	[sflag:s20] =	ssyncset.done $0x0  }
0x12b: {  	[sflag:s20] =	ssyncadd.s32 $0xFFFFFFB0  }
0x12c: {  	_ =	swait.ge [sflag:s20], $0x50  }
0x12d: {  	[sflag:s20] =	ssyncset.done $0x0  }
0x12e: {  	[sflag:s20] =	ssyncadd.s32 $0xFFFFFFB0  }
0x12f: {  	_ =	swait.ge [sflag:s19], $0x2800  }
0x130: {  	[sflag:s19] =	ssyncset.done $0x0  }
0x131: {  	s9 =	rddreg [dreg:$0x4];
	[sflag:s19] =	ssyncadd.s32 $0xFFFFD800  }
0x132: {  	[tilespmem:s29], [sflag:$0x5] =	stream.indirect.gather [hbm4b:s4+s28], $0x80, s2, s28, $0xb8;
	[tilespmem:$0x1BC00] =	vst v63  }
0x133: {  	s22 =	rddreg [dreg:$0x3];
	s7 =	sadd.s32 $0x0, s9  }
0x134: {  	[tilespmem:s25], [sflag:$0x2] =	stream.linear.gather [hbm4b:s7+s2], $0x50, $0x38;
	[tilespmem:$0x1BC00] =	vst v63  }
0x135: {  	s23 =	sadd.s32 $0x0, s22;
	s9 =	simm.s32 $0x78;
	s22 =	sadd.s32 $0x3C0, s21  }
0x136: {  	[tilespmem:s26], [sflag:$0x2] =	stream.linear.gather [hbm4b:s23+s2], $0x50, $0x38;
	[tilespmem:$0x1BC00] =	vst v63  }
.LBB2_2:
0x137: {  	[spmem:s1] =	stream.indirect.scatter.add.f32 [tilespmem:s30], [sflag:$0xA], $0x80, s16, s28, $0xb8;
	[tilespmem:$0x1BC00] =	vst v63  }
0x138: {  	_ =	swait.ge [sflag:s31], $0x2800  }
0x139: {  	[sflag:s31] =	ssyncset.done $0x0  }
0x13a: {  	[sflag:s31] =	ssyncadd.s32 $0xFFFFD800  }
0x13b: {  	_ =	swait.ge [sflag:s0], $0x50  }
0x13c: {  	[sflag:s0] =	ssyncset.done $0x0  }
0x13d: {  	[sflag:s0] =	ssyncadd.s32 $0xFFFFFFB0  }
0x13e: {  	_ =	swait.ge [sflag:s0], $0x50  }
0x13f: {  	[sflag:s0] =	ssyncset.done $0x0  }
0x140: {  	[sflag:s0] =	ssyncadd.s32 $0xFFFFFFB0  }
0x141: {  	_ =	swait.ge [sflag:s3], $0x2800  }
0x142: {  	[sflag:s3] =	ssyncset.done $0x0  }
0x143: {  	s7 =	smov.u32 s9;
	s21 =	rddreg [dreg:$0x18];
	[sflag:s3] =	ssyncadd.s32 $0xFFFFD800  }
0x144: {  	[tilespmem:s8], [sflag:$0x6] =	stream.indirect.gather [hbm4b:s4+s28], $0x80, s25, s28, $0xb8;
	[tilespmem:$0x1BC00] =	vst v63  }
0x145: {  	s23 =	rddreg [dreg:$0x17];
	s21 =	sadd.s32 s7, s21  }
0x146: {  	[tilespmem:s10], [sflag:$0x3] =	stream.linear.gather [hbm4b:s21+s2], $0x50, $0x38;
	[tilespmem:$0x1BC00] =	vst v63  }
0x147: {  	s23 =	sadd.s32 s7, s23  }
0x148: {  	[tilespmem:s11], [sflag:$0x3] =	stream.linear.gather [hbm4b:s23+s2], $0x50, $0x38;
	[tilespmem:$0x1BC00] =	vst v63  }
0x149: {  	_ = 	snop  }
0x14a: {  	[spmem:s1] =	stream.indirect.scatter.add.f32 [tilespmem:s29], [sflag:$0x8], $0x80, s24, s28, $0xb8;
	[tilespmem:$0x1BC00] =	vst v63  }
0x14b: {  	_ =	swait.ge [sflag:s12], $0x2800  }
0x14c: {  	[sflag:s12] =	ssyncset.done $0x0  }
0x14d: {  	[sflag:s12] =	ssyncadd.s32 $0xFFFFD800  }
0x14e: {  	_ =	swait.ge [sflag:s13], $0x50  }
0x14f: {  	[sflag:s13] =	ssyncset.done $0x0  }
0x150: {  	[sflag:s13] =	ssyncadd.s32 $0xFFFFFFB0  }
0x151: {  	_ =	swait.ge [sflag:s13], $0x50  }
0x152: {  	[sflag:s13] =	ssyncset.done $0x0  }
0x153: {  	[sflag:s13] =	ssyncadd.s32 $0xFFFFFFB0  }
0x154: {  	_ =	swait.ge [sflag:s14], $0x2800  }
0x155: {  	[sflag:s14] =	ssyncset.done $0x0  }
0x156: {  	s21 =	rddreg [dreg:$0x16];
	[sflag:s14] =	ssyncadd.s32 $0xFFFFD800  }
0x157: {  	[tilespmem:s30], [sflag:$0x7] =	stream.indirect.gather [hbm4b:s4+s28], $0x80, s10, s28, $0xb8;
	[tilespmem:$0x1BC00] =	vst v63  }
0x158: {  	s23 =	rddreg [dreg:$0x15];
	s21 =	sadd.s32 s7, s21  }
0x159: {  	[tilespmem:s15], [sflag:$0x4] =	stream.linear.gather [hbm4b:s21+s2], $0x50, $0x38;
	[tilespmem:$0x1BC00] =	vst v63  }
0x15a: {  	s23 =	sadd.s32 s7, s23  }
0x15b: {  	[tilespmem:s16], [sflag:$0x4] =	stream.linear.gather [hbm4b:s23+s2], $0x50, $0x38;
	[tilespmem:$0x1BC00] =	vst v63  }
0x15c: {  	_ = 	snop  }
0x15d: {  	[spmem:s1] =	stream.indirect.scatter.add.f32 [tilespmem:s8], [sflag:$0x9], $0x80, s26, s28, $0xb8;
	[tilespmem:$0x1BC00] =	vst v63  }
0x15e: {  	_ =	swait.ge [sflag:s17], $0x2800  }
0x15f: {  	[sflag:s17] =	ssyncset.done $0x0  }
0x160: {  	[sflag:s17] =	ssyncadd.s32 $0xFFFFD800  }
0x161: {  	_ =	swait.ge [sflag:s18], $0x50  }
0x162: {  	[sflag:s18] =	ssyncset.done $0x0  }
0x163: {  	[sflag:s18] =	ssyncadd.s32 $0xFFFFFFB0  }
0x164: {  	_ =	swait.ge [sflag:s18], $0x50  }
0x165: {  	[sflag:s18] =	ssyncset.done $0x0  }
0x166: {  	[sflag:s18] =	ssyncadd.s32 $0xFFFFFFB0  }
0x167: {  	_ =	swait.ge [sflag:s19], $0x2800  }
0x168: {  	[sflag:s19] =	ssyncset.done $0x0  }
0x169: {  	s21 =	rddreg [dreg:$0x14];
	[sflag:s19] =	ssyncadd.s32 $0xFFFFD800  }
0x16a: {  	[tilespmem:s29], [sflag:$0x5] =	stream.indirect.gather [hbm4b:s4+s28], $0x80, s15, s28, $0xb8;
	[tilespmem:$0x1BC00] =	vst v63  }
0x16b: {  	s23 =	rddreg [dreg:$0x13];
	s21 =	sadd.s32 s7, s21  }
0x16c: {  	[tilespmem:s2], [sflag:$0x1] =	stream.linear.gather [hbm4b:s21+s2], $0x50, $0x38;
	[tilespmem:$0x1BC00] =	vst v63  }
0x16d: {  	s23 =	sadd.s32 s7, s23  }
0x16e: {  	[tilespmem:s24], [sflag:$0x1] =	stream.linear.gather [hbm4b:s23+s2], $0x50, $0x38;
	[tilespmem:$0x1BC00] =	vst v63  }
0x16f: {  	_ = 	snop  }
0x170: {  	[spmem:s1] =	stream.indirect.scatter.add.f32 [tilespmem:s30], [sflag:$0xA], $0x80, s11, s28, $0xb8;
	[tilespmem:$0x1BC00] =	vst v63  }
0x171: {  	_ =	swait.ge [sflag:s31], $0x2800  }
0x172: {  	[sflag:s31] =	ssyncset.done $0x0  }
0x173: {  	[sflag:s31] =	ssyncadd.s32 $0xFFFFD800  }
0x174: {  	_ =	swait.ge [sflag:s20], $0x50  }
0x175: {  	[sflag:s20] =	ssyncset.done $0x0  }
0x176: {  	[sflag:s20] =	ssyncadd.s32 $0xFFFFFFB0  }
0x177: {  	_ =	swait.ge [sflag:s20], $0x50  }
0x178: {  	[sflag:s20] =	ssyncset.done $0x0  }
0x179: {  	[sflag:s20] =	ssyncadd.s32 $0xFFFFFFB0  }
0x17a: {  	_ =	swait.ge [sflag:s3], $0x2800  }
0x17b: {  	[sflag:s3] =	ssyncset.done $0x0  }
0x17c: {  	s21 =	rddreg [dreg:$0x12];
	[sflag:s3] =	ssyncadd.s32 $0xFFFFD800  }
0x17d: {  	[tilespmem:s8], [sflag:$0x6] =	stream.indirect.gather [hbm4b:s4+s28], $0x80, s2, s28, $0xb8;
	[tilespmem:$0x1BC00] =	vst v63  }
0x17e: {  	s23 =	rddreg [dreg:$0x11];
	s21 =	sadd.s32 s7, s21  }
0x17f: {  	[tilespmem:s25], [sflag:$0x2] =	stream.linear.gather [hbm4b:s21+s2], $0x50, $0x38;
	[tilespmem:$0x1BC00] =	vst v63  }
0x180: {  	s23 =	sadd.s32 s7, s23  }
0x181: {  	[tilespmem:s26], [sflag:$0x2] =	stream.linear.gather [hbm4b:s23+s2], $0x50, $0x38;
	[tilespmem:$0x1BC00] =	vst v63  }
0x182: {  	_ = 	snop  }
0x183: {  	[spmem:s1] =	stream.indirect.scatter.add.f32 [tilespmem:s29], [sflag:$0x8], $0x80, s16, s28, $0xb8;
	[tilespmem:$0x1BC00] =	vst v63  }
0x184: {  	_ =	swait.ge [sflag:s12], $0x2800  }
0x185: {  	[sflag:s12] =	ssyncset.done $0x0  }
0x186: {  	[sflag:s12] =	ssyncadd.s32 $0xFFFFD800  }
0x187: {  	_ =	swait.ge [sflag:s0], $0x50  }
0x188: {  	[sflag:s0] =	ssyncset.done $0x0  }
0x189: {  	[sflag:s0] =	ssyncadd.s32 $0xFFFFFFB0  }
0x18a: {  	_ =	swait.ge [sflag:s0], $0x50  }
0x18b: {  	[sflag:s0] =	ssyncset.done $0x0  }
0x18c: {  	[sflag:s0] =	ssyncadd.s32 $0xFFFFFFB0  }
0x18d: {  	_ =	swait.ge [sflag:s14], $0x2800  }
0x18e: {  	[sflag:s14] =	ssyncset.done $0x0  }
0x18f: {  	s21 =	rddreg [dreg:$0x10];
	[sflag:s14] =	ssyncadd.s32 $0xFFFFD800  }
0x190: {  	[tilespmem:s30], [sflag:$0x7] =	stream.indirect.gather [hbm4b:s4+s28], $0x80, s25, s28, $0xb8;
	[tilespmem:$0x1BC00] =	vst v63  }
0x191: {  	s23 =	rddreg [dreg:$0xf];
	s21 =	sadd.s32 s7, s21  }
0x192: {  	[tilespmem:s10], [sflag:$0x3] =	stream.linear.gather [hbm4b:s21+s2], $0x50, $0x38;
	[tilespmem:$0x1BC00] =	vst v63  }
0x193: {  	s23 =	sadd.s32 s7, s23  }
0x194: {  	[tilespmem:s11], [sflag:$0x3] =	stream.linear.gather [hbm4b:s23+s2], $0x50, $0x38;
	[tilespmem:$0x1BC00] =	vst v63  }
0x195: {  	_ = 	snop  }
0x196: {  	[spmem:s1] =	stream.indirect.scatter.add.f32 [tilespmem:s8], [sflag:$0x9], $0x80, s24, s28, $0xb8;
	[tilespmem:$0x1BC00] =	vst v63  }
0x197: {  	_ =	swait.ge [sflag:s17], $0x2800  }
0x198: {  	[sflag:s17] =	ssyncset.done $0x0  }
0x199: {  	[sflag:s17] =	ssyncadd.s32 $0xFFFFD800  }
0x19a: {  	_ =	swait.ge [sflag:s13], $0x50  }
0x19b: {  	[sflag:s13] =	ssyncset.done $0x0  }
0x19c: {  	[sflag:s13] =	ssyncadd.s32 $0xFFFFFFB0  }
0x19d: {  	_ =	swait.ge [sflag:s13], $0x50  }
0x19e: {  	[sflag:s13] =	ssyncset.done $0x0  }
0x19f: {  	[sflag:s13] =	ssyncadd.s32 $0xFFFFFFB0  }
0x1a0: {  	_ =	swait.ge [sflag:s19], $0x2800  }
0x1a1: {  	[sflag:s19] =	ssyncset.done $0x0  }
0x1a2: {  	s21 =	rddreg [dreg:$0xe];
	[sflag:s19] =	ssyncadd.s32 $0xFFFFD800  }
0x1a3: {  	[tilespmem:s29], [sflag:$0x5] =	stream.indirect.gather [hbm4b:s4+s28], $0x80, s10, s28, $0xb8;
	[tilespmem:$0x1BC00] =	vst v63  }
0x1a4: {  	s23 =	rddreg [dreg:$0xd];
	s21 =	sadd.s32 s7, s21  }
0x1a5: {  	[tilespmem:s15], [sflag:$0x4] =	stream.linear.gather [hbm4b:s21+s2], $0x50, $0x38;
	[tilespmem:$0x1BC00] =	vst v63  }
0x1a6: {  	s23 =	sadd.s32 s7, s23  }
0x1a7: {  	[tilespmem:s16], [sflag:$0x4] =	stream.linear.gather [hbm4b:s23+s2], $0x50, $0x38;
	[tilespmem:$0x1BC00] =	vst v63  }
0x1a8: {  	_ = 	snop  }
0x1a9: {  	[spmem:s1] =	stream.indirect.scatter.add.f32 [tilespmem:s30], [sflag:$0xA], $0x80, s26, s28, $0xb8;
	[tilespmem:$0x1BC00] =	vst v63  }
0x1aa: {  	_ =	swait.ge [sflag:s31], $0x2800  }
0x1ab: {  	[sflag:s31] =	ssyncset.done $0x0  }
0x1ac: {  	[sflag:s31] =	ssyncadd.s32 $0xFFFFD800  }
0x1ad: {  	_ =	swait.ge [sflag:s18], $0x50  }
0x1ae: {  	[sflag:s18] =	ssyncset.done $0x0  }
0x1af: {  	[sflag:s18] =	ssyncadd.s32 $0xFFFFFFB0  }
0x1b0: {  	_ =	swait.ge [sflag:s18], $0x50  }
0x1b1: {  	[sflag:s18] =	ssyncset.done $0x0  }
0x1b2: {  	[sflag:s18] =	ssyncadd.s32 $0xFFFFFFB0  }
0x1b3: {  	_ =	swait.ge [sflag:s3], $0x2800  }
0x1b4: {  	[sflag:s3] =	ssyncset.done $0x0  }
0x1b5: {  	s21 =	rddreg [dreg:$0xc];
	[sflag:s3] =	ssyncadd.s32 $0xFFFFD800  }
0x1b6: {  	[tilespmem:s8], [sflag:$0x6] =	stream.indirect.gather [hbm4b:s4+s28], $0x80, s15, s28, $0xb8;
	[tilespmem:$0x1BC00] =	vst v63  }
0x1b7: {  	s23 =	rddreg [dreg:$0xb];
	s21 =	sadd.s32 s7, s21  }
0x1b8: {  	[tilespmem:s2], [sflag:$0x1] =	stream.linear.gather [hbm4b:s21+s2], $0x50, $0x38;
	[tilespmem:$0x1BC00] =	vst v63  }
0x1b9: {  	s23 =	sadd.s32 s7, s23  }
0x1ba: {  	[tilespmem:s24], [sflag:$0x1] =	stream.linear.gather [hbm4b:s23+s2], $0x50, $0x38;
	[tilespmem:$0x1BC00] =	vst v63  }
0x1bb: {  	_ = 	snop  }
0x1bc: {  	[spmem:s1] =	stream.indirect.scatter.add.f32 [tilespmem:s29], [sflag:$0x8], $0x80, s11, s28, $0xb8;
	[tilespmem:$0x1BC00] =	vst v63  }
0x1bd: {  	_ =	swait.ge [sflag:s12], $0x2800  }
0x1be: {  	[sflag:s12] =	ssyncset.done $0x0  }
0x1bf: {  	[sflag:s12] =	ssyncadd.s32 $0xFFFFD800  }
0x1c0: {  	_ =	swait.ge [sflag:s20], $0x50  }
0x1c1: {  	[sflag:s20] =	ssyncset.done $0x0  }
0x1c2: {  	[sflag:s20] =	ssyncadd.s32 $0xFFFFFFB0  }
0x1c3: {  	_ =	swait.ge [sflag:s20], $0x50  }
0x1c4: {  	[sflag:s20] =	ssyncset.done $0x0  }
0x1c5: {  	[sflag:s20] =	ssyncadd.s32 $0xFFFFFFB0  }
0x1c6: {  	_ =	swait.ge [sflag:s14], $0x2800  }
0x1c7: {  	[sflag:s14] =	ssyncset.done $0x0  }
0x1c8: {  	s21 =	rddreg [dreg:$0xa];
	[sflag:s14] =	ssyncadd.s32 $0xFFFFD800  }
0x1c9: {  	[tilespmem:s30], [sflag:$0x7] =	stream.indirect.gather [hbm4b:s4+s28], $0x80, s2, s28, $0xb8;
	[tilespmem:$0x1BC00] =	vst v63  }
0x1ca: {  	s23 =	rddreg [dreg:$0x9];
	s21 =	sadd.s32 s7, s21  }
0x1cb: {  	[tilespmem:s25], [sflag:$0x2] =	stream.linear.gather [hbm4b:s21+s2], $0x50, $0x38;
	[tilespmem:$0x1BC00] =	vst v63  }
0x1cc: {  	s23 =	sadd.s32 s7, s23  }
0x1cd: {  	[tilespmem:s26], [sflag:$0x2] =	stream.linear.gather [hbm4b:s23+s2], $0x50, $0x38;
	[tilespmem:$0x1BC00] =	vst v63  }
0x1ce: {  	_ = 	snop  }
0x1cf: {  	[spmem:s1] =	stream.indirect.scatter.add.f32 [tilespmem:s8], [sflag:$0x9], $0x80, s16, s28, $0xb8;
	[tilespmem:$0x1BC00] =	vst v63  }
0x1d0: {  	_ =	swait.ge [sflag:s17], $0x2800  }
0x1d1: {  	[sflag:s17] =	ssyncset.done $0x0  }
0x1d2: {  	[sflag:s17] =	ssyncadd.s32 $0xFFFFD800  }
0x1d3: {  	_ =	swait.ge [sflag:s0], $0x50  }
0x1d4: {  	[sflag:s0] =	ssyncset.done $0x0  }
0x1d5: {  	[sflag:s0] =	ssyncadd.s32 $0xFFFFFFB0  }
0x1d6: {  	_ =	swait.ge [sflag:s0], $0x50  }
0x1d7: {  	[sflag:s0] =	ssyncset.done $0x0  }
0x1d8: {  	[sflag:s0] =	ssyncadd.s32 $0xFFFFFFB0  }
0x1d9: {  	_ =	swait.ge [sflag:s19], $0x2800  }
0x1da: {  	[sflag:s19] =	ssyncset.done $0x0  }
0x1db: {  	s21 =	rddreg [dreg:$0x8];
	[sflag:s19] =	ssyncadd.s32 $0xFFFFD800  }
0x1dc: {  	[tilespmem:s29], [sflag:$0x5] =	stream.indirect.gather [hbm4b:s4+s28], $0x80, s25, s28, $0xb8;
	[tilespmem:$0x1BC00] =	vst v63  }
0x1dd: {  	s23 =	rddreg [dreg:$0x7];
	s21 =	sadd.s32 s7, s21  }
0x1de: {  	[tilespmem:s10], [sflag:$0x3] =	stream.linear.gather [hbm4b:s21+s2], $0x50, $0x38;
	[tilespmem:$0x1BC00] =	vst v63  }
0x1df: {  	s23 =	sadd.s32 s7, s23  }
0x1e0: {  	[tilespmem:s11], [sflag:$0x3] =	stream.linear.gather [hbm4b:s23+s2], $0x50, $0x38;
	[tilespmem:$0x1BC00] =	vst v63  }
0x1e1: {  	_ = 	snop  }
0x1e2: {  	[spmem:s1] =	stream.indirect.scatter.add.f32 [tilespmem:s30], [sflag:$0xA], $0x80, s24, s28, $0xb8;
	[tilespmem:$0x1BC00] =	vst v63  }
0x1e3: {  	_ =	swait.ge [sflag:s31], $0x2800  }
0x1e4: {  	[sflag:s31] =	ssyncset.done $0x0  }
0x1e5: {  	[sflag:s31] =	ssyncadd.s32 $0xFFFFD800  }
0x1e6: {  	_ =	swait.ge [sflag:s13], $0x50  }
0x1e7: {  	[sflag:s13] =	ssyncset.done $0x0  }
0x1e8: {  	[sflag:s13] =	ssyncadd.s32 $0xFFFFFFB0  }
0x1e9: {  	_ =	swait.ge [sflag:s13], $0x50  }
0x1ea: {  	[sflag:s13] =	ssyncset.done $0x0  }
0x1eb: {  	[sflag:s13] =	ssyncadd.s32 $0xFFFFFFB0  }
0x1ec: {  	_ =	swait.ge [sflag:s3], $0x2800  }
0x1ed: {  	[sflag:s3] =	ssyncset.done $0x0  }
0x1ee: {  	s21 =	rddreg [dreg:$0x6];
	[sflag:s3] =	ssyncadd.s32 $0xFFFFD800  }
0x1ef: {  	[tilespmem:s8], [sflag:$0x6] =	stream.indirect.gather [hbm4b:s4+s28], $0x80, s10, s28, $0xb8;
	[tilespmem:$0x1BC00] =	vst v63  }
0x1f0: {  	s23 =	rddreg [dreg:$0x5];
	s21 =	sadd.s32 s7, s21  }
0x1f1: {  	[tilespmem:s15], [sflag:$0x4] =	stream.linear.gather [hbm4b:s21+s2], $0x50, $0x38;
	[tilespmem:$0x1BC00] =	vst v63  }
0x1f2: {  	s23 =	sadd.s32 s7, s23  }
0x1f3: {  	[tilespmem:s16], [sflag:$0x4] =	stream.linear.gather [hbm4b:s23+s2], $0x50, $0x38;
	[tilespmem:$0x1BC00] =	vst v63  }
0x1f4: {  	_ = 	snop  }
0x1f5: {  	[spmem:s1] =	stream.indirect.scatter.add.f32 [tilespmem:s29], [sflag:$0x8], $0x80, s26, s28, $0xb8;
	[tilespmem:$0x1BC00] =	vst v63  }
0x1f6: {  	_ =	swait.ge [sflag:s12], $0x2800  }
0x1f7: {  	[sflag:s12] =	ssyncset.done $0x0  }
0x1f8: {  	[sflag:s12] =	ssyncadd.s32 $0xFFFFD800  }
0x1f9: {  	_ =	swait.ge [sflag:s18], $0x50  }
0x1fa: {  	[sflag:s18] =	ssyncset.done $0x0  }
0x1fb: {  	[sflag:s18] =	ssyncadd.s32 $0xFFFFFFB0  }
0x1fc: {  	_ =	swait.ge [sflag:s18], $0x50  }
0x1fd: {  	[sflag:s18] =	ssyncset.done $0x0  }
0x1fe: {  	[sflag:s18] =	ssyncadd.s32 $0xFFFFFFB0  }
0x1ff: {  	_ =	swait.ge [sflag:s14], $0x2800  }
0x200: {  	[sflag:s14] =	ssyncset.done $0x0  }
0x201: {  	s21 =	sshrl.u32 s22, $0x3;
	[sflag:s14] =	ssyncadd.s32 $0xFFFFD800  }
0x202: {  	[tilespmem:s30], [sflag:$0x7] =	stream.indirect.gather [hbm4b:s4+s28], $0x80, s15, s28, $0xb8;
	[tilespmem:$0x1BC00] =	vst v63  }
0x203: {  	s23 =	sadd.s32 s5, s21  }
0x204: {  	[tilespmem:s2], [sflag:$0x1] =	stream.linear.gather [hbm4b:s23+s2], $0x50, $0x38;
	[tilespmem:$0x1BC00] =	vst v63  }
0x205: {  	s21 =	sadd.s32 s6, s21  }
0x206: {  	[tilespmem:s24], [sflag:$0x1] =	stream.linear.gather [hbm4b:s21+s2], $0x50, $0x38;
	[tilespmem:$0x1BC00] =	vst v63  }
0x207: {  	_ = 	snop  }
0x208: {  	[spmem:s1] =	stream.indirect.scatter.add.f32 [tilespmem:s8], [sflag:$0x9], $0x80, s11, s28, $0xb8;
	[tilespmem:$0x1BC00] =	vst v63  }
0x209: {  	_ =	swait.ge [sflag:s17], $0x2800  }
0x20a: {  	[sflag:s17] =	ssyncset.done $0x0  }
0x20b: {  	[sflag:s17] =	ssyncadd.s32 $0xFFFFD800  }
0x20c: {  	_ =	swait.ge [sflag:s20], $0x50  }
0x20d: {  	[sflag:s20] =	ssyncset.done $0x0  }
0x20e: {  	[sflag:s20] =	ssyncadd.s32 $0xFFFFFFB0  }
0x20f: {  	_ =	swait.ge [sflag:s20], $0x50  }
0x210: {  	[sflag:s20] =	ssyncset.done $0x0  }
0x211: {  	[sflag:s20] =	ssyncadd.s32 $0xFFFFFFB0  }
0x212: {  	_ =	swait.ge [sflag:s19], $0x2800  }
0x213: {  	[sflag:s19] =	ssyncset.done $0x0  }
0x214: {  	p0 =	sne.s32 s9, $0x438;
	[sflag:s19] =	ssyncadd.s32 $0xFFFFD800  }
0x215: {  	[tilespmem:s29], [sflag:$0x5] =	stream.indirect.gather [hbm4b:s4+s28], $0x80, s2, s28, $0xb8;
	[tilespmem:$0x1BC00] =	vst v63  }
.Ltmp0:
0x216: {  	s21 =	rddreg [dreg:$0x4];
	(pc) =	sbr.rel @p0 .LBB2_2-.Ltmp0, $4  }
0x217: {  	s23 =	rddreg [dreg:$0x3];
	s21 =	sadd.s32 s7, s21  }
0x218: {  	[tilespmem:s25], [sflag:$0x2] =	stream.linear.gather [hbm4b:s21+s2], $0x50, $0x38;
	[tilespmem:$0x1BC00] =	vst v63  }
0x219: {  	s9 =	sadd.s32 $0x78, s9;
	s22 =	sadd.s32 $0x3C0, s22;
	s7 =	sadd.s32 s7, s23  }
0x21a: {  	[tilespmem:s26], [sflag:$0x2] =	stream.linear.gather [hbm4b:s7+s2], $0x50, $0x38;
	[tilespmem:$0x1BC00] =	vst v63  }
0x21b: {  	[spmem:s1] =	stream.indirect.scatter.add.f32 [tilespmem:s30], [sflag:$0xA], $0x80, s16, s28, $0xb8;
	[tilespmem:$0x1BC00] =	vst v63  }
0x21c: {  	_ =	swait.ge [sflag:s31], $0x2800  }
0x21d: {  	[sflag:s31] =	ssyncset.done $0x0  }
0x21e: {  	[sflag:s31] =	ssyncadd.s32 $0xFFFFD800  }
0x21f: {  	_ =	swait.ge [sflag:s0], $0x50  }
0x220: {  	[sflag:s0] =	ssyncset.done $0x0  }
0x221: {  	[sflag:s0] =	ssyncadd.s32 $0xFFFFFFB0  }
0x222: {  	_ =	swait.ge [sflag:s0], $0x50  }
0x223: {  	[sflag:s0] =	ssyncset.done $0x0  }
0x224: {  	[sflag:s0] =	ssyncadd.s32 $0xFFFFFFB0  }
0x225: {  	_ =	swait.ge [sflag:s3], $0x2800  }
0x226: {  	[sflag:s3] =	ssyncset.done $0x0  }
0x227: {  	s7 =	sld [smem:$0x7F5];
	[sflag:s3] =	ssyncadd.s32 $0xFFFFD800  }
0x228: {  	[tilespmem:s8], [sflag:$0x6] =	stream.indirect.gather [hbm4b:s4+s28], $0x80, s25, s28, $0xb8;
	[tilespmem:$0x1BC00] =	vst v63  }
0x229: {  	s22 =	sld [smem:$0x7F6]  }
0x22a: {  	[tilespmem:s10], [sflag:$0x3] =	stream.linear.gather [hbm4b:s7+s2], $0x50, $0x38;
	[tilespmem:$0x1BC00] =	vst v63  }
0x22b: {  	_ = 	snop  }
0x22c: {  	[tilespmem:s11], [sflag:$0x3] =	stream.linear.gather [hbm4b:s22+s2], $0x50, $0x38;
	[tilespmem:$0x1BC00] =	vst v63  }
0x22d: {  	_ = 	snop  }
0x22e: {  	[spmem:s1] =	stream.indirect.scatter.add.f32 [tilespmem:s29], [sflag:$0x8], $0x80, s24, s28, $0xb8;
	[tilespmem:$0x1BC00] =	vst v63  }
0x22f: {  	_ =	swait.ge [sflag:s12], $0x2800  }
0x230: {  	[sflag:s12] =	ssyncset.done $0x0  }
0x231: {  	[sflag:s12] =	ssyncadd.s32 $0xFFFFD800  }
0x232: {  	_ =	swait.ge [sflag:s13], $0x50  }
0x233: {  	[sflag:s13] =	ssyncset.done $0x0  }
0x234: {  	[sflag:s13] =	ssyncadd.s32 $0xFFFFFFB0  }
0x235: {  	_ =	swait.ge [sflag:s13], $0x50  }
0x236: {  	[sflag:s13] =	ssyncset.done $0x0  }
0x237: {  	[sflag:s13] =	ssyncadd.s32 $0xFFFFFFB0  }
0x238: {  	_ =	swait.ge [sflag:s14], $0x2800  }
0x239: {  	[sflag:s14] =	ssyncset.done $0x0  }
0x23a: {  	s23 =	sld [smem:$0x7F7];
	[sflag:s14] =	ssyncadd.s32 $0xFFFFD800  }
0x23b: {  	[tilespmem:s30], [sflag:$0x7] =	stream.indirect.gather [hbm4b:s4+s28], $0x80, s10, s28, $0xb8;
	[tilespmem:$0x1BC00] =	vst v63  }
0x23c: {  	s9 =	sld [smem:$0x7F8]  }
0x23d: {  	[tilespmem:s15], [sflag:$0x4] =	stream.linear.gather [hbm4b:s23+s2], $0x50, $0x38;
	[tilespmem:$0x1BC00] =	vst v63  }
0x23e: {  	_ = 	snop  }
0x23f: {  	[tilespmem:s16], [sflag:$0x4] =	stream.linear.gather [hbm4b:s9+s2], $0x50, $0x38;
	[tilespmem:$0x1BC00] =	vst v63  }
0x240: {  	_ = 	snop  }
0x241: {  	[spmem:s1] =	stream.indirect.scatter.add.f32 [tilespmem:s8], [sflag:$0x9], $0x80, s26, s28, $0xb8;
	[tilespmem:$0x1BC00] =	vst v63  }
0x242: {  	_ =	swait.ge [sflag:s17], $0x2800  }
0x243: {  	[sflag:s17] =	ssyncset.done $0x0  }
0x244: {  	[sflag:s17] =	ssyncadd.s32 $0xFFFFD800  }
0x245: {  	_ =	swait.ge [sflag:s18], $0x50  }
0x246: {  	[sflag:s18] =	ssyncset.done $0x0  }
0x247: {  	[sflag:s18] =	ssyncadd.s32 $0xFFFFFFB0  }
0x248: {  	_ =	swait.ge [sflag:s18], $0x50  }
0x249: {  	[sflag:s18] =	ssyncset.done $0x0  }
0x24a: {  	[sflag:s18] =	ssyncadd.s32 $0xFFFFFFB0  }
0x24b: {  	_ =	swait.ge [sflag:s19], $0x2800  }
0x24c: {  	[sflag:s19] =	ssyncset.done $0x0  }
0x24d: {  	s21 =	sld [smem:$0x7F9];
	[sflag:s19] =	ssyncadd.s32 $0xFFFFD800  }
0x24e: {  	[tilespmem:s29], [sflag:$0x5] =	stream.indirect.gather [hbm4b:s4+s28], $0x80, s15, s28, $0xb8;
	[tilespmem:$0x1BC00] =	vst v63  }
0x24f: {  	s22 =	sld [smem:$0x7FA]  }
0x250: {  	[tilespmem:s2], [sflag:$0x1] =	stream.linear.gather [hbm4b:s21+s2], $0x50, $0x38;
	[tilespmem:$0x1BC00] =	vst v63  }
0x251: {  	_ = 	snop  }
0x252: {  	[tilespmem:s24], [sflag:$0x1] =	stream.linear.gather [hbm4b:s22+s2], $0x50, $0x38;
	[tilespmem:$0x1BC00] =	vst v63  }
0x253: {  	_ = 	snop  }
0x254: {  	[spmem:s1] =	stream.indirect.scatter.add.f32 [tilespmem:s30], [sflag:$0xA], $0x80, s11, s28, $0xb8;
	[tilespmem:$0x1BC00] =	vst v63  }
0x255: {  	_ =	swait.ge [sflag:s31], $0x2800  }
0x256: {  	[sflag:s31] =	ssyncset.done $0x0  }
0x257: {  	[sflag:s31] =	ssyncadd.s32 $0xFFFFD800  }
0x258: {  	_ =	swait.ge [sflag:s20], $0x50  }
0x259: {  	[sflag:s20] =	ssyncset.done $0x0  }
0x25a: {  	[sflag:s20] =	ssyncadd.s32 $0xFFFFFFB0  }
0x25b: {  	_ =	swait.ge [sflag:s20], $0x50  }
0x25c: {  	[sflag:s20] =	ssyncset.done $0x0  }
0x25d: {  	[sflag:s20] =	ssyncadd.s32 $0xFFFFFFB0  }
0x25e: {  	_ =	swait.ge [sflag:s3], $0x2800  }
0x25f: {  	[sflag:s3] =	ssyncset.done $0x0  }
0x260: {  	[sflag:s3] =	ssyncadd.s32 $0xFFFFD800  }
0x261: {  	[tilespmem:s8], [sflag:$0x6] =	stream.indirect.gather [hbm4b:s4+s28], $0x80, s2, s28, $0xb8;
	[tilespmem:$0x1BC00] =	vst v63  }
0x262: {  	_ = 	snop  }
0x263: {  	[spmem:s1] =	stream.indirect.scatter.add.f32 [tilespmem:s29], [sflag:$0x8], $0x80, s16, s28, $0xb8;
	[tilespmem:$0x1BC00] =	vst v63  }
0x264: {  	_ =	swait.ge [sflag:s12], $0x2800  }
0x265: {  	[sflag:s12] =	ssyncset.done $0x0  }
0x266: {  	[sflag:s12] =	ssyncadd.s32 $0xFFFFD800  }
0x267: {  	_ =	swait.ge [sflag:s14], $0x2800  }
0x268: {  	[sflag:s14] =	ssyncset.done $0x0  }
0x269: {  	[sflag:s14] =	ssyncadd.s32 $0xFFFFD800  }
0x26a: {  	[spmem:s1] =	stream.indirect.scatter.add.f32 [tilespmem:s8], [sflag:$0x9], $0x80, s24, s28, $0xb8;
	[tilespmem:$0x1BC00] =	vst v63  }
0x26b: {  	_ =	swait.ge [sflag:s19], $0x2800  }
0x26c: {  	[sflag:s19] =	ssyncset.done $0x0  }
0x26d: {  	[sflag:s19] =	ssyncadd.s32 $0xFFFFD800  }
0x26e: {  	_ =	swait.ge [sflag:s3], $0x2800  }
0x26f: {  	[sflag:s3] =	ssyncset.done $0x0  }
0x270: {  	[sflag:s3] =	ssyncadd.s32 $0xFFFFD800  }
0x271: {  	[bflag:$0x0] =	sbarrier.arrive $0xFFFF  }
0x272: {  	s23 =	sld [smem:$0x7FB]  }
0x273: {  	s9 =	sld [smem:$0x7F4];
	_ =	sdelay $0x1  }
0x274: {  	s22 =	simm.s32 $0xB;
	s21 =	rddreg [dreg:$0x1b]  }
0x275: {  	[hbm:s23], [sflag:s21] =	dma.local [spmem:s9], $0x2800  }
0x276: {  	_ =	swait.ge [sflag:s22], $0x2800  }
0x277: {  	s7 =	sld [smem:$0x7F3]  }
0x278: {  	s23 =	sld [smem:$0x7FC];
	_ =	sdelay $0x1  }
0x279: {  	s9 =	sadd.s32 $0x1, s7  }
0x27a: {  	p0 =	sne.s32 s9, s23  }
.Ltmp1:
0x27b: {  	_ = 	snop;
	(pc) =	sbr.rel @p0 .LBB2_1-.Ltmp1, $3  }
0x27c: {  	_ =	sdelay $0x1  }
0x27d: {  	[sflag:s22] =	ssyncset.done $0x0  }
0x27e: {  	[sflag:s22] =	ssyncadd.s32 $0xFFFFD800  }
0x27f: {  	_ =	sfence.sel $0x180000  }
0x280: {  	[bflag:$0x0] =	sbarrier.arrive $0xFFFF  }
0x281: {  	_ =	strace $0x9000004A  }
0x282: {  	s0 =	stileid.u32;
	[bflag:$0x2] =	sbarrier.arrive $0xFFFF  }
0x283: {  	p0 =	sne.s32 s0, $0x0;
	s0 =	rddreg [dreg:$0x2]  }
0x284: {  	s0 =	sadd.s32 @!p0 $0x100000, s0  }
0x285: {  	[sflag:s0] =	ssyncadd.tile.s32 @!p0 $0x1;
	_ =	shalt  }
.Lfunc_end2:
_tile_overlayer_lowered:
.L_overlay_start_2:
0x286: {  	(tag) =	ssettag $0x2  }
0x287: {  	s0 =	rddreg [dreg:$0x0];
	s2 =	stileid.u32  }
0x288: {  	s1 =	rddreg [dreg:$0x1];
	p0 =	sne.s32 s2, $0x0  }
0x289: {  	s3 =	rddreg [dreg:$0x2];
	[bflag:$0x3] =	sbarrier.arrive $0xFFFF;
	s2 =	simm.s32 @!p0 $0x1C0B  }
0x28a: {  	[timem:s3], [sflag:s2] =	dma.local @!p0 [hbm:s0], s1  }
0x28b: {  	s0 =	simm.s32 @!p0 $0xB  }
0x28c: {  	_ =	swait.ge @!p0 [sflag:s0], s1  }
0x28d: {  	s1 =	ssub.s32 @!p0 $0x0, s1;
	[sflag:s0] =	ssyncset.done @!p0 $0x0  }
0x28e: {  	[sflag:s0] =	ssyncadd.s32 @!p0 s1  }
0x28f: {  	[bflag:$0x3] =	sbarrier.arrive $0xFFFF  }
0x290: {  	_ =	shalt  }

// kernel: kernel.14.cloned.1.call-start
scs
__scs_entry_jumppad:
0x0: {  	(pc) =	sbr.rel $0x88, $3  }
0x1: {  	(tag) =	ssettag $0x0;
	lr =	simm.s32 $0x1  }
0x2: {  	[smem:$0x3F99] =	sst lr;
	_ =	strace $0xD0000000  }
0x3: {  	_ = 	snop  }
0x4: {  	_ = 	snop  }
0x5: {  	_ = 	snop  }
0x6: {  	_ = 	snop  }
0x7: {  	_ = 	snop  }
__scs_overlays_trampoline_lowered:
0x8: {  	[smem:$0x3FA8] =	sst s0  }
0x9: {  	[smem:$0x3FA9] =	sst s1  }
0xa: {  	[smem:$0x3FAA] =	sst s2  }
0xb: {  	[smem:$0x3FAB] =	sst s3  }
0xc: {  	[smem:$0x3FAC] =	sst s4  }
0xd: {  	[smem:$0x3FAD] =	sst s5  }
0xe: {  	[smem:$0x3FAE] =	sst s6  }
0xf: {  	[smem:$0x3FAF] =	sst s7  }
0x10: {  	[smem:$0x3FB0] =	sst s8  }
0x11: {  	[smem:$0x3FB1] =	sst s9;
	s0 =	simm.s32 @!p0 $0x0  }
0x12: {  	s1 =	sld [smem:$0x3F97];
	s0 =	simm.s32 @p0 $0x1  }
0x13: {  	[smem:$0x3FB2] =	sst s0;
	s0 =	simm.s32 @!p1 $0x0  }
0x14: {  	s2 =	sld [smem:$0x3F96];
	s0 =	simm.s32 @p1 $0x1  }
0x15: {  	[smem:$0x3FB3] =	sst s0;
	s0 =	simm.s32 @!p2 $0x0  }
0x16: {  	s3 =	sld [smem:$0x3FDB];
	s0 =	simm.s32 @p2 $0x1  }
0x17: {  	s4 =	simm.s32 $0x1BF5;
	[smem:$0x3FB5] =	sst s0  }
0x18: {  	s0 =	sld [smem:$0x3F98];
	_ =	swait.ge [sflag:s4], $0x0  }
0x19: {  	s7 =	sld [smem:$0x3F99]  }
0x1a: {  	s8 =	sadd.s32 $0xFFFFE003, lr  }
0x1b: {  	s9 =	sadd.s32 $0xFFFFFEF7, lr;
	s5 =	simm.s32 $0xFFFFFFFF;
	p2 =	slt.u32 s8, $0xFFFFF086  }
0x1c: {  	p1 =	slt.u32 s9, $0xF7A;
	s5 =	simm.s32 @!p2 $0x0  }
0x1d: {  	s5 =	simm.s32 @p1 $0x1;
	p0 =	seq.s32 s7, s2  }
0x1e: {  	s7 =	smul.u32 @!p0 $0xF7A, s2;
	p2 =	seq.s32 @!p0 s5, $0x0  }
0x1f: {  	s9 =	smul.u32 $0xF7A, s1;
	s8 =	simm.s32 @!p0 $0x1BF5;
	p2 =	por !p2, p0  }
0x20: {  	[sflag:s8] =	ssyncset.s32 @!p0 $0xFFFFF086;
	s6 =	sadd.s32 @!p0 s3, s7;
	s7 =	simm.s32 @!p0 $0x108  }
0x21: {  	s3 =	sadd.s32 s3, s9;
	s6 =	sadd.s32 @!p0 $0x88, s6;
	s7 =	simm.s32 @p2 $0x1082  }
0x22: {  	[simem:s7], [sflag:s8] =	dma.local @!p0 [hbm:s6], $0xF7A  }
0x23: {  	s9 =	sor.u32 $0xD0000000, s2;
	s6 =	simm.s32 $0x108;
	_ =	swait.ge @!p0 [sflag:s8], $0x0  }
0x24: {  	s3 =	sadd.s32 $0x88, s3;
	s6 =	simm.s32 @!p1 $0x1082;
	[sflag:s4] =	ssyncset.s32 $0xFFFFF086  }
0x25: {  	[simem:s6], [sflag:s4] =	dma.local [hbm:s3], $0xF7A  }
0x26: {  	[smem:$0x3F99] =	sst s1;
	(tag) =	ssettag s2;
	_ =	strace s9  }
0x27: {  	s1 =	sld [smem:$0x3FA9]  }
0x28: {  	s2 =	sld [smem:$0x3FAA]  }
0x29: {  	s4 =	sld [smem:$0x3FAC]  }
0x2a: {  	p0 =	seq.s32 s5, $0x0;
	s5 =	sld [smem:$0x3FAD]  }
0x2b: {  	s6 =	sld [smem:$0x3FAE]  }
0x2c: {  	s7 =	sld [smem:$0x3FAF]  }
0x2d: {  	s3 =	simm.s32 $0x108;
	s8 =	sld [smem:$0x3FB0]  }
0x2e: {  	s3 =	simm.s32 @!p0 $0x1082;
	s9 =	sld [smem:$0x3FB1]  }
0x2f: {  	lr =	sadd.s32 s0, s3;
	s0 =	sld [smem:$0x3FA8]  }
0x30: {  	s3 =	sld [smem:$0x3FAB]  }
0x31: {  	[smem:$0x3FB4] =	sst s10  }
0x32: {  	s10 =	sld [smem:$0x3FB2];
	_ =	sdelay $0x3  }
0x33: {  	p0 =	seq.s32 s10, $0x1;
	s10 =	sld [smem:$0x3FB4];
	_ =	sdelay $0x3  }
0x34: {  	[smem:$0x3FB4] =	sst s10  }
0x35: {  	s10 =	sld [smem:$0x3FB3];
	_ =	sdelay $0x3  }
0x36: {  	p1 =	seq.s32 s10, $0x1;
	s10 =	sld [smem:$0x3FB4];
	_ =	sdelay $0x3  }
0x37: {  	[smem:$0x3FB4] =	sst s10  }
0x38: {  	s10 =	sld [smem:$0x3FB5]  }
0x39: {  	_ = 	snop;
	(pc) =	sbr.ind lr, $3  }
0x3a: {  	_ = 	snop  }
0x3b: {  	_ = 	snop  }
0x3c: {  	p2 =	seq.s32 s10, $0x1;
	s10 =	sld [smem:$0x3FB4]  }
0x3d: {  	_ =	shalt  }
0x3e: {  	_ =	shalt  }
0x3f: {  	_ =	shalt  }
0x40: {  	_ =	shalt  }
0x41: {  	_ =	shalt  }
0x42: {  	_ =	shalt  }
0x43: {  	_ =	shalt  }
0x44: {  	_ =	shalt  }
0x45: {  	_ =	shalt  }
0x46: {  	_ =	shalt  }
0x47: {  	_ =	shalt  }
0x48: {  	_ =	shalt  }
0x49: {  	_ =	shalt  }
0x4a: {  	_ =	shalt  }
0x4b: {  	_ =	shalt  }
0x4c: {  	_ =	shalt  }
0x4d: {  	_ =	shalt  }
0x4e: {  	_ =	shalt  }
0x4f: {  	_ =	shalt  }
0x50: {  	_ =	shalt  }
0x51: {  	_ =	shalt  }
0x52: {  	_ =	shalt  }
0x53: {  	_ =	shalt  }
0x54: {  	_ =	shalt  }
0x55: {  	_ =	shalt  }
0x56: {  	_ =	shalt  }
0x57: {  	_ =	shalt  }
0x58: {  	_ =	shalt  }
0x59: {  	_ =	shalt  }
0x5a: {  	_ =	shalt  }
0x5b: {  	_ =	shalt  }
0x5c: {  	_ =	shalt  }
0x5d: {  	_ =	shalt  }
0x5e: {  	_ =	shalt  }
0x5f: {  	_ =	shalt  }
0x60: {  	_ =	shalt  }
0x61: {  	_ =	shalt  }
0x62: {  	_ =	shalt  }
0x63: {  	_ =	shalt  }
0x64: {  	_ =	shalt  }
0x65: {  	_ =	shalt  }
0x66: {  	_ =	shalt  }
0x67: {  	_ =	shalt  }
0x68: {  	_ =	shalt  }
0x69: {  	_ =	shalt  }
0x6a: {  	_ =	shalt  }
0x6b: {  	_ =	shalt  }
0x6c: {  	_ =	shalt  }
0x6d: {  	_ =	shalt  }
0x6e: {  	_ =	shalt  }
0x6f: {  	_ =	shalt  }
0x70: {  	_ =	shalt  }
0x71: {  	_ =	shalt  }
0x72: {  	_ =	shalt  }
0x73: {  	_ =	shalt  }
0x74: {  	_ =	shalt  }
0x75: {  	_ =	shalt  }
0x76: {  	_ =	shalt  }
0x77: {  	_ =	shalt  }
0x78: {  	_ =	shalt  }
0x79: {  	_ =	shalt  }
0x7a: {  	_ =	shalt  }
0x7b: {  	_ =	shalt  }
0x7c: {  	_ =	shalt  }
0x7d: {  	_ =	shalt  }
0x7e: {  	_ =	shalt  }
0x7f: {  	_ =	shalt  }
0x80: {  	_ =	shalt  }
0x81: {  	_ =	shalt  }
0x82: {  	_ =	shalt  }
0x83: {  	_ =	shalt  }
0x84: {  	_ =	shalt  }
0x85: {  	_ =	shalt  }
0x86: {  	_ =	shalt  }
0x87: {  	_ =	shalt  }
.Lfunc_end0:
.L_simem_size_0:
called_computation.2_lowered:
.L_overlay_start_0:
0x88: {  	s2 =	sld [smem:$0x3FD9]  }
0x89: {  	s3 =	sld [smem:$0x3FFE];
	_ =	sdelay $0x1  }
0x8a: {  	s1 =	srdreg.scid  }
0x8b: {  	s0 =	sand.u32 $0x1, s1  }
0x8c: {  	s16 =	sshll.u32 s0, $0xA;
	s2 =	sadd.s32 s3, s2  }
0x8d: {  	s2 =	sadd.s32 s2, s16  }
0x8e: {  	[smem:$0x3FC0] =	sst s2  }
0x8f: {  	_ = 	snop  }
0x90: {  	(tm) =	ssettm $0x1  }
0x91: {  	s17 =	sld [smem:$0x3FFB];
	_ =	sdelay $0x3  }
0x92: {  	_ =	strace s17  }
0x93: {  	s2 =	sld [smem:$0x3FFC];
	_ =	sdelay $0x3  }
0x94: {  	_ =	strace s2  }
0x95: {  	s2 =	sld [smem:$0x3FFD];
	_ =	sdelay $0x3  }
0x96: {  	_ =	strace s2  }
0x97: {  	_ =	strace $0x8FFFFFFF  }
0x98: {  	s18 =	sld [smem:$0x3FDB];
	_ =	sdelay $0x1  }
0x99: {  	s19 =	simm.s32 $_scs_section_size  }
0x9a: {  	s4 =	simm.s32 $_size__tile_overlayer_lowered;
	s5 =	simm.s32 $_tile_overlayer_lowered  }
0x9b: {  	s22 =	simm.s32 $0x1BFF;
	s21 =	sshll.u32 s5, $0x1;
	s2 =	sadd.s32 s19, s18  }
0x9c: {  	s6 =	simm.s32 $0x0;
	s20 =	sshll.u32 s4, $0x1;
	s4 =	sadd.s32 s21, s2  }
0x9d: {  	[timem:s6], [sflag:s22] =	dma.local [hbm:s4], s20  }
0x9e: {  	_ =	swait.ge [sflag:s22], s20  }
0x9f: {  	s3 =	ssub.s32 $0x0, s20;
	[sflag:s22] =	ssyncset.done $0x0  }
0xa0: {  	[sflag:s22] =	ssyncadd.s32 s3;
	_ =	sdelay $0x1  }
0xa1: {  	s23 =	simm.s32 $0x1B8B  }
0xa2: {  	_ =	swait.ge [sflag:s23], $0x1  }
0xa3: {  	[sflag:s23] =	ssyncset.done $0x0  }
0xa4: {  	s25 =	simm.s32 $0x1B8E;
	s24 =	sld [smem:$0x3FFE];
	[sflag:s23] =	ssyncadd.s32 $0xFFFFFFFF  }
0xa5: {  	s26 =	simm.s32 $execute0_lowered;
	[smem:$0x3FD2] =	sst s25  }
0xa6: {  	s4 =	sshll.u32 s26, $0x1;
	_ =	strace $0x8000004C;
	[dreg:$0x1] =	wrdreg $0xFFFFFFFF  }
0xa7: {  	s28 =	simm.s32 $_size_execute0_lowered;
	s2 =	sadd.s32 s2, s4;
	[dreg:$0x0] =	wrdreg $0x0  }
0xa8: {  	s4 =	sshll.u32 s28, $0x1;
	[dreg:$0x2] =	wrdreg s2  }
0xa9: {  	[dreg:$0x3] =	wrdreg s4  }
0xaa: {  	[dreg:$0x4] =	wrdreg $0xC0  }
0xab: {  	_ =	task [dreg:s6], $0x5FFFF  }
0xac: {  	[dreg:$0x1] =	wrdreg $0xFFFFFFFF  }
0xad: {  	[dreg:$0x0] =	wrdreg $0x60  }
0xae: {  	[dreg:$0x2] =	wrdreg s24  }
0xaf: {  	[dreg:$0x3] =	wrdreg $0x7C000  }
0xb0: {  	[dreg:$0x4] =	wrdreg $0x9  }
0xb1: {  	_ =	task.clear_ibuf [dreg:s6], $0x5FFFF;
	_ =	strace $0x9000004C  }
0xb2: {  	s29 =	simm.s32 $0x9;
	_ =	strace $0x8000004E  }
0xb3: {  	_ =	swait.ge [sflag:s29], $0x1  }
0xb4: {  	[sflag:s29] =	ssyncadd.s32 $0xFFFFFFFF  }
0xb5: {  	_ =	strace $0x9000004E  }
0xb6: {  	_ =	sfence  }
0xb7: {  	s30 =	sld [smem:$0x0];
	_ =	sdelay $0x2  }
0xb8: {  	s31 =	sshll.u32 s1, $0xD;
	s1 =	sshrl.u32 s1, $0x2  }
0xb9: {  	s3 =	sand.u32 $0x4000, s31;
	s1 =	sadd.s32 s1, s30  }
0xba: {  	s0 =	sor.u32 s3, s0;
	s1 =	sshll.u32 s1, $0x11  }
0xbb: {  	s0 =	sor.u32 s1, s0  }
0xbc: {  	s0 =	sadd.s32 $0x8F2B, s0  }
0xbd: {  	[sflag:s0] =	ssyncadd.remote.s32 $0x1  }
0xbe: {  	_ =	sfence.sel $0xFFFF  }
0xbf: {  	[dreg:$0x0] =	wrdreg $0xFFFFFFFF;
	(pc) =	sbr.abs _section_cstart, $3  }
0xc0: {  	[dreg:$0x1] =	wrdreg $0xFFFFFFFF  }
0xc1: {  	_ =	task.clear_ibuf [dreg:s6], $0x2FFFF;
	_ =	strace $0x9FFFFFFF  }
0xc2: {  	(tm) =	ssettm $0x7FFFFFFF  }
0xc3: {  	_ =	shalt  }
tec
execute0_lowered:
.L_overlay_start_1:
0x0: {  	(tag) =	ssettag $0x1  }
0x1: {  	s0 =	rddreg [dreg:$0x0]  }
0x2: {  	s1 =	rddreg [dreg:$0x1];
	s2 =	simm.s32 $0x0  }
0x3: {  	s3 =	srdreg.scid;
	s12 =	stileid.u32;
	s28 =	simm.s32 $0x50  }
0x4: {  	s29 =	simm.s32 $0x400;
	s30 =	simm.s32 $0x5400;
	s31 =	simm.s32 $0x5  }
0x5: {  	[smem:$0x7FF] =	sst s2;
	s4 =	sadd.s32 $0x78600, s0;
	s7 =	smul.u32 $0x2800, s12  }
0x6: {  	s3 =	sand.u32 $0x1, s3;
	s6 =	sshll.u32 s12, $0x1;
	s11 =	smul.u32 $0x50000, s12  }
0x7: {  	s5 =	sadd.s32 $0x1C00, s0;
	s13 =	sadd.s32 $0x25800, s0;
	s20 =	smul.u32 $0x4E20, s12  }
0x8: {  	s16 =	sshll.u32 s12, $0x6;
	_ =	strace $0x8000004D;
	s8 =	smul.u32 $0x28000, s3  }
0x9: {  	s9 =	sor.u32 s3, s6;
	s6 =	sadd.s32 $0xBA00, s0;
	s10 =	ssub.s32 $0x2, s3  }
0xa: {  	[dreg:$0x19] =	wrdreg s13;
	s21 =	sor.u32 $0x1C0B, s16;
	s3 =	smul.u32 $0x2710, s3  }
0xb: {  	s9 =	smul.u32 $0x2710, s9;
	s14 =	sshrl.u32 s10, $0x1;
	s15 =	sshrl.u32 s11, $0x2  }
0xc: {  	[dreg:$0x1b] =	wrdreg s21;
	s7 =	sadd.s32 s7, s8;
	s8 =	sadd.s32 s15, s1  }
0xd: {  	s3 =	sadd.s32 s3, s20;
	s7 =	sadd.s32 s7, s0;
	s0 =	ssub.s32 s10, s14  }
0xe: {  	s9 =	sshrl.u32 s9, $0x3;
	[dreg:$0x1a] =	wrdreg s8;
	s13 =	sadd.s32 $0x410, s3  }
0xf: {  	s17 =	sadd.s32 s5, s9;
	s18 =	sadd.s32 s6, s9;
	s19 =	sadd.s32 $0xA, s9  }
0x10: {  	s23 =	sadd.s32 $0x4C4, s9;
	s25 =	sadd.s32 $0x4CE, s9;
	[dreg:$0x1c] =	wrdreg s17  }
0x11: {  	s12 =	sadd.s32 $0x4D8, s9;
	s7 =	sadd.s32 $0xA0600, s7;
	[dreg:$0x1d] =	wrdreg s18  }
0x12: {  	s15 =	sshrl.u32 s13, $0x3;
	s0 =	smax.u32 s0, $0x1;
	[smem:$0x7FB] =	sst s7  }
0x13: {  	s13 =	sadd.s32 $0x280, s3;
	s22 =	sadd.s32 s5, s19;
	[smem:$0x7FC] =	sst s0  }
0x14: {  	s9 =	simm.s32 $0x0;
	s8 =	sadd.s32 s6, s19;
	[dreg:$0x1e] =	wrdreg s22  }
0x15: {  	s24 =	sadd.s32 s5, s23;
	s11 =	sadd.s32 s6, s23;
	[dreg:$0x1f] =	wrdreg s8  }
0x16: {  	s26 =	sadd.s32 s5, s25;
	s14 =	sadd.s32 s5, s12;
	[smem:$0x7F5] =	sst s24  }
0x17: {  	s16 =	sadd.s32 s15, s6;
	s17 =	sadd.s32 $0x370, s3;
	[smem:$0x7F6] =	sst s11  }
0x18: {  	s18 =	sadd.s32 s15, s5;
	s15 =	sshrl.u32 s13, $0x3;
	[smem:$0x7F7] =	sst s26  }
0x19: {  	s13 =	sadd.s32 $0x140, s3;
	s0 =	simm.s32 $0x2;
	[smem:$0x7F9] =	sst s14  }
0x1a: {  	s8 =	sadd.s32 s6, s25;
	[dreg:$0x3] =	wrdreg s16;
	s19 =	sshrl.u32 s17, $0x3  }
0x1b: {  	[dreg:$0x4] =	wrdreg s18;
	s22 =	sadd.s32 $0x320, s3;
	s26 =	sadd.s32 $0x2D0, s3  }
0x1c: {  	s16 =	sadd.s32 s15, s6;
	s17 =	sadd.s32 $0x230, s3;
	s18 =	sadd.s32 s15, s5  }
0x1d: {  	s15 =	sshrl.u32 s13, $0x3;
	s13 =	simm.s32 $0x3;
	[smem:$0x7F8] =	sst s8  }
0x1e: {  	s8 =	sadd.s32 s6, s12;
	s20 =	sadd.s32 s19, s6;
	[dreg:$0xb] =	wrdreg s16  }
0x1f: {  	s23 =	sadd.s32 s19, s5;
	s24 =	sshrl.u32 s22, $0x3;
	[dreg:$0xc] =	wrdreg s18  }
0x20: {  	s11 =	sshrl.u32 s26, $0x3;
	s19 =	sshrl.u32 s17, $0x3;
	[smem:$0x7FA] =	sst s8  }
0x21: {  	s22 =	sadd.s32 $0x1E0, s3;
	s26 =	sadd.s32 $0x190, s3;
	[dreg:$0x5] =	wrdreg s20  }
0x22: {  	s16 =	sadd.s32 s15, s6;
	s17 =	sadd.s32 $0xF0, s3;
	[dreg:$0x6] =	wrdreg s23  }
0x23: {  	s18 =	sadd.s32 s15, s5;
	s15 =	simm.s32 $0x180;
	[dreg:$0x13] =	wrdreg s16  }
0x24: {  	s25 =	sadd.s32 s24, s6;
	s10 =	sadd.s32 s24, s5;
	[dreg:$0x14] =	wrdreg s18  }
0x25: {  	s12 =	sadd.s32 s11, s6;
	s14 =	sadd.s32 s11, s5;
	[dreg:$0x7] =	wrdreg s25  }
0x26: {  	s20 =	sadd.s32 s19, s6;
	s23 =	sadd.s32 s19, s5;
	[dreg:$0x8] =	wrdreg s10  }
0x27: {  	s24 =	sshrl.u32 s22, $0x3;
	s11 =	sshrl.u32 s26, $0x3;
	[dreg:$0x9] =	wrdreg s12  }
0x28: {  	s19 =	sshrl.u32 s17, $0x3;
	s22 =	sadd.s32 $0xA0, s3;
	[dreg:$0xa] =	wrdreg s14  }
0x29: {  	s3 =	sadd.s32 $0x3C0, s3;
	s8 =	simm.s32 $0x2C00;
	[dreg:$0xd] =	wrdreg s20  }
0x2a: {  	s16 =	simm.s32 $0x380;
	s17 =	simm.s32 $0x7;
	[dreg:$0xe] =	wrdreg s23  }
0x2b: {  	s18 =	simm.s32 $0x4;
	s25 =	sadd.s32 s24, s6;
	[smem:$0x7FD] =	sst s3  }
0x2c: {  	s10 =	sadd.s32 s24, s5;
	s12 =	sadd.s32 s11, s6;
	[dreg:$0xf] =	wrdreg s25  }
0x2d: {  	s14 =	sadd.s32 s11, s5;
	s20 =	sadd.s32 s19, s6;
	[dreg:$0x10] =	wrdreg s10  }
0x2e: {  	s23 =	sadd.s32 s19, s5;
	s24 =	sshrl.u32 s22, $0x3;
	[dreg:$0x11] =	wrdreg s12  }
0x2f: {  	s22 =	simm.s32 $0xB;
	s3 =	simm.s32 $0x9;
	[dreg:$0x12] =	wrdreg s14  }
0x30: {  	s11 =	simm.s32 $0x300;
	s19 =	simm.s32 $0x8;
	[dreg:$0x15] =	wrdreg s20  }
0x31: {  	[dreg:$0x16] =	wrdreg s23;
	s25 =	sadd.s32 s24, s6;
	s26 =	sadd.s32 s24, s5  }
0x32: {  	s24 =	simm.s32 $0x200;
	s10 =	simm.s32 $0x100;
	s12 =	simm.s32 $0x6  }
0x33: {  	s14 =	simm.s32 $0xA;
	s20 =	simm.s32 $0x1;
	[dreg:$0x17] =	wrdreg s25  }
0x34: {  	[dreg:$0x18] =	wrdreg s26;
	s25 =	simm.s32 $0x80;
	s26 =	simm.s32 $0x280  }
.LBB2_1:
0x35: {  	[smem:$0x7F3] =	sst s9  }
0x36: {  	s7 =	rddreg [dreg:$0x1a]  }
0x37: {  	s23 =	sshrl.u32 s7, $0x3;
	s7 =	rddreg [dreg:$0x19]  }
0x38: {  	[smem:$0x7F4] =	sst s23  }
0x39: {  	[spmem:s23], [sflag:s21] =	dma.local [hbm:s7], $0x2800  }
0x3a: {  	_ =	swait.ge [sflag:s22], $0x2800  }
0x3b: {  	[sflag:s22] =	ssyncset.done $0x0  }
0x3c: {  	[sflag:s22] =	ssyncadd.s32 $0xFFFFD800  }
0x3d: {  	[bflag:$0x0] =	sbarrier.arrive $0xFFFF  }
0x3e: {  	s23 =	rddreg [dreg:$0x1c]  }
0x3f: {  	[tilespmem:s2], [sflag:$0xB] =	stream.linear.gather [hbm4b:s23+s2], $0x50, $0x38;
	[tilespmem:$0x1BC00] =	vst v63  }
0x40: {  	_ =	swait.ge [sflag:s22], $0x50  }
0x41: {  	[sflag:s22] =	ssyncset.done $0x0  }
0x42: {  	s21 =	rddreg [dreg:$0x1d];
	[sflag:s22] =	ssyncadd.s32 $0xFFFFFFB0  }
0x43: {  	[tilespmem:s24], [sflag:$0xB] =	stream.linear.gather [hbm4b:s21+s2], $0x50, $0x38;
	[tilespmem:$0x1BC00] =	vst v63  }
0x44: {  	_ =	swait.ge [sflag:s22], $0x50  }
0x45: {  	[sflag:s22] =	ssyncset.done $0x0  }
0x46: {  	s23 =	rddreg [dreg:$0x1e];
	[sflag:s22] =	ssyncadd.s32 $0xFFFFFFB0  }
0x47: {  	[tilespmem:s25], [sflag:$0x2] =	stream.linear.gather [hbm4b:s23+s2], $0x50, $0x38;
	[tilespmem:$0x1BC00] =	vst v63  }
0x48: {  	s21 =	rddreg [dreg:$0x1f]  }
0x49: {  	[tilespmem:s26], [sflag:$0x2] =	stream.linear.gather [hbm4b:s21+s2], $0x50, $0x38;
	[tilespmem:$0x1BC00] =	vst v63  }
0x4a: {  	_ = 	snop  }
0x4b: {  	[tilespmem:s29], [sflag:$0x5] =	stream.indirect.gather [hbm4b:s4+s28], $0x80, s2, s28, $0xb8;
	[tilespmem:$0x1BC00] =	vst v63  }
0x4c: {  	_ = 	snop  }
0x4d: {  	[tilespmem:s30], [sflag:$0xB] =	stream.linear.gather [hbm4b:s7+s2], $0x2800, $0x38;
	[tilespmem:$0x1BC00] =	vst v63  }
0x4e: {  	_ =	swait.ge [sflag:s22], $0x2800  }
0x4f: {  	[sflag:s22] =	ssyncset.done $0x0  }
0x50: {  	[sflag:s22] =	ssyncadd.s32 $0xFFFFD800  }
0x51: {  	[spmem:s1] =	stream.indirect.scatter.add.f32 [tilespmem:s30], [sflag:$0x9], $0x80, s24, s28, $0xb8;
	[tilespmem:$0x1BC00] =	vst v63  }
0x52: {  	_ = 	snop  }
0x53: {  	[spmem:s1] =	stream.indirect.scatter.add.f32 [tilespmem:s30], [sflag:$0xA], $0x80, s24, s28, $0xb8;
	[tilespmem:$0x1BC00] =	vst v63  }
0x54: {  	_ =	swait.ge [sflag:s31], $0x2800  }
0x55: {  	[sflag:s31] =	ssyncset.done $0x0  }
0x56: {  	[sflag:s31] =	ssyncadd.s32 $0xFFFFD800  }
0x57: {  	_ =	swait.ge [sflag:s0], $0x50  }
0x58: {  	[sflag:s0] =	ssyncset.done $0x0  }
0x59: {  	[sflag:s0] =	ssyncadd.s32 $0xFFFFFFB0  }
0x5a: {  	_ =	swait.ge [sflag:s0], $0x50  }
0x5b: {  	[sflag:s0] =	ssyncset.done $0x0  }
0x5c: {  	[sflag:s0] =	ssyncadd.s32 $0xFFFFFFB0  }
0x5d: {  	_ =	swait.ge [sflag:s3], $0x2800  }
0x5e: {  	[sflag:s3] =	ssyncset.done $0x0  }
0x5f: {  	s22 =	rddreg [dreg:$0x18];
	[sflag:s3] =	ssyncadd.s32 $0xFFFFD800  }
0x60: {  	[tilespmem:s8], [sflag:$0x6] =	stream.indirect.gather [hbm4b:s4+s28], $0x80, s25, s28, $0xb8;
	[tilespmem:$0x1BC00] =	vst v63  }
0x61: {  	s23 =	rddreg [dreg:$0x17];
	s7 =	sadd.s32 $0x0, s22  }
0x62: {  	[tilespmem:s10], [sflag:$0x3] =	stream.linear.gather [hbm4b:s7+s2], $0x50, $0x38;
	[tilespmem:$0x1BC00] =	vst v63  }
0x63: {  	s21 =	sadd.s32 $0x0, s23  }
0x64: {  	[tilespmem:s11], [sflag:$0x3] =	stream.linear.gather [hbm4b:s21+s2], $0x50, $0x38;
	[tilespmem:$0x1BC00] =	vst v63  }
0x65: {  	_ = 	snop  }
0x66: {  	[spmem:s1] =	stream.indirect.scatter.add.f32 [tilespmem:s29], [sflag:$0x8], $0x80, s24, s28, $0xb8;
	[tilespmem:$0x1BC00] =	vst v63  }
0x67: {  	_ =	swait.ge [sflag:s12], $0x2800  }
0x68: {  	[sflag:s12] =	ssyncset.done $0x0  }
0x69: {  	[sflag:s12] =	ssyncadd.s32 $0xFFFFD800  }
0x6a: {  	_ =	swait.ge [sflag:s13], $0x50  }
0x6b: {  	[sflag:s13] =	ssyncset.done $0x0  }
0x6c: {  	[sflag:s13] =	ssyncadd.s32 $0xFFFFFFB0  }
0x6d: {  	_ =	swait.ge [sflag:s13], $0x50  }
0x6e: {  	[sflag:s13] =	ssyncset.done $0x0  }
0x6f: {  	[sflag:s13] =	ssyncadd.s32 $0xFFFFFFB0  }
0x70: {  	_ =	swait.ge [sflag:s14], $0x2800  }
0x71: {  	[sflag:s14] =	ssyncset.done $0x0  }
0x72: {  	s22 =	rddreg [dreg:$0x16];
	[sflag:s14] =	ssyncadd.s32 $0xFFFFD800  }
0x73: {  	[tilespmem:s30], [sflag:$0x7] =	stream.indirect.gather [hbm4b:s4+s28], $0x80, s10, s28, $0xb8;
	[tilespmem:$0x1BC00] =	vst v63  }
0x74: {  	s23 =	rddreg [dreg:$0x15];
	s7 =	sadd.s32 $0x0, s22  }
0x75: {  	[tilespmem:s15], [sflag:$0x4] =	stream.linear.gather [hbm4b:s7+s2], $0x50, $0x38;
	[tilespmem:$0x1BC00] =	vst v63  }
0x76: {  	s21 =	sadd.s32 $0x0, s23  }
0x77: {  	[tilespmem:s16], [sflag:$0x4] =	stream.linear.gather [hbm4b:s21+s2], $0x50, $0x38;
	[tilespmem:$0x1BC00] =	vst v63  }
0x78: {  	_ = 	snop  }
0x79: {  	[spmem:s1] =	stream.indirect.scatter.add.f32 [tilespmem:s8], [sflag:$0x9], $0x80, s26, s28, $0xb8;
	[tilespmem:$0x1BC00] =	vst v63  }
0x7a: {  	_ =	swait.ge [sflag:s17], $0x2800  }
0x7b: {  	[sflag:s17] =	ssyncset.done $0x0  }
0x7c: {  	[sflag:s17] =	ssyncadd.s32 $0xFFFFD800  }
0x7d: {  	_ =	swait.ge [sflag:s18], $0x50  }
0x7e: {  	[sflag:s18] =	ssyncset.done $0x0  }
0x7f: {  	[sflag:s18] =	ssyncadd.s32 $0xFFFFFFB0  }
0x80: {  	_ =	swait.ge [sflag:s18], $0x50  }
0x81: {  	[sflag:s18] =	ssyncset.done $0x0  }
0x82: {  	[sflag:s18] =	ssyncadd.s32 $0xFFFFFFB0  }
0x83: {  	_ =	swait.ge [sflag:s19], $0x2800  }
0x84: {  	[sflag:s19] =	ssyncset.done $0x0  }
0x85: {  	s22 =	rddreg [dreg:$0x14];
	[sflag:s19] =	ssyncadd.s32 $0xFFFFD800  }
0x86: {  	[tilespmem:s29], [sflag:$0x5] =	stream.indirect.gather [hbm4b:s4+s28], $0x80, s15, s28, $0xb8;
	[tilespmem:$0x1BC00] =	vst v63  }
0x87: {  	s23 =	rddreg [dreg:$0x13];
	s7 =	sadd.s32 $0x0, s22  }
0x88: {  	[tilespmem:s2], [sflag:$0x1] =	stream.linear.gather [hbm4b:s7+s2], $0x50, $0x38;
	[tilespmem:$0x1BC00] =	vst v63  }
0x89: {  	s21 =	sadd.s32 $0x0, s23  }
0x8a: {  	[tilespmem:s24], [sflag:$0x1] =	stream.linear.gather [hbm4b:s21+s2], $0x50, $0x38;
	[tilespmem:$0x1BC00] =	vst v63  }
0x8b: {  	_ = 	snop  }
0x8c: {  	[spmem:s1] =	stream.indirect.scatter.add.f32 [tilespmem:s30], [sflag:$0xA], $0x80, s11, s28, $0xb8;
	[tilespmem:$0x1BC00] =	vst v63  }
0x8d: {  	_ =	swait.ge [sflag:s31], $0x2800  }
0x8e: {  	[sflag:s31] =	ssyncset.done $0x0  }
0x8f: {  	[sflag:s31] =	ssyncadd.s32 $0xFFFFD800  }
0x90: {  	_ =	swait.ge [sflag:s20], $0x50  }
0x91: {  	[sflag:s20] =	ssyncset.done $0x0  }
0x92: {  	[sflag:s20] =	ssyncadd.s32 $0xFFFFFFB0  }
0x93: {  	_ =	swait.ge [sflag:s20], $0x50  }
0x94: {  	[sflag:s20] =	ssyncset.done $0x0  }
0x95: {  	[sflag:s20] =	ssyncadd.s32 $0xFFFFFFB0  }
0x96: {  	_ =	swait.ge [sflag:s3], $0x2800  }
0x97: {  	[sflag:s3] =	ssyncset.done $0x0  }
0x98: {  	s22 =	rddreg [dreg:$0x12];
	[sflag:s3] =	ssyncadd.s32 $0xFFFFD800  }
0x99: {  	[tilespmem:s8], [sflag:$0x6] =	stream.indirect.gather [hbm4b:s4+s28], $0x80, s2, s28, $0xb8;
	[tilespmem:$0x1BC00] =	vst v63  }
0x9a: {  	s23 =	rddreg [dreg:$0x11];
	s7 =	sadd.s32 $0x0, s22  }
0x9b: {  	[tilespmem:s25], [sflag:$0x2] =	stream.linear.gather [hbm4b:s7+s2], $0x50, $0x38;
	[tilespmem:$0x1BC00] =	vst v63  }
0x9c: {  	s21 =	sadd.s32 $0x0, s23  }
0x9d: {  	[tilespmem:s26], [sflag:$0x2] =	stream.linear.gather [hbm4b:s21+s2], $0x50, $0x38;
	[tilespmem:$0x1BC00] =	vst v63  }
0x9e: {  	_ = 	snop  }
0x9f: {  	[spmem:s1] =	stream.indirect.scatter.add.f32 [tilespmem:s29], [sflag:$0x8], $0x80, s16, s28, $0xb8;
	[tilespmem:$0x1BC00] =	vst v63  }
0xa0: {  	_ =	swait.ge [sflag:s12], $0x2800  }
0xa1: {  	[sflag:s12] =	ssyncset.done $0x0  }
0xa2: {  	[sflag:s12] =	ssyncadd.s32 $0xFFFFD800  }
0xa3: {  	_ =	swait.ge [sflag:s0], $0x50  }
0xa4: {  	[sflag:s0] =	ssyncset.done $0x0  }
0xa5: {  	[sflag:s0] =	ssyncadd.s32 $0xFFFFFFB0  }
0xa6: {  	_ =	swait.ge [sflag:s0], $0x50  }
0xa7: {  	[sflag:s0] =	ssyncset.done $0x0  }
0xa8: {  	[sflag:s0] =	ssyncadd.s32 $0xFFFFFFB0  }
0xa9: {  	_ =	swait.ge [sflag:s14], $0x2800  }
0xaa: {  	[sflag:s14] =	ssyncset.done $0x0  }
0xab: {  	s22 =	rddreg [dreg:$0x10];
	[sflag:s14] =	ssyncadd.s32 $0xFFFFD800  }
0xac: {  	[tilespmem:s30], [sflag:$0x7] =	stream.indirect.gather [hbm4b:s4+s28], $0x80, s25, s28, $0xb8;
	[tilespmem:$0x1BC00] =	vst v63  }
0xad: {  	s23 =	rddreg [dreg:$0xf];
	s7 =	sadd.s32 $0x0, s22  }
0xae: {  	[tilespmem:s10], [sflag:$0x3] =	stream.linear.gather [hbm4b:s7+s2], $0x50, $0x38;
	[tilespmem:$0x1BC00] =	vst v63  }
0xaf: {  	s21 =	sadd.s32 $0x0, s23  }
0xb0: {  	[tilespmem:s11], [sflag:$0x3] =	stream.linear.gather [hbm4b:s21+s2], $0x50, $0x38;
	[tilespmem:$0x1BC00] =	vst v63  }
0xb1: {  	_ = 	snop  }
0xb2: {  	[spmem:s1] =	stream.indirect.scatter.add.f32 [tilespmem:s8], [sflag:$0x9], $0x80, s24, s28, $0xb8;
	[tilespmem:$0x1BC00] =	vst v63  }
0xb3: {  	_ =	swait.ge [sflag:s17], $0x2800  }
0xb4: {  	[sflag:s17] =	ssyncset.done $0x0  }
0xb5: {  	[sflag:s17] =	ssyncadd.s32 $0xFFFFD800  }
0xb6: {  	_ =	swait.ge [sflag:s13], $0x50  }
0xb7: {  	[sflag:s13] =	ssyncset.done $0x0  }
0xb8: {  	[sflag:s13] =	ssyncadd.s32 $0xFFFFFFB0  }
0xb9: {  	_ =	swait.ge [sflag:s13], $0x50  }
0xba: {  	[sflag:s13] =	ssyncset.done $0x0  }
0xbb: {  	[sflag:s13] =	ssyncadd.s32 $0xFFFFFFB0  }
0xbc: {  	_ =	swait.ge [sflag:s19], $0x2800  }
0xbd: {  	[sflag:s19] =	ssyncset.done $0x0  }
0xbe: {  	s22 =	rddreg [dreg:$0xe];
	[sflag:s19] =	ssyncadd.s32 $0xFFFFD800  }
0xbf: {  	[tilespmem:s29], [sflag:$0x5] =	stream.indirect.gather [hbm4b:s4+s28], $0x80, s10, s28, $0xb8;
	[tilespmem:$0x1BC00] =	vst v63  }
0xc0: {  	s23 =	rddreg [dreg:$0xd];
	s7 =	sadd.s32 $0x0, s22  }
0xc1: {  	[tilespmem:s15], [sflag:$0x4] =	stream.linear.gather [hbm4b:s7+s2], $0x50, $0x38;
	[tilespmem:$0x1BC00] =	vst v63  }
0xc2: {  	s21 =	sadd.s32 $0x0, s23  }
0xc3: {  	[tilespmem:s16], [sflag:$0x4] =	stream.linear.gather [hbm4b:s21+s2], $0x50, $0x38;
	[tilespmem:$0x1BC00] =	vst v63  }
0xc4: {  	_ = 	snop  }
0xc5: {  	[spmem:s1] =	stream.indirect.scatter.add.f32 [tilespmem:s30], [sflag:$0xA], $0x80, s26, s28, $0xb8;
	[tilespmem:$0x1BC00] =	vst v63  }
0xc6: {  	_ =	swait.ge [sflag:s31], $0x2800  }
0xc7: {  	[sflag:s31] =	ssyncset.done $0x0  }
0xc8: {  	[sflag:s31] =	ssyncadd.s32 $0xFFFFD800  }
0xc9: {  	_ =	swait.ge [sflag:s18], $0x50  }
0xca: {  	[sflag:s18] =	ssyncset.done $0x0  }
0xcb: {  	[sflag:s18] =	ssyncadd.s32 $0xFFFFFFB0  }
0xcc: {  	_ =	swait.ge [sflag:s18], $0x50  }
0xcd: {  	[sflag:s18] =	ssyncset.done $0x0  }
0xce: {  	[sflag:s18] =	ssyncadd.s32 $0xFFFFFFB0  }
0xcf: {  	_ =	swait.ge [sflag:s3], $0x2800  }
0xd0: {  	[sflag:s3] =	ssyncset.done $0x0  }
0xd1: {  	s22 =	rddreg [dreg:$0xc];
	[sflag:s3] =	ssyncadd.s32 $0xFFFFD800  }
0xd2: {  	[tilespmem:s8], [sflag:$0x6] =	stream.indirect.gather [hbm4b:s4+s28], $0x80, s15, s28, $0xb8;
	[tilespmem:$0x1BC00] =	vst v63  }
0xd3: {  	s23 =	rddreg [dreg:$0xb];
	s7 =	sadd.s32 $0x0, s22  }
0xd4: {  	[tilespmem:s2], [sflag:$0x1] =	stream.linear.gather [hbm4b:s7+s2], $0x50, $0x38;
	[tilespmem:$0x1BC00] =	vst v63  }
0xd5: {  	s21 =	sadd.s32 $0x0, s23  }
0xd6: {  	[tilespmem:s24], [sflag:$0x1] =	stream.linear.gather [hbm4b:s21+s2], $0x50, $0x38;
	[tilespmem:$0x1BC00] =	vst v63  }
0xd7: {  	_ = 	snop  }
0xd8: {  	[spmem:s1] =	stream.indirect.scatter.add.f32 [tilespmem:s29], [sflag:$0x8], $0x80, s11, s28, $0xb8;
	[tilespmem:$0x1BC00] =	vst v63  }
0xd9: {  	_ =	swait.ge [sflag:s12], $0x2800  }
0xda: {  	[sflag:s12] =	ssyncset.done $0x0  }
0xdb: {  	[sflag:s12] =	ssyncadd.s32 $0xFFFFD800  }
0xdc: {  	_ =	swait.ge [sflag:s20], $0x50  }
0xdd: {  	[sflag:s20] =	ssyncset.done $0x0  }
0xde: {  	[sflag:s20] =	ssyncadd.s32 $0xFFFFFFB0  }
0xdf: {  	_ =	swait.ge [sflag:s20], $0x50  }
0xe0: {  	[sflag:s20] =	ssyncset.done $0x0  }
0xe1: {  	[sflag:s20] =	ssyncadd.s32 $0xFFFFFFB0  }
0xe2: {  	_ =	swait.ge [sflag:s14], $0x2800  }
0xe3: {  	[sflag:s14] =	ssyncset.done $0x0  }
0xe4: {  	s22 =	rddreg [dreg:$0xa];
	[sflag:s14] =	ssyncadd.s32 $0xFFFFD800  }
0xe5: {  	[tilespmem:s30], [sflag:$0x7] =	stream.indirect.gather [hbm4b:s4+s28], $0x80, s2, s28, $0xb8;
	[tilespmem:$0x1BC00] =	vst v63  }
0xe6: {  	s23 =	rddreg [dreg:$0x9];
	s7 =	sadd.s32 $0x0, s22  }
0xe7: {  	[tilespmem:s25], [sflag:$0x2] =	stream.linear.gather [hbm4b:s7+s2], $0x50, $0x38;
	[tilespmem:$0x1BC00] =	vst v63  }
0xe8: {  	s21 =	sadd.s32 $0x0, s23  }
0xe9: {  	[tilespmem:s26], [sflag:$0x2] =	stream.linear.gather [hbm4b:s21+s2], $0x50, $0x38;
	[tilespmem:$0x1BC00] =	vst v63  }
0xea: {  	_ = 	snop  }
0xeb: {  	[spmem:s1] =	stream.indirect.scatter.add.f32 [tilespmem:s8], [sflag:$0x9], $0x80, s16, s28, $0xb8;
	[tilespmem:$0x1BC00] =	vst v63  }
0xec: {  	_ =	swait.ge [sflag:s17], $0x2800  }
0xed: {  	[sflag:s17] =	ssyncset.done $0x0  }
0xee: {  	[sflag:s17] =	ssyncadd.s32 $0xFFFFD800  }
0xef: {  	_ =	swait.ge [sflag:s0], $0x50  }
0xf0: {  	[sflag:s0] =	ssyncset.done $0x0  }
0xf1: {  	[sflag:s0] =	ssyncadd.s32 $0xFFFFFFB0  }
0xf2: {  	_ =	swait.ge [sflag:s0], $0x50  }
0xf3: {  	[sflag:s0] =	ssyncset.done $0x0  }
0xf4: {  	[sflag:s0] =	ssyncadd.s32 $0xFFFFFFB0  }
0xf5: {  	_ =	swait.ge [sflag:s19], $0x2800  }
0xf6: {  	[sflag:s19] =	ssyncset.done $0x0  }
0xf7: {  	s22 =	rddreg [dreg:$0x8];
	[sflag:s19] =	ssyncadd.s32 $0xFFFFD800  }
0xf8: {  	[tilespmem:s29], [sflag:$0x5] =	stream.indirect.gather [hbm4b:s4+s28], $0x80, s25, s28, $0xb8;
	[tilespmem:$0x1BC00] =	vst v63  }
0xf9: {  	s23 =	rddreg [dreg:$0x7];
	s7 =	sadd.s32 $0x0, s22  }
0xfa: {  	[tilespmem:s10], [sflag:$0x3] =	stream.linear.gather [hbm4b:s7+s2], $0x50, $0x38;
	[tilespmem:$0x1BC00] =	vst v63  }
0xfb: {  	s21 =	sadd.s32 $0x0, s23  }
0xfc: {  	[tilespmem:s11], [sflag:$0x3] =	stream.linear.gather [hbm4b:s21+s2], $0x50, $0x38;
	[tilespmem:$0x1BC00] =	vst v63  }
0xfd: {  	_ = 	snop  }
0xfe: {  	[spmem:s1] =	stream.indirect.scatter.add.f32 [tilespmem:s30], [sflag:$0xA], $0x80, s24, s28, $0xb8;
	[tilespmem:$0x1BC00] =	vst v63  }
0xff: {  	_ =	swait.ge [sflag:s31], $0x2800  }
0x100: {  	[sflag:s31] =	ssyncset.done $0x0  }
0x101: {  	[sflag:s31] =	ssyncadd.s32 $0xFFFFD800  }
0x102: {  	_ =	swait.ge [sflag:s13], $0x50  }
0x103: {  	[sflag:s13] =	ssyncset.done $0x0  }
0x104: {  	[sflag:s13] =	ssyncadd.s32 $0xFFFFFFB0  }
0x105: {  	_ =	swait.ge [sflag:s13], $0x50  }
0x106: {  	[sflag:s13] =	ssyncset.done $0x0  }
0x107: {  	[sflag:s13] =	ssyncadd.s32 $0xFFFFFFB0  }
0x108: {  	_ =	swait.ge [sflag:s3], $0x2800  }
0x109: {  	[sflag:s3] =	ssyncset.done $0x0  }
0x10a: {  	s22 =	rddreg [dreg:$0x6];
	[sflag:s3] =	ssyncadd.s32 $0xFFFFD800  }
0x10b: {  	[tilespmem:s8], [sflag:$0x6] =	stream.indirect.gather [hbm4b:s4+s28], $0x80, s10, s28, $0xb8;
	[tilespmem:$0x1BC00] =	vst v63  }
0x10c: {  	s23 =	rddreg [dreg:$0x5];
	s7 =	sadd.s32 $0x0, s22  }
0x10d: {  	[tilespmem:s15], [sflag:$0x4] =	stream.linear.gather [hbm4b:s7+s2], $0x50, $0x38;
	[tilespmem:$0x1BC00] =	vst v63  }
0x10e: {  	s21 =	sadd.s32 $0x0, s23  }
0x10f: {  	[tilespmem:s16], [sflag:$0x4] =	stream.linear.gather [hbm4b:s21+s2], $0x50, $0x38;
	[tilespmem:$0x1BC00] =	vst v63  }
0x110: {  	_ = 	snop  }
0x111: {  	[spmem:s1] =	stream.indirect.scatter.add.f32 [tilespmem:s29], [sflag:$0x8], $0x80, s26, s28, $0xb8;
	[tilespmem:$0x1BC00] =	vst v63  }
0x112: {  	_ =	swait.ge [sflag:s12], $0x2800  }
0x113: {  	[sflag:s12] =	ssyncset.done $0x0  }
0x114: {  	[sflag:s12] =	ssyncadd.s32 $0xFFFFD800  }
0x115: {  	_ =	swait.ge [sflag:s18], $0x50  }
0x116: {  	[sflag:s18] =	ssyncset.done $0x0  }
0x117: {  	[sflag:s18] =	ssyncadd.s32 $0xFFFFFFB0  }
0x118: {  	_ =	swait.ge [sflag:s18], $0x50  }
0x119: {  	[sflag:s18] =	ssyncset.done $0x0  }
0x11a: {  	[sflag:s18] =	ssyncadd.s32 $0xFFFFFFB0  }
0x11b: {  	_ =	swait.ge [sflag:s14], $0x2800  }
0x11c: {  	[sflag:s14] =	ssyncset.done $0x0;
	s21 =	sld [smem:$0x7FD]  }
0x11d: {  	[sflag:s14] =	ssyncadd.s32 $0xFFFFD800  }
0x11e: {  	[tilespmem:s30], [sflag:$0x7] =	stream.indirect.gather [hbm4b:s4+s28], $0x80, s15, s28, $0xb8;
	[tilespmem:$0x1BC00] =	vst v63  }
0x11f: {  	s22 =	sshrl.u32 s21, $0x3  }
0x120: {  	s23 =	sadd.s32 s5, s22  }
0x121: {  	[tilespmem:s2], [sflag:$0x1] =	stream.linear.gather [hbm4b:s23+s2], $0x50, $0x38;
	[tilespmem:$0x1BC00] =	vst v63  }
0x122: {  	s7 =	sadd.s32 s6, s22  }
0x123: {  	[tilespmem:s24], [sflag:$0x1] =	stream.linear.gather [hbm4b:s7+s2], $0x50, $0x38;
	[tilespmem:$0x1BC00] =	vst v63  }
0x124: {  	_ = 	snop  }
0x125: {  	[spmem:s1] =	stream.indirect.scatter.add.f32 [tilespmem:s8], [sflag:$0x9], $0x80, s11, s28, $0xb8;
	[tilespmem:$0x1BC00] =	vst v63  }
0x126: {  	_ =	swait.ge [sflag:s17], $0x2800  }
0x127: {  	[sflag:s17] =	ssyncset.done $0x0  }
0x128: {  	[sflag:s17] =	ssyncadd.s32 $0xFFFFD800  }
0x129: {  	_ =	swait.ge [sflag:s20], $0x50  }
0x12a: {  	[sflag:s20] =	ssyncset.done $0x0  }
0x12b: {  	[sflag:s20] =	ssyncadd.s32 $0xFFFFFFB0  }
0x12c: {  	_ =	swait.ge [sflag:s20], $0x50  }
0x12d: {  	[sflag:s20] =	ssyncset.done $0x0  }
0x12e: {  	[sflag:s20] =	ssyncadd.s32 $0xFFFFFFB0  }
0x12f: {  	_ =	swait.ge [sflag:s19], $0x2800  }
0x130: {  	[sflag:s19] =	ssyncset.done $0x0  }
0x131: {  	s9 =	rddreg [dreg:$0x4];
	[sflag:s19] =	ssyncadd.s32 $0xFFFFD800  }
0x132: {  	[tilespmem:s29], [sflag:$0x5] =	stream.indirect.gather [hbm4b:s4+s28], $0x80, s2, s28, $0xb8;
	[tilespmem:$0x1BC00] =	vst v63  }
0x133: {  	s22 =	rddreg [dreg:$0x3];
	s7 =	sadd.s32 $0x0, s9  }
0x134: {  	[tilespmem:s25], [sflag:$0x2] =	stream.linear.gather [hbm4b:s7+s2], $0x50, $0x38;
	[tilespmem:$0x1BC00] =	vst v63  }
0x135: {  	s23 =	sadd.s32 $0x0, s22;
	s9 =	simm.s32 $0x78;
	s22 =	sadd.s32 $0x3C0, s21  }
0x136: {  	[tilespmem:s26], [sflag:$0x2] =	stream.linear.gather [hbm4b:s23+s2], $0x50, $0x38;
	[tilespmem:$0x1BC00] =	vst v63  }
.LBB2_2:
0x137: {  	[spmem:s1] =	stream.indirect.scatter.add.f32 [tilespmem:s30], [sflag:$0xA], $0x80, s16, s28, $0xb8;
	[tilespmem:$0x1BC00] =	vst v63  }
0x138: {  	_ =	swait.ge [sflag:s31], $0x2800  }
0x139: {  	[sflag:s31] =	ssyncset.done $0x0  }
0x13a: {  	[sflag:s31] =	ssyncadd.s32 $0xFFFFD800  }
0x13b: {  	_ =	swait.ge [sflag:s0], $0x50  }
0x13c: {  	[sflag:s0] =	ssyncset.done $0x0  }
0x13d: {  	[sflag:s0] =	ssyncadd.s32 $0xFFFFFFB0  }
0x13e: {  	_ =	swait.ge [sflag:s0], $0x50  }
0x13f: {  	[sflag:s0] =	ssyncset.done $0x0  }
0x140: {  	[sflag:s0] =	ssyncadd.s32 $0xFFFFFFB0  }
0x141: {  	_ =	swait.ge [sflag:s3], $0x2800  }
0x142: {  	[sflag:s3] =	ssyncset.done $0x0  }
0x143: {  	s7 =	smov.u32 s9;
	s21 =	rddreg [dreg:$0x18];
	[sflag:s3] =	ssyncadd.s32 $0xFFFFD800  }
0x144: {  	[tilespmem:s8], [sflag:$0x6] =	stream.indirect.gather [hbm4b:s4+s28], $0x80, s25, s28, $0xb8;
	[tilespmem:$0x1BC00] =	vst v63  }
0x145: {  	s23 =	rddreg [dreg:$0x17];
	s21 =	sadd.s32 s7, s21  }
0x146: {  	[tilespmem:s10], [sflag:$0x3] =	stream.linear.gather [hbm4b:s21+s2], $0x50, $0x38;
	[tilespmem:$0x1BC00] =	vst v63  }
0x147: {  	s23 =	sadd.s32 s7, s23  }
0x148: {  	[tilespmem:s11], [sflag:$0x3] =	stream.linear.gather [hbm4b:s23+s2], $0x50, $0x38;
	[tilespmem:$0x1BC00] =	vst v63  }
0x149: {  	_ = 	snop  }
0x14a: {  	[spmem:s1] =	stream.indirect.scatter.add.f32 [tilespmem:s29], [sflag:$0x8], $0x80, s24, s28, $0xb8;
	[tilespmem:$0x1BC00] =	vst v63  }
0x14b: {  	_ =	swait.ge [sflag:s12], $0x2800  }
0x14c: {  	[sflag:s12] =	ssyncset.done $0x0  }
0x14d: {  	[sflag:s12] =	ssyncadd.s32 $0xFFFFD800  }
0x14e: {  	_ =	swait.ge [sflag:s13], $0x50  }
0x14f: {  	[sflag:s13] =	ssyncset.done $0x0  }
0x150: {  	[sflag:s13] =	ssyncadd.s32 $0xFFFFFFB0  }
0x151: {  	_ =	swait.ge [sflag:s13], $0x50  }
0x152: {  	[sflag:s13] =	ssyncset.done $0x0  }
0x153: {  	[sflag:s13] =	ssyncadd.s32 $0xFFFFFFB0  }
0x154: {  	_ =	swait.ge [sflag:s14], $0x2800  }
0x155: {  	[sflag:s14] =	ssyncset.done $0x0  }
0x156: {  	s21 =	rddreg [dreg:$0x16];
	[sflag:s14] =	ssyncadd.s32 $0xFFFFD800  }
0x157: {  	[tilespmem:s30], [sflag:$0x7] =	stream.indirect.gather [hbm4b:s4+s28], $0x80, s10, s28, $0xb8;
	[tilespmem:$0x1BC00] =	vst v63  }
0x158: {  	s23 =	rddreg [dreg:$0x15];
	s21 =	sadd.s32 s7, s21  }
0x159: {  	[tilespmem:s15], [sflag:$0x4] =	stream.linear.gather [hbm4b:s21+s2], $0x50, $0x38;
	[tilespmem:$0x1BC00] =	vst v63  }
0x15a: {  	s23 =	sadd.s32 s7, s23  }
0x15b: {  	[tilespmem:s16], [sflag:$0x4] =	stream.linear.gather [hbm4b:s23+s2], $0x50, $0x38;
	[tilespmem:$0x1BC00] =	vst v63  }
0x15c: {  	_ = 	snop  }
0x15d: {  	[spmem:s1] =	stream.indirect.scatter.add.f32 [tilespmem:s8], [sflag:$0x9], $0x80, s26, s28, $0xb8;
	[tilespmem:$0x1BC00] =	vst v63  }
0x15e: {  	_ =	swait.ge [sflag:s17], $0x2800  }
0x15f: {  	[sflag:s17] =	ssyncset.done $0x0  }
0x160: {  	[sflag:s17] =	ssyncadd.s32 $0xFFFFD800  }
0x161: {  	_ =	swait.ge [sflag:s18], $0x50  }
0x162: {  	[sflag:s18] =	ssyncset.done $0x0  }
0x163: {  	[sflag:s18] =	ssyncadd.s32 $0xFFFFFFB0  }
0x164: {  	_ =	swait.ge [sflag:s18], $0x50  }
0x165: {  	[sflag:s18] =	ssyncset.done $0x0  }
0x166: {  	[sflag:s18] =	ssyncadd.s32 $0xFFFFFFB0  }
0x167: {  	_ =	swait.ge [sflag:s19], $0x2800  }
0x168: {  	[sflag:s19] =	ssyncset.done $0x0  }
0x169: {  	s21 =	rddreg [dreg:$0x14];
	[sflag:s19] =	ssyncadd.s32 $0xFFFFD800  }
0x16a: {  	[tilespmem:s29], [sflag:$0x5] =	stream.indirect.gather [hbm4b:s4+s28], $0x80, s15, s28, $0xb8;
	[tilespmem:$0x1BC00] =	vst v63  }
0x16b: {  	s23 =	rddreg [dreg:$0x13];
	s21 =	sadd.s32 s7, s21  }
0x16c: {  	[tilespmem:s2], [sflag:$0x1] =	stream.linear.gather [hbm4b:s21+s2], $0x50, $0x38;
	[tilespmem:$0x1BC00] =	vst v63  }
0x16d: {  	s23 =	sadd.s32 s7, s23  }
0x16e: {  	[tilespmem:s24], [sflag:$0x1] =	stream.linear.gather [hbm4b:s23+s2], $0x50, $0x38;
	[tilespmem:$0x1BC00] =	vst v63  }
0x16f: {  	_ = 	snop  }
0x170: {  	[spmem:s1] =	stream.indirect.scatter.add.f32 [tilespmem:s30], [sflag:$0xA], $0x80, s11, s28, $0xb8;
	[tilespmem:$0x1BC00] =	vst v63  }
0x171: {  	_ =	swait.ge [sflag:s31], $0x2800  }
0x172: {  	[sflag:s31] =	ssyncset.done $0x0  }
0x173: {  	[sflag:s31] =	ssyncadd.s32 $0xFFFFD800  }
0x174: {  	_ =	swait.ge [sflag:s20], $0x50  }
0x175: {  	[sflag:s20] =	ssyncset.done $0x0  }
0x176: {  	[sflag:s20] =	ssyncadd.s32 $0xFFFFFFB0  }
0x177: {  	_ =	swait.ge [sflag:s20], $0x50  }
0x178: {  	[sflag:s20] =	ssyncset.done $0x0  }
0x179: {  	[sflag:s20] =	ssyncadd.s32 $0xFFFFFFB0  }
0x17a: {  	_ =	swait.ge [sflag:s3], $0x2800  }
0x17b: {  	[sflag:s3] =	ssyncset.done $0x0  }
0x17c: {  	s21 =	rddreg [dreg:$0x12];
	[sflag:s3] =	ssyncadd.s32 $0xFFFFD800  }
0x17d: {  	[tilespmem:s8], [sflag:$0x6] =	stream.indirect.gather [hbm4b:s4+s28], $0x80, s2, s28, $0xb8;
	[tilespmem:$0x1BC00] =	vst v63  }
0x17e: {  	s23 =	rddreg [dreg:$0x11];
	s21 =	sadd.s32 s7, s21  }
0x17f: {  	[tilespmem:s25], [sflag:$0x2] =	stream.linear.gather [hbm4b:s21+s2], $0x50, $0x38;
	[tilespmem:$0x1BC00] =	vst v63  }
0x180: {  	s23 =	sadd.s32 s7, s23  }
0x181: {  	[tilespmem:s26], [sflag:$0x2] =	stream.linear.gather [hbm4b:s23+s2], $0x50, $0x38;
	[tilespmem:$0x1BC00] =	vst v63  }
0x182: {  	_ = 	snop  }
0x183: {  	[spmem:s1] =	stream.indirect.scatter.add.f32 [tilespmem:s29], [sflag:$0x8], $0x80, s16, s28, $0xb8;
	[tilespmem:$0x1BC00] =	vst v63  }
0x184: {  	_ =	swait.ge [sflag:s12], $0x2800  }
0x185: {  	[sflag:s12] =	ssyncset.done $0x0  }
0x186: {  	[sflag:s12] =	ssyncadd.s32 $0xFFFFD800  }
0x187: {  	_ =	swait.ge [sflag:s0], $0x50  }
0x188: {  	[sflag:s0] =	ssyncset.done $0x0  }
0x189: {  	[sflag:s0] =	ssyncadd.s32 $0xFFFFFFB0  }
0x18a: {  	_ =	swait.ge [sflag:s0], $0x50  }
0x18b: {  	[sflag:s0] =	ssyncset.done $0x0  }
0x18c: {  	[sflag:s0] =	ssyncadd.s32 $0xFFFFFFB0  }
0x18d: {  	_ =	swait.ge [sflag:s14], $0x2800  }
0x18e: {  	[sflag:s14] =	ssyncset.done $0x0  }
0x18f: {  	s21 =	rddreg [dreg:$0x10];
	[sflag:s14] =	ssyncadd.s32 $0xFFFFD800  }
0x190: {  	[tilespmem:s30], [sflag:$0x7] =	stream.indirect.gather [hbm4b:s4+s28], $0x80, s25, s28, $0xb8;
	[tilespmem:$0x1BC00] =	vst v63  }
0x191: {  	s23 =	rddreg [dreg:$0xf];
	s21 =	sadd.s32 s7, s21  }
0x192: {  	[tilespmem:s10], [sflag:$0x3] =	stream.linear.gather [hbm4b:s21+s2], $0x50, $0x38;
	[tilespmem:$0x1BC00] =	vst v63  }
0x193: {  	s23 =	sadd.s32 s7, s23  }
0x194: {  	[tilespmem:s11], [sflag:$0x3] =	stream.linear.gather [hbm4b:s23+s2], $0x50, $0x38;
	[tilespmem:$0x1BC00] =	vst v63  }
0x195: {  	_ = 	snop  }
0x196: {  	[spmem:s1] =	stream.indirect.scatter.add.f32 [tilespmem:s8], [sflag:$0x9], $0x80, s24, s28, $0xb8;
	[tilespmem:$0x1BC00] =	vst v63  }
0x197: {  	_ =	swait.ge [sflag:s17], $0x2800  }
0x198: {  	[sflag:s17] =	ssyncset.done $0x0  }
0x199: {  	[sflag:s17] =	ssyncadd.s32 $0xFFFFD800  }
0x19a: {  	_ =	swait.ge [sflag:s13], $0x50  }
0x19b: {  	[sflag:s13] =	ssyncset.done $0x0  }
0x19c: {  	[sflag:s13] =	ssyncadd.s32 $0xFFFFFFB0  }
0x19d: {  	_ =	swait.ge [sflag:s13], $0x50  }
0x19e: {  	[sflag:s13] =	ssyncset.done $0x0  }
0x19f: {  	[sflag:s13] =	ssyncadd.s32 $0xFFFFFFB0  }
0x1a0: {  	_ =	swait.ge [sflag:s19], $0x2800  }
0x1a1: {  	[sflag:s19] =	ssyncset.done $0x0  }
0x1a2: {  	s21 =	rddreg [dreg:$0xe];
	[sflag:s19] =	ssyncadd.s32 $0xFFFFD800  }
0x1a3: {  	[tilespmem:s29], [sflag:$0x5] =	stream.indirect.gather [hbm4b:s4+s28], $0x80, s10, s28, $0xb8;
	[tilespmem:$0x1BC00] =	vst v63  }
0x1a4: {  	s23 =	rddreg [dreg:$0xd];
	s21 =	sadd.s32 s7, s21  }
0x1a5: {  	[tilespmem:s15], [sflag:$0x4] =	stream.linear.gather [hbm4b:s21+s2], $0x50, $0x38;
	[tilespmem:$0x1BC00] =	vst v63  }
0x1a6: {  	s23 =	sadd.s32 s7, s23  }
0x1a7: {  	[tilespmem:s16], [sflag:$0x4] =	stream.linear.gather [hbm4b:s23+s2], $0x50, $0x38;
	[tilespmem:$0x1BC00] =	vst v63  }
0x1a8: {  	_ = 	snop  }
0x1a9: {  	[spmem:s1] =	stream.indirect.scatter.add.f32 [tilespmem:s30], [sflag:$0xA], $0x80, s26, s28, $0xb8;
	[tilespmem:$0x1BC00] =	vst v63  }
0x1aa: {  	_ =	swait.ge [sflag:s31], $0x2800  }
0x1ab: {  	[sflag:s31] =	ssyncset.done $0x0  }
0x1ac: {  	[sflag:s31] =	ssyncadd.s32 $0xFFFFD800  }
0x1ad: {  	_ =	swait.ge [sflag:s18], $0x50  }
0x1ae: {  	[sflag:s18] =	ssyncset.done $0x0  }
0x1af: {  	[sflag:s18] =	ssyncadd.s32 $0xFFFFFFB0  }
0x1b0: {  	_ =	swait.ge [sflag:s18], $0x50  }
0x1b1: {  	[sflag:s18] =	ssyncset.done $0x0  }
0x1b2: {  	[sflag:s18] =	ssyncadd.s32 $0xFFFFFFB0  }
0x1b3: {  	_ =	swait.ge [sflag:s3], $0x2800  }
0x1b4: {  	[sflag:s3] =	ssyncset.done $0x0  }
0x1b5: {  	s21 =	rddreg [dreg:$0xc];
	[sflag:s3] =	ssyncadd.s32 $0xFFFFD800  }
0x1b6: {  	[tilespmem:s8], [sflag:$0x6] =	stream.indirect.gather [hbm4b:s4+s28], $0x80, s15, s28, $0xb8;
	[tilespmem:$0x1BC00] =	vst v63  }
0x1b7: {  	s23 =	rddreg [dreg:$0xb];
	s21 =	sadd.s32 s7, s21  }
0x1b8: {  	[tilespmem:s2], [sflag:$0x1] =	stream.linear.gather [hbm4b:s21+s2], $0x50, $0x38;
	[tilespmem:$0x1BC00] =	vst v63  }
0x1b9: {  	s23 =	sadd.s32 s7, s23  }
0x1ba: {  	[tilespmem:s24], [sflag:$0x1] =	stream.linear.gather [hbm4b:s23+s2], $0x50, $0x38;
	[tilespmem:$0x1BC00] =	vst v63  }
0x1bb: {  	_ = 	snop  }
0x1bc: {  	[spmem:s1] =	stream.indirect.scatter.add.f32 [tilespmem:s29], [sflag:$0x8], $0x80, s11, s28, $0xb8;
	[tilespmem:$0x1BC00] =	vst v63  }
0x1bd: {  	_ =	swait.ge [sflag:s12], $0x2800  }
0x1be: {  	[sflag:s12] =	ssyncset.done $0x0  }
0x1bf: {  	[sflag:s12] =	ssyncadd.s32 $0xFFFFD800  }
0x1c0: {  	_ =	swait.ge [sflag:s20], $0x50  }
0x1c1: {  	[sflag:s20] =	ssyncset.done $0x0  }
0x1c2: {  	[sflag:s20] =	ssyncadd.s32 $0xFFFFFFB0  }
0x1c3: {  	_ =	swait.ge [sflag:s20], $0x50  }
0x1c4: {  	[sflag:s20] =	ssyncset.done $0x0  }
0x1c5: {  	[sflag:s20] =	ssyncadd.s32 $0xFFFFFFB0  }
0x1c6: {  	_ =	swait.ge [sflag:s14], $0x2800  }
0x1c7: {  	[sflag:s14] =	ssyncset.done $0x0  }
0x1c8: {  	s21 =	rddreg [dreg:$0xa];
	[sflag:s14] =	ssyncadd.s32 $0xFFFFD800  }
0x1c9: {  	[tilespmem:s30], [sflag:$0x7] =	stream.indirect.gather [hbm4b:s4+s28], $0x80, s2, s28, $0xb8;
	[tilespmem:$0x1BC00] =	vst v63  }
0x1ca: {  	s23 =	rddreg [dreg:$0x9];
	s21 =	sadd.s32 s7, s21  }
0x1cb: {  	[tilespmem:s25], [sflag:$0x2] =	stream.linear.gather [hbm4b:s21+s2], $0x50, $0x38;
	[tilespmem:$0x1BC00] =	vst v63  }
0x1cc: {  	s23 =	sadd.s32 s7, s23  }
0x1cd: {  	[tilespmem:s26], [sflag:$0x2] =	stream.linear.gather [hbm4b:s23+s2], $0x50, $0x38;
	[tilespmem:$0x1BC00] =	vst v63  }
0x1ce: {  	_ = 	snop  }
0x1cf: {  	[spmem:s1] =	stream.indirect.scatter.add.f32 [tilespmem:s8], [sflag:$0x9], $0x80, s16, s28, $0xb8;
	[tilespmem:$0x1BC00] =	vst v63  }
0x1d0: {  	_ =	swait.ge [sflag:s17], $0x2800  }
0x1d1: {  	[sflag:s17] =	ssyncset.done $0x0  }
0x1d2: {  	[sflag:s17] =	ssyncadd.s32 $0xFFFFD800  }
0x1d3: {  	_ =	swait.ge [sflag:s0], $0x50  }
0x1d4: {  	[sflag:s0] =	ssyncset.done $0x0  }
0x1d5: {  	[sflag:s0] =	ssyncadd.s32 $0xFFFFFFB0  }
0x1d6: {  	_ =	swait.ge [sflag:s0], $0x50  }
0x1d7: {  	[sflag:s0] =	ssyncset.done $0x0  }
0x1d8: {  	[sflag:s0] =	ssyncadd.s32 $0xFFFFFFB0  }
0x1d9: {  	_ =	swait.ge [sflag:s19], $0x2800  }
0x1da: {  	[sflag:s19] =	ssyncset.done $0x0  }
0x1db: {  	s21 =	rddreg [dreg:$0x8];
	[sflag:s19] =	ssyncadd.s32 $0xFFFFD800  }
0x1dc: {  	[tilespmem:s29], [sflag:$0x5] =	stream.indirect.gather [hbm4b:s4+s28], $0x80, s25, s28, $0xb8;
	[tilespmem:$0x1BC00] =	vst v63  }
0x1dd: {  	s23 =	rddreg [dreg:$0x7];
	s21 =	sadd.s32 s7, s21  }
0x1de: {  	[tilespmem:s10], [sflag:$0x3] =	stream.linear.gather [hbm4b:s21+s2], $0x50, $0x38;
	[tilespmem:$0x1BC00] =	vst v63  }
0x1df: {  	s23 =	sadd.s32 s7, s23  }
0x1e0: {  	[tilespmem:s11], [sflag:$0x3] =	stream.linear.gather [hbm4b:s23+s2], $0x50, $0x38;
	[tilespmem:$0x1BC00] =	vst v63  }
0x1e1: {  	_ = 	snop  }
0x1e2: {  	[spmem:s1] =	stream.indirect.scatter.add.f32 [tilespmem:s30], [sflag:$0xA], $0x80, s24, s28, $0xb8;
	[tilespmem:$0x1BC00] =	vst v63  }
0x1e3: {  	_ =	swait.ge [sflag:s31], $0x2800  }
0x1e4: {  	[sflag:s31] =	ssyncset.done $0x0  }
0x1e5: {  	[sflag:s31] =	ssyncadd.s32 $0xFFFFD800  }
0x1e6: {  	_ =	swait.ge [sflag:s13], $0x50  }
0x1e7: {  	[sflag:s13] =	ssyncset.done $0x0  }
0x1e8: {  	[sflag:s13] =	ssyncadd.s32 $0xFFFFFFB0  }
0x1e9: {  	_ =	swait.ge [sflag:s13], $0x50  }
0x1ea: {  	[sflag:s13] =	ssyncset.done $0x0  }
0x1eb: {  	[sflag:s13] =	ssyncadd.s32 $0xFFFFFFB0  }
0x1ec: {  	_ =	swait.ge [sflag:s3], $0x2800  }
0x1ed: {  	[sflag:s3] =	ssyncset.done $0x0  }
0x1ee: {  	s21 =	rddreg [dreg:$0x6];
	[sflag:s3] =	ssyncadd.s32 $0xFFFFD800  }
0x1ef: {  	[tilespmem:s8], [sflag:$0x6] =	stream.indirect.gather [hbm4b:s4+s28], $0x80, s10, s28, $0xb8;
	[tilespmem:$0x1BC00] =	vst v63  }
0x1f0: {  	s23 =	rddreg [dreg:$0x5];
	s21 =	sadd.s32 s7, s21  }
0x1f1: {  	[tilespmem:s15], [sflag:$0x4] =	stream.linear.gather [hbm4b:s21+s2], $0x50, $0x38;
	[tilespmem:$0x1BC00] =	vst v63  }
0x1f2: {  	s23 =	sadd.s32 s7, s23  }
0x1f3: {  	[tilespmem:s16], [sflag:$0x4] =	stream.linear.gather [hbm4b:s23+s2], $0x50, $0x38;
	[tilespmem:$0x1BC00] =	vst v63  }
0x1f4: {  	_ = 	snop  }
0x1f5: {  	[spmem:s1] =	stream.indirect.scatter.add.f32 [tilespmem:s29], [sflag:$0x8], $0x80, s26, s28, $0xb8;
	[tilespmem:$0x1BC00] =	vst v63  }
0x1f6: {  	_ =	swait.ge [sflag:s12], $0x2800  }
0x1f7: {  	[sflag:s12] =	ssyncset.done $0x0  }
0x1f8: {  	[sflag:s12] =	ssyncadd.s32 $0xFFFFD800  }
0x1f9: {  	_ =	swait.ge [sflag:s18], $0x50  }
0x1fa: {  	[sflag:s18] =	ssyncset.done $0x0  }
0x1fb: {  	[sflag:s18] =	ssyncadd.s32 $0xFFFFFFB0  }
0x1fc: {  	_ =	swait.ge [sflag:s18], $0x50  }
0x1fd: {  	[sflag:s18] =	ssyncset.done $0x0  }
0x1fe: {  	[sflag:s18] =	ssyncadd.s32 $0xFFFFFFB0  }
0x1ff: {  	_ =	swait.ge [sflag:s14], $0x2800  }
0x200: {  	[sflag:s14] =	ssyncset.done $0x0  }
0x201: {  	s21 =	sshrl.u32 s22, $0x3;
	[sflag:s14] =	ssyncadd.s32 $0xFFFFD800  }
0x202: {  	[tilespmem:s30], [sflag:$0x7] =	stream.indirect.gather [hbm4b:s4+s28], $0x80, s15, s28, $0xb8;
	[tilespmem:$0x1BC00] =	vst v63  }
0x203: {  	s23 =	sadd.s32 s5, s21  }
0x204: {  	[tilespmem:s2], [sflag:$0x1] =	stream.linear.gather [hbm4b:s23+s2], $0x50, $0x38;
	[tilespmem:$0x1BC00] =	vst v63  }
0x205: {  	s21 =	sadd.s32 s6, s21  }
0x206: {  	[tilespmem:s24], [sflag:$0x1] =	stream.linear.gather [hbm4b:s21+s2], $0x50, $0x38;
	[tilespmem:$0x1BC00] =	vst v63  }
0x207: {  	_ = 	snop  }
0x208: {  	[spmem:s1] =	stream.indirect.scatter.add.f32 [tilespmem:s8], [sflag:$0x9], $0x80, s11, s28, $0xb8;
	[tilespmem:$0x1BC00] =	vst v63  }
0x209: {  	_ =	swait.ge [sflag:s17], $0x2800  }
0x20a: {  	[sflag:s17] =	ssyncset.done $0x0  }
0x20b: {  	[sflag:s17] =	ssyncadd.s32 $0xFFFFD800  }
0x20c: {  	_ =	swait.ge [sflag:s20], $0x50  }
0x20d: {  	[sflag:s20] =	ssyncset.done $0x0  }
0x20e: {  	[sflag:s20] =	ssyncadd.s32 $0xFFFFFFB0  }
0x20f: {  	_ =	swait.ge [sflag:s20], $0x50  }
0x210: {  	[sflag:s20] =	ssyncset.done $0x0  }
0x211: {  	[sflag:s20] =	ssyncadd.s32 $0xFFFFFFB0  }
0x212: {  	_ =	swait.ge [sflag:s19], $0x2800  }
0x213: {  	[sflag:s19] =	ssyncset.done $0x0  }
0x214: {  	p0 =	sne.s32 s9, $0x438;
	[sflag:s19] =	ssyncadd.s32 $0xFFFFD800  }
0x215: {  	[tilespmem:s29], [sflag:$0x5] =	stream.indirect.gather [hbm4b:s4+s28], $0x80, s2, s28, $0xb8;
	[tilespmem:$0x1BC00] =	vst v63  }
.Ltmp0:
0x216: {  	s21 =	rddreg [dreg:$0x4];
	(pc) =	sbr.rel @p0 .LBB2_2-.Ltmp0, $4  }
0x217: {  	s23 =	rddreg [dreg:$0x3];
	s21 =	sadd.s32 s7, s21  }
0x218: {  	[tilespmem:s25], [sflag:$0x2] =	stream.linear.gather [hbm4b:s21+s2], $0x50, $0x38;
	[tilespmem:$0x1BC00] =	vst v63  }
0x219: {  	s9 =	sadd.s32 $0x78, s9;
	s22 =	sadd.s32 $0x3C0, s22;
	s7 =	sadd.s32 s7, s23  }
0x21a: {  	[tilespmem:s26], [sflag:$0x2] =	stream.linear.gather [hbm4b:s7+s2], $0x50, $0x38;
	[tilespmem:$0x1BC00] =	vst v63  }
0x21b: {  	[spmem:s1] =	stream.indirect.scatter.add.f32 [tilespmem:s30], [sflag:$0xA], $0x80, s16, s28, $0xb8;
	[tilespmem:$0x1BC00] =	vst v63  }
0x21c: {  	_ =	swait.ge [sflag:s31], $0x2800  }
0x21d: {  	[sflag:s31] =	ssyncset.done $0x0  }
0x21e: {  	[sflag:s31] =	ssyncadd.s32 $0xFFFFD800  }
0x21f: {  	_ =	swait.ge [sflag:s0], $0x50  }
0x220: {  	[sflag:s0] =	ssyncset.done $0x0  }
0x221: {  	[sflag:s0] =	ssyncadd.s32 $0xFFFFFFB0  }
0x222: {  	_ =	swait.ge [sflag:s0], $0x50  }
0x223: {  	[sflag:s0] =	ssyncset.done $0x0  }
0x224: {  	[sflag:s0] =	ssyncadd.s32 $0xFFFFFFB0  }
0x225: {  	_ =	swait.ge [sflag:s3], $0x2800  }
0x226: {  	[sflag:s3] =	ssyncset.done $0x0  }
0x227: {  	s7 =	sld [smem:$0x7F5];
	[sflag:s3] =	ssyncadd.s32 $0xFFFFD800  }
0x228: {  	[tilespmem:s8], [sflag:$0x6] =	stream.indirect.gather [hbm4b:s4+s28], $0x80, s25, s28, $0xb8;
	[tilespmem:$0x1BC00] =	vst v63  }
0x229: {  	s22 =	sld [smem:$0x7F6]  }
0x22a: {  	[tilespmem:s10], [sflag:$0x3] =	stream.linear.gather [hbm4b:s7+s2], $0x50, $0x38;
	[tilespmem:$0x1BC00] =	vst v63  }
0x22b: {  	_ = 	snop  }
0x22c: {  	[tilespmem:s11], [sflag:$0x3] =	stream.linear.gather [hbm4b:s22+s2], $0x50, $0x38;
	[tilespmem:$0x1BC00] =	vst v63  }
0x22d: {  	_ = 	snop  }
0x22e: {  	[spmem:s1] =	stream.indirect.scatter.add.f32 [tilespmem:s29], [sflag:$0x8], $0x80, s24, s28, $0xb8;
	[tilespmem:$0x1BC00] =	vst v63  }
0x22f: {  	_ =	swait.ge [sflag:s12], $0x2800  }
0x230: {  	[sflag:s12] =	ssyncset.done $0x0  }
0x231: {  	[sflag:s12] =	ssyncadd.s32 $0xFFFFD800  }
0x232: {  	_ =	swait.ge [sflag:s13], $0x50  }
0x233: {  	[sflag:s13] =	ssyncset.done $0x0  }
0x234: {  	[sflag:s13] =	ssyncadd.s32 $0xFFFFFFB0  }
0x235: {  	_ =	swait.ge [sflag:s13], $0x50  }
0x236: {  	[sflag:s13] =	ssyncset.done $0x0  }
0x237: {  	[sflag:s13] =	ssyncadd.s32 $0xFFFFFFB0  }
0x238: {  	_ =	swait.ge [sflag:s14], $0x2800  }
0x239: {  	[sflag:s14] =	ssyncset.done $0x0  }
0x23a: {  	s23 =	sld [smem:$0x7F7];
	[sflag:s14] =	ssyncadd.s32 $0xFFFFD800  }
0x23b: {  	[tilespmem:s30], [sflag:$0x7] =	stream.indirect.gather [hbm4b:s4+s28], $0x80, s10, s28, $0xb8;
	[tilespmem:$0x1BC00] =	vst v63  }
0x23c: {  	s9 =	sld [smem:$0x7F8]  }
0x23d: {  	[tilespmem:s15], [sflag:$0x4] =	stream.linear.gather [hbm4b:s23+s2], $0x50, $0x38;
	[tilespmem:$0x1BC00] =	vst v63  }
0x23e: {  	_ = 	snop  }
0x23f: {  	[tilespmem:s16], [sflag:$0x4] =	stream.linear.gather [hbm4b:s9+s2], $0x50, $0x38;
	[tilespmem:$0x1BC00] =	vst v63  }
0x240: {  	_ = 	snop  }
0x241: {  	[spmem:s1] =	stream.indirect.scatter.add.f32 [tilespmem:s8], [sflag:$0x9], $0x80, s26, s28, $0xb8;
	[tilespmem:$0x1BC00] =	vst v63  }
0x242: {  	_ =	swait.ge [sflag:s17], $0x2800  }
0x243: {  	[sflag:s17] =	ssyncset.done $0x0  }
0x244: {  	[sflag:s17] =	ssyncadd.s32 $0xFFFFD800  }
0x245: {  	_ =	swait.ge [sflag:s18], $0x50  }
0x246: {  	[sflag:s18] =	ssyncset.done $0x0  }
0x247: {  	[sflag:s18] =	ssyncadd.s32 $0xFFFFFFB0  }
0x248: {  	_ =	swait.ge [sflag:s18], $0x50  }
0x249: {  	[sflag:s18] =	ssyncset.done $0x0  }
0x24a: {  	[sflag:s18] =	ssyncadd.s32 $0xFFFFFFB0  }
0x24b: {  	_ =	swait.ge [sflag:s19], $0x2800  }
0x24c: {  	[sflag:s19] =	ssyncset.done $0x0  }
0x24d: {  	s21 =	sld [smem:$0x7F9];
	[sflag:s19] =	ssyncadd.s32 $0xFFFFD800  }
0x24e: {  	[tilespmem:s29], [sflag:$0x5] =	stream.indirect.gather [hbm4b:s4+s28], $0x80, s15, s28, $0xb8;
	[tilespmem:$0x1BC00] =	vst v63  }
0x24f: {  	s22 =	sld [smem:$0x7FA]  }
0x250: {  	[tilespmem:s2], [sflag:$0x1] =	stream.linear.gather [hbm4b:s21+s2], $0x50, $0x38;
	[tilespmem:$0x1BC00] =	vst v63  }
0x251: {  	_ = 	snop  }
0x252: {  	[tilespmem:s24], [sflag:$0x1] =	stream.linear.gather [hbm4b:s22+s2], $0x50, $0x38;
	[tilespmem:$0x1BC00] =	vst v63  }
0x253: {  	_ = 	snop  }
0x254: {  	[spmem:s1] =	stream.indirect.scatter.add.f32 [tilespmem:s30], [sflag:$0xA], $0x80, s11, s28, $0xb8;
	[tilespmem:$0x1BC00] =	vst v63  }
0x255: {  	_ =	swait.ge [sflag:s31], $0x2800  }
0x256: {  	[sflag:s31] =	ssyncset.done $0x0  }
0x257: {  	[sflag:s31] =	ssyncadd.s32 $0xFFFFD800  }
0x258: {  	_ =	swait.ge [sflag:s20], $0x50  }
0x259: {  	[sflag:s20] =	ssyncset.done $0x0  }
0x25a: {  	[sflag:s20] =	ssyncadd.s32 $0xFFFFFFB0  }
0x25b: {  	_ =	swait.ge [sflag:s20], $0x50  }
0x25c: {  	[sflag:s20] =	ssyncset.done $0x0  }
0x25d: {  	[sflag:s20] =	ssyncadd.s32 $0xFFFFFFB0  }
0x25e: {  	_ =	swait.ge [sflag:s3], $0x2800  }
0x25f: {  	[sflag:s3] =	ssyncset.done $0x0  }
0x260: {  	[sflag:s3] =	ssyncadd.s32 $0xFFFFD800  }
0x261: {  	[tilespmem:s8], [sflag:$0x6] =	stream.indirect.gather [hbm4b:s4+s28], $0x80, s2, s28, $0xb8;
	[tilespmem:$0x1BC00] =	vst v63  }
0x262: {  	_ = 	snop  }
0x263: {  	[spmem:s1] =	stream.indirect.scatter.add.f32 [tilespmem:s29], [sflag:$0x8], $0x80, s16, s28, $0xb8;
	[tilespmem:$0x1BC00] =	vst v63  }
0x264: {  	_ =	swait.ge [sflag:s12], $0x2800  }
0x265: {  	[sflag:s12] =	ssyncset.done $0x0  }
0x266: {  	[sflag:s12] =	ssyncadd.s32 $0xFFFFD800  }
0x267: {  	_ =	swait.ge [sflag:s14], $0x2800  }
0x268: {  	[sflag:s14] =	ssyncset.done $0x0  }
0x269: {  	[sflag:s14] =	ssyncadd.s32 $0xFFFFD800  }
0x26a: {  	[spmem:s1] =	stream.indirect.scatter.add.f32 [tilespmem:s8], [sflag:$0x9], $0x80, s24, s28, $0xb8;
	[tilespmem:$0x1BC00] =	vst v63  }
0x26b: {  	_ =	swait.ge [sflag:s19], $0x2800  }
0x26c: {  	[sflag:s19] =	ssyncset.done $0x0  }
0x26d: {  	[sflag:s19] =	ssyncadd.s32 $0xFFFFD800  }
0x26e: {  	_ =	swait.ge [sflag:s3], $0x2800  }
0x26f: {  	[sflag:s3] =	ssyncset.done $0x0  }
0x270: {  	[sflag:s3] =	ssyncadd.s32 $0xFFFFD800  }
0x271: {  	[bflag:$0x0] =	sbarrier.arrive $0xFFFF  }
0x272: {  	s23 =	sld [smem:$0x7FB]  }
0x273: {  	s9 =	sld [smem:$0x7F4];
	_ =	sdelay $0x1  }
0x274: {  	s22 =	simm.s32 $0xB;
	s21 =	rddreg [dreg:$0x1b]  }
0x275: {  	[hbm:s23], [sflag:s21] =	dma.local [spmem:s9], $0x2800  }
0x276: {  	_ =	swait.ge [sflag:s22], $0x2800  }
0x277: {  	s7 =	sld [smem:$0x7F3]  }
0x278: {  	s23 =	sld [smem:$0x7FC];
	_ =	sdelay $0x1  }
0x279: {  	s9 =	sadd.s32 $0x1, s7  }
0x27a: {  	p0 =	sne.s32 s9, s23  }
.Ltmp1:
0x27b: {  	_ = 	snop;
	(pc) =	sbr.rel @p0 .LBB2_1-.Ltmp1, $3  }
0x27c: {  	_ =	sdelay $0x1  }
0x27d: {  	[sflag:s22] =	ssyncset.done $0x0  }
0x27e: {  	[sflag:s22] =	ssyncadd.s32 $0xFFFFD800  }
0x27f: {  	_ =	sfence.sel $0x180000  }
0x280: {  	[bflag:$0x0] =	sbarrier.arrive $0xFFFF  }
0x281: {  	_ =	strace $0x9000004D  }
0x282: {  	s0 =	stileid.u32;
	[bflag:$0x2] =	sbarrier.arrive $0xFFFF  }
0x283: {  	p0 =	sne.s32 s0, $0x0;
	s0 =	rddreg [dreg:$0x2]  }
0x284: {  	s0 =	sadd.s32 @!p0 $0x100000, s0  }
0x285: {  	[sflag:s0] =	ssyncadd.tile.s32 @!p0 $0x1;
	_ =	shalt  }
.Lfunc_end2:
_tile_overlayer_lowered:
.L_overlay_start_2:
0x286: {  	(tag) =	ssettag $0x2  }
0x287: {  	s0 =	rddreg [dreg:$0x0];
	s2 =	stileid.u32  }
0x288: {  	s1 =	rddreg [dreg:$0x1];
	p0 =	sne.s32 s2, $0x0  }
0x289: {  	s3 =	rddreg [dreg:$0x2];
	[bflag:$0x3] =	sbarrier.arrive $0xFFFF;
	s2 =	simm.s32 @!p0 $0x1C0B  }
0x28a: {  	[timem:s3], [sflag:s2] =	dma.local @!p0 [hbm:s0], s1  }
0x28b: {  	s0 =	simm.s32 @!p0 $0xB  }
0x28c: {  	_ =	swait.ge @!p0 [sflag:s0], s1  }
0x28d: {  	s1 =	ssub.s32 @!p0 $0x0, s1;
	[sflag:s0] =	ssyncset.done @!p0 $0x0  }
0x28e: {  	[sflag:s0] =	ssyncadd.s32 @!p0 s1  }
0x28f: {  	[bflag:$0x3] =	sbarrier.arrive $0xFFFF  }
0x290: {  	_ =	shalt  }

// kernel: kernel.8.cloned.1.call-start
scs
__scs_entry_jumppad:
0x0: {  	(pc) =	sbr.rel $0x88, $3  }
0x1: {  	(tag) =	ssettag $0x0;
	lr =	simm.s32 $0x1  }
0x2: {  	[smem:$0x3F99] =	sst lr;
	_ =	strace $0xD0000000  }
0x3: {  	_ = 	snop  }
0x4: {  	_ = 	snop  }
0x5: {  	_ = 	snop  }
0x6: {  	_ = 	snop  }
0x7: {  	_ = 	snop  }
__scs_overlays_trampoline_lowered:
0x8: {  	[smem:$0x3FA8] =	sst s0  }
0x9: {  	[smem:$0x3FA9] =	sst s1  }
0xa: {  	[smem:$0x3FAA] =	sst s2  }
0xb: {  	[smem:$0x3FAB] =	sst s3  }
0xc: {  	[smem:$0x3FAC] =	sst s4  }
0xd: {  	[smem:$0x3FAD] =	sst s5  }
0xe: {  	[smem:$0x3FAE] =	sst s6  }
0xf: {  	[smem:$0x3FAF] =	sst s7  }
0x10: {  	[smem:$0x3FB0] =	sst s8  }
0x11: {  	[smem:$0x3FB1] =	sst s9;
	s0 =	simm.s32 @!p0 $0x0  }
0x12: {  	s1 =	sld [smem:$0x3F97];
	s0 =	simm.s32 @p0 $0x1  }
0x13: {  	[smem:$0x3FB2] =	sst s0;
	s0 =	simm.s32 @!p1 $0x0  }
0x14: {  	s2 =	sld [smem:$0x3F96];
	s0 =	simm.s32 @p1 $0x1  }
0x15: {  	[smem:$0x3FB3] =	sst s0;
	s0 =	simm.s32 @!p2 $0x0  }
0x16: {  	s3 =	sld [smem:$0x3FDB];
	s0 =	simm.s32 @p2 $0x1  }
0x17: {  	s4 =	simm.s32 $0x1BF5;
	[smem:$0x3FB5] =	sst s0  }
0x18: {  	s0 =	sld [smem:$0x3F98];
	_ =	swait.ge [sflag:s4], $0x0  }
0x19: {  	s7 =	sld [smem:$0x3F99]  }
0x1a: {  	s8 =	sadd.s32 $0xFFFFE003, lr  }
0x1b: {  	s9 =	sadd.s32 $0xFFFFFEF7, lr;
	s5 =	simm.s32 $0xFFFFFFFF;
	p2 =	slt.u32 s8, $0xFFFFF086  }
0x1c: {  	p1 =	slt.u32 s9, $0xF7A;
	s5 =	simm.s32 @!p2 $0x0  }
0x1d: {  	s5 =	simm.s32 @p1 $0x1;
	p0 =	seq.s32 s7, s2  }
0x1e: {  	s7 =	smul.u32 @!p0 $0xF7A, s2;
	p2 =	seq.s32 @!p0 s5, $0x0  }
0x1f: {  	s9 =	smul.u32 $0xF7A, s1;
	s8 =	simm.s32 @!p0 $0x1BF5;
	p2 =	por !p2, p0  }
0x20: {  	[sflag:s8] =	ssyncset.s32 @!p0 $0xFFFFF086;
	s6 =	sadd.s32 @!p0 s3, s7;
	s7 =	simm.s32 @!p0 $0x108  }
0x21: {  	s3 =	sadd.s32 s3, s9;
	s6 =	sadd.s32 @!p0 $0x88, s6;
	s7 =	simm.s32 @p2 $0x1082  }
0x22: {  	[simem:s7], [sflag:s8] =	dma.local @!p0 [hbm:s6], $0xF7A  }
0x23: {  	s9 =	sor.u32 $0xD0000000, s2;
	s6 =	simm.s32 $0x108;
	_ =	swait.ge @!p0 [sflag:s8], $0x0  }
0x24: {  	s3 =	sadd.s32 $0x88, s3;
	s6 =	simm.s32 @!p1 $0x1082;
	[sflag:s4] =	ssyncset.s32 $0xFFFFF086  }
0x25: {  	[simem:s6], [sflag:s4] =	dma.local [hbm:s3], $0xF7A  }
0x26: {  	[smem:$0x3F99] =	sst s1;
	(tag) =	ssettag s2;
	_ =	strace s9  }
0x27: {  	s1 =	sld [smem:$0x3FA9]  }
0x28: {  	s2 =	sld [smem:$0x3FAA]  }
0x29: {  	s4 =	sld [smem:$0x3FAC]  }
0x2a: {  	p0 =	seq.s32 s5, $0x0;
	s5 =	sld [smem:$0x3FAD]  }
0x2b: {  	s6 =	sld [smem:$0x3FAE]  }
0x2c: {  	s7 =	sld [smem:$0x3FAF]  }
0x2d: {  	s3 =	simm.s32 $0x108;
	s8 =	sld [smem:$0x3FB0]  }
0x2e: {  	s3 =	simm.s32 @!p0 $0x1082;
	s9 =	sld [smem:$0x3FB1]  }
0x2f: {  	lr =	sadd.s32 s0, s3;
	s0 =	sld [smem:$0x3FA8]  }
0x30: {  	s3 =	sld [smem:$0x3FAB]  }
0x31: {  	[smem:$0x3FB4] =	sst s10  }
0x32: {  	s10 =	sld [smem:$0x3FB2];
	_ =	sdelay $0x3  }
0x33: {  	p0 =	seq.s32 s10, $0x1;
	s10 =	sld [smem:$0x3FB4];
	_ =	sdelay $0x3  }
0x34: {  	[smem:$0x3FB4] =	sst s10  }
0x35: {  	s10 =	sld [smem:$0x3FB3];
	_ =	sdelay $0x3  }
0x36: {  	p1 =	seq.s32 s10, $0x1;
	s10 =	sld [smem:$0x3FB4];
	_ =	sdelay $0x3  }
0x37: {  	[smem:$0x3FB4] =	sst s10  }
0x38: {  	s10 =	sld [smem:$0x3FB5]  }
0x39: {  	_ = 	snop;
	(pc) =	sbr.ind lr, $3  }
0x3a: {  	_ = 	snop  }
0x3b: {  	_ = 	snop  }
0x3c: {  	p2 =	seq.s32 s10, $0x1;
	s10 =	sld [smem:$0x3FB4]  }
0x3d: {  	_ =	shalt  }
0x3e: {  	_ =	shalt  }
0x3f: {  	_ =	shalt  }
0x40: {  	_ =	shalt  }
0x41: {  	_ =	shalt  }
0x42: {  	_ =	shalt  }
0x43: {  	_ =	shalt  }
0x44: {  	_ =	shalt  }
0x45: {  	_ =	shalt  }
0x46: {  	_ =	shalt  }
0x47: {  	_ =	shalt  }
0x48: {  	_ =	shalt  }
0x49: {  	_ =	shalt  }
0x4a: {  	_ =	shalt  }
0x4b: {  	_ =	shalt  }
0x4c: {  	_ =	shalt  }
0x4d: {  	_ =	shalt  }
0x4e: {  	_ =	shalt  }
0x4f: {  	_ =	shalt  }
0x50: {  	_ =	shalt  }
0x51: {  	_ =	shalt  }
0x52: {  	_ =	shalt  }
0x53: {  	_ =	shalt  }
0x54: {  	_ =	shalt  }
0x55: {  	_ =	shalt  }
0x56: {  	_ =	shalt  }
0x57: {  	_ =	shalt  }
0x58: {  	_ =	shalt  }
0x59: {  	_ =	shalt  }
0x5a: {  	_ =	shalt  }
0x5b: {  	_ =	shalt  }
0x5c: {  	_ =	shalt  }
0x5d: {  	_ =	shalt  }
0x5e: {  	_ =	shalt  }
0x5f: {  	_ =	shalt  }
0x60: {  	_ =	shalt  }
0x61: {  	_ =	shalt  }
0x62: {  	_ =	shalt  }
0x63: {  	_ =	shalt  }
0x64: {  	_ =	shalt  }
0x65: {  	_ =	shalt  }
0x66: {  	_ =	shalt  }
0x67: {  	_ =	shalt  }
0x68: {  	_ =	shalt  }
0x69: {  	_ =	shalt  }
0x6a: {  	_ =	shalt  }
0x6b: {  	_ =	shalt  }
0x6c: {  	_ =	shalt  }
0x6d: {  	_ =	shalt  }
0x6e: {  	_ =	shalt  }
0x6f: {  	_ =	shalt  }
0x70: {  	_ =	shalt  }
0x71: {  	_ =	shalt  }
0x72: {  	_ =	shalt  }
0x73: {  	_ =	shalt  }
0x74: {  	_ =	shalt  }
0x75: {  	_ =	shalt  }
0x76: {  	_ =	shalt  }
0x77: {  	_ =	shalt  }
0x78: {  	_ =	shalt  }
0x79: {  	_ =	shalt  }
0x7a: {  	_ =	shalt  }
0x7b: {  	_ =	shalt  }
0x7c: {  	_ =	shalt  }
0x7d: {  	_ =	shalt  }
0x7e: {  	_ =	shalt  }
0x7f: {  	_ =	shalt  }
0x80: {  	_ =	shalt  }
0x81: {  	_ =	shalt  }
0x82: {  	_ =	shalt  }
0x83: {  	_ =	shalt  }
0x84: {  	_ =	shalt  }
0x85: {  	_ =	shalt  }
0x86: {  	_ =	shalt  }
0x87: {  	_ =	shalt  }
.Lfunc_end0:
.L_simem_size_0:
called_computation_lowered:
.L_overlay_start_0:
0x88: {  	s2 =	sld [smem:$0x3FD9]  }
0x89: {  	s3 =	sld [smem:$0x3FFE];
	_ =	sdelay $0x1  }
0x8a: {  	s1 =	srdreg.scid  }
0x8b: {  	s0 =	sand.u32 $0x1, s1  }
0x8c: {  	s16 =	sshll.u32 s0, $0xA;
	s2 =	sadd.s32 s3, s2  }
0x8d: {  	s2 =	sadd.s32 s2, s16  }
0x8e: {  	[smem:$0x3FC0] =	sst s2  }
0x8f: {  	_ = 	snop  }
0x90: {  	(tm) =	ssettm $0x1  }
0x91: {  	s17 =	sld [smem:$0x3FFB];
	_ =	sdelay $0x3  }
0x92: {  	_ =	strace s17  }
0x93: {  	s2 =	sld [smem:$0x3FFC];
	_ =	sdelay $0x3  }
0x94: {  	_ =	strace s2  }
0x95: {  	s2 =	sld [smem:$0x3FFD];
	_ =	sdelay $0x3  }
0x96: {  	_ =	strace s2  }
0x97: {  	_ =	strace $0x8FFFFFFF  }
0x98: {  	s18 =	sld [smem:$0x3FDB];
	_ =	sdelay $0x1  }
0x99: {  	s19 =	simm.s32 $_scs_section_size  }
0x9a: {  	s4 =	simm.s32 $_size__tile_overlayer_lowered;
	s5 =	simm.s32 $_tile_overlayer_lowered  }
0x9b: {  	s22 =	simm.s32 $0x1BFF;
	s21 =	sshll.u32 s5, $0x1;
	s2 =	sadd.s32 s19, s18  }
0x9c: {  	s6 =	simm.s32 $0x0;
	s20 =	sshll.u32 s4, $0x1;
	s4 =	sadd.s32 s21, s2  }
0x9d: {  	[timem:s6], [sflag:s22] =	dma.local [hbm:s4], s20  }
0x9e: {  	_ =	swait.ge [sflag:s22], s20  }
0x9f: {  	s3 =	ssub.s32 $0x0, s20;
	[sflag:s22] =	ssyncset.done $0x0  }
0xa0: {  	[sflag:s22] =	ssyncadd.s32 s3;
	_ =	sdelay $0x1  }
0xa1: {  	s23 =	simm.s32 $0x1B8B  }
0xa2: {  	_ =	swait.ge [sflag:s23], $0x1  }
0xa3: {  	[sflag:s23] =	ssyncset.done $0x0  }
0xa4: {  	s25 =	simm.s32 $0x1B8E;
	s24 =	sld [smem:$0x3FFE];
	[sflag:s23] =	ssyncadd.s32 $0xFFFFFFFF  }
0xa5: {  	s26 =	simm.s32 $execute0_lowered;
	[smem:$0x3FD2] =	sst s25  }
0xa6: {  	s4 =	sshll.u32 s26, $0x1;
	_ =	strace $0x80000046;
	[dreg:$0x1] =	wrdreg $0xFFFFFFFF  }
0xa7: {  	s28 =	simm.s32 $_size_execute0_lowered;
	s2 =	sadd.s32 s2, s4;
	[dreg:$0x0] =	wrdreg $0x0  }
0xa8: {  	s4 =	sshll.u32 s28, $0x1;
	[dreg:$0x2] =	wrdreg s2  }
0xa9: {  	[dreg:$0x3] =	wrdreg s4  }
0xaa: {  	[dreg:$0x4] =	wrdreg $0xC0  }
0xab: {  	_ =	task [dreg:s6], $0x5FFFF  }
0xac: {  	[dreg:$0x1] =	wrdreg $0xFFFFFFFF  }
0xad: {  	[dreg:$0x0] =	wrdreg $0x60  }
0xae: {  	[dreg:$0x2] =	wrdreg s24  }
0xaf: {  	[dreg:$0x3] =	wrdreg $0x68000  }
0xb0: {  	[dreg:$0x4] =	wrdreg $0x9  }
0xb1: {  	_ =	task.clear_ibuf [dreg:s6], $0x5FFFF;
	_ =	strace $0x90000046  }
0xb2: {  	s29 =	simm.s32 $0x9;
	_ =	strace $0x80000048  }
0xb3: {  	_ =	swait.ge [sflag:s29], $0x1  }
0xb4: {  	[sflag:s29] =	ssyncadd.s32 $0xFFFFFFFF  }
0xb5: {  	_ =	strace $0x90000048  }
0xb6: {  	_ =	sfence  }
0xb7: {  	s30 =	sld [smem:$0x0];
	_ =	sdelay $0x2  }
0xb8: {  	s31 =	sshll.u32 s1, $0xD;
	s1 =	sshrl.u32 s1, $0x2  }
0xb9: {  	s3 =	sand.u32 $0x4000, s31;
	s1 =	sadd.s32 s1, s30  }
0xba: {  	s0 =	sor.u32 s3, s0;
	s1 =	sshll.u32 s1, $0x11  }
0xbb: {  	s0 =	sor.u32 s1, s0  }
0xbc: {  	s0 =	sadd.s32 $0x8F2B, s0  }
0xbd: {  	[sflag:s0] =	ssyncadd.remote.s32 $0x1  }
0xbe: {  	_ =	sfence.sel $0xFFFF  }
0xbf: {  	[dreg:$0x0] =	wrdreg $0xFFFFFFFF;
	(pc) =	sbr.abs _section_cstart, $3  }
0xc0: {  	[dreg:$0x1] =	wrdreg $0xFFFFFFFF  }
0xc1: {  	_ =	task.clear_ibuf [dreg:s6], $0x2FFFF;
	_ =	strace $0x9FFFFFFF  }
0xc2: {  	(tm) =	ssettm $0x7FFFFFFF  }
0xc3: {  	_ =	shalt  }
tec
execute0_lowered:
.L_overlay_start_1:
0x0: {  	(tag) =	ssettag $0x1  }
0x1: {  	s6 =	rddreg [dreg:$0x0]  }
0x2: {  	s2 =	rddreg [dreg:$0x1]  }
0x3: {  	s0 =	rddreg [dreg:$0x2]  }
0x4: {  	s3 =	simm.s32 $0x0;
	s4 =	srdreg.scid;
	s1 =	stileid.u32  }
0x5: {  	s13 =	simm.s32 $0x50;
	s14 =	simm.s32 $0x1;
	s15 =	simm.s32 $0x0  }
0x6: {  	[smem:$0x7FF] =	sst s3;
	s5 =	sand.u32 $0x1, s4;
	s7 =	smul.u32 $0x2800, s1  }
0x7: {  	s11 =	smul.u32 $0x50000, s1;
	s29 =	sshll.u32 s1, $0x6;
	s30 =	sshll.u32 s1, $0xC  }
0x8: {  	_ =	strace $0x80000047;
	s4 =	sshll.u32 s5, $0xB;
	s8 =	smul.u32 $0x28000, s5  }
0x9: {  	s10 =	ssub.s32 $0x2, s5;
	s5 =	sadd.s32 $0x25800, s6;
	s9 =	sadd.s32 s4, s6  }
0xa: {  	s4 =	sadd.s32 $0x28000, s6;
	s26 =	sshrl.u32 s10, $0x1;
	s28 =	sshrl.u32 s11, $0x2  }
0xb: {  	s7 =	sadd.s32 s7, s8;
	s10 =	ssub.s32 s10, s26;
	s11 =	sadd.s32 s28, s2  }
0xc: {  	s31 =	sadd.s32 s30, s9;
	s12 =	sadd.s32 s7, s6;
	s6 =	sor.u32 $0x1C02, s29  }
0xd: {  	s7 =	sadd.s32 $0x15800, s31;
	s9 =	smax.u32 s10, $0x1;
	s10 =	sshrl.u32 s11, $0x3  }
0xe: {  	s11 =	simm.s32 $0x2;
	s8 =	sadd.s32 $0x28600, s12;
	s12 =	simm.s32 $0x4000  }
.LBB2_1:
0xf: {  	[spmem:s10], [sflag:s6] =	dma.local [hbm:s5], $0x2800  }
0x10: {  	_ =	swait.ge [sflag:s11], $0x2800  }
0x11: {  	[sflag:s11] =	ssyncset.done $0x0  }
0x12: {  	[sflag:s11] =	ssyncadd.s32 $0xFFFFD800  }
0x13: {  	[tilespmem:s3], [sflag:$0x2] =	stream.linear.gather [hbm4b:s7+s3], $0x3E80, $0x38;
	[tilespmem:$0x1A800] =	vst v63  }
0x14: {  	_ =	swait.ge [sflag:s11], $0x3E80  }
0x15: {  	[sflag:s11] =	ssyncset.done $0x0  }
0x16: {  	[sflag:s11] =	ssyncadd.s32 $0xFFFFC180  }
0x17: {  	[tilespmem:s12], [sflag:$0x2] =	stream.linear.gather [hbm4b:s4+s3], $0x2800, $0x38;
	[tilespmem:$0x1A800] =	vst v63  }
0x18: {  	_ =	swait.ge [sflag:s11], $0x2800  }
0x19: {  	[sflag:s11] =	ssyncset.done $0x0  }
0x1a: {  	[sflag:s11] =	ssyncadd.s32 $0xFFFFD800  }
0x1b: {  	s16 =	simm.s32 $0x0;
	[bflag:$0x0] =	sbarrier.arrive $0xFFFF  }
.LBB2_2:
0x1c: {  	p0 =	sne.s32 s16, $0xF800  }
.Ltmp0:
0x1d: {  	_ = 	snop;
	(pc) =	sbr.rel @p0 .LBB2_2-.Ltmp0, $3  }
0x1e: {  	_ =	sdelay $0x1  }
0x1f: {  	s17 =	sshra.s32 s16, $0x2;
	s16 =	sadd.s32 $0x200, s16  }
0x20: {  	[spmem:s2] =	stream.indirect.scatter.add.f32 [tilespmem:s12], [sflag:$0x1], $0x80, s17, s13, $0xb8;
	[tilespmem:$0x1A800] =	vst v63  }
0x21: {  	_ =	swait.ge [sflag:s14], $0x2800  }
0x22: {  	s16 =	simm.s32 $0x7C;
	[sflag:s14] =	ssyncset.done $0x0  }
.LBB2_4:
0x23: {  	p0 =	sne.s32 s16, $0x1;
	s16 =	sadd.s32 $0xFFFFFFFF, s16;
	[sflag:s14] =	ssyncadd.s32 $0xFFFFD800  }
.Ltmp1:
0x24: {  	(pc) =	sbr.rel @p0 .LBB2_4-.Ltmp1, $3  }
0x25: {  	_ =	sdelay $0x1  }
0x26: {  	_ =	swait.ge [sflag:s14], $0x2800  }
0x27: {  	[sflag:s14] =	ssyncset.done $0x0  }
0x28: {  	s15 =	sadd.s32 $0x1, s15  }
0x29: {  	[sflag:s14] =	ssyncadd.s32 $0xFFFFD800;
	p0 =	sne.s32 s15, s9  }
.Ltmp2:
0x2a: {  	[bflag:$0x0] =	sbarrier.arrive $0xFFFF;
	(pc) =	sbr.rel @p0 .LBB2_1-.Ltmp2, $4  }
0x2b: {  	[hbm:s8], [sflag:s6] =	dma.local [spmem:s10], $0x2800  }
0x2c: {  	_ =	swait.ge [sflag:s11], $0x2800  }
0x2d: {  	[sflag:s11] =	ssyncset.done $0x0  }
0x2e: {  	[sflag:s11] =	ssyncadd.s32 $0xFFFFD800  }
0x2f: {  	_ =	sfence.sel $0x180000  }
0x30: {  	[bflag:$0x0] =	sbarrier.arrive $0xFFFF  }
0x31: {  	p0 =	sne.s32 s1, $0x0;
	_ =	strace $0x90000047  }
0x32: {  	s0 =	sadd.s32 @!p0 $0x100000, s0;
	[bflag:$0x2] =	sbarrier.arrive $0xFFFF  }
0x33: {  	[sflag:s0] =	ssyncadd.tile.s32 @!p0 $0x1;
	_ =	shalt  }
.Lfunc_end2:
_tile_overlayer_lowered:
.L_overlay_start_2:
0x34: {  	(tag) =	ssettag $0x2  }
0x35: {  	s0 =	rddreg [dreg:$0x0];
	s2 =	stileid.u32  }
0x36: {  	s1 =	rddreg [dreg:$0x1];
	p0 =	sne.s32 s2, $0x0  }
0x37: {  	s3 =	rddreg [dreg:$0x2];
	[bflag:$0x3] =	sbarrier.arrive $0xFFFF;
	s2 =	simm.s32 @!p0 $0x1C02  }
0x38: {  	[timem:s3], [sflag:s2] =	dma.local @!p0 [hbm:s0], s1  }
0x39: {  	s0 =	simm.s32 @!p0 $0x2  }
0x3a: {  	_ =	swait.ge @!p0 [sflag:s0], s1  }
0x3b: {  	s1 =	ssub.s32 @!p0 $0x0, s1;
	[sflag:s0] =	ssyncset.done @!p0 $0x0  }
0x3c: {  	[sflag:s0] =	ssyncadd.s32 @!p0 s1  }
0x3d: {  	[bflag:$0x3] =	sbarrier.arrive $0xFFFF  }
0x3e: {  	_ =	shalt  }

</sc_bundles>
